<compile_context>
chip_gen: v7x
topology: tpu7x:2x2x1
jax: 0.10.2.dev20260603
libtpu: 0.0.44.dev20260713+nightly
codegen_flags: <defaults>
</compile_context>

<pallas_src>
import numpy as np
import jax
import jax.numpy as jnp
from jax import lax
from jax.experimental import pallas as pl
from jax.experimental.pallas import tpu as pltpu
from jax.experimental.pallas import tpu_sc as plsc

R, N, TOPK = 128, 32768, 64
L = 16
NV = N // L
NG = NV // L
NW4 = N // 4
BINS = 4096
HV = BINS // L
CAP = 512
CV = CAP // L
NC, NS = 2, 16
NW = NC * NS
ROWS_PER_W = R // NW

T0B = int(np.float32(2.73).view(np.int32))


def _mono_key(v):
    s = lax.bitcast_convert_type(v, jnp.int32)
    return s ^ ((s >> 31) & jnp.int32(0x7FFFFFFF))


def _key_to_val(k):
    s = k ^ ((k >> 31) & jnp.int32(0x7FFFFFFF))
    return lax.bitcast_convert_type(s, jnp.float32)


def _body(x_hbm, res_hbm, maskw_hbm, idx_hbm,
          row_v, res_st, mw_st, hist_v, pcv, fvid, fbase,
          candk, candi, ck2, ci2, outk, outi, sem_in, sem_res, sem_mask):
    cid = lax.axis_index("c")
    sid = lax.axis_index("s")
    wid = sid * NC + cid

    z16f = jnp.zeros((L,), jnp.float32)
    z16i = jnp.zeros((L,), jnp.int32)
    ones16 = jnp.ones((L,), jnp.int32)
    lanes = lax.iota(jnp.int32, L)

    def _z1(i, c):
        res_st[pl.ds(i * L, L)] = z16f
        return c
    lax.fori_loop(0, NV, _z1, 0, unroll=8)

    def _z1b(i, c):
        mw_st[pl.ds(i * L, L)] = z16i
        return c
    lax.fori_loop(0, N // L, _z1b, 0, unroll=8)

    pltpu.async_copy(x_hbm.at[wid * ROWS_PER_W], row_v, sem_in)

    def _row(j, carry0):
        r = wid * ROWS_PER_W + j
        pltpu.make_async_copy(x_hbm.at[r], row_v, sem_in).wait()

        def _zc(i, c):
            candk[pl.ds(i * L, L)] = jnp.full((L,), jnp.int32(-(2 ** 31)))
            candi[pl.ds(i * L, L)] = jnp.full((L,), jnp.int32(2 ** 31 - 1))
            fvid[pl.ds(i * L, L)] = z16i
            fbase[pl.ds(i * L, L)] = jnp.full((L,), jnp.int32(CAP))
            return c
        lax.fori_loop(0, CV, _zc, 0, unroll=4)

        @plsc.parallel_loop(0, NG)
        def _pa(g):
            acc = z16i
            for e in range(L):
                v = row_v[pl.ds((g * L + e) * L, L)]
                s = lax.bitcast_convert_type(v, jnp.int32)
                m = s >= T0B
                pc = plsc.all_reduce_population_count(m)
                acc = jnp.where(lanes == e, pc, acc)
            pcv[pl.ds(g * L, L)] = acc

        def _pb(g, carry):
            base_s, nf_s = carry
            pc = pcv[pl.ds(g * L, L)]
            csum = plsc.cumsum(pc)
            bases = base_s + csum - pc
            m2 = pc > 0
            m2i = m2.astype(jnp.int32)
            c2 = plsc.cumsum(m2i)
            p2 = nf_s + c2 - m2i
            okm = m2 & (p2 < CAP)
            plsc.store_scatter(fvid, [p2], g * L + lanes, mask=okm)
            plsc.store_scatter(fbase, [p2], bases, mask=okm)
            return (base_s + csum[L - 1], nf_s + c2[L - 1])
        base_s, nf_s = lax.fori_loop(0, NG, _pb, (z16i, z16i))
        cnt = jnp.max(base_s)
        nf = jnp.minimum(jnp.max(nf_s), jnp.int32(CAP))
        good = (cnt >= TOPK) & (cnt <= CAP)

        def _fast():
            nch = (nf + L - 1) // L

            def _pc(ch, c):
                vids = fvid[pl.ds(ch * L, L)]
                bss = fbase[pl.ds(ch * L, L)]
                for e in range(L):
                    addr = vids[e] * L + lanes
                    v = plsc.load_gather(row_v, [addr])
                    s = lax.bitcast_convert_type(v, jnp.int32)
                    m = s >= T0B
                    mi = m.astype(jnp.int32)
                    cs = plsc.cumsum(mi)
                    pos = bss[e] + cs - mi
                    okm = m & (pos < CAP)
                    plsc.store_scatter(candk, [pos], s, mask=okm)
                    plsc.store_scatter(candi, [pos], addr, mask=okm)
                return c
            lax.fori_loop(0, nch, _pc, 0)
            return cnt

        def _slow():
            def _zh(i, c):
                hist_v[pl.ds(i * L, L)] = z16i
                return c
            lax.fori_loop(0, HV, _zh, 0, unroll=8)

            def _h(i, c):
                v = row_v[pl.ds(i * L, L)]
                k = _mono_key(v)
                b = (k >> 20) + (BINS // 2)
                plsc.addupdate_scatter(hist_v, [b], ones16)
                return c
            lax.fori_loop(0, NV, _h, 0, unroll=8)

            def _t(t, carry):
                above, bstar, found = carry
                vb = HV - 1 - t
                h = hist_v[pl.ds(vb * L, L)]
                csum = plsc.cumsum(h)
                tot = jnp.max(csum)
                suffix = (tot - csum + h) + above
                m = suffix >= TOPK
                p = jnp.max(plsc.all_reduce_population_count(m))
                hit = (found == 0) & (p > 0)
                bstar = jnp.where(hit, vb * L + p - 1, bstar)
                found = jnp.where(hit, jnp.int32(1), found)
                return (above + tot, bstar, found)
            _, bstar, _ = lax.fori_loop(
                0, HV, _t, (jnp.int32(0), jnp.int32(0), jnp.int32(0)),
                unroll=4)

            def _c(i, c2):
                v = row_v[pl.ds(i * L, L)]
                k = _mono_key(v)
                b = (k >> 20) + (BINS // 2)
                m = b >= bstar
                mi = m.astype(jnp.int32)
                incl = plsc.cumsum(mi)
                pos = c2 + incl - mi
                mm = m & (pos < CAP)
                plsc.store_scatter(candk, [pos], k, mask=mm)
                plsc.store_scatter(candi, [pos], i * L + lanes, mask=mm)
                return c2 + jnp.max(plsc.all_reduce_population_count(m))
            return lax.fori_loop(0, NV, _c, jnp.int32(0), unroll=8)

        cand_n = lax.cond(good, _fast, _slow)
        csz = jnp.minimum(cand_n, jnp.int32(CAP))
        ndv = (csz + L - 1) // L

        @pl.when(j < ROWS_PER_W - 1)
        def _pref():
            pltpu.async_copy(x_hbm.at[r + 1], row_v, sem_in)

        @pl.when(j > 0)
        def _drain():
            pltpu.make_async_copy(res_st, res_hbm.at[r], sem_res).wait()
            pltpu.make_async_copy(mw_st, maskw_hbm.at[r], sem_mask).wait()

            def _rz(i, c):
                ii = outi[pl.ds(i * L, L)]
                plsc.store_scatter(res_st, [ii], z16f)
                plsc.store_scatter(mw_st, [ii], z16i)
                return c
            lax.fori_loop(0, TOPK // L, _rz, 0, unroll=True)

        def _zh2(i, c):
            hist_v[pl.ds(i * L, L)] = z16i
            return c
        lax.fori_loop(0, 8, _zh2, 0, unroll=8)

        def _h2(dv, c):
            kd = candk[pl.ds(dv * L, L)]
            valid = (dv * L + lanes) < csz
            b = jnp.clip((kd - T0B) >> 17, 0, 127)
            plsc.addupdate_scatter(hist_v, [b], ones16, mask=valid)
            return c
        lax.fori_loop(0, ndv, _h2, 0)

        def _t2(t, carry):
            above, b2, found = carry
            vb = 7 - t
            h = hist_v[pl.ds(vb * L, L)]
            csum = plsc.cumsum(h)
            tot = jnp.max(csum)
            suffix = (tot - csum + h) + above
            m = suffix >= TOPK
            p = jnp.max(plsc.all_reduce_population_count(m))
            hit = (found == 0) & (p > 0)
            b2 = jnp.where(hit, vb * L + p - 1, b2)
            found = jnp.where(hit, jnp.int32(1), found)
            return (above + tot, b2, found)
        _, b2, _ = lax.fori_loop(
            0, 8, _t2, (jnp.int32(0), jnp.int32(0), jnp.int32(0)))
        t2k = T0B + (b2 << 17)

        def _zc2(i, c):
            ck2[pl.ds(i * L, L)] = jnp.full((L,), jnp.int32(-(2 ** 31)))
            ci2[pl.ds(i * L, L)] = jnp.full((L,), jnp.int32(2 ** 31 - 1))
            return c
        lax.fori_loop(0, CV, _zc2, 0, unroll=4)

        def _c2(dv, c2n):
            kd = candk[pl.ds(dv * L, L)]
            idd = candi[pl.ds(dv * L, L)]
            valid = (dv * L + lanes) < csz
            m = valid & ((kd >= t2k) | (b2 == 0))
            mi = m.astype(jnp.int32)
            incl = plsc.cumsum(mi)
            pos = c2n + incl - mi
            mm = m & (pos < CAP)
            plsc.store_scatter(ck2, [pos], kd, mask=mm)
            plsc.store_scatter(ci2, [pos], idd, mask=mm)
            return c2n + jnp.max(plsc.all_reduce_population_count(m))
        c2n = lax.fori_loop(0, ndv, _c2, jnp.int32(0))
        csz2 = jnp.minimum(c2n, jnp.int32(CAP))
        ndv2 = (csz2 + L - 1) // L

        def _q(qv, c):
            qk = ck2[pl.ds(qv * L, L)]
            qi = ci2[pl.ds(qv * L, L)]

            def _d(dv, rank):
                kd = ck2[pl.ds(dv * L, L)]
                idd = ci2[pl.ds(dv * L, L)]
                for e in range(L):
                    ke = kd[e]
                    ie = idd[e]
                    beat = (ke > qk) | ((ke == qk) & (ie < qi))
                    rank = rank + beat.astype(jnp.int32)
                return rank
            rank = lax.fori_loop(0, ndv2, _d, z16i)
            m = rank < TOPK
            plsc.store_scatter(outk, [rank], qk, mask=m)
            plsc.store_scatter(outi, [rank], qi, mask=m)
            return c
        lax.fori_loop(0, ndv2, _q, 0)

        pltpu.sync_copy(outi, idx_hbm.at[r])

        def _v(i, c):
            kk = outk[pl.ds(i * L, L)]
            vv = jnp.maximum(_key_to_val(kk), 0.0)
            ii = outi[pl.ds(i * L, L)]
            plsc.store_scatter(res_st, [ii], vv)
            plsc.store_scatter(mw_st, [ii], ones16)
            return c
        lax.fori_loop(0, TOPK // L, _v, 0, unroll=True)
        pltpu.async_copy(res_st, res_hbm.at[r], sem_res)
        pltpu.async_copy(mw_st, maskw_hbm.at[r], sem_mask)
        pltpu.sync_copy(outi, idx_hbm.at[r])
        return carry0

    lax.fori_loop(0, ROWS_PER_W, _row, 0)
    last_r = wid * ROWS_PER_W + ROWS_PER_W - 1
    pltpu.make_async_copy(res_st, res_hbm.at[last_r], sem_res).wait()
    pltpu.make_async_copy(mw_st, maskw_hbm.at[last_r], sem_mask).wait()


@jax.jit
def kernel(x):
    mesh = plsc.VectorSubcoreMesh(core_axis_name="c", subcore_axis_name="s")
    res, maskb, idx = pl.kernel(
        _body,
        out_type=[
            jax.ShapeDtypeStruct((R, N), jnp.float32),
            jax.ShapeDtypeStruct((R, N), jnp.int32),
            jax.ShapeDtypeStruct((R, TOPK), jnp.int32),
        ],
        mesh=mesh,
        compiler_params=pltpu.CompilerParams(needs_layout_passes=False),
        scratch_types=[
            pltpu.VMEM((N,), jnp.float32),
            pltpu.VMEM((N,), jnp.float32),
            pltpu.VMEM((N,), jnp.int32),
            pltpu.VMEM((BINS,), jnp.int32),
            pltpu.VMEM((NV,), jnp.int32),
            pltpu.VMEM((CAP,), jnp.int32),
            pltpu.VMEM((CAP,), jnp.int32),
            pltpu.VMEM((CAP,), jnp.int32),
            pltpu.VMEM((CAP,), jnp.int32),
            pltpu.VMEM((CAP,), jnp.int32),
            pltpu.VMEM((CAP,), jnp.int32),
            pltpu.VMEM((TOPK,), jnp.int32),
            pltpu.VMEM((TOPK,), jnp.int32),
            pltpu.SemaphoreType.DMA,
            pltpu.SemaphoreType.DMA,
            pltpu.SemaphoreType.DMA,
        ],
    )(x)
    return (res, maskb.astype(jnp.bool_), idx)

# --- scband reference (transcript-rebuilt; emitter-appended) ---
"""Pipeline reference for scband-top-k-83940840833382 (READ-ONLY COPY).

The authoritative reference and input builder live on the scoring server;
editing this copy changes nothing except your own understanding.
"""

import jax, jax.numpy as jnp
import numpy as np

K = 64

def setup_inputs(seed: int = 0) -> dict:
    key = jax.random.key(seed)
    x = jax.random.normal(key, (128, 32768), dtype=jnp.float32)
    return {"x": x}

def reference(x):
    vals, idx = jax.lax.top_k(x, K)
    values = jnp.maximum(vals, 0.0)  # ReLU post-activation
    rows = jnp.arange(x.shape[0])[:, None]
    mask = jnp.zeros(x.shape, dtype=bool).at[rows, idx].set(True)
    result = jnp.zeros_like(x).at[rows, idx].set(values)
    return (result, mask, idx)

if __name__ == "__main__":
    import jax
    _d = setup_inputs()
    print(jax.jit(kernel)(*tuple(_d.values())))

</pallas_src>

<mosaic_0001>
#map = affine_map<(d0, d1) -> (0, 0)>
module attributes {stable_mosaic.version = 14 : i64} {
  func.func @_body(%arg0: i32, %arg1: i32, %arg2: memref<128x32768xf32, #tpu.memory_space<hbm>>, %arg3: memref<128x32768xf32, #tpu.memory_space<hbm>>, %arg4: memref<128x32768xi32, #tpu.memory_space<hbm>>, %arg5: memref<128x64xi32, #tpu.memory_space<hbm>>, %arg6: memref<32768xf32, #tpu.memory_space<vmem>>, %arg7: memref<32768xf32, #tpu.memory_space<vmem>>, %arg8: memref<32768xi32, #tpu.memory_space<vmem>>, %arg9: memref<4096xi32, #tpu.memory_space<vmem>>, %arg10: memref<2048xi32, #tpu.memory_space<vmem>>, %arg11: memref<512xi32, #tpu.memory_space<vmem>>, %arg12: memref<512xi32, #tpu.memory_space<vmem>>, %arg13: memref<512xi32, #tpu.memory_space<vmem>>, %arg14: memref<512xi32, #tpu.memory_space<vmem>>, %arg15: memref<512xi32, #tpu.memory_space<vmem>>, %arg16: memref<512xi32, #tpu.memory_space<vmem>>, %arg17: memref<64xi32, #tpu.memory_space<vmem>>, %arg18: memref<64xi32, #tpu.memory_space<vmem>>, %arg19: memref<!tpu.dma_semaphore, #tpu.memory_space<semaphore_mem>>, %arg20: memref<!tpu.dma_semaphore, #tpu.memory_space<semaphore_mem>>, %arg21: memref<!tpu.dma_semaphore, #tpu.memory_space<semaphore_mem>>) attributes {dimension_semantics = [#tpu.dimension_semantics<core_parallel>, #tpu.dimension_semantics<subcore_parallel>], iteration_bounds = array<i64: 2, 16>, scalar_prefetch = 0 : i64, scratch_operands = 16 : i64, tpu.core_type = #tpu.core_type<sc_vector_subcore>, window_params = [{transform_indices = #map}, {transform_indices = #map}, {transform_indices = #map}, {transform_indices = #map}]} {
    %mul3A = arith.constant 2 : i32
    %mul3A_0 = arith.muli %arg1, %mul3A : i32
    %add3A = arith.addi %mul3A_0, %arg0 : i32
    %broadcast_in_dim3A = arith.constant 0.000000e+00 : f32
    %broadcast_in_dim3A_1 = vector.broadcast %broadcast_in_dim3A : f32 to vector<16xf32>
    %broadcast_in_dim3A_2 = arith.constant 0 : i32
    %broadcast_in_dim3A_3 = vector.broadcast %broadcast_in_dim3A_2 : i32 to vector<16xi32>
    %broadcast_in_dim3A_4 = arith.constant 1 : i32
    %broadcast_in_dim3A_5 = vector.broadcast %broadcast_in_dim3A_4 : i32 to vector<16xi32>
    %iota3A = tpu.iota {dimensions = array<i32: 0>} : vector<16xi32>
    %scan3A = arith.constant 0 : i32
    %scan3A_6 = arith.constant 0 : i32
    %scan3A_7 = arith.constant 2048 : i32
    %scan3A_8 = arith.addi %scan3A_6, %scan3A_7 : i32
    %scan3A_9 = arith.constant 8 : i32
    scf.for %scan3A_46 = %scan3A_6 to %scan3A_8 step %scan3A_9  : i32 {
      %mul3A_47 = arith.constant 16 : i32
      %mul3A_48 = arith.muli %scan3A_46, %mul3A_47 : i32
      %swap3A = arith.index_cast %mul3A_48 : i32 to index
      %swap3A_49 = tpu.vector_load %arg7[%swap3A] {strides = array<i32>} : memref<32768xf32, #tpu.memory_space<vmem>>, vector<16xf32>,
      tpu.vector_store %arg7[%swap3A], %broadcast_in_dim3A_1 {strides = array<i32>} : memref<32768xf32, #tpu.memory_space<vmem>>, vector<16xf32>,
      %scan3A_50 = arith.constant 1 : i32
      %scan3A_51 = arith.addi %scan3A_46, %scan3A_50 : i32
      %mul3A_52 = arith.constant 16 : i32
      %mul3A_53 = arith.muli %scan3A_51, %mul3A_52 : i32
      %swap3A_54 = arith.index_cast %mul3A_53 : i32 to index
      %swap3A_55 = tpu.vector_load %arg7[%swap3A_54] {strides = array<i32>} : memref<32768xf32, #tpu.memory_space<vmem>>, vector<16xf32>,
      tpu.vector_store %arg7[%swap3A_54], %broadcast_in_dim3A_1 {strides = array<i32>} : memref<32768xf32, #tpu.memory_space<vmem>>, vector<16xf32>,
      %scan3A_56 = arith.constant 2 : i32
      %scan3A_57 = arith.addi %scan3A_46, %scan3A_56 : i32
      %mul3A_58 = arith.constant 16 : i32
      %mul3A_59 = arith.muli %scan3A_57, %mul3A_58 : i32
      %swap3A_60 = arith.index_cast %mul3A_59 : i32 to index
      %swap3A_61 = tpu.vector_load %arg7[%swap3A_60] {strides = array<i32>} : memref<32768xf32, #tpu.memory_space<vmem>>, vector<16xf32>,
      tpu.vector_store %arg7[%swap3A_60], %broadcast_in_dim3A_1 {strides = array<i32>} : memref<32768xf32, #tpu.memory_space<vmem>>, vector<16xf32>,
      %scan3A_62 = arith.constant 3 : i32
      %scan3A_63 = arith.addi %scan3A_46, %scan3A_62 : i32
      %mul3A_64 = arith.constant 16 : i32
      %mul3A_65 = arith.muli %scan3A_63, %mul3A_64 : i32
      %swap3A_66 = arith.index_cast %mul3A_65 : i32 to index
      %swap3A_67 = tpu.vector_load %arg7[%swap3A_66] {strides = array<i32>} : memref<32768xf32, #tpu.memory_space<vmem>>, vector<16xf32>,
      tpu.vector_store %arg7[%swap3A_66], %broadcast_in_dim3A_1 {strides = array<i32>} : memref<32768xf32, #tpu.memory_space<vmem>>, vector<16xf32>,
      %scan3A_68 = arith.constant 4 : i32
      %scan3A_69 = arith.addi %scan3A_46, %scan3A_68 : i32
      %mul3A_70 = arith.constant 16 : i32
      %mul3A_71 = arith.muli %scan3A_69, %mul3A_70 : i32
      %swap3A_72 = arith.index_cast %mul3A_71 : i32 to index
      %swap3A_73 = tpu.vector_load %arg7[%swap3A_72] {strides = array<i32>} : memref<32768xf32, #tpu.memory_space<vmem>>, vector<16xf32>,
      tpu.vector_store %arg7[%swap3A_72], %broadcast_in_dim3A_1 {strides = array<i32>} : memref<32768xf32, #tpu.memory_space<vmem>>, vector<16xf32>,
      %scan3A_74 = arith.constant 5 : i32
      %scan3A_75 = arith.addi %scan3A_46, %scan3A_74 : i32
      %mul3A_76 = arith.constant 16 : i32
      %mul3A_77 = arith.muli %scan3A_75, %mul3A_76 : i32
      %swap3A_78 = arith.index_cast %mul3A_77 : i32 to index
      %swap3A_79 = tpu.vector_load %arg7[%swap3A_78] {strides = array<i32>} : memref<32768xf32, #tpu.memory_space<vmem>>, vector<16xf32>,
      tpu.vector_store %arg7[%swap3A_78], %broadcast_in_dim3A_1 {strides = array<i32>} : memref<32768xf32, #tpu.memory_space<vmem>>, vector<16xf32>,
      %scan3A_80 = arith.constant 6 : i32
      %scan3A_81 = arith.addi %scan3A_46, %scan3A_80 : i32
      %mul3A_82 = arith.constant 16 : i32
      %mul3A_83 = arith.muli %scan3A_81, %mul3A_82 : i32
      %swap3A_84 = arith.index_cast %mul3A_83 : i32 to index
      %swap3A_85 = tpu.vector_load %arg7[%swap3A_84] {strides = array<i32>} : memref<32768xf32, #tpu.memory_space<vmem>>, vector<16xf32>,
      tpu.vector_store %arg7[%swap3A_84], %broadcast_in_dim3A_1 {strides = array<i32>} : memref<32768xf32, #tpu.memory_space<vmem>>, vector<16xf32>,
      %scan3A_86 = arith.constant 7 : i32
      %scan3A_87 = arith.addi %scan3A_46, %scan3A_86 : i32
      %mul3A_88 = arith.constant 16 : i32
      %mul3A_89 = arith.muli %scan3A_87, %mul3A_88 : i32
      %swap3A_90 = arith.index_cast %mul3A_89 : i32 to index
      %swap3A_91 = tpu.vector_load %arg7[%swap3A_90] {strides = array<i32>} : memref<32768xf32, #tpu.memory_space<vmem>>, vector<16xf32>,
      tpu.vector_store %arg7[%swap3A_90], %broadcast_in_dim3A_1 {strides = array<i32>} : memref<32768xf32, #tpu.memory_space<vmem>>, vector<16xf32>,
    }
    %scan3A_10 = arith.constant 2048 : i32
    %scan3A_11 = arith.constant 0 : i32
    %scan3A_12 = arith.constant 0 : i32
    %scan3A_13 = arith.constant 2048 : i32
    %scan3A_14 = arith.addi %scan3A_12, %scan3A_13 : i32
    %scan3A_15 = arith.constant 8 : i32
    scf.for %scan3A_46 = %scan3A_12 to %scan3A_14 step %scan3A_15  : i32 {
      %mul3A_47 = arith.constant 16 : i32
      %mul3A_48 = arith.muli %scan3A_46, %mul3A_47 : i32
      %swap3A = arith.index_cast %mul3A_48 : i32 to index
      %swap3A_49 = tpu.vector_load %arg8[%swap3A] {strides = array<i32>} : memref<32768xi32, #tpu.memory_space<vmem>>, vector<16xi32>,
      tpu.vector_store %arg8[%swap3A], %broadcast_in_dim3A_3 {strides = array<i32>} : memref<32768xi32, #tpu.memory_space<vmem>>, vector<16xi32>,
      %scan3A_50 = arith.constant 1 : i32
      %scan3A_51 = arith.addi %scan3A_46, %scan3A_50 : i32
      %mul3A_52 = arith.constant 16 : i32
      %mul3A_53 = arith.muli %scan3A_51, %mul3A_52 : i32
      %swap3A_54 = arith.index_cast %mul3A_53 : i32 to index
      %swap3A_55 = tpu.vector_load %arg8[%swap3A_54] {strides = array<i32>} : memref<32768xi32, #tpu.memory_space<vmem>>, vector<16xi32>,
      tpu.vector_store %arg8[%swap3A_54], %broadcast_in_dim3A_3 {strides = array<i32>} : memref<32768xi32, #tpu.memory_space<vmem>>, vector<16xi32>,
      %scan3A_56 = arith.constant 2 : i32
      %scan3A_57 = arith.addi %scan3A_46, %scan3A_56 : i32
      %mul3A_58 = arith.constant 16 : i32
      %mul3A_59 = arith.muli %scan3A_57, %mul3A_58 : i32
      %swap3A_60 = arith.index_cast %mul3A_59 : i32 to index
      %swap3A_61 = tpu.vector_load %arg8[%swap3A_60] {strides = array<i32>} : memref<32768xi32, #tpu.memory_space<vmem>>, vector<16xi32>,
      tpu.vector_store %arg8[%swap3A_60], %broadcast_in_dim3A_3 {strides = array<i32>} : memref<32768xi32, #tpu.memory_space<vmem>>, vector<16xi32>,
      %scan3A_62 = arith.constant 3 : i32
      %scan3A_63 = arith.addi %scan3A_46, %scan3A_62 : i32
      %mul3A_64 = arith.constant 16 : i32
      %mul3A_65 = arith.muli %scan3A_63, %mul3A_64 : i32
      %swap3A_66 = arith.index_cast %mul3A_65 : i32 to index
      %swap3A_67 = tpu.vector_load %arg8[%swap3A_66] {strides = array<i32>} : memref<32768xi32, #tpu.memory_space<vmem>>, vector<16xi32>,
      tpu.vector_store %arg8[%swap3A_66], %broadcast_in_dim3A_3 {strides = array<i32>} : memref<32768xi32, #tpu.memory_space<vmem>>, vector<16xi32>,
      %scan3A_68 = arith.constant 4 : i32
      %scan3A_69 = arith.addi %scan3A_46, %scan3A_68 : i32
      %mul3A_70 = arith.constant 16 : i32
      %mul3A_71 = arith.muli %scan3A_69, %mul3A_70 : i32
      %swap3A_72 = arith.index_cast %mul3A_71 : i32 to index
      %swap3A_73 = tpu.vector_load %arg8[%swap3A_72] {strides = array<i32>} : memref<32768xi32, #tpu.memory_space<vmem>>, vector<16xi32>,
      tpu.vector_store %arg8[%swap3A_72], %broadcast_in_dim3A_3 {strides = array<i32>} : memref<32768xi32, #tpu.memory_space<vmem>>, vector<16xi32>,
      %scan3A_74 = arith.constant 5 : i32
      %scan3A_75 = arith.addi %scan3A_46, %scan3A_74 : i32
      %mul3A_76 = arith.constant 16 : i32
      %mul3A_77 = arith.muli %scan3A_75, %mul3A_76 : i32
      %swap3A_78 = arith.index_cast %mul3A_77 : i32 to index
      %swap3A_79 = tpu.vector_load %arg8[%swap3A_78] {strides = array<i32>} : memref<32768xi32, #tpu.memory_space<vmem>>, vector<16xi32>,
      tpu.vector_store %arg8[%swap3A_78], %broadcast_in_dim3A_3 {strides = array<i32>} : memref<32768xi32, #tpu.memory_space<vmem>>, vector<16xi32>,
      %scan3A_80 = arith.constant 6 : i32
      %scan3A_81 = arith.addi %scan3A_46, %scan3A_80 : i32
      %mul3A_82 = arith.constant 16 : i32
      %mul3A_83 = arith.muli %scan3A_81, %mul3A_82 : i32
      %swap3A_84 = arith.index_cast %mul3A_83 : i32 to index
      %swap3A_85 = tpu.vector_load %arg8[%swap3A_84] {strides = array<i32>} : memref<32768xi32, #tpu.memory_space<vmem>>, vector<16xi32>,
      tpu.vector_store %arg8[%swap3A_84], %broadcast_in_dim3A_3 {strides = array<i32>} : memref<32768xi32, #tpu.memory_space<vmem>>, vector<16xi32>,
      %scan3A_86 = arith.constant 7 : i32
      %scan3A_87 = arith.addi %scan3A_46, %scan3A_86 : i32
      %mul3A_88 = arith.constant 16 : i32
      %mul3A_89 = arith.muli %scan3A_87, %mul3A_88 : i32
      %swap3A_90 = arith.index_cast %mul3A_89 : i32 to index
      %swap3A_91 = tpu.vector_load %arg8[%swap3A_90] {strides = array<i32>} : memref<32768xi32, #tpu.memory_space<vmem>>, vector<16xi32>,
      tpu.vector_store %arg8[%swap3A_90], %broadcast_in_dim3A_3 {strides = array<i32>} : memref<32768xi32, #tpu.memory_space<vmem>>, vector<16xi32>,
    }
    %scan3A_16 = arith.constant 2048 : i32
    %mul3A_17 = arith.constant 4 : i32
    %mul3A_18 = arith.muli %add3A, %mul3A_17 : i32
    %dma_start3A = arith.constant 0 : i32
    %dma_start3A_19 = tpu.memref_slice %arg2[%mul3A_18, %dma_start3A] : memref<128x32768xf32, #tpu.memory_space<hbm>> -> memref<1x32768xf32, #tpu.memory_space<hbm>>
    %dma_start3A_20 = tpu.memref_squeeze %dma_start3A_19 : memref<1x32768xf32, #tpu.memory_space<hbm>> -> memref<32768xf32, #tpu.memory_space<hbm>>
    %dma_start3A_21 = arith.constant 0 : i32
    %dma_start3A_22 = tpu.memref_slice %arg2[%mul3A_18, %dma_start3A_21] : memref<128x32768xf32, #tpu.memory_space<hbm>> -> memref<1x32768xf32, #tpu.memory_space<hbm>>
    %dma_start3A_23 = tpu.memref_squeeze %dma_start3A_22 : memref<1x32768xf32, #tpu.memory_space<hbm>> -> memref<32768xf32, #tpu.memory_space<hbm>>
    tpu.enqueue_dma source(%dma_start3A_23 : memref<32768xf32, #tpu.memory_space<hbm>>) target(%arg6 : memref<32768xf32, #tpu.memory_space<vmem>>) target_semaphore(%arg19 : memref<!tpu.dma_semaphore, #tpu.memory_space<semaphore_mem>>)
    %scan3A_24 = arith.constant 0 : i32
    %scan3A_25 = arith.constant 0 : i32
    %scan3A_26 = arith.constant 4 : i32
    %scan3A_27 = arith.addi %scan3A_25, %scan3A_26 : i32
    %scan3A_28 = arith.constant 1 : i32
    scf.for %scan3A_46 = %scan3A_25 to %scan3A_27 step %scan3A_28  : i32 {
      %mul3A_47 = arith.constant 4 : i32
      %mul3A_48 = arith.muli %add3A, %mul3A_47 : i32
      %add3A_49 = arith.addi %mul3A_48, %scan3A_46 : i32
      %dma_wait3A_50 = arith.constant 0 : i32
      %dma_wait3A_51 = tpu.memref_slice %arg2[%add3A_49, %dma_wait3A_50] : memref<128x32768xf32, #tpu.memory_space<hbm>> -> memref<1x32768xf32, #tpu.memory_space<hbm>>
      %dma_wait3A_52 = tpu.memref_squeeze %dma_wait3A_51 : memref<1x32768xf32, #tpu.memory_space<hbm>> -> memref<32768xf32, #tpu.memory_space<hbm>>
      %dma_wait3A_53 = arith.constant 0 : i32
      %dma_wait3A_54 = tpu.memref_slice %arg2[%add3A_49, %dma_wait3A_53] : memref<128x32768xf32, #tpu.memory_space<hbm>> -> memref<1x32768xf32, #tpu.memory_space<hbm>>
      %dma_wait3A_55 = tpu.memref_squeeze %dma_wait3A_54 : memref<1x32768xf32, #tpu.memory_space<hbm>> -> memref<32768xf32, #tpu.memory_space<hbm>>
      tpu.wait_dma2 semaphore(%arg19 : memref<!tpu.dma_semaphore, #tpu.memory_space<semaphore_mem>>) src(%dma_wait3A_55 : memref<32768xf32, #tpu.memory_space<hbm>>) dst(%arg6 : memref<32768xf32, #tpu.memory_space<vmem>>)
      %scan3A_56 = arith.constant 0 : i32
      %scan3A_57 = arith.constant 0 : i32
      %scan3A_58 = arith.constant 32 : i32
      %scan3A_59 = arith.addi %scan3A_57, %scan3A_58 : i32
      %scan3A_60 = arith.constant 4 : i32
      scf.for %scan3A_331 = %scan3A_57 to %scan3A_59 step %scan3A_60  : i32 {
        %broadcast_in_dim3A_332 = arith.constant -2147483648 : i32
        %broadcast_in_dim3A_333 = vector.broadcast %broadcast_in_dim3A_332 : i32 to vector<16xi32>
        %mul3A_334 = arith.constant 16 : i32
        %mul3A_335 = arith.muli %scan3A_331, %mul3A_334 : i32
        %swap3A_336 = arith.index_cast %mul3A_335 : i32 to index
        %swap3A_337 = tpu.vector_load %arg13[%swap3A_336] {strides = array<i32>} : memref<512xi32, #tpu.memory_space<vmem>>, vector<16xi32>,
        tpu.vector_store %arg13[%swap3A_336], %broadcast_in_dim3A_333 {strides = array<i32>} : memref<512xi32, #tpu.memory_space<vmem>>, vector<16xi32>,
        %broadcast_in_dim3A_338 = arith.constant 2147483647 : i32
        %broadcast_in_dim3A_339 = vector.broadcast %broadcast_in_dim3A_338 : i32 to vector<16xi32>
        %mul3A_340 = arith.constant 16 : i32
        %mul3A_341 = arith.muli %scan3A_331, %mul3A_340 : i32
        %swap3A_342 = arith.index_cast %mul3A_341 : i32 to index
        %swap3A_343 = tpu.vector_load %arg14[%swap3A_342] {strides = array<i32>} : memref<512xi32, #tpu.memory_space<vmem>>, vector<16xi32>,
        tpu.vector_store %arg14[%swap3A_342], %broadcast_in_dim3A_339 {strides = array<i32>} : memref<512xi32, #tpu.memory_space<vmem>>, vector<16xi32>,
        %mul3A_344 = arith.constant 16 : i32
        %mul3A_345 = arith.muli %scan3A_331, %mul3A_344 : i32
        %swap3A_346 = arith.index_cast %mul3A_345 : i32 to index
        %swap3A_347 = tpu.vector_load %arg11[%swap3A_346] {strides = array<i32>} : memref<512xi32, #tpu.memory_space<vmem>>, vector<16xi32>,
        tpu.vector_store %arg11[%swap3A_346], %broadcast_in_dim3A_3 {strides = array<i32>} : memref<512xi32, #tpu.memory_space<vmem>>, vector<16xi32>,
        %broadcast_in_dim3A_348 = arith.constant 512 : i32
        %broadcast_in_dim3A_349 = vector.broadcast %broadcast_in_dim3A_348 : i32 to vector<16xi32>
        %mul3A_350 = arith.constant 16 : i32
        %mul3A_351 = arith.muli %scan3A_331, %mul3A_350 : i32
        %swap3A_352 = arith.index_cast %mul3A_351 : i32 to index
        %swap3A_353 = tpu.vector_load %arg12[%swap3A_352] {strides = array<i32>} : memref<512xi32, #tpu.memory_space<vmem>>, vector<16xi32>,
        tpu.vector_store %arg12[%swap3A_352], %broadcast_in_dim3A_349 {strides = array<i32>} : memref<512xi32, #tpu.memory_space<vmem>>, vector<16xi32>,
        %scan3A_354 = arith.constant 1 : i32
        %scan3A_355 = arith.addi %scan3A_331, %scan3A_354 : i32
        %broadcast_in_dim3A_356 = arith.constant -2147483648 : i32
        %broadcast_in_dim3A_357 = vector.broadcast %broadcast_in_dim3A_356 : i32 to vector<16xi32>
        %mul3A_358 = arith.constant 16 : i32
        %mul3A_359 = arith.muli %scan3A_355, %mul3A_358 : i32
        %swap3A_360 = arith.index_cast %mul3A_359 : i32 to index
        %swap3A_361 = tpu.vector_load %arg13[%swap3A_360] {strides = array<i32>} : memref<512xi32, #tpu.memory_space<vmem>>, vector<16xi32>,
        tpu.vector_store %arg13[%swap3A_360], %broadcast_in_dim3A_357 {strides = array<i32>} : memref<512xi32, #tpu.memory_space<vmem>>, vector<16xi32>,
        %broadcast_in_dim3A_362 = arith.constant 2147483647 : i32
        %broadcast_in_dim3A_363 = vector.broadcast %broadcast_in_dim3A_362 : i32 to vector<16xi32>
        %mul3A_364 = arith.constant 16 : i32
        %mul3A_365 = arith.muli %scan3A_355, %mul3A_364 : i32
        %swap3A_366 = arith.index_cast %mul3A_365 : i32 to index
        %swap3A_367 = tpu.vector_load %arg14[%swap3A_366] {strides = array<i32>} : memref<512xi32, #tpu.memory_space<vmem>>, vector<16xi32>,
        tpu.vector_store %arg14[%swap3A_366], %broadcast_in_dim3A_363 {strides = array<i32>} : memref<512xi32, #tpu.memory_space<vmem>>, vector<16xi32>,
        %mul3A_368 = arith.constant 16 : i32
        %mul3A_369 = arith.muli %scan3A_355, %mul3A_368 : i32
        %swap3A_370 = arith.index_cast %mul3A_369 : i32 to index
        %swap3A_371 = tpu.vector_load %arg11[%swap3A_370] {strides = array<i32>} : memref<512xi32, #tpu.memory_space<vmem>>, vector<16xi32>,
        tpu.vector_store %arg11[%swap3A_370], %broadcast_in_dim3A_3 {strides = array<i32>} : memref<512xi32, #tpu.memory_space<vmem>>, vector<16xi32>,
        %broadcast_in_dim3A_372 = arith.constant 512 : i32
        %broadcast_in_dim3A_373 = vector.broadcast %broadcast_in_dim3A_372 : i32 to vector<16xi32>
        %mul3A_374 = arith.constant 16 : i32
        %mul3A_375 = arith.muli %scan3A_355, %mul3A_374 : i32
        %swap3A_376 = arith.index_cast %mul3A_375 : i32 to index
        %swap3A_377 = tpu.vector_load %arg12[%swap3A_376] {strides = array<i32>} : memref<512xi32, #tpu.memory_space<vmem>>, vector<16xi32>,
        tpu.vector_store %arg12[%swap3A_376], %broadcast_in_dim3A_373 {strides = array<i32>} : memref<512xi32, #tpu.memory_space<vmem>>, vector<16xi32>,
        %scan3A_378 = arith.constant 2 : i32
        %scan3A_379 = arith.addi %scan3A_331, %scan3A_378 : i32
        %broadcast_in_dim3A_380 = arith.constant -2147483648 : i32
        %broadcast_in_dim3A_381 = vector.broadcast %broadcast_in_dim3A_380 : i32 to vector<16xi32>
        %mul3A_382 = arith.constant 16 : i32
        %mul3A_383 = arith.muli %scan3A_379, %mul3A_382 : i32
        %swap3A_384 = arith.index_cast %mul3A_383 : i32 to index
        %swap3A_385 = tpu.vector_load %arg13[%swap3A_384] {strides = array<i32>} : memref<512xi32, #tpu.memory_space<vmem>>, vector<16xi32>,
        tpu.vector_store %arg13[%swap3A_384], %broadcast_in_dim3A_381 {strides = array<i32>} : memref<512xi32, #tpu.memory_space<vmem>>, vector<16xi32>,
        %broadcast_in_dim3A_386 = arith.constant 2147483647 : i32
        %broadcast_in_dim3A_387 = vector.broadcast %broadcast_in_dim3A_386 : i32 to vector<16xi32>
        %mul3A_388 = arith.constant 16 : i32
        %mul3A_389 = arith.muli %scan3A_379, %mul3A_388 : i32
        %swap3A_390 = arith.index_cast %mul3A_389 : i32 to index
        %swap3A_391 = tpu.vector_load %arg14[%swap3A_390] {strides = array<i32>} : memref<512xi32, #tpu.memory_space<vmem>>, vector<16xi32>,
        tpu.vector_store %arg14[%swap3A_390], %broadcast_in_dim3A_387 {strides = array<i32>} : memref<512xi32, #tpu.memory_space<vmem>>, vector<16xi32>,
        %mul3A_392 = arith.constant 16 : i32
        %mul3A_393 = arith.muli %scan3A_379, %mul3A_392 : i32
        %swap3A_394 = arith.index_cast %mul3A_393 : i32 to index
        %swap3A_395 = tpu.vector_load %arg11[%swap3A_394] {strides = array<i32>} : memref<512xi32, #tpu.memory_space<vmem>>, vector<16xi32>,
        tpu.vector_store %arg11[%swap3A_394], %broadcast_in_dim3A_3 {strides = array<i32>} : memref<512xi32, #tpu.memory_space<vmem>>, vector<16xi32>,
        %broadcast_in_dim3A_396 = arith.constant 512 : i32
        %broadcast_in_dim3A_397 = vector.broadcast %broadcast_in_dim3A_396 : i32 to vector<16xi32>
        %mul3A_398 = arith.constant 16 : i32
        %mul3A_399 = arith.muli %scan3A_379, %mul3A_398 : i32
        %swap3A_400 = arith.index_cast %mul3A_399 : i32 to index
        %swap3A_401 = tpu.vector_load %arg12[%swap3A_400] {strides = array<i32>} : memref<512xi32, #tpu.memory_space<vmem>>, vector<16xi32>,
        tpu.vector_store %arg12[%swap3A_400], %broadcast_in_dim3A_397 {strides = array<i32>} : memref<512xi32, #tpu.memory_space<vmem>>, vector<16xi32>,
        %scan3A_402 = arith.constant 3 : i32
        %scan3A_403 = arith.addi %scan3A_331, %scan3A_402 : i32
        %broadcast_in_dim3A_404 = arith.constant -2147483648 : i32
        %broadcast_in_dim3A_405 = vector.broadcast %broadcast_in_dim3A_404 : i32 to vector<16xi32>
        %mul3A_406 = arith.constant 16 : i32
        %mul3A_407 = arith.muli %scan3A_403, %mul3A_406 : i32
        %swap3A_408 = arith.index_cast %mul3A_407 : i32 to index
        %swap3A_409 = tpu.vector_load %arg13[%swap3A_408] {strides = array<i32>} : memref<512xi32, #tpu.memory_space<vmem>>, vector<16xi32>,
        tpu.vector_store %arg13[%swap3A_408], %broadcast_in_dim3A_405 {strides = array<i32>} : memref<512xi32, #tpu.memory_space<vmem>>, vector<16xi32>,
        %broadcast_in_dim3A_410 = arith.constant 2147483647 : i32
        %broadcast_in_dim3A_411 = vector.broadcast %broadcast_in_dim3A_410 : i32 to vector<16xi32>
        %mul3A_412 = arith.constant 16 : i32
        %mul3A_413 = arith.muli %scan3A_403, %mul3A_412 : i32
        %swap3A_414 = arith.index_cast %mul3A_413 : i32 to index
        %swap3A_415 = tpu.vector_load %arg14[%swap3A_414] {strides = array<i32>} : memref<512xi32, #tpu.memory_space<vmem>>, vector<16xi32>,
        tpu.vector_store %arg14[%swap3A_414], %broadcast_in_dim3A_411 {strides = array<i32>} : memref<512xi32, #tpu.memory_space<vmem>>, vector<16xi32>,
        %mul3A_416 = arith.constant 16 : i32
        %mul3A_417 = arith.muli %scan3A_403, %mul3A_416 : i32
        %swap3A_418 = arith.index_cast %mul3A_417 : i32 to index
        %swap3A_419 = tpu.vector_load %arg11[%swap3A_418] {strides = array<i32>} : memref<512xi32, #tpu.memory_space<vmem>>, vector<16xi32>,
        tpu.vector_store %arg11[%swap3A_418], %broadcast_in_dim3A_3 {strides = array<i32>} : memref<512xi32, #tpu.memory_space<vmem>>, vector<16xi32>,
        %broadcast_in_dim3A_420 = arith.constant 512 : i32
        %broadcast_in_dim3A_421 = vector.broadcast %broadcast_in_dim3A_420 : i32 to vector<16xi32>
        %mul3A_422 = arith.constant 16 : i32
        %mul3A_423 = arith.muli %scan3A_403, %mul3A_422 : i32
        %swap3A_424 = arith.index_cast %mul3A_423 : i32 to index
        %swap3A_425 = tpu.vector_load %arg12[%swap3A_424] {strides = array<i32>} : memref<512xi32, #tpu.memory_space<vmem>>, vector<16xi32>,
        tpu.vector_store %arg12[%swap3A_424], %broadcast_in_dim3A_421 {strides = array<i32>} : memref<512xi32, #tpu.memory_space<vmem>>, vector<16xi32>,
      }
      %scan3A_61 = arith.constant 32 : i32
      %parallel_loop3A = arith.constant 0 : i32
      %parallel_loop3A_62 = arith.constant 128 : i32
      %parallel_loop3A_63 = arith.constant 1 : i32
      scf.for %parallel_loop3A_331 = %parallel_loop3A to %parallel_loop3A_62 step %parallel_loop3A_63  : i32 {
        %parallel_loop3A_332 = arith.constant 16 : i32
        %parallel_loop3A_333 = arith.muli %parallel_loop3A_331, %parallel_loop3A_332 : i32
        %parallel_loop3A_334 = arith.constant 0 : i32
        %parallel_loop3A_335 = arith.addi %parallel_loop3A_333, %parallel_loop3A_334 : i32
        %parallel_loop3A_336 = arith.constant 16 : i32
        %parallel_loop3A_337 = arith.muli %parallel_loop3A_335, %parallel_loop3A_336 : i32
        %parallel_loop3A_338 = arith.index_cast %parallel_loop3A_337 : i32 to index
        %parallel_loop3A_339 = tpu.vector_load %arg6[%parallel_loop3A_338] {strides = array<i32>} : memref<32768xf32, #tpu.memory_space<vmem>>, vector<16xf32>,
        %parallel_loop3A_340 = tpu.bitcast %parallel_loop3A_339 : vector<16xf32> -> vector<16xi32>
        %parallel_loop3A_341 = arith.constant 1076803666 : i32
        %parallel_loop3A_342 = vector.broadcast %parallel_loop3A_341 : i32 to vector<16xi32>
        %parallel_loop3A_343 = arith.cmpi sge, %parallel_loop3A_340, %parallel_loop3A_342 : vector<16xi32>
        %parallel_loop3A_344 = tpu.all_reduce %parallel_loop3A_343 {dim = 0 : i64, kind = #tpu.reduction_kind<sum>} : vector<16xi1> -> vector<16xi32>
        %parallel_loop3A_345 = arith.constant 0 : i32
        %parallel_loop3A_346 = vector.broadcast %parallel_loop3A_345 : i32 to vector<16xi32>
        %parallel_loop3A_347 = arith.cmpi eq, %iota3A, %parallel_loop3A_346 : vector<16xi32>
        %parallel_loop3A_348 = arith.select %parallel_loop3A_347, %parallel_loop3A_344, %broadcast_in_dim3A_3 : vector<16xi1>, vector<16xi32>
        %parallel_loop3A_349 = arith.constant 16 : i32
        %parallel_loop3A_350 = arith.muli %parallel_loop3A_331, %parallel_loop3A_349 : i32
        %parallel_loop3A_351 = arith.constant 1 : i32
        %parallel_loop3A_352 = arith.addi %parallel_loop3A_350, %parallel_loop3A_351 : i32
        %parallel_loop3A_353 = arith.constant 16 : i32
        %parallel_loop3A_354 = arith.muli %parallel_loop3A_352, %parallel_loop3A_353 : i32
        %parallel_loop3A_355 = arith.index_cast %parallel_loop3A_354 : i32 to index
        %parallel_loop3A_356 = tpu.vector_load %arg6[%parallel_loop3A_355] {strides = array<i32>} : memref<32768xf32, #tpu.memory_space<vmem>>, vector<16xf32>,
        %parallel_loop3A_357 = tpu.bitcast %parallel_loop3A_356 : vector<16xf32> -> vector<16xi32>
        %parallel_loop3A_358 = arith.constant 1076803666 : i32
        %parallel_loop3A_359 = vector.broadcast %parallel_loop3A_358 : i32 to vector<16xi32>
        %parallel_loop3A_360 = arith.cmpi sge, %parallel_loop3A_357, %parallel_loop3A_359 : vector<16xi32>
        %parallel_loop3A_361 = tpu.all_reduce %parallel_loop3A_360 {dim = 0 : i64, kind = #tpu.reduction_kind<sum>} : vector<16xi1> -> vector<16xi32>
        %parallel_loop3A_362 = arith.constant 1 : i32
        %parallel_loop3A_363 = vector.broadcast %parallel_loop3A_362 : i32 to vector<16xi32>
        %parallel_loop3A_364 = arith.cmpi eq, %iota3A, %parallel_loop3A_363 : vector<16xi32>
        %parallel_loop3A_365 = arith.select %parallel_loop3A_364, %parallel_loop3A_361, %parallel_loop3A_348 : vector<16xi1>, vector<16xi32>
        %parallel_loop3A_366 = arith.constant 16 : i32
        %parallel_loop3A_367 = arith.muli %parallel_loop3A_331, %parallel_loop3A_366 : i32
        %parallel_loop3A_368 = arith.constant 2 : i32
        %parallel_loop3A_369 = arith.addi %parallel_loop3A_367, %parallel_loop3A_368 : i32
        %parallel_loop3A_370 = arith.constant 16 : i32
        %parallel_loop3A_371 = arith.muli %parallel_loop3A_369, %parallel_loop3A_370 : i32
        %parallel_loop3A_372 = arith.index_cast %parallel_loop3A_371 : i32 to index
        %parallel_loop3A_373 = tpu.vector_load %arg6[%parallel_loop3A_372] {strides = array<i32>} : memref<32768xf32, #tpu.memory_space<vmem>>, vector<16xf32>,
        %parallel_loop3A_374 = tpu.bitcast %parallel_loop3A_373 : vector<16xf32> -> vector<16xi32>
        %parallel_loop3A_375 = arith.constant 1076803666 : i32
        %parallel_loop3A_376 = vector.broadcast %parallel_loop3A_375 : i32 to vector<16xi32>
        %parallel_loop3A_377 = arith.cmpi sge, %parallel_loop3A_374, %parallel_loop3A_376 : vector<16xi32>
        %parallel_loop3A_378 = tpu.all_reduce %parallel_loop3A_377 {dim = 0 : i64, kind = #tpu.reduction_kind<sum>} : vector<16xi1> -> vector<16xi32>
        %parallel_loop3A_379 = arith.constant 2 : i32
        %parallel_loop3A_380 = vector.broadcast %parallel_loop3A_379 : i32 to vector<16xi32>
        %parallel_loop3A_381 = arith.cmpi eq, %iota3A, %parallel_loop3A_380 : vector<16xi32>
        %parallel_loop3A_382 = arith.select %parallel_loop3A_381, %parallel_loop3A_378, %parallel_loop3A_365 : vector<16xi1>, vector<16xi32>
        %parallel_loop3A_383 = arith.constant 16 : i32
        %parallel_loop3A_384 = arith.muli %parallel_loop3A_331, %parallel_loop3A_383 : i32
        %parallel_loop3A_385 = arith.constant 3 : i32
        %parallel_loop3A_386 = arith.addi %parallel_loop3A_384, %parallel_loop3A_385 : i32
        %parallel_loop3A_387 = arith.constant 16 : i32
        %parallel_loop3A_388 = arith.muli %parallel_loop3A_386, %parallel_loop3A_387 : i32
        %parallel_loop3A_389 = arith.index_cast %parallel_loop3A_388 : i32 to index
        %parallel_loop3A_390 = tpu.vector_load %arg6[%parallel_loop3A_389] {strides = array<i32>} : memref<32768xf32, #tpu.memory_space<vmem>>, vector<16xf32>,
        %parallel_loop3A_391 = tpu.bitcast %parallel_loop3A_390 : vector<16xf32> -> vector<16xi32>
        %parallel_loop3A_392 = arith.constant 1076803666 : i32
        %parallel_loop3A_393 = vector.broadcast %parallel_loop3A_392 : i32 to vector<16xi32>
        %parallel_loop3A_394 = arith.cmpi sge, %parallel_loop3A_391, %parallel_loop3A_393 : vector<16xi32>
        %parallel_loop3A_395 = tpu.all_reduce %parallel_loop3A_394 {dim = 0 : i64, kind = #tpu.reduction_kind<sum>} : vector<16xi1> -> vector<16xi32>
        %parallel_loop3A_396 = arith.constant 3 : i32
        %parallel_loop3A_397 = vector.broadcast %parallel_loop3A_396 : i32 to vector<16xi32>
        %parallel_loop3A_398 = arith.cmpi eq, %iota3A, %parallel_loop3A_397 : vector<16xi32>
        %parallel_loop3A_399 = arith.select %parallel_loop3A_398, %parallel_loop3A_395, %parallel_loop3A_382 : vector<16xi1>, vector<16xi32>
        %parallel_loop3A_400 = arith.constant 16 : i32
        %parallel_loop3A_401 = arith.muli %parallel_loop3A_331, %parallel_loop3A_400 : i32
        %parallel_loop3A_402 = arith.constant 4 : i32
        %parallel_loop3A_403 = arith.addi %parallel_loop3A_401, %parallel_loop3A_402 : i32
        %parallel_loop3A_404 = arith.constant 16 : i32
        %parallel_loop3A_405 = arith.muli %parallel_loop3A_403, %parallel_loop3A_404 : i32
        %parallel_loop3A_406 = arith.index_cast %parallel_loop3A_405 : i32 to index
        %parallel_loop3A_407 = tpu.vector_load %arg6[%parallel_loop3A_406] {strides = array<i32>} : memref<32768xf32, #tpu.memory_space<vmem>>, vector<16xf32>,
        %parallel_loop3A_408 = tpu.bitcast %parallel_loop3A_407 : vector<16xf32> -> vector<16xi32>
        %parallel_loop3A_409 = arith.constant 1076803666 : i32
        %parallel_loop3A_410 = vector.broadcast %parallel_loop3A_409 : i32 to vector<16xi32>
        %parallel_loop3A_411 = arith.cmpi sge, %parallel_loop3A_408, %parallel_loop3A_410 : vector<16xi32>
        %parallel_loop3A_412 = tpu.all_reduce %parallel_loop3A_411 {dim = 0 : i64, kind = #tpu.reduction_kind<sum>} : vector<16xi1> -> vector<16xi32>
        %parallel_loop3A_413 = arith.constant 4 : i32
        %parallel_loop3A_414 = vector.broadcast %parallel_loop3A_413 : i32 to vector<16xi32>
        %parallel_loop3A_415 = arith.cmpi eq, %iota3A, %parallel_loop3A_414 : vector<16xi32>
        %parallel_loop3A_416 = arith.select %parallel_loop3A_415, %parallel_loop3A_412, %parallel_loop3A_399 : vector<16xi1>, vector<16xi32>
        %parallel_loop3A_417 = arith.constant 16 : i32
        %parallel_loop3A_418 = arith.muli %parallel_loop3A_331, %parallel_loop3A_417 : i32
        %parallel_loop3A_419 = arith.constant 5 : i32
        %parallel_loop3A_420 = arith.addi %parallel_loop3A_418, %parallel_loop3A_419 : i32
        %parallel_loop3A_421 = arith.constant 16 : i32
        %parallel_loop3A_422 = arith.muli %parallel_loop3A_420, %parallel_loop3A_421 : i32
        %parallel_loop3A_423 = arith.index_cast %parallel_loop3A_422 : i32 to index
        %parallel_loop3A_424 = tpu.vector_load %arg6[%parallel_loop3A_423] {strides = array<i32>} : memref<32768xf32, #tpu.memory_space<vmem>>, vector<16xf32>,
        %parallel_loop3A_425 = tpu.bitcast %parallel_loop3A_424 : vector<16xf32> -> vector<16xi32>
        %parallel_loop3A_426 = arith.constant 1076803666 : i32
        %parallel_loop3A_427 = vector.broadcast %parallel_loop3A_426 : i32 to vector<16xi32>
        %parallel_loop3A_428 = arith.cmpi sge, %parallel_loop3A_425, %parallel_loop3A_427 : vector<16xi32>
        %parallel_loop3A_429 = tpu.all_reduce %parallel_loop3A_428 {dim = 0 : i64, kind = #tpu.reduction_kind<sum>} : vector<16xi1> -> vector<16xi32>
        %parallel_loop3A_430 = arith.constant 5 : i32
        %parallel_loop3A_431 = vector.broadcast %parallel_loop3A_430 : i32 to vector<16xi32>
        %parallel_loop3A_432 = arith.cmpi eq, %iota3A, %parallel_loop3A_431 : vector<16xi32>
        %parallel_loop3A_433 = arith.select %parallel_loop3A_432, %parallel_loop3A_429, %parallel_loop3A_416 : vector<16xi1>, vector<16xi32>
        %parallel_loop3A_434 = arith.constant 16 : i32
        %parallel_loop3A_435 = arith.muli %parallel_loop3A_331, %parallel_loop3A_434 : i32
        %parallel_loop3A_436 = arith.constant 6 : i32
        %parallel_loop3A_437 = arith.addi %parallel_loop3A_435, %parallel_loop3A_436 : i32
        %parallel_loop3A_438 = arith.constant 16 : i32
        %parallel_loop3A_439 = arith.muli %parallel_loop3A_437, %parallel_loop3A_438 : i32
        %parallel_loop3A_440 = arith.index_cast %parallel_loop3A_439 : i32 to index
        %parallel_loop3A_441 = tpu.vector_load %arg6[%parallel_loop3A_440] {strides = array<i32>} : memref<32768xf32, #tpu.memory_space<vmem>>, vector<16xf32>,
        %parallel_loop3A_442 = tpu.bitcast %parallel_loop3A_441 : vector<16xf32> -> vector<16xi32>
        %parallel_loop3A_443 = arith.constant 1076803666 : i32
        %parallel_loop3A_444 = vector.broadcast %parallel_loop3A_443 : i32 to vector<16xi32>
        %parallel_loop3A_445 = arith.cmpi sge, %parallel_loop3A_442, %parallel_loop3A_444 : vector<16xi32>
        %parallel_loop3A_446 = tpu.all_reduce %parallel_loop3A_445 {dim = 0 : i64, kind = #tpu.reduction_kind<sum>} : vector<16xi1> -> vector<16xi32>
        %parallel_loop3A_447 = arith.constant 6 : i32
        %parallel_loop3A_448 = vector.broadcast %parallel_loop3A_447 : i32 to vector<16xi32>
        %parallel_loop3A_449 = arith.cmpi eq, %iota3A, %parallel_loop3A_448 : vector<16xi32>
        %parallel_loop3A_450 = arith.select %parallel_loop3A_449, %parallel_loop3A_446, %parallel_loop3A_433 : vector<16xi1>, vector<16xi32>
        %parallel_loop3A_451 = arith.constant 16 : i32
        %parallel_loop3A_452 = arith.muli %parallel_loop3A_331, %parallel_loop3A_451 : i32
        %parallel_loop3A_453 = arith.constant 7 : i32
        %parallel_loop3A_454 = arith.addi %parallel_loop3A_452, %parallel_loop3A_453 : i32
        %parallel_loop3A_455 = arith.constant 16 : i32
        %parallel_loop3A_456 = arith.muli %parallel_loop3A_454, %parallel_loop3A_455 : i32
        %parallel_loop3A_457 = arith.index_cast %parallel_loop3A_456 : i32 to index
        %parallel_loop3A_458 = tpu.vector_load %arg6[%parallel_loop3A_457] {strides = array<i32>} : memref<32768xf32, #tpu.memory_space<vmem>>, vector<16xf32>,
        %parallel_loop3A_459 = tpu.bitcast %parallel_loop3A_458 : vector<16xf32> -> vector<16xi32>
        %parallel_loop3A_460 = arith.constant 1076803666 : i32
        %parallel_loop3A_461 = vector.broadcast %parallel_loop3A_460 : i32 to vector<16xi32>
        %parallel_loop3A_462 = arith.cmpi sge, %parallel_loop3A_459, %parallel_loop3A_461 : vector<16xi32>
        %parallel_loop3A_463 = tpu.all_reduce %parallel_loop3A_462 {dim = 0 : i64, kind = #tpu.reduction_kind<sum>} : vector<16xi1> -> vector<16xi32>
        %parallel_loop3A_464 = arith.constant 7 : i32
        %parallel_loop3A_465 = vector.broadcast %parallel_loop3A_464 : i32 to vector<16xi32>
        %parallel_loop3A_466 = arith.cmpi eq, %iota3A, %parallel_loop3A_465 : vector<16xi32>
        %parallel_loop3A_467 = arith.select %parallel_loop3A_466, %parallel_loop3A_463, %parallel_loop3A_450 : vector<16xi1>, vector<16xi32>
        %parallel_loop3A_468 = arith.constant 16 : i32
        %parallel_loop3A_469 = arith.muli %parallel_loop3A_331, %parallel_loop3A_468 : i32
        %parallel_loop3A_470 = arith.constant 8 : i32
        %parallel_loop3A_471 = arith.addi %parallel_loop3A_469, %parallel_loop3A_470 : i32
        %parallel_loop3A_472 = arith.constant 16 : i32
        %parallel_loop3A_473 = arith.muli %parallel_loop3A_471, %parallel_loop3A_472 : i32
        %parallel_loop3A_474 = arith.index_cast %parallel_loop3A_473 : i32 to index
        %parallel_loop3A_475 = tpu.vector_load %arg6[%parallel_loop3A_474] {strides = array<i32>} : memref<32768xf32, #tpu.memory_space<vmem>>, vector<16xf32>,
        %parallel_loop3A_476 = tpu.bitcast %parallel_loop3A_475 : vector<16xf32> -> vector<16xi32>
        %parallel_loop3A_477 = arith.constant 1076803666 : i32
        %parallel_loop3A_478 = vector.broadcast %parallel_loop3A_477 : i32 to vector<16xi32>
        %parallel_loop3A_479 = arith.cmpi sge, %parallel_loop3A_476, %parallel_loop3A_478 : vector<16xi32>
        %parallel_loop3A_480 = tpu.all_reduce %parallel_loop3A_479 {dim = 0 : i64, kind = #tpu.reduction_kind<sum>} : vector<16xi1> -> vector<16xi32>
        %parallel_loop3A_481 = arith.constant 8 : i32
        %parallel_loop3A_482 = vector.broadcast %parallel_loop3A_481 : i32 to vector<16xi32>
        %parallel_loop3A_483 = arith.cmpi eq, %iota3A, %parallel_loop3A_482 : vector<16xi32>
        %parallel_loop3A_484 = arith.select %parallel_loop3A_483, %parallel_loop3A_480, %parallel_loop3A_467 : vector<16xi1>, vector<16xi32>
        %parallel_loop3A_485 = arith.constant 16 : i32
        %parallel_loop3A_486 = arith.muli %parallel_loop3A_331, %parallel_loop3A_485 : i32
        %parallel_loop3A_487 = arith.constant 9 : i32
        %parallel_loop3A_488 = arith.addi %parallel_loop3A_486, %parallel_loop3A_487 : i32
        %parallel_loop3A_489 = arith.constant 16 : i32
        %parallel_loop3A_490 = arith.muli %parallel_loop3A_488, %parallel_loop3A_489 : i32
        %parallel_loop3A_491 = arith.index_cast %parallel_loop3A_490 : i32 to index
        %parallel_loop3A_492 = tpu.vector_load %arg6[%parallel_loop3A_491] {strides = array<i32>} : memref<32768xf32, #tpu.memory_space<vmem>>, vector<16xf32>,
        %parallel_loop3A_493 = tpu.bitcast %parallel_loop3A_492 : vector<16xf32> -> vector<16xi32>
        %parallel_loop3A_494 = arith.constant 1076803666 : i32
        %parallel_loop3A_495 = vector.broadcast %parallel_loop3A_494 : i32 to vector<16xi32>
        %parallel_loop3A_496 = arith.cmpi sge, %parallel_loop3A_493, %parallel_loop3A_495 : vector<16xi32>
        %parallel_loop3A_497 = tpu.all_reduce %parallel_loop3A_496 {dim = 0 : i64, kind = #tpu.reduction_kind<sum>} : vector<16xi1> -> vector<16xi32>
        %parallel_loop3A_498 = arith.constant 9 : i32
        %parallel_loop3A_499 = vector.broadcast %parallel_loop3A_498 : i32 to vector<16xi32>
        %parallel_loop3A_500 = arith.cmpi eq, %iota3A, %parallel_loop3A_499 : vector<16xi32>
        %parallel_loop3A_501 = arith.select %parallel_loop3A_500, %parallel_loop3A_497, %parallel_loop3A_484 : vector<16xi1>, vector<16xi32>
        %parallel_loop3A_502 = arith.constant 16 : i32
        %parallel_loop3A_503 = arith.muli %parallel_loop3A_331, %parallel_loop3A_502 : i32
        %parallel_loop3A_504 = arith.constant 10 : i32
        %parallel_loop3A_505 = arith.addi %parallel_loop3A_503, %parallel_loop3A_504 : i32
        %parallel_loop3A_506 = arith.constant 16 : i32
        %parallel_loop3A_507 = arith.muli %parallel_loop3A_505, %parallel_loop3A_506 : i32
        %parallel_loop3A_508 = arith.index_cast %parallel_loop3A_507 : i32 to index
        %parallel_loop3A_509 = tpu.vector_load %arg6[%parallel_loop3A_508] {strides = array<i32>} : memref<32768xf32, #tpu.memory_space<vmem>>, vector<16xf32>,
        %parallel_loop3A_510 = tpu.bitcast %parallel_loop3A_509 : vector<16xf32> -> vector<16xi32>
        %parallel_loop3A_511 = arith.constant 1076803666 : i32
        %parallel_loop3A_512 = vector.broadcast %parallel_loop3A_511 : i32 to vector<16xi32>
        %parallel_loop3A_513 = arith.cmpi sge, %parallel_loop3A_510, %parallel_loop3A_512 : vector<16xi32>
        %parallel_loop3A_514 = tpu.all_reduce %parallel_loop3A_513 {dim = 0 : i64, kind = #tpu.reduction_kind<sum>} : vector<16xi1> -> vector<16xi32>
        %parallel_loop3A_515 = arith.constant 10 : i32
        %parallel_loop3A_516 = vector.broadcast %parallel_loop3A_515 : i32 to vector<16xi32>
        %parallel_loop3A_517 = arith.cmpi eq, %iota3A, %parallel_loop3A_516 : vector<16xi32>
        %parallel_loop3A_518 = arith.select %parallel_loop3A_517, %parallel_loop3A_514, %parallel_loop3A_501 : vector<16xi1>, vector<16xi32>
        %parallel_loop3A_519 = arith.constant 16 : i32
        %parallel_loop3A_520 = arith.muli %parallel_loop3A_331, %parallel_loop3A_519 : i32
        %parallel_loop3A_521 = arith.constant 11 : i32
        %parallel_loop3A_522 = arith.addi %parallel_loop3A_520, %parallel_loop3A_521 : i32
        %parallel_loop3A_523 = arith.constant 16 : i32
        %parallel_loop3A_524 = arith.muli %parallel_loop3A_522, %parallel_loop3A_523 : i32
        %parallel_loop3A_525 = arith.index_cast %parallel_loop3A_524 : i32 to index
        %parallel_loop3A_526 = tpu.vector_load %arg6[%parallel_loop3A_525] {strides = array<i32>} : memref<32768xf32, #tpu.memory_space<vmem>>, vector<16xf32>,
        %parallel_loop3A_527 = tpu.bitcast %parallel_loop3A_526 : vector<16xf32> -> vector<16xi32>
        %parallel_loop3A_528 = arith.constant 1076803666 : i32
        %parallel_loop3A_529 = vector.broadcast %parallel_loop3A_528 : i32 to vector<16xi32>
        %parallel_loop3A_530 = arith.cmpi sge, %parallel_loop3A_527, %parallel_loop3A_529 : vector<16xi32>
        %parallel_loop3A_531 = tpu.all_reduce %parallel_loop3A_530 {dim = 0 : i64, kind = #tpu.reduction_kind<sum>} : vector<16xi1> -> vector<16xi32>
        %parallel_loop3A_532 = arith.constant 11 : i32
        %parallel_loop3A_533 = vector.broadcast %parallel_loop3A_532 : i32 to vector<16xi32>
        %parallel_loop3A_534 = arith.cmpi eq, %iota3A, %parallel_loop3A_533 : vector<16xi32>
        %parallel_loop3A_535 = arith.select %parallel_loop3A_534, %parallel_loop3A_531, %parallel_loop3A_518 : vector<16xi1>, vector<16xi32>
        %parallel_loop3A_536 = arith.constant 16 : i32
        %parallel_loop3A_537 = arith.muli %parallel_loop3A_331, %parallel_loop3A_536 : i32
        %parallel_loop3A_538 = arith.constant 12 : i32
        %parallel_loop3A_539 = arith.addi %parallel_loop3A_537, %parallel_loop3A_538 : i32
        %parallel_loop3A_540 = arith.constant 16 : i32
        %parallel_loop3A_541 = arith.muli %parallel_loop3A_539, %parallel_loop3A_540 : i32
        %parallel_loop3A_542 = arith.index_cast %parallel_loop3A_541 : i32 to index
        %parallel_loop3A_543 = tpu.vector_load %arg6[%parallel_loop3A_542] {strides = array<i32>} : memref<32768xf32, #tpu.memory_space<vmem>>, vector<16xf32>,
        %parallel_loop3A_544 = tpu.bitcast %parallel_loop3A_543 : vector<16xf32> -> vector<16xi32>
        %parallel_loop3A_545 = arith.constant 1076803666 : i32
        %parallel_loop3A_546 = vector.broadcast %parallel_loop3A_545 : i32 to vector<16xi32>
        %parallel_loop3A_547 = arith.cmpi sge, %parallel_loop3A_544, %parallel_loop3A_546 : vector<16xi32>
        %parallel_loop3A_548 = tpu.all_reduce %parallel_loop3A_547 {dim = 0 : i64, kind = #tpu.reduction_kind<sum>} : vector<16xi1> -> vector<16xi32>
        %parallel_loop3A_549 = arith.constant 12 : i32
        %parallel_loop3A_550 = vector.broadcast %parallel_loop3A_549 : i32 to vector<16xi32>
        %parallel_loop3A_551 = arith.cmpi eq, %iota3A, %parallel_loop3A_550 : vector<16xi32>
        %parallel_loop3A_552 = arith.select %parallel_loop3A_551, %parallel_loop3A_548, %parallel_loop3A_535 : vector<16xi1>, vector<16xi32>
        %parallel_loop3A_553 = arith.constant 16 : i32
        %parallel_loop3A_554 = arith.muli %parallel_loop3A_331, %parallel_loop3A_553 : i32
        %parallel_loop3A_555 = arith.constant 13 : i32
        %parallel_loop3A_556 = arith.addi %parallel_loop3A_554, %parallel_loop3A_555 : i32
        %parallel_loop3A_557 = arith.constant 16 : i32
        %parallel_loop3A_558 = arith.muli %parallel_loop3A_556, %parallel_loop3A_557 : i32
        %parallel_loop3A_559 = arith.index_cast %parallel_loop3A_558 : i32 to index
        %parallel_loop3A_560 = tpu.vector_load %arg6[%parallel_loop3A_559] {strides = array<i32>} : memref<32768xf32, #tpu.memory_space<vmem>>, vector<16xf32>,
        %parallel_loop3A_561 = tpu.bitcast %parallel_loop3A_560 : vector<16xf32> -> vector<16xi32>
        %parallel_loop3A_562 = arith.constant 1076803666 : i32
        %parallel_loop3A_563 = vector.broadcast %parallel_loop3A_562 : i32 to vector<16xi32>
        %parallel_loop3A_564 = arith.cmpi sge, %parallel_loop3A_561, %parallel_loop3A_563 : vector<16xi32>
        %parallel_loop3A_565 = tpu.all_reduce %parallel_loop3A_564 {dim = 0 : i64, kind = #tpu.reduction_kind<sum>} : vector<16xi1> -> vector<16xi32>
        %parallel_loop3A_566 = arith.constant 13 : i32
        %parallel_loop3A_567 = vector.broadcast %parallel_loop3A_566 : i32 to vector<16xi32>
        %parallel_loop3A_568 = arith.cmpi eq, %iota3A, %parallel_loop3A_567 : vector<16xi32>
        %parallel_loop3A_569 = arith.select %parallel_loop3A_568, %parallel_loop3A_565, %parallel_loop3A_552 : vector<16xi1>, vector<16xi32>
        %parallel_loop3A_570 = arith.constant 16 : i32
        %parallel_loop3A_571 = arith.muli %parallel_loop3A_331, %parallel_loop3A_570 : i32
        %parallel_loop3A_572 = arith.constant 14 : i32
        %parallel_loop3A_573 = arith.addi %parallel_loop3A_571, %parallel_loop3A_572 : i32
        %parallel_loop3A_574 = arith.constant 16 : i32
        %parallel_loop3A_575 = arith.muli %parallel_loop3A_573, %parallel_loop3A_574 : i32
        %parallel_loop3A_576 = arith.index_cast %parallel_loop3A_575 : i32 to index
        %parallel_loop3A_577 = tpu.vector_load %arg6[%parallel_loop3A_576] {strides = array<i32>} : memref<32768xf32, #tpu.memory_space<vmem>>, vector<16xf32>,
        %parallel_loop3A_578 = tpu.bitcast %parallel_loop3A_577 : vector<16xf32> -> vector<16xi32>
        %parallel_loop3A_579 = arith.constant 1076803666 : i32
        %parallel_loop3A_580 = vector.broadcast %parallel_loop3A_579 : i32 to vector<16xi32>
        %parallel_loop3A_581 = arith.cmpi sge, %parallel_loop3A_578, %parallel_loop3A_580 : vector<16xi32>
        %parallel_loop3A_582 = tpu.all_reduce %parallel_loop3A_581 {dim = 0 : i64, kind = #tpu.reduction_kind<sum>} : vector<16xi1> -> vector<16xi32>
        %parallel_loop3A_583 = arith.constant 14 : i32
        %parallel_loop3A_584 = vector.broadcast %parallel_loop3A_583 : i32 to vector<16xi32>
        %parallel_loop3A_585 = arith.cmpi eq, %iota3A, %parallel_loop3A_584 : vector<16xi32>
        %parallel_loop3A_586 = arith.select %parallel_loop3A_585, %parallel_loop3A_582, %parallel_loop3A_569 : vector<16xi1>, vector<16xi32>
        %parallel_loop3A_587 = arith.constant 16 : i32
        %parallel_loop3A_588 = arith.muli %parallel_loop3A_331, %parallel_loop3A_587 : i32
        %parallel_loop3A_589 = arith.constant 15 : i32
        %parallel_loop3A_590 = arith.addi %parallel_loop3A_588, %parallel_loop3A_589 : i32
        %parallel_loop3A_591 = arith.constant 16 : i32
        %parallel_loop3A_592 = arith.muli %parallel_loop3A_590, %parallel_loop3A_591 : i32
        %parallel_loop3A_593 = arith.index_cast %parallel_loop3A_592 : i32 to index
        %parallel_loop3A_594 = tpu.vector_load %arg6[%parallel_loop3A_593] {strides = array<i32>} : memref<32768xf32, #tpu.memory_space<vmem>>, vector<16xf32>,
        %parallel_loop3A_595 = tpu.bitcast %parallel_loop3A_594 : vector<16xf32> -> vector<16xi32>
        %parallel_loop3A_596 = arith.constant 1076803666 : i32
        %parallel_loop3A_597 = vector.broadcast %parallel_loop3A_596 : i32 to vector<16xi32>
        %parallel_loop3A_598 = arith.cmpi sge, %parallel_loop3A_595, %parallel_loop3A_597 : vector<16xi32>
        %parallel_loop3A_599 = tpu.all_reduce %parallel_loop3A_598 {dim = 0 : i64, kind = #tpu.reduction_kind<sum>} : vector<16xi1> -> vector<16xi32>
        %parallel_loop3A_600 = arith.constant 15 : i32
        %parallel_loop3A_601 = vector.broadcast %parallel_loop3A_600 : i32 to vector<16xi32>
        %parallel_loop3A_602 = arith.cmpi eq, %iota3A, %parallel_loop3A_601 : vector<16xi32>
        %parallel_loop3A_603 = arith.select %parallel_loop3A_602, %parallel_loop3A_599, %parallel_loop3A_586 : vector<16xi1>, vector<16xi32>
        %parallel_loop3A_604 = arith.constant 16 : i32
        %parallel_loop3A_605 = arith.muli %parallel_loop3A_331, %parallel_loop3A_604 : i32
        %parallel_loop3A_606 = arith.index_cast %parallel_loop3A_605 : i32 to index
        %parallel_loop3A_607 = tpu.vector_load %arg10[%parallel_loop3A_606] {strides = array<i32>} : memref<2048xi32, #tpu.memory_space<vmem>>, vector<16xi32>,
        tpu.vector_store %arg10[%parallel_loop3A_606], %parallel_loop3A_603 {strides = array<i32>} : memref<2048xi32, #tpu.memory_space<vmem>>, vector<16xi32>,
      } {sc.loop_unroll_factor = 1 : i64, sc.parallel_access}
      %scan3A_64 = arith.constant 0 : i32
      %scan3A_65 = arith.constant 128 : i32
      %scan3A_66 = arith.addi %scan3A_64, %scan3A_65 : i32
      %scan3A_67 = arith.constant 1 : i32
      %scan3A_68:2 = scf.for %scan3A_331 = %scan3A_64 to %scan3A_66 step %scan3A_67 iter_args(%scan3A_332 = %broadcast_in_dim3A_3, %scan3A_333 = %broadcast_in_dim3A_3) -> (vector<16xi32>, vector<16xi32>)  : i32 {
        %mul3A_334 = arith.constant 16 : i32
        %mul3A_335 = arith.muli %scan3A_331, %mul3A_334 : i32
        %get3A_336 = arith.index_cast %mul3A_335 : i32 to index
        %get3A_337 = tpu.vector_load %arg10[%get3A_336] {strides = array<i32>} : memref<2048xi32, #tpu.memory_space<vmem>>, vector<16xi32>,
        %broadcast_in_dim3A_338 = arith.constant true
        %broadcast_in_dim3A_339 = vector.broadcast %broadcast_in_dim3A_338 : i1 to vector<16xi1>
        %masked_cumsum3A = tpu.scan <sum>, %get3A_337 masked %broadcast_in_dim3A_339 : vector<16xi32>, vector<16xi1> -> vector<16xi32>
        %add3A_340 = arith.addi %scan3A_332, %masked_cumsum3A : vector<16xi32>
        %sub3A_341 = arith.subi %add3A_340, %get3A_337 : vector<16xi32>
        %gt3A_342 = arith.constant 0 : i32
        %gt3A_343 = vector.broadcast %gt3A_342 : i32 to vector<16xi32>
        %gt3A_344 = arith.cmpi sgt, %get3A_337, %gt3A_343 : vector<16xi32>
        %convert_element_type3A_345 = arith.extui %gt3A_344 : vector<16xi1> to vector<16xi32>
        %broadcast_in_dim3A_346 = arith.constant true
        %broadcast_in_dim3A_347 = vector.broadcast %broadcast_in_dim3A_346 : i1 to vector<16xi1>
        %masked_cumsum3A_348 = tpu.scan <sum>, %convert_element_type3A_345 masked %broadcast_in_dim3A_347 : vector<16xi32>, vector<16xi1> -> vector<16xi32>
        %add3A_349 = arith.addi %scan3A_333, %masked_cumsum3A_348 : vector<16xi32>
        %sub3A_350 = arith.subi %add3A_349, %convert_element_type3A_345 : vector<16xi32>
        %lt3A_351 = arith.constant 512 : i32
        %lt3A_352 = vector.broadcast %lt3A_351 : i32 to vector<16xi32>
        %lt3A_353 = arith.cmpi slt, %sub3A_350, %lt3A_352 : vector<16xi32>
        %and3A_354 = arith.andi %gt3A_344, %lt3A_353 : vector<16xi1>
        %mul3A_355 = arith.constant 16 : i32
        %mul3A_356 = arith.muli %scan3A_331, %mul3A_355 : i32
        %add3A_357 = vector.broadcast %mul3A_356 : i32 to vector<16xi32>
        %add3A_358 = arith.addi %add3A_357, %iota3A : vector<16xi32>
        tpu.vector_store_idx %arg11[%sub3A_350], %add3A_358 masked %and3A_354 : memref<512xi32, #tpu.memory_space<vmem>>[vector<16xi32>], vector<16xi32>, vector<16xi1>
        tpu.vector_store_idx %arg12[%sub3A_350], %sub3A_341 masked %and3A_354 : memref<512xi32, #tpu.memory_space<vmem>>[vector<16xi32>], vector<16xi32>, vector<16xi1>
        %slice3A = vector.extract_strided_slice %masked_cumsum3A {offsets = [15], sizes = [1], strides = [1]} : vector<16xi32> to vector<1xi32>
        %squeeze3A = vector.extract %slice3A[0] : i32 from vector<1xi32>
        %add3A_359 = vector.broadcast %squeeze3A : i32 to vector<16xi32>
        %add3A_360 = arith.addi %scan3A_332, %add3A_359 : vector<16xi32>
        %slice3A_361 = vector.extract_strided_slice %masked_cumsum3A_348 {offsets = [15], sizes = [1], strides = [1]} : vector<16xi32> to vector<1xi32>
        %squeeze3A_362 = vector.extract %slice3A_361[0] : i32 from vector<1xi32>
        %add3A_363 = vector.broadcast %squeeze3A_362 : i32 to vector<16xi32>
        %add3A_364 = arith.addi %scan3A_333, %add3A_363 : vector<16xi32>
        scf.yield %add3A_360, %add3A_364 : vector<16xi32>, vector<16xi32>
      }
      %scan3A_69 = arith.constant 128 : i32
      %reduce_max3A = arith.constant true
      %reduce_max3A_70 = vector.broadcast %reduce_max3A : i1 to vector<16xi1>
      %reduce_max3A_71 = arith.constant -2147483648 : i32
      %reduce_max3A_72 = vector.broadcast %reduce_max3A_71 : i32 to vector<16xi32>
      %reduce_max3A_73 = arith.xori %scan3A_68#0, %reduce_max3A_72 : vector<16xi32>
      %reduce_max3A_74 = tpu.scan <max>, %reduce_max3A_73 masked %reduce_max3A_70 : vector<16xi32>, vector<16xi1> -> vector<16xi32>
      %reduce_max3A_75 = arith.xori %reduce_max3A_74, %reduce_max3A_72 : vector<16xi32>
      %reduce_max3A_76 = vector.extract %reduce_max3A_75[15] : i32 from vector<16xi32>
      %reduce_max3A_77 = arith.constant true
      %reduce_max3A_78 = vector.broadcast %reduce_max3A_77 : i1 to vector<16xi1>
      %reduce_max3A_79 = arith.constant -2147483648 : i32
      %reduce_max3A_80 = vector.broadcast %reduce_max3A_79 : i32 to vector<16xi32>
      %reduce_max3A_81 = arith.xori %scan3A_68#1, %reduce_max3A_80 : vector<16xi32>
      %reduce_max3A_82 = tpu.scan <max>, %reduce_max3A_81 masked %reduce_max3A_78 : vector<16xi32>, vector<16xi1> -> vector<16xi32>
      %reduce_max3A_83 = arith.xori %reduce_max3A_82, %reduce_max3A_80 : vector<16xi32>
      %reduce_max3A_84 = vector.extract %reduce_max3A_83[15] : i32 from vector<16xi32>
      %min3A = arith.constant 512 : i32
      %min3A_85 = arith.minsi %reduce_max3A_84, %min3A : i32
      %ge3A = arith.constant 64 : i32
      %ge3A_86 = arith.cmpi sge, %reduce_max3A_76, %ge3A : i32
      %le3A = arith.constant 512 : i32
      %le3A_87 = arith.cmpi sle, %reduce_max3A_76, %le3A : i32
      %and3A = arith.andi %ge3A_86, %le3A_87 : i1
      %convert_element_type3A = arith.extui %and3A : i1 to i32
      %cond3A = arith.constant 0 : i32
      %cond3A_88 = arith.cmpi ne, %convert_element_type3A, %cond3A : i32
      %cond3A_89 = scf.if %cond3A_88 -> (i32) {
        %add3A_331 = arith.constant 16 : i32
        %add3A_332 = arith.addi %min3A_85, %add3A_331 : i32
        %sub3A_333 = arith.constant 1 : i32
        %sub3A_334 = arith.subi %add3A_332, %sub3A_333 : i32
        %jit3A_335 = arith.constant 16 : i32
        %div3A_336 = arith.divsi %sub3A_334, %jit3A_335 : i32
        %sign3A_337 = arith.constant 0 : i32
        %sign3A_338 = arith.cmpi sgt, %sub3A_334, %sign3A_337 : i32
        %sign3A_339 = arith.extui %sign3A_338 : i1 to i32
        %sign3A_340 = arith.constant 0 : i32
        %sign3A_341 = arith.cmpi slt, %sub3A_334, %sign3A_340 : i32
        %sign3A_342 = arith.extui %sign3A_341 : i1 to i32
        %sign3A_343 = arith.subi %sign3A_339, %sign3A_342 : i32
        %sign3A_344 = arith.constant 0 : i32
        %sign3A_345 = arith.cmpi sgt, %jit3A_335, %sign3A_344 : i32
        %sign3A_346 = arith.extui %sign3A_345 : i1 to i32
        %sign3A_347 = arith.constant 0 : i32
        %sign3A_348 = arith.cmpi slt, %jit3A_335, %sign3A_347 : i32
        %sign3A_349 = arith.extui %sign3A_348 : i1 to i32
        %sign3A_350 = arith.subi %sign3A_346, %sign3A_349 : i32
        %ne3A_351 = arith.cmpi ne, %sign3A_343, %sign3A_350 : i32
        %rem3A_352 = arith.remsi %sub3A_334, %jit3A_335 : i32
        %ne3A_353 = arith.constant 0 : i32
        %ne3A_354 = arith.cmpi ne, %rem3A_352, %ne3A_353 : i32
        %and3A_355 = arith.andi %ne3A_351, %ne3A_354 : i1
        %sub3A_356 = arith.constant 1 : i32
        %sub3A_357 = arith.subi %div3A_336, %sub3A_356 : i32
        %select_n3A_358 = arith.select %and3A_355, %sub3A_357, %div3A_336 : i32
        %while3A_359 = arith.constant 0 : i32
        %while3A_360 = arith.constant 0 : i32
        %while3A_361 = arith.subi %select_n3A_358, %while3A_360 : i32
        %while3A_362 = arith.addi %while3A_360, %while3A_361 : i32
        %while3A_363 = arith.constant 1 : i32
        %while3A_364 = arith.divsi %while3A_361, %while3A_363 : i32
        %while3A_365 = arith.muli %while3A_364, %while3A_363 : i32
        %while3A_366 = arith.addi %while3A_360, %while3A_365 : i32
        %while3A_367 = arith.constant 1 : i32
        scf.for %while3A_369 = %while3A_360 to %while3A_366 step %while3A_367  : i32 {
          %mul3A_370 = arith.constant 16 : i32
          %mul3A_371 = arith.muli %while3A_369, %mul3A_370 : i32
          %get3A_372 = arith.index_cast %mul3A_371 : i32 to index
          %get3A_373 = tpu.vector_load %arg11[%get3A_372] {strides = array<i32>} : memref<512xi32, #tpu.memory_space<vmem>>, vector<16xi32>,
          %mul3A_374 = arith.constant 16 : i32
          %mul3A_375 = arith.muli %while3A_369, %mul3A_374 : i32
          %get3A_376 = arith.index_cast %mul3A_375 : i32 to index
          %get3A_377 = tpu.vector_load %arg12[%get3A_376] {strides = array<i32>} : memref<512xi32, #tpu.memory_space<vmem>>, vector<16xi32>,
          %slice3A = vector.extract_strided_slice %get3A_373 {offsets = [0], sizes = [1], strides = [1]} : vector<16xi32> to vector<1xi32>
          %squeeze3A = vector.extract %slice3A[0] : i32 from vector<1xi32>
          %mul3A_378 = arith.constant 16 : i32
          %mul3A_379 = arith.muli %squeeze3A, %mul3A_378 : i32
          %add3A_380 = vector.broadcast %mul3A_379 : i32 to vector<16xi32>
          %add3A_381 = arith.addi %add3A_380, %iota3A : vector<16xi32>
          %gather3A = tpu.vector_load_idx %arg6[%add3A_381] : memref<32768xf32, #tpu.memory_space<vmem>>[vector<16xi32>], vector<16xf32>,
          %bitcast_convert_type3A_382 = tpu.bitcast %gather3A : vector<16xf32> -> vector<16xi32>
          %ge3A_383 = arith.constant 1076803666 : i32
          %ge3A_384 = vector.broadcast %ge3A_383 : i32 to vector<16xi32>
          %ge3A_385 = arith.cmpi sge, %bitcast_convert_type3A_382, %ge3A_384 : vector<16xi32>
          %convert_element_type3A_386 = arith.extui %ge3A_385 : vector<16xi1> to vector<16xi32>
          %broadcast_in_dim3A_387 = arith.constant true
          %broadcast_in_dim3A_388 = vector.broadcast %broadcast_in_dim3A_387 : i1 to vector<16xi1>
          %masked_cumsum3A = tpu.scan <sum>, %convert_element_type3A_386 masked %broadcast_in_dim3A_388 : vector<16xi32>, vector<16xi1> -> vector<16xi32>
          %slice3A_389 = vector.extract_strided_slice %get3A_377 {offsets = [0], sizes = [1], strides = [1]} : vector<16xi32> to vector<1xi32>
          %squeeze3A_390 = vector.extract %slice3A_389[0] : i32 from vector<1xi32>
          %add3A_391 = vector.broadcast %squeeze3A_390 : i32 to vector<16xi32>
          %add3A_392 = arith.addi %add3A_391, %masked_cumsum3A : vector<16xi32>
          %sub3A_393 = arith.subi %add3A_392, %convert_element_type3A_386 : vector<16xi32>
          %lt3A_394 = arith.constant 512 : i32
          %lt3A_395 = vector.broadcast %lt3A_394 : i32 to vector<16xi32>
          %lt3A_396 = arith.cmpi slt, %sub3A_393, %lt3A_395 : vector<16xi32>
          %and3A_397 = arith.andi %ge3A_385, %lt3A_396 : vector<16xi1>
          tpu.vector_store_idx %arg13[%sub3A_393], %bitcast_convert_type3A_382 masked %and3A_397 : memref<512xi32, #tpu.memory_space<vmem>>[vector<16xi32>], vector<16xi32>, vector<16xi1>
          tpu.vector_store_idx %arg14[%sub3A_393], %add3A_381 masked %and3A_397 : memref<512xi32, #tpu.memory_space<vmem>>[vector<16xi32>], vector<16xi32>, vector<16xi1>
          %slice3A_398 = vector.extract_strided_slice %get3A_373 {offsets = [1], sizes = [1], strides = [1]} : vector<16xi32> to vector<1xi32>
          %squeeze3A_399 = vector.extract %slice3A_398[0] : i32 from vector<1xi32>
          %mul3A_400 = arith.constant 16 : i32
          %mul3A_401 = arith.muli %squeeze3A_399, %mul3A_400 : i32
          %add3A_402 = vector.broadcast %mul3A_401 : i32 to vector<16xi32>
          %add3A_403 = arith.addi %add3A_402, %iota3A : vector<16xi32>
          %gather3A_404 = tpu.vector_load_idx %arg6[%add3A_403] : memref<32768xf32, #tpu.memory_space<vmem>>[vector<16xi32>], vector<16xf32>,
          %bitcast_convert_type3A_405 = tpu.bitcast %gather3A_404 : vector<16xf32> -> vector<16xi32>
          %ge3A_406 = arith.constant 1076803666 : i32
          %ge3A_407 = vector.broadcast %ge3A_406 : i32 to vector<16xi32>
          %ge3A_408 = arith.cmpi sge, %bitcast_convert_type3A_405, %ge3A_407 : vector<16xi32>
          %convert_element_type3A_409 = arith.extui %ge3A_408 : vector<16xi1> to vector<16xi32>
          %broadcast_in_dim3A_410 = arith.constant true
          %broadcast_in_dim3A_411 = vector.broadcast %broadcast_in_dim3A_410 : i1 to vector<16xi1>
          %masked_cumsum3A_412 = tpu.scan <sum>, %convert_element_type3A_409 masked %broadcast_in_dim3A_411 : vector<16xi32>, vector<16xi1> -> vector<16xi32>
          %slice3A_413 = vector.extract_strided_slice %get3A_377 {offsets = [1], sizes = [1], strides = [1]} : vector<16xi32> to vector<1xi32>
          %squeeze3A_414 = vector.extract %slice3A_413[0] : i32 from vector<1xi32>
          %add3A_415 = vector.broadcast %squeeze3A_414 : i32 to vector<16xi32>
          %add3A_416 = arith.addi %add3A_415, %masked_cumsum3A_412 : vector<16xi32>
          %sub3A_417 = arith.subi %add3A_416, %convert_element_type3A_409 : vector<16xi32>
          %lt3A_418 = arith.constant 512 : i32
          %lt3A_419 = vector.broadcast %lt3A_418 : i32 to vector<16xi32>
          %lt3A_420 = arith.cmpi slt, %sub3A_417, %lt3A_419 : vector<16xi32>
          %and3A_421 = arith.andi %ge3A_408, %lt3A_420 : vector<16xi1>
          tpu.vector_store_idx %arg13[%sub3A_417], %bitcast_convert_type3A_405 masked %and3A_421 : memref<512xi32, #tpu.memory_space<vmem>>[vector<16xi32>], vector<16xi32>, vector<16xi1>
          tpu.vector_store_idx %arg14[%sub3A_417], %add3A_403 masked %and3A_421 : memref<512xi32, #tpu.memory_space<vmem>>[vector<16xi32>], vector<16xi32>, vector<16xi1>
          %slice3A_422 = vector.extract_strided_slice %get3A_373 {offsets = [2], sizes = [1], strides = [1]} : vector<16xi32> to vector<1xi32>
          %squeeze3A_423 = vector.extract %slice3A_422[0] : i32 from vector<1xi32>
          %mul3A_424 = arith.constant 16 : i32
          %mul3A_425 = arith.muli %squeeze3A_423, %mul3A_424 : i32
          %add3A_426 = vector.broadcast %mul3A_425 : i32 to vector<16xi32>
          %add3A_427 = arith.addi %add3A_426, %iota3A : vector<16xi32>
          %gather3A_428 = tpu.vector_load_idx %arg6[%add3A_427] : memref<32768xf32, #tpu.memory_space<vmem>>[vector<16xi32>], vector<16xf32>,
          %bitcast_convert_type3A_429 = tpu.bitcast %gather3A_428 : vector<16xf32> -> vector<16xi32>
          %ge3A_430 = arith.constant 1076803666 : i32
          %ge3A_431 = vector.broadcast %ge3A_430 : i32 to vector<16xi32>
          %ge3A_432 = arith.cmpi sge, %bitcast_convert_type3A_429, %ge3A_431 : vector<16xi32>
          %convert_element_type3A_433 = arith.extui %ge3A_432 : vector<16xi1> to vector<16xi32>
          %broadcast_in_dim3A_434 = arith.constant true
          %broadcast_in_dim3A_435 = vector.broadcast %broadcast_in_dim3A_434 : i1 to vector<16xi1>
          %masked_cumsum3A_436 = tpu.scan <sum>, %convert_element_type3A_433 masked %broadcast_in_dim3A_435 : vector<16xi32>, vector<16xi1> -> vector<16xi32>
          %slice3A_437 = vector.extract_strided_slice %get3A_377 {offsets = [2], sizes = [1], strides = [1]} : vector<16xi32> to vector<1xi32>
          %squeeze3A_438 = vector.extract %slice3A_437[0] : i32 from vector<1xi32>
          %add3A_439 = vector.broadcast %squeeze3A_438 : i32 to vector<16xi32>
          %add3A_440 = arith.addi %add3A_439, %masked_cumsum3A_436 : vector<16xi32>
          %sub3A_441 = arith.subi %add3A_440, %convert_element_type3A_433 : vector<16xi32>
          %lt3A_442 = arith.constant 512 : i32
          %lt3A_443 = vector.broadcast %lt3A_442 : i32 to vector<16xi32>
          %lt3A_444 = arith.cmpi slt, %sub3A_441, %lt3A_443 : vector<16xi32>
          %and3A_445 = arith.andi %ge3A_432, %lt3A_444 : vector<16xi1>
          tpu.vector_store_idx %arg13[%sub3A_441], %bitcast_convert_type3A_429 masked %and3A_445 : memref<512xi32, #tpu.memory_space<vmem>>[vector<16xi32>], vector<16xi32>, vector<16xi1>
          tpu.vector_store_idx %arg14[%sub3A_441], %add3A_427 masked %and3A_445 : memref<512xi32, #tpu.memory_space<vmem>>[vector<16xi32>], vector<16xi32>, vector<16xi1>
          %slice3A_446 = vector.extract_strided_slice %get3A_373 {offsets = [3], sizes = [1], strides = [1]} : vector<16xi32> to vector<1xi32>
          %squeeze3A_447 = vector.extract %slice3A_446[0] : i32 from vector<1xi32>
          %mul3A_448 = arith.constant 16 : i32
          %mul3A_449 = arith.muli %squeeze3A_447, %mul3A_448 : i32
          %add3A_450 = vector.broadcast %mul3A_449 : i32 to vector<16xi32>
          %add3A_451 = arith.addi %add3A_450, %iota3A : vector<16xi32>
          %gather3A_452 = tpu.vector_load_idx %arg6[%add3A_451] : memref<32768xf32, #tpu.memory_space<vmem>>[vector<16xi32>], vector<16xf32>,
          %bitcast_convert_type3A_453 = tpu.bitcast %gather3A_452 : vector<16xf32> -> vector<16xi32>
          %ge3A_454 = arith.constant 1076803666 : i32
          %ge3A_455 = vector.broadcast %ge3A_454 : i32 to vector<16xi32>
          %ge3A_456 = arith.cmpi sge, %bitcast_convert_type3A_453, %ge3A_455 : vector<16xi32>
          %convert_element_type3A_457 = arith.extui %ge3A_456 : vector<16xi1> to vector<16xi32>
          %broadcast_in_dim3A_458 = arith.constant true
          %broadcast_in_dim3A_459 = vector.broadcast %broadcast_in_dim3A_458 : i1 to vector<16xi1>
          %masked_cumsum3A_460 = tpu.scan <sum>, %convert_element_type3A_457 masked %broadcast_in_dim3A_459 : vector<16xi32>, vector<16xi1> -> vector<16xi32>
          %slice3A_461 = vector.extract_strided_slice %get3A_377 {offsets = [3], sizes = [1], strides = [1]} : vector<16xi32> to vector<1xi32>
          %squeeze3A_462 = vector.extract %slice3A_461[0] : i32 from vector<1xi32>
          %add3A_463 = vector.broadcast %squeeze3A_462 : i32 to vector<16xi32>
          %add3A_464 = arith.addi %add3A_463, %masked_cumsum3A_460 : vector<16xi32>
          %sub3A_465 = arith.subi %add3A_464, %convert_element_type3A_457 : vector<16xi32>
          %lt3A_466 = arith.constant 512 : i32
          %lt3A_467 = vector.broadcast %lt3A_466 : i32 to vector<16xi32>
          %lt3A_468 = arith.cmpi slt, %sub3A_465, %lt3A_467 : vector<16xi32>
          %and3A_469 = arith.andi %ge3A_456, %lt3A_468 : vector<16xi1>
          tpu.vector_store_idx %arg13[%sub3A_465], %bitcast_convert_type3A_453 masked %and3A_469 : memref<512xi32, #tpu.memory_space<vmem>>[vector<16xi32>], vector<16xi32>, vector<16xi1>
          tpu.vector_store_idx %arg14[%sub3A_465], %add3A_451 masked %and3A_469 : memref<512xi32, #tpu.memory_space<vmem>>[vector<16xi32>], vector<16xi32>, vector<16xi1>
          %slice3A_470 = vector.extract_strided_slice %get3A_373 {offsets = [4], sizes = [1], strides = [1]} : vector<16xi32> to vector<1xi32>
          %squeeze3A_471 = vector.extract %slice3A_470[0] : i32 from vector<1xi32>
          %mul3A_472 = arith.constant 16 : i32
          %mul3A_473 = arith.muli %squeeze3A_471, %mul3A_472 : i32
          %add3A_474 = vector.broadcast %mul3A_473 : i32 to vector<16xi32>
          %add3A_475 = arith.addi %add3A_474, %iota3A : vector<16xi32>
          %gather3A_476 = tpu.vector_load_idx %arg6[%add3A_475] : memref<32768xf32, #tpu.memory_space<vmem>>[vector<16xi32>], vector<16xf32>,
          %bitcast_convert_type3A_477 = tpu.bitcast %gather3A_476 : vector<16xf32> -> vector<16xi32>
          %ge3A_478 = arith.constant 1076803666 : i32
          %ge3A_479 = vector.broadcast %ge3A_478 : i32 to vector<16xi32>
          %ge3A_480 = arith.cmpi sge, %bitcast_convert_type3A_477, %ge3A_479 : vector<16xi32>
          %convert_element_type3A_481 = arith.extui %ge3A_480 : vector<16xi1> to vector<16xi32>
          %broadcast_in_dim3A_482 = arith.constant true
          %broadcast_in_dim3A_483 = vector.broadcast %broadcast_in_dim3A_482 : i1 to vector<16xi1>
          %masked_cumsum3A_484 = tpu.scan <sum>, %convert_element_type3A_481 masked %broadcast_in_dim3A_483 : vector<16xi32>, vector<16xi1> -> vector<16xi32>
          %slice3A_485 = vector.extract_strided_slice %get3A_377 {offsets = [4], sizes = [1], strides = [1]} : vector<16xi32> to vector<1xi32>
          %squeeze3A_486 = vector.extract %slice3A_485[0] : i32 from vector<1xi32>
          %add3A_487 = vector.broadcast %squeeze3A_486 : i32 to vector<16xi32>
          %add3A_488 = arith.addi %add3A_487, %masked_cumsum3A_484 : vector<16xi32>
          %sub3A_489 = arith.subi %add3A_488, %convert_element_type3A_481 : vector<16xi32>
          %lt3A_490 = arith.constant 512 : i32
          %lt3A_491 = vector.broadcast %lt3A_490 : i32 to vector<16xi32>
          %lt3A_492 = arith.cmpi slt, %sub3A_489, %lt3A_491 : vector<16xi32>
          %and3A_493 = arith.andi %ge3A_480, %lt3A_492 : vector<16xi1>
          tpu.vector_store_idx %arg13[%sub3A_489], %bitcast_convert_type3A_477 masked %and3A_493 : memref<512xi32, #tpu.memory_space<vmem>>[vector<16xi32>], vector<16xi32>, vector<16xi1>
          tpu.vector_store_idx %arg14[%sub3A_489], %add3A_475 masked %and3A_493 : memref<512xi32, #tpu.memory_space<vmem>>[vector<16xi32>], vector<16xi32>, vector<16xi1>
          %slice3A_494 = vector.extract_strided_slice %get3A_373 {offsets = [5], sizes = [1], strides = [1]} : vector<16xi32> to vector<1xi32>
          %squeeze3A_495 = vector.extract %slice3A_494[0] : i32 from vector<1xi32>
          %mul3A_496 = arith.constant 16 : i32
          %mul3A_497 = arith.muli %squeeze3A_495, %mul3A_496 : i32
          %add3A_498 = vector.broadcast %mul3A_497 : i32 to vector<16xi32>
          %add3A_499 = arith.addi %add3A_498, %iota3A : vector<16xi32>
          %gather3A_500 = tpu.vector_load_idx %arg6[%add3A_499] : memref<32768xf32, #tpu.memory_space<vmem>>[vector<16xi32>], vector<16xf32>,
          %bitcast_convert_type3A_501 = tpu.bitcast %gather3A_500 : vector<16xf32> -> vector<16xi32>
          %ge3A_502 = arith.constant 1076803666 : i32
          %ge3A_503 = vector.broadcast %ge3A_502 : i32 to vector<16xi32>
          %ge3A_504 = arith.cmpi sge, %bitcast_convert_type3A_501, %ge3A_503 : vector<16xi32>
          %convert_element_type3A_505 = arith.extui %ge3A_504 : vector<16xi1> to vector<16xi32>
          %broadcast_in_dim3A_506 = arith.constant true
          %broadcast_in_dim3A_507 = vector.broadcast %broadcast_in_dim3A_506 : i1 to vector<16xi1>
          %masked_cumsum3A_508 = tpu.scan <sum>, %convert_element_type3A_505 masked %broadcast_in_dim3A_507 : vector<16xi32>, vector<16xi1> -> vector<16xi32>
          %slice3A_509 = vector.extract_strided_slice %get3A_377 {offsets = [5], sizes = [1], strides = [1]} : vector<16xi32> to vector<1xi32>
          %squeeze3A_510 = vector.extract %slice3A_509[0] : i32 from vector<1xi32>
          %add3A_511 = vector.broadcast %squeeze3A_510 : i32 to vector<16xi32>
          %add3A_512 = arith.addi %add3A_511, %masked_cumsum3A_508 : vector<16xi32>
          %sub3A_513 = arith.subi %add3A_512, %convert_element_type3A_505 : vector<16xi32>
          %lt3A_514 = arith.constant 512 : i32
          %lt3A_515 = vector.broadcast %lt3A_514 : i32 to vector<16xi32>
          %lt3A_516 = arith.cmpi slt, %sub3A_513, %lt3A_515 : vector<16xi32>
          %and3A_517 = arith.andi %ge3A_504, %lt3A_516 : vector<16xi1>
          tpu.vector_store_idx %arg13[%sub3A_513], %bitcast_convert_type3A_501 masked %and3A_517 : memref<512xi32, #tpu.memory_space<vmem>>[vector<16xi32>], vector<16xi32>, vector<16xi1>
          tpu.vector_store_idx %arg14[%sub3A_513], %add3A_499 masked %and3A_517 : memref<512xi32, #tpu.memory_space<vmem>>[vector<16xi32>], vector<16xi32>, vector<16xi1>
          %slice3A_518 = vector.extract_strided_slice %get3A_373 {offsets = [6], sizes = [1], strides = [1]} : vector<16xi32> to vector<1xi32>
          %squeeze3A_519 = vector.extract %slice3A_518[0] : i32 from vector<1xi32>
          %mul3A_520 = arith.constant 16 : i32
          %mul3A_521 = arith.muli %squeeze3A_519, %mul3A_520 : i32
          %add3A_522 = vector.broadcast %mul3A_521 : i32 to vector<16xi32>
          %add3A_523 = arith.addi %add3A_522, %iota3A : vector<16xi32>
          %gather3A_524 = tpu.vector_load_idx %arg6[%add3A_523] : memref<32768xf32, #tpu.memory_space<vmem>>[vector<16xi32>], vector<16xf32>,
          %bitcast_convert_type3A_525 = tpu.bitcast %gather3A_524 : vector<16xf32> -> vector<16xi32>
          %ge3A_526 = arith.constant 1076803666 : i32
          %ge3A_527 = vector.broadcast %ge3A_526 : i32 to vector<16xi32>
          %ge3A_528 = arith.cmpi sge, %bitcast_convert_type3A_525, %ge3A_527 : vector<16xi32>
          %convert_element_type3A_529 = arith.extui %ge3A_528 : vector<16xi1> to vector<16xi32>
          %broadcast_in_dim3A_530 = arith.constant true
          %broadcast_in_dim3A_531 = vector.broadcast %broadcast_in_dim3A_530 : i1 to vector<16xi1>
          %masked_cumsum3A_532 = tpu.scan <sum>, %convert_element_type3A_529 masked %broadcast_in_dim3A_531 : vector<16xi32>, vector<16xi1> -> vector<16xi32>
          %slice3A_533 = vector.extract_strided_slice %get3A_377 {offsets = [6], sizes = [1], strides = [1]} : vector<16xi32> to vector<1xi32>
          %squeeze3A_534 = vector.extract %slice3A_533[0] : i32 from vector<1xi32>
          %add3A_535 = vector.broadcast %squeeze3A_534 : i32 to vector<16xi32>
          %add3A_536 = arith.addi %add3A_535, %masked_cumsum3A_532 : vector<16xi32>
          %sub3A_537 = arith.subi %add3A_536, %convert_element_type3A_529 : vector<16xi32>
          %lt3A_538 = arith.constant 512 : i32
          %lt3A_539 = vector.broadcast %lt3A_538 : i32 to vector<16xi32>
          %lt3A_540 = arith.cmpi slt, %sub3A_537, %lt3A_539 : vector<16xi32>
          %and3A_541 = arith.andi %ge3A_528, %lt3A_540 : vector<16xi1>
          tpu.vector_store_idx %arg13[%sub3A_537], %bitcast_convert_type3A_525 masked %and3A_541 : memref<512xi32, #tpu.memory_space<vmem>>[vector<16xi32>], vector<16xi32>, vector<16xi1>
          tpu.vector_store_idx %arg14[%sub3A_537], %add3A_523 masked %and3A_541 : memref<512xi32, #tpu.memory_space<vmem>>[vector<16xi32>], vector<16xi32>, vector<16xi1>
          %slice3A_542 = vector.extract_strided_slice %get3A_373 {offsets = [7], sizes = [1], strides = [1]} : vector<16xi32> to vector<1xi32>
          %squeeze3A_543 = vector.extract %slice3A_542[0] : i32 from vector<1xi32>
          %mul3A_544 = arith.constant 16 : i32
          %mul3A_545 = arith.muli %squeeze3A_543, %mul3A_544 : i32
          %add3A_546 = vector.broadcast %mul3A_545 : i32 to vector<16xi32>
          %add3A_547 = arith.addi %add3A_546, %iota3A : vector<16xi32>
          %gather3A_548 = tpu.vector_load_idx %arg6[%add3A_547] : memref<32768xf32, #tpu.memory_space<vmem>>[vector<16xi32>], vector<16xf32>,
          %bitcast_convert_type3A_549 = tpu.bitcast %gather3A_548 : vector<16xf32> -> vector<16xi32>
          %ge3A_550 = arith.constant 1076803666 : i32
          %ge3A_551 = vector.broadcast %ge3A_550 : i32 to vector<16xi32>
          %ge3A_552 = arith.cmpi sge, %bitcast_convert_type3A_549, %ge3A_551 : vector<16xi32>
          %convert_element_type3A_553 = arith.extui %ge3A_552 : vector<16xi1> to vector<16xi32>
          %broadcast_in_dim3A_554 = arith.constant true
          %broadcast_in_dim3A_555 = vector.broadcast %broadcast_in_dim3A_554 : i1 to vector<16xi1>
          %masked_cumsum3A_556 = tpu.scan <sum>, %convert_element_type3A_553 masked %broadcast_in_dim3A_555 : vector<16xi32>, vector<16xi1> -> vector<16xi32>
          %slice3A_557 = vector.extract_strided_slice %get3A_377 {offsets = [7], sizes = [1], strides = [1]} : vector<16xi32> to vector<1xi32>
          %squeeze3A_558 = vector.extract %slice3A_557[0] : i32 from vector<1xi32>
          %add3A_559 = vector.broadcast %squeeze3A_558 : i32 to vector<16xi32>
          %add3A_560 = arith.addi %add3A_559, %masked_cumsum3A_556 : vector<16xi32>
          %sub3A_561 = arith.subi %add3A_560, %convert_element_type3A_553 : vector<16xi32>
          %lt3A_562 = arith.constant 512 : i32
          %lt3A_563 = vector.broadcast %lt3A_562 : i32 to vector<16xi32>
          %lt3A_564 = arith.cmpi slt, %sub3A_561, %lt3A_563 : vector<16xi32>
          %and3A_565 = arith.andi %ge3A_552, %lt3A_564 : vector<16xi1>
          tpu.vector_store_idx %arg13[%sub3A_561], %bitcast_convert_type3A_549 masked %and3A_565 : memref<512xi32, #tpu.memory_space<vmem>>[vector<16xi32>], vector<16xi32>, vector<16xi1>
          tpu.vector_store_idx %arg14[%sub3A_561], %add3A_547 masked %and3A_565 : memref<512xi32, #tpu.memory_space<vmem>>[vector<16xi32>], vector<16xi32>, vector<16xi1>
          %slice3A_566 = vector.extract_strided_slice %get3A_373 {offsets = [8], sizes = [1], strides = [1]} : vector<16xi32> to vector<1xi32>
          %squeeze3A_567 = vector.extract %slice3A_566[0] : i32 from vector<1xi32>
          %mul3A_568 = arith.constant 16 : i32
          %mul3A_569 = arith.muli %squeeze3A_567, %mul3A_568 : i32
          %add3A_570 = vector.broadcast %mul3A_569 : i32 to vector<16xi32>
          %add3A_571 = arith.addi %add3A_570, %iota3A : vector<16xi32>
          %gather3A_572 = tpu.vector_load_idx %arg6[%add3A_571] : memref<32768xf32, #tpu.memory_space<vmem>>[vector<16xi32>], vector<16xf32>,
          %bitcast_convert_type3A_573 = tpu.bitcast %gather3A_572 : vector<16xf32> -> vector<16xi32>
          %ge3A_574 = arith.constant 1076803666 : i32
          %ge3A_575 = vector.broadcast %ge3A_574 : i32 to vector<16xi32>
          %ge3A_576 = arith.cmpi sge, %bitcast_convert_type3A_573, %ge3A_575 : vector<16xi32>
          %convert_element_type3A_577 = arith.extui %ge3A_576 : vector<16xi1> to vector<16xi32>
          %broadcast_in_dim3A_578 = arith.constant true
          %broadcast_in_dim3A_579 = vector.broadcast %broadcast_in_dim3A_578 : i1 to vector<16xi1>
          %masked_cumsum3A_580 = tpu.scan <sum>, %convert_element_type3A_577 masked %broadcast_in_dim3A_579 : vector<16xi32>, vector<16xi1> -> vector<16xi32>
          %slice3A_581 = vector.extract_strided_slice %get3A_377 {offsets = [8], sizes = [1], strides = [1]} : vector<16xi32> to vector<1xi32>
          %squeeze3A_582 = vector.extract %slice3A_581[0] : i32 from vector<1xi32>
          %add3A_583 = vector.broadcast %squeeze3A_582 : i32 to vector<16xi32>
          %add3A_584 = arith.addi %add3A_583, %masked_cumsum3A_580 : vector<16xi32>
          %sub3A_585 = arith.subi %add3A_584, %convert_element_type3A_577 : vector<16xi32>
          %lt3A_586 = arith.constant 512 : i32
          %lt3A_587 = vector.broadcast %lt3A_586 : i32 to vector<16xi32>
          %lt3A_588 = arith.cmpi slt, %sub3A_585, %lt3A_587 : vector<16xi32>
          %and3A_589 = arith.andi %ge3A_576, %lt3A_588 : vector<16xi1>
          tpu.vector_store_idx %arg13[%sub3A_585], %bitcast_convert_type3A_573 masked %and3A_589 : memref<512xi32, #tpu.memory_space<vmem>>[vector<16xi32>], vector<16xi32>, vector<16xi1>
          tpu.vector_store_idx %arg14[%sub3A_585], %add3A_571 masked %and3A_589 : memref<512xi32, #tpu.memory_space<vmem>>[vector<16xi32>], vector<16xi32>, vector<16xi1>
          %slice3A_590 = vector.extract_strided_slice %get3A_373 {offsets = [9], sizes = [1], strides = [1]} : vector<16xi32> to vector<1xi32>
          %squeeze3A_591 = vector.extract %slice3A_590[0] : i32 from vector<1xi32>
          %mul3A_592 = arith.constant 16 : i32
          %mul3A_593 = arith.muli %squeeze3A_591, %mul3A_592 : i32
          %add3A_594 = vector.broadcast %mul3A_593 : i32 to vector<16xi32>
          %add3A_595 = arith.addi %add3A_594, %iota3A : vector<16xi32>
          %gather3A_596 = tpu.vector_load_idx %arg6[%add3A_595] : memref<32768xf32, #tpu.memory_space<vmem>>[vector<16xi32>], vector<16xf32>,
          %bitcast_convert_type3A_597 = tpu.bitcast %gather3A_596 : vector<16xf32> -> vector<16xi32>
          %ge3A_598 = arith.constant 1076803666 : i32
          %ge3A_599 = vector.broadcast %ge3A_598 : i32 to vector<16xi32>
          %ge3A_600 = arith.cmpi sge, %bitcast_convert_type3A_597, %ge3A_599 : vector<16xi32>
          %convert_element_type3A_601 = arith.extui %ge3A_600 : vector<16xi1> to vector<16xi32>
          %broadcast_in_dim3A_602 = arith.constant true
          %broadcast_in_dim3A_603 = vector.broadcast %broadcast_in_dim3A_602 : i1 to vector<16xi1>
          %masked_cumsum3A_604 = tpu.scan <sum>, %convert_element_type3A_601 masked %broadcast_in_dim3A_603 : vector<16xi32>, vector<16xi1> -> vector<16xi32>
          %slice3A_605 = vector.extract_strided_slice %get3A_377 {offsets = [9], sizes = [1], strides = [1]} : vector<16xi32> to vector<1xi32>
          %squeeze3A_606 = vector.extract %slice3A_605[0] : i32 from vector<1xi32>
          %add3A_607 = vector.broadcast %squeeze3A_606 : i32 to vector<16xi32>
          %add3A_608 = arith.addi %add3A_607, %masked_cumsum3A_604 : vector<16xi32>
          %sub3A_609 = arith.subi %add3A_608, %convert_element_type3A_601 : vector<16xi32>
          %lt3A_610 = arith.constant 512 : i32
          %lt3A_611 = vector.broadcast %lt3A_610 : i32 to vector<16xi32>
          %lt3A_612 = arith.cmpi slt, %sub3A_609, %lt3A_611 : vector<16xi32>
          %and3A_613 = arith.andi %ge3A_600, %lt3A_612 : vector<16xi1>
          tpu.vector_store_idx %arg13[%sub3A_609], %bitcast_convert_type3A_597 masked %and3A_613 : memref<512xi32, #tpu.memory_space<vmem>>[vector<16xi32>], vector<16xi32>, vector<16xi1>
          tpu.vector_store_idx %arg14[%sub3A_609], %add3A_595 masked %and3A_613 : memref<512xi32, #tpu.memory_space<vmem>>[vector<16xi32>], vector<16xi32>, vector<16xi1>
          %slice3A_614 = vector.extract_strided_slice %get3A_373 {offsets = [10], sizes = [1], strides = [1]} : vector<16xi32> to vector<1xi32>
          %squeeze3A_615 = vector.extract %slice3A_614[0] : i32 from vector<1xi32>
          %mul3A_616 = arith.constant 16 : i32
          %mul3A_617 = arith.muli %squeeze3A_615, %mul3A_616 : i32
          %add3A_618 = vector.broadcast %mul3A_617 : i32 to vector<16xi32>
          %add3A_619 = arith.addi %add3A_618, %iota3A : vector<16xi32>
          %gather3A_620 = tpu.vector_load_idx %arg6[%add3A_619] : memref<32768xf32, #tpu.memory_space<vmem>>[vector<16xi32>], vector<16xf32>,
          %bitcast_convert_type3A_621 = tpu.bitcast %gather3A_620 : vector<16xf32> -> vector<16xi32>
          %ge3A_622 = arith.constant 1076803666 : i32
          %ge3A_623 = vector.broadcast %ge3A_622 : i32 to vector<16xi32>
          %ge3A_624 = arith.cmpi sge, %bitcast_convert_type3A_621, %ge3A_623 : vector<16xi32>
          %convert_element_type3A_625 = arith.extui %ge3A_624 : vector<16xi1> to vector<16xi32>
          %broadcast_in_dim3A_626 = arith.constant true
          %broadcast_in_dim3A_627 = vector.broadcast %broadcast_in_dim3A_626 : i1 to vector<16xi1>
          %masked_cumsum3A_628 = tpu.scan <sum>, %convert_element_type3A_625 masked %broadcast_in_dim3A_627 : vector<16xi32>, vector<16xi1> -> vector<16xi32>
          %slice3A_629 = vector.extract_strided_slice %get3A_377 {offsets = [10], sizes = [1], strides = [1]} : vector<16xi32> to vector<1xi32>
          %squeeze3A_630 = vector.extract %slice3A_629[0] : i32 from vector<1xi32>
          %add3A_631 = vector.broadcast %squeeze3A_630 : i32 to vector<16xi32>
          %add3A_632 = arith.addi %add3A_631, %masked_cumsum3A_628 : vector<16xi32>
          %sub3A_633 = arith.subi %add3A_632, %convert_element_type3A_625 : vector<16xi32>
          %lt3A_634 = arith.constant 512 : i32
          %lt3A_635 = vector.broadcast %lt3A_634 : i32 to vector<16xi32>
          %lt3A_636 = arith.cmpi slt, %sub3A_633, %lt3A_635 : vector<16xi32>
          %and3A_637 = arith.andi %ge3A_624, %lt3A_636 : vector<16xi1>
          tpu.vector_store_idx %arg13[%sub3A_633], %bitcast_convert_type3A_621 masked %and3A_637 : memref<512xi32, #tpu.memory_space<vmem>>[vector<16xi32>], vector<16xi32>, vector<16xi1>
          tpu.vector_store_idx %arg14[%sub3A_633], %add3A_619 masked %and3A_637 : memref<512xi32, #tpu.memory_space<vmem>>[vector<16xi32>], vector<16xi32>, vector<16xi1>
          %slice3A_638 = vector.extract_strided_slice %get3A_373 {offsets = [11], sizes = [1], strides = [1]} : vector<16xi32> to vector<1xi32>
          %squeeze3A_639 = vector.extract %slice3A_638[0] : i32 from vector<1xi32>
          %mul3A_640 = arith.constant 16 : i32
          %mul3A_641 = arith.muli %squeeze3A_639, %mul3A_640 : i32
          %add3A_642 = vector.broadcast %mul3A_641 : i32 to vector<16xi32>
          %add3A_643 = arith.addi %add3A_642, %iota3A : vector<16xi32>
          %gather3A_644 = tpu.vector_load_idx %arg6[%add3A_643] : memref<32768xf32, #tpu.memory_space<vmem>>[vector<16xi32>], vector<16xf32>,
          %bitcast_convert_type3A_645 = tpu.bitcast %gather3A_644 : vector<16xf32> -> vector<16xi32>
          %ge3A_646 = arith.constant 1076803666 : i32
          %ge3A_647 = vector.broadcast %ge3A_646 : i32 to vector<16xi32>
          %ge3A_648 = arith.cmpi sge, %bitcast_convert_type3A_645, %ge3A_647 : vector<16xi32>
          %convert_element_type3A_649 = arith.extui %ge3A_648 : vector<16xi1> to vector<16xi32>
          %broadcast_in_dim3A_650 = arith.constant true
          %broadcast_in_dim3A_651 = vector.broadcast %broadcast_in_dim3A_650 : i1 to vector<16xi1>
          %masked_cumsum3A_652 = tpu.scan <sum>, %convert_element_type3A_649 masked %broadcast_in_dim3A_651 : vector<16xi32>, vector<16xi1> -> vector<16xi32>
          %slice3A_653 = vector.extract_strided_slice %get3A_377 {offsets = [11], sizes = [1], strides = [1]} : vector<16xi32> to vector<1xi32>
          %squeeze3A_654 = vector.extract %slice3A_653[0] : i32 from vector<1xi32>
          %add3A_655 = vector.broadcast %squeeze3A_654 : i32 to vector<16xi32>
          %add3A_656 = arith.addi %add3A_655, %masked_cumsum3A_652 : vector<16xi32>
          %sub3A_657 = arith.subi %add3A_656, %convert_element_type3A_649 : vector<16xi32>
          %lt3A_658 = arith.constant 512 : i32
          %lt3A_659 = vector.broadcast %lt3A_658 : i32 to vector<16xi32>
          %lt3A_660 = arith.cmpi slt, %sub3A_657, %lt3A_659 : vector<16xi32>
          %and3A_661 = arith.andi %ge3A_648, %lt3A_660 : vector<16xi1>
          tpu.vector_store_idx %arg13[%sub3A_657], %bitcast_convert_type3A_645 masked %and3A_661 : memref<512xi32, #tpu.memory_space<vmem>>[vector<16xi32>], vector<16xi32>, vector<16xi1>
          tpu.vector_store_idx %arg14[%sub3A_657], %add3A_643 masked %and3A_661 : memref<512xi32, #tpu.memory_space<vmem>>[vector<16xi32>], vector<16xi32>, vector<16xi1>
          %slice3A_662 = vector.extract_strided_slice %get3A_373 {offsets = [12], sizes = [1], strides = [1]} : vector<16xi32> to vector<1xi32>
          %squeeze3A_663 = vector.extract %slice3A_662[0] : i32 from vector<1xi32>
          %mul3A_664 = arith.constant 16 : i32
          %mul3A_665 = arith.muli %squeeze3A_663, %mul3A_664 : i32
          %add3A_666 = vector.broadcast %mul3A_665 : i32 to vector<16xi32>
          %add3A_667 = arith.addi %add3A_666, %iota3A : vector<16xi32>
          %gather3A_668 = tpu.vector_load_idx %arg6[%add3A_667] : memref<32768xf32, #tpu.memory_space<vmem>>[vector<16xi32>], vector<16xf32>,
          %bitcast_convert_type3A_669 = tpu.bitcast %gather3A_668 : vector<16xf32> -> vector<16xi32>
          %ge3A_670 = arith.constant 1076803666 : i32
          %ge3A_671 = vector.broadcast %ge3A_670 : i32 to vector<16xi32>
          %ge3A_672 = arith.cmpi sge, %bitcast_convert_type3A_669, %ge3A_671 : vector<16xi32>
          %convert_element_type3A_673 = arith.extui %ge3A_672 : vector<16xi1> to vector<16xi32>
          %broadcast_in_dim3A_674 = arith.constant true
          %broadcast_in_dim3A_675 = vector.broadcast %broadcast_in_dim3A_674 : i1 to vector<16xi1>
          %masked_cumsum3A_676 = tpu.scan <sum>, %convert_element_type3A_673 masked %broadcast_in_dim3A_675 : vector<16xi32>, vector<16xi1> -> vector<16xi32>
          %slice3A_677 = vector.extract_strided_slice %get3A_377 {offsets = [12], sizes = [1], strides = [1]} : vector<16xi32> to vector<1xi32>
          %squeeze3A_678 = vector.extract %slice3A_677[0] : i32 from vector<1xi32>
          %add3A_679 = vector.broadcast %squeeze3A_678 : i32 to vector<16xi32>
          %add3A_680 = arith.addi %add3A_679, %masked_cumsum3A_676 : vector<16xi32>
          %sub3A_681 = arith.subi %add3A_680, %convert_element_type3A_673 : vector<16xi32>
          %lt3A_682 = arith.constant 512 : i32
          %lt3A_683 = vector.broadcast %lt3A_682 : i32 to vector<16xi32>
          %lt3A_684 = arith.cmpi slt, %sub3A_681, %lt3A_683 : vector<16xi32>
          %and3A_685 = arith.andi %ge3A_672, %lt3A_684 : vector<16xi1>
          tpu.vector_store_idx %arg13[%sub3A_681], %bitcast_convert_type3A_669 masked %and3A_685 : memref<512xi32, #tpu.memory_space<vmem>>[vector<16xi32>], vector<16xi32>, vector<16xi1>
          tpu.vector_store_idx %arg14[%sub3A_681], %add3A_667 masked %and3A_685 : memref<512xi32, #tpu.memory_space<vmem>>[vector<16xi32>], vector<16xi32>, vector<16xi1>
          %slice3A_686 = vector.extract_strided_slice %get3A_373 {offsets = [13], sizes = [1], strides = [1]} : vector<16xi32> to vector<1xi32>
          %squeeze3A_687 = vector.extract %slice3A_686[0] : i32 from vector<1xi32>
          %mul3A_688 = arith.constant 16 : i32
          %mul3A_689 = arith.muli %squeeze3A_687, %mul3A_688 : i32
          %add3A_690 = vector.broadcast %mul3A_689 : i32 to vector<16xi32>
          %add3A_691 = arith.addi %add3A_690, %iota3A : vector<16xi32>
          %gather3A_692 = tpu.vector_load_idx %arg6[%add3A_691] : memref<32768xf32, #tpu.memory_space<vmem>>[vector<16xi32>], vector<16xf32>,
          %bitcast_convert_type3A_693 = tpu.bitcast %gather3A_692 : vector<16xf32> -> vector<16xi32>
          %ge3A_694 = arith.constant 1076803666 : i32
          %ge3A_695 = vector.broadcast %ge3A_694 : i32 to vector<16xi32>
          %ge3A_696 = arith.cmpi sge, %bitcast_convert_type3A_693, %ge3A_695 : vector<16xi32>
          %convert_element_type3A_697 = arith.extui %ge3A_696 : vector<16xi1> to vector<16xi32>
          %broadcast_in_dim3A_698 = arith.constant true
          %broadcast_in_dim3A_699 = vector.broadcast %broadcast_in_dim3A_698 : i1 to vector<16xi1>
          %masked_cumsum3A_700 = tpu.scan <sum>, %convert_element_type3A_697 masked %broadcast_in_dim3A_699 : vector<16xi32>, vector<16xi1> -> vector<16xi32>
          %slice3A_701 = vector.extract_strided_slice %get3A_377 {offsets = [13], sizes = [1], strides = [1]} : vector<16xi32> to vector<1xi32>
          %squeeze3A_702 = vector.extract %slice3A_701[0] : i32 from vector<1xi32>
          %add3A_703 = vector.broadcast %squeeze3A_702 : i32 to vector<16xi32>
          %add3A_704 = arith.addi %add3A_703, %masked_cumsum3A_700 : vector<16xi32>
          %sub3A_705 = arith.subi %add3A_704, %convert_element_type3A_697 : vector<16xi32>
          %lt3A_706 = arith.constant 512 : i32
          %lt3A_707 = vector.broadcast %lt3A_706 : i32 to vector<16xi32>
          %lt3A_708 = arith.cmpi slt, %sub3A_705, %lt3A_707 : vector<16xi32>
          %and3A_709 = arith.andi %ge3A_696, %lt3A_708 : vector<16xi1>
          tpu.vector_store_idx %arg13[%sub3A_705], %bitcast_convert_type3A_693 masked %and3A_709 : memref<512xi32, #tpu.memory_space<vmem>>[vector<16xi32>], vector<16xi32>, vector<16xi1>
          tpu.vector_store_idx %arg14[%sub3A_705], %add3A_691 masked %and3A_709 : memref<512xi32, #tpu.memory_space<vmem>>[vector<16xi32>], vector<16xi32>, vector<16xi1>
          %slice3A_710 = vector.extract_strided_slice %get3A_373 {offsets = [14], sizes = [1], strides = [1]} : vector<16xi32> to vector<1xi32>
          %squeeze3A_711 = vector.extract %slice3A_710[0] : i32 from vector<1xi32>
          %mul3A_712 = arith.constant 16 : i32
          %mul3A_713 = arith.muli %squeeze3A_711, %mul3A_712 : i32
          %add3A_714 = vector.broadcast %mul3A_713 : i32 to vector<16xi32>
          %add3A_715 = arith.addi %add3A_714, %iota3A : vector<16xi32>
          %gather3A_716 = tpu.vector_load_idx %arg6[%add3A_715] : memref<32768xf32, #tpu.memory_space<vmem>>[vector<16xi32>], vector<16xf32>,
          %bitcast_convert_type3A_717 = tpu.bitcast %gather3A_716 : vector<16xf32> -> vector<16xi32>
          %ge3A_718 = arith.constant 1076803666 : i32
          %ge3A_719 = vector.broadcast %ge3A_718 : i32 to vector<16xi32>
          %ge3A_720 = arith.cmpi sge, %bitcast_convert_type3A_717, %ge3A_719 : vector<16xi32>
          %convert_element_type3A_721 = arith.extui %ge3A_720 : vector<16xi1> to vector<16xi32>
          %broadcast_in_dim3A_722 = arith.constant true
          %broadcast_in_dim3A_723 = vector.broadcast %broadcast_in_dim3A_722 : i1 to vector<16xi1>
          %masked_cumsum3A_724 = tpu.scan <sum>, %convert_element_type3A_721 masked %broadcast_in_dim3A_723 : vector<16xi32>, vector<16xi1> -> vector<16xi32>
          %slice3A_725 = vector.extract_strided_slice %get3A_377 {offsets = [14], sizes = [1], strides = [1]} : vector<16xi32> to vector<1xi32>
          %squeeze3A_726 = vector.extract %slice3A_725[0] : i32 from vector<1xi32>
          %add3A_727 = vector.broadcast %squeeze3A_726 : i32 to vector<16xi32>
          %add3A_728 = arith.addi %add3A_727, %masked_cumsum3A_724 : vector<16xi32>
          %sub3A_729 = arith.subi %add3A_728, %convert_element_type3A_721 : vector<16xi32>
          %lt3A_730 = arith.constant 512 : i32
          %lt3A_731 = vector.broadcast %lt3A_730 : i32 to vector<16xi32>
          %lt3A_732 = arith.cmpi slt, %sub3A_729, %lt3A_731 : vector<16xi32>
          %and3A_733 = arith.andi %ge3A_720, %lt3A_732 : vector<16xi1>
          tpu.vector_store_idx %arg13[%sub3A_729], %bitcast_convert_type3A_717 masked %and3A_733 : memref<512xi32, #tpu.memory_space<vmem>>[vector<16xi32>], vector<16xi32>, vector<16xi1>
          tpu.vector_store_idx %arg14[%sub3A_729], %add3A_715 masked %and3A_733 : memref<512xi32, #tpu.memory_space<vmem>>[vector<16xi32>], vector<16xi32>, vector<16xi1>
          %slice3A_734 = vector.extract_strided_slice %get3A_373 {offsets = [15], sizes = [1], strides = [1]} : vector<16xi32> to vector<1xi32>
          %squeeze3A_735 = vector.extract %slice3A_734[0] : i32 from vector<1xi32>
          %mul3A_736 = arith.constant 16 : i32
          %mul3A_737 = arith.muli %squeeze3A_735, %mul3A_736 : i32
          %add3A_738 = vector.broadcast %mul3A_737 : i32 to vector<16xi32>
          %add3A_739 = arith.addi %add3A_738, %iota3A : vector<16xi32>
          %gather3A_740 = tpu.vector_load_idx %arg6[%add3A_739] : memref<32768xf32, #tpu.memory_space<vmem>>[vector<16xi32>], vector<16xf32>,
          %bitcast_convert_type3A_741 = tpu.bitcast %gather3A_740 : vector<16xf32> -> vector<16xi32>
          %ge3A_742 = arith.constant 1076803666 : i32
          %ge3A_743 = vector.broadcast %ge3A_742 : i32 to vector<16xi32>
          %ge3A_744 = arith.cmpi sge, %bitcast_convert_type3A_741, %ge3A_743 : vector<16xi32>
          %convert_element_type3A_745 = arith.extui %ge3A_744 : vector<16xi1> to vector<16xi32>
          %broadcast_in_dim3A_746 = arith.constant true
          %broadcast_in_dim3A_747 = vector.broadcast %broadcast_in_dim3A_746 : i1 to vector<16xi1>
          %masked_cumsum3A_748 = tpu.scan <sum>, %convert_element_type3A_745 masked %broadcast_in_dim3A_747 : vector<16xi32>, vector<16xi1> -> vector<16xi32>
          %slice3A_749 = vector.extract_strided_slice %get3A_377 {offsets = [15], sizes = [1], strides = [1]} : vector<16xi32> to vector<1xi32>
          %squeeze3A_750 = vector.extract %slice3A_749[0] : i32 from vector<1xi32>
          %add3A_751 = vector.broadcast %squeeze3A_750 : i32 to vector<16xi32>
          %add3A_752 = arith.addi %add3A_751, %masked_cumsum3A_748 : vector<16xi32>
          %sub3A_753 = arith.subi %add3A_752, %convert_element_type3A_745 : vector<16xi32>
          %lt3A_754 = arith.constant 512 : i32
          %lt3A_755 = vector.broadcast %lt3A_754 : i32 to vector<16xi32>
          %lt3A_756 = arith.cmpi slt, %sub3A_753, %lt3A_755 : vector<16xi32>
          %and3A_757 = arith.andi %ge3A_744, %lt3A_756 : vector<16xi1>
          tpu.vector_store_idx %arg13[%sub3A_753], %bitcast_convert_type3A_741 masked %and3A_757 : memref<512xi32, #tpu.memory_space<vmem>>[vector<16xi32>], vector<16xi32>, vector<16xi1>
          tpu.vector_store_idx %arg14[%sub3A_753], %add3A_739 masked %and3A_757 : memref<512xi32, #tpu.memory_space<vmem>>[vector<16xi32>], vector<16xi32>, vector<16xi1>
        }
        %while3A_368 = arith.constant 1 : i32
        scf.for %while3A_369 = %while3A_366 to %while3A_362 step %while3A_368  : i32 {
          %mul3A_370 = arith.constant 16 : i32
          %mul3A_371 = arith.muli %while3A_369, %mul3A_370 : i32
          %get3A_372 = arith.index_cast %mul3A_371 : i32 to index
          %get3A_373 = tpu.vector_load %arg11[%get3A_372] {strides = array<i32>} : memref<512xi32, #tpu.memory_space<vmem>>, vector<16xi32>,
          %mul3A_374 = arith.constant 16 : i32
          %mul3A_375 = arith.muli %while3A_369, %mul3A_374 : i32
          %get3A_376 = arith.index_cast %mul3A_375 : i32 to index
          %get3A_377 = tpu.vector_load %arg12[%get3A_376] {strides = array<i32>} : memref<512xi32, #tpu.memory_space<vmem>>, vector<16xi32>,
          %slice3A = vector.extract_strided_slice %get3A_373 {offsets = [0], sizes = [1], strides = [1]} : vector<16xi32> to vector<1xi32>
          %squeeze3A = vector.extract %slice3A[0] : i32 from vector<1xi32>
          %mul3A_378 = arith.constant 16 : i32
          %mul3A_379 = arith.muli %squeeze3A, %mul3A_378 : i32
          %add3A_380 = vector.broadcast %mul3A_379 : i32 to vector<16xi32>
          %add3A_381 = arith.addi %add3A_380, %iota3A : vector<16xi32>
          %gather3A = tpu.vector_load_idx %arg6[%add3A_381] : memref<32768xf32, #tpu.memory_space<vmem>>[vector<16xi32>], vector<16xf32>,
          %bitcast_convert_type3A_382 = tpu.bitcast %gather3A : vector<16xf32> -> vector<16xi32>
          %ge3A_383 = arith.constant 1076803666 : i32
          %ge3A_384 = vector.broadcast %ge3A_383 : i32 to vector<16xi32>
          %ge3A_385 = arith.cmpi sge, %bitcast_convert_type3A_382, %ge3A_384 : vector<16xi32>
          %convert_element_type3A_386 = arith.extui %ge3A_385 : vector<16xi1> to vector<16xi32>
          %broadcast_in_dim3A_387 = arith.constant true
          %broadcast_in_dim3A_388 = vector.broadcast %broadcast_in_dim3A_387 : i1 to vector<16xi1>
          %masked_cumsum3A = tpu.scan <sum>, %convert_element_type3A_386 masked %broadcast_in_dim3A_388 : vector<16xi32>, vector<16xi1> -> vector<16xi32>
          %slice3A_389 = vector.extract_strided_slice %get3A_377 {offsets = [0], sizes = [1], strides = [1]} : vector<16xi32> to vector<1xi32>
          %squeeze3A_390 = vector.extract %slice3A_389[0] : i32 from vector<1xi32>
          %add3A_391 = vector.broadcast %squeeze3A_390 : i32 to vector<16xi32>
          %add3A_392 = arith.addi %add3A_391, %masked_cumsum3A : vector<16xi32>
          %sub3A_393 = arith.subi %add3A_392, %convert_element_type3A_386 : vector<16xi32>
          %lt3A_394 = arith.constant 512 : i32
          %lt3A_395 = vector.broadcast %lt3A_394 : i32 to vector<16xi32>
          %lt3A_396 = arith.cmpi slt, %sub3A_393, %lt3A_395 : vector<16xi32>
          %and3A_397 = arith.andi %ge3A_385, %lt3A_396 : vector<16xi1>
          tpu.vector_store_idx %arg13[%sub3A_393], %bitcast_convert_type3A_382 masked %and3A_397 : memref<512xi32, #tpu.memory_space<vmem>>[vector<16xi32>], vector<16xi32>, vector<16xi1>
          tpu.vector_store_idx %arg14[%sub3A_393], %add3A_381 masked %and3A_397 : memref<512xi32, #tpu.memory_space<vmem>>[vector<16xi32>], vector<16xi32>, vector<16xi1>
          %slice3A_398 = vector.extract_strided_slice %get3A_373 {offsets = [1], sizes = [1], strides = [1]} : vector<16xi32> to vector<1xi32>
          %squeeze3A_399 = vector.extract %slice3A_398[0] : i32 from vector<1xi32>
          %mul3A_400 = arith.constant 16 : i32
          %mul3A_401 = arith.muli %squeeze3A_399, %mul3A_400 : i32
          %add3A_402 = vector.broadcast %mul3A_401 : i32 to vector<16xi32>
          %add3A_403 = arith.addi %add3A_402, %iota3A : vector<16xi32>
          %gather3A_404 = tpu.vector_load_idx %arg6[%add3A_403] : memref<32768xf32, #tpu.memory_space<vmem>>[vector<16xi32>], vector<16xf32>,
          %bitcast_convert_type3A_405 = tpu.bitcast %gather3A_404 : vector<16xf32> -> vector<16xi32>
          %ge3A_406 = arith.constant 1076803666 : i32
          %ge3A_407 = vector.broadcast %ge3A_406 : i32 to vector<16xi32>
          %ge3A_408 = arith.cmpi sge, %bitcast_convert_type3A_405, %ge3A_407 : vector<16xi32>
          %convert_element_type3A_409 = arith.extui %ge3A_408 : vector<16xi1> to vector<16xi32>
          %broadcast_in_dim3A_410 = arith.constant true
          %broadcast_in_dim3A_411 = vector.broadcast %broadcast_in_dim3A_410 : i1 to vector<16xi1>
          %masked_cumsum3A_412 = tpu.scan <sum>, %convert_element_type3A_409 masked %broadcast_in_dim3A_411 : vector<16xi32>, vector<16xi1> -> vector<16xi32>
          %slice3A_413 = vector.extract_strided_slice %get3A_377 {offsets = [1], sizes = [1], strides = [1]} : vector<16xi32> to vector<1xi32>
          %squeeze3A_414 = vector.extract %slice3A_413[0] : i32 from vector<1xi32>
          %add3A_415 = vector.broadcast %squeeze3A_414 : i32 to vector<16xi32>
          %add3A_416 = arith.addi %add3A_415, %masked_cumsum3A_412 : vector<16xi32>
          %sub3A_417 = arith.subi %add3A_416, %convert_element_type3A_409 : vector<16xi32>
          %lt3A_418 = arith.constant 512 : i32
          %lt3A_419 = vector.broadcast %lt3A_418 : i32 to vector<16xi32>
          %lt3A_420 = arith.cmpi slt, %sub3A_417, %lt3A_419 : vector<16xi32>
          %and3A_421 = arith.andi %ge3A_408, %lt3A_420 : vector<16xi1>
          tpu.vector_store_idx %arg13[%sub3A_417], %bitcast_convert_type3A_405 masked %and3A_421 : memref<512xi32, #tpu.memory_space<vmem>>[vector<16xi32>], vector<16xi32>, vector<16xi1>
          tpu.vector_store_idx %arg14[%sub3A_417], %add3A_403 masked %and3A_421 : memref<512xi32, #tpu.memory_space<vmem>>[vector<16xi32>], vector<16xi32>, vector<16xi1>
          %slice3A_422 = vector.extract_strided_slice %get3A_373 {offsets = [2], sizes = [1], strides = [1]} : vector<16xi32> to vector<1xi32>
          %squeeze3A_423 = vector.extract %slice3A_422[0] : i32 from vector<1xi32>
          %mul3A_424 = arith.constant 16 : i32
          %mul3A_425 = arith.muli %squeeze3A_423, %mul3A_424 : i32
          %add3A_426 = vector.broadcast %mul3A_425 : i32 to vector<16xi32>
          %add3A_427 = arith.addi %add3A_426, %iota3A : vector<16xi32>
          %gather3A_428 = tpu.vector_load_idx %arg6[%add3A_427] : memref<32768xf32, #tpu.memory_space<vmem>>[vector<16xi32>], vector<16xf32>,
          %bitcast_convert_type3A_429 = tpu.bitcast %gather3A_428 : vector<16xf32> -> vector<16xi32>
          %ge3A_430 = arith.constant 1076803666 : i32
          %ge3A_431 = vector.broadcast %ge3A_430 : i32 to vector<16xi32>
          %ge3A_432 = arith.cmpi sge, %bitcast_convert_type3A_429, %ge3A_431 : vector<16xi32>
          %convert_element_type3A_433 = arith.extui %ge3A_432 : vector<16xi1> to vector<16xi32>
          %broadcast_in_dim3A_434 = arith.constant true
          %broadcast_in_dim3A_435 = vector.broadcast %broadcast_in_dim3A_434 : i1 to vector<16xi1>
          %masked_cumsum3A_436 = tpu.scan <sum>, %convert_element_type3A_433 masked %broadcast_in_dim3A_435 : vector<16xi32>, vector<16xi1> -> vector<16xi32>
          %slice3A_437 = vector.extract_strided_slice %get3A_377 {offsets = [2], sizes = [1], strides = [1]} : vector<16xi32> to vector<1xi32>
          %squeeze3A_438 = vector.extract %slice3A_437[0] : i32 from vector<1xi32>
          %add3A_439 = vector.broadcast %squeeze3A_438 : i32 to vector<16xi32>
          %add3A_440 = arith.addi %add3A_439, %masked_cumsum3A_436 : vector<16xi32>
          %sub3A_441 = arith.subi %add3A_440, %convert_element_type3A_433 : vector<16xi32>
          %lt3A_442 = arith.constant 512 : i32
          %lt3A_443 = vector.broadcast %lt3A_442 : i32 to vector<16xi32>
          %lt3A_444 = arith.cmpi slt, %sub3A_441, %lt3A_443 : vector<16xi32>
          %and3A_445 = arith.andi %ge3A_432, %lt3A_444 : vector<16xi1>
          tpu.vector_store_idx %arg13[%sub3A_441], %bitcast_convert_type3A_429 masked %and3A_445 : memref<512xi32, #tpu.memory_space<vmem>>[vector<16xi32>], vector<16xi32>, vector<16xi1>
          tpu.vector_store_idx %arg14[%sub3A_441], %add3A_427 masked %and3A_445 : memref<512xi32, #tpu.memory_space<vmem>>[vector<16xi32>], vector<16xi32>, vector<16xi1>
          %slice3A_446 = vector.extract_strided_slice %get3A_373 {offsets = [3], sizes = [1], strides = [1]} : vector<16xi32> to vector<1xi32>
          %squeeze3A_447 = vector.extract %slice3A_446[0] : i32 from vector<1xi32>
          %mul3A_448 = arith.constant 16 : i32
          %mul3A_449 = arith.muli %squeeze3A_447, %mul3A_448 : i32
          %add3A_450 = vector.broadcast %mul3A_449 : i32 to vector<16xi32>
          %add3A_451 = arith.addi %add3A_450, %iota3A : vector<16xi32>
          %gather3A_452 = tpu.vector_load_idx %arg6[%add3A_451] : memref<32768xf32, #tpu.memory_space<vmem>>[vector<16xi32>], vector<16xf32>,
          %bitcast_convert_type3A_453 = tpu.bitcast %gather3A_452 : vector<16xf32> -> vector<16xi32>
          %ge3A_454 = arith.constant 1076803666 : i32
          %ge3A_455 = vector.broadcast %ge3A_454 : i32 to vector<16xi32>
          %ge3A_456 = arith.cmpi sge, %bitcast_convert_type3A_453, %ge3A_455 : vector<16xi32>
          %convert_element_type3A_457 = arith.extui %ge3A_456 : vector<16xi1> to vector<16xi32>
          %broadcast_in_dim3A_458 = arith.constant true
          %broadcast_in_dim3A_459 = vector.broadcast %broadcast_in_dim3A_458 : i1 to vector<16xi1>
          %masked_cumsum3A_460 = tpu.scan <sum>, %convert_element_type3A_457 masked %broadcast_in_dim3A_459 : vector<16xi32>, vector<16xi1> -> vector<16xi32>
          %slice3A_461 = vector.extract_strided_slice %get3A_377 {offsets = [3], sizes = [1], strides = [1]} : vector<16xi32> to vector<1xi32>
          %squeeze3A_462 = vector.extract %slice3A_461[0] : i32 from vector<1xi32>
          %add3A_463 = vector.broadcast %squeeze3A_462 : i32 to vector<16xi32>
          %add3A_464 = arith.addi %add3A_463, %masked_cumsum3A_460 : vector<16xi32>
          %sub3A_465 = arith.subi %add3A_464, %convert_element_type3A_457 : vector<16xi32>
          %lt3A_466 = arith.constant 512 : i32
          %lt3A_467 = vector.broadcast %lt3A_466 : i32 to vector<16xi32>
          %lt3A_468 = arith.cmpi slt, %sub3A_465, %lt3A_467 : vector<16xi32>
          %and3A_469 = arith.andi %ge3A_456, %lt3A_468 : vector<16xi1>
          tpu.vector_store_idx %arg13[%sub3A_465], %bitcast_convert_type3A_453 masked %and3A_469 : memref<512xi32, #tpu.memory_space<vmem>>[vector<16xi32>], vector<16xi32>, vector<16xi1>
          tpu.vector_store_idx %arg14[%sub3A_465], %add3A_451 masked %and3A_469 : memref<512xi32, #tpu.memory_space<vmem>>[vector<16xi32>], vector<16xi32>, vector<16xi1>
          %slice3A_470 = vector.extract_strided_slice %get3A_373 {offsets = [4], sizes = [1], strides = [1]} : vector<16xi32> to vector<1xi32>
          %squeeze3A_471 = vector.extract %slice3A_470[0] : i32 from vector<1xi32>
          %mul3A_472 = arith.constant 16 : i32
          %mul3A_473 = arith.muli %squeeze3A_471, %mul3A_472 : i32
          %add3A_474 = vector.broadcast %mul3A_473 : i32 to vector<16xi32>
          %add3A_475 = arith.addi %add3A_474, %iota3A : vector<16xi32>
          %gather3A_476 = tpu.vector_load_idx %arg6[%add3A_475] : memref<32768xf32, #tpu.memory_space<vmem>>[vector<16xi32>], vector<16xf32>,
          %bitcast_convert_type3A_477 = tpu.bitcast %gather3A_476 : vector<16xf32> -> vector<16xi32>
          %ge3A_478 = arith.constant 1076803666 : i32
          %ge3A_479 = vector.broadcast %ge3A_478 : i32 to vector<16xi32>
          %ge3A_480 = arith.cmpi sge, %bitcast_convert_type3A_477, %ge3A_479 : vector<16xi32>
          %convert_element_type3A_481 = arith.extui %ge3A_480 : vector<16xi1> to vector<16xi32>
          %broadcast_in_dim3A_482 = arith.constant true
          %broadcast_in_dim3A_483 = vector.broadcast %broadcast_in_dim3A_482 : i1 to vector<16xi1>
          %masked_cumsum3A_484 = tpu.scan <sum>, %convert_element_type3A_481 masked %broadcast_in_dim3A_483 : vector<16xi32>, vector<16xi1> -> vector<16xi32>
          %slice3A_485 = vector.extract_strided_slice %get3A_377 {offsets = [4], sizes = [1], strides = [1]} : vector<16xi32> to vector<1xi32>
          %squeeze3A_486 = vector.extract %slice3A_485[0] : i32 from vector<1xi32>
          %add3A_487 = vector.broadcast %squeeze3A_486 : i32 to vector<16xi32>
          %add3A_488 = arith.addi %add3A_487, %masked_cumsum3A_484 : vector<16xi32>
          %sub3A_489 = arith.subi %add3A_488, %convert_element_type3A_481 : vector<16xi32>
          %lt3A_490 = arith.constant 512 : i32
          %lt3A_491 = vector.broadcast %lt3A_490 : i32 to vector<16xi32>
          %lt3A_492 = arith.cmpi slt, %sub3A_489, %lt3A_491 : vector<16xi32>
          %and3A_493 = arith.andi %ge3A_480, %lt3A_492 : vector<16xi1>
          tpu.vector_store_idx %arg13[%sub3A_489], %bitcast_convert_type3A_477 masked %and3A_493 : memref<512xi32, #tpu.memory_space<vmem>>[vector<16xi32>], vector<16xi32>, vector<16xi1>
          tpu.vector_store_idx %arg14[%sub3A_489], %add3A_475 masked %and3A_493 : memref<512xi32, #tpu.memory_space<vmem>>[vector<16xi32>], vector<16xi32>, vector<16xi1>
          %slice3A_494 = vector.extract_strided_slice %get3A_373 {offsets = [5], sizes = [1], strides = [1]} : vector<16xi32> to vector<1xi32>
          %squeeze3A_495 = vector.extract %slice3A_494[0] : i32 from vector<1xi32>
          %mul3A_496 = arith.constant 16 : i32
          %mul3A_497 = arith.muli %squeeze3A_495, %mul3A_496 : i32
          %add3A_498 = vector.broadcast %mul3A_497 : i32 to vector<16xi32>
          %add3A_499 = arith.addi %add3A_498, %iota3A : vector<16xi32>
          %gather3A_500 = tpu.vector_load_idx %arg6[%add3A_499] : memref<32768xf32, #tpu.memory_space<vmem>>[vector<16xi32>], vector<16xf32>,
          %bitcast_convert_type3A_501 = tpu.bitcast %gather3A_500 : vector<16xf32> -> vector<16xi32>
          %ge3A_502 = arith.constant 1076803666 : i32
          %ge3A_503 = vector.broadcast %ge3A_502 : i32 to vector<16xi32>
          %ge3A_504 = arith.cmpi sge, %bitcast_convert_type3A_501, %ge3A_503 : vector<16xi32>
          %convert_element_type3A_505 = arith.extui %ge3A_504 : vector<16xi1> to vector<16xi32>
          %broadcast_in_dim3A_506 = arith.constant true
          %broadcast_in_dim3A_507 = vector.broadcast %broadcast_in_dim3A_506 : i1 to vector<16xi1>
          %masked_cumsum3A_508 = tpu.scan <sum>, %convert_element_type3A_505 masked %broadcast_in_dim3A_507 : vector<16xi32>, vector<16xi1> -> vector<16xi32>
          %slice3A_509 = vector.extract_strided_slice %get3A_377 {offsets = [5], sizes = [1], strides = [1]} : vector<16xi32> to vector<1xi32>
          %squeeze3A_510 = vector.extract %slice3A_509[0] : i32 from vector<1xi32>
          %add3A_511 = vector.broadcast %squeeze3A_510 : i32 to vector<16xi32>
          %add3A_512 = arith.addi %add3A_511, %masked_cumsum3A_508 : vector<16xi32>
          %sub3A_513 = arith.subi %add3A_512, %convert_element_type3A_505 : vector<16xi32>
          %lt3A_514 = arith.constant 512 : i32
          %lt3A_515 = vector.broadcast %lt3A_514 : i32 to vector<16xi32>
          %lt3A_516 = arith.cmpi slt, %sub3A_513, %lt3A_515 : vector<16xi32>
          %and3A_517 = arith.andi %ge3A_504, %lt3A_516 : vector<16xi1>
          tpu.vector_store_idx %arg13[%sub3A_513], %bitcast_convert_type3A_501 masked %and3A_517 : memref<512xi32, #tpu.memory_space<vmem>>[vector<16xi32>], vector<16xi32>, vector<16xi1>
          tpu.vector_store_idx %arg14[%sub3A_513], %add3A_499 masked %and3A_517 : memref<512xi32, #tpu.memory_space<vmem>>[vector<16xi32>], vector<16xi32>, vector<16xi1>
          %slice3A_518 = vector.extract_strided_slice %get3A_373 {offsets = [6], sizes = [1], strides = [1]} : vector<16xi32> to vector<1xi32>
          %squeeze3A_519 = vector.extract %slice3A_518[0] : i32 from vector<1xi32>
          %mul3A_520 = arith.constant 16 : i32
          %mul3A_521 = arith.muli %squeeze3A_519, %mul3A_520 : i32
          %add3A_522 = vector.broadcast %mul3A_521 : i32 to vector<16xi32>
          %add3A_523 = arith.addi %add3A_522, %iota3A : vector<16xi32>
          %gather3A_524 = tpu.vector_load_idx %arg6[%add3A_523] : memref<32768xf32, #tpu.memory_space<vmem>>[vector<16xi32>], vector<16xf32>,
          %bitcast_convert_type3A_525 = tpu.bitcast %gather3A_524 : vector<16xf32> -> vector<16xi32>
          %ge3A_526 = arith.constant 1076803666 : i32
          %ge3A_527 = vector.broadcast %ge3A_526 : i32 to vector<16xi32>
          %ge3A_528 = arith.cmpi sge, %bitcast_convert_type3A_525, %ge3A_527 : vector<16xi32>
          %convert_element_type3A_529 = arith.extui %ge3A_528 : vector<16xi1> to vector<16xi32>
          %broadcast_in_dim3A_530 = arith.constant true
          %broadcast_in_dim3A_531 = vector.broadcast %broadcast_in_dim3A_530 : i1 to vector<16xi1>
          %masked_cumsum3A_532 = tpu.scan <sum>, %convert_element_type3A_529 masked %broadcast_in_dim3A_531 : vector<16xi32>, vector<16xi1> -> vector<16xi32>
          %slice3A_533 = vector.extract_strided_slice %get3A_377 {offsets = [6], sizes = [1], strides = [1]} : vector<16xi32> to vector<1xi32>
          %squeeze3A_534 = vector.extract %slice3A_533[0] : i32 from vector<1xi32>
          %add3A_535 = vector.broadcast %squeeze3A_534 : i32 to vector<16xi32>
          %add3A_536 = arith.addi %add3A_535, %masked_cumsum3A_532 : vector<16xi32>
          %sub3A_537 = arith.subi %add3A_536, %convert_element_type3A_529 : vector<16xi32>
          %lt3A_538 = arith.constant 512 : i32
          %lt3A_539 = vector.broadcast %lt3A_538 : i32 to vector<16xi32>
          %lt3A_540 = arith.cmpi slt, %sub3A_537, %lt3A_539 : vector<16xi32>
          %and3A_541 = arith.andi %ge3A_528, %lt3A_540 : vector<16xi1>
          tpu.vector_store_idx %arg13[%sub3A_537], %bitcast_convert_type3A_525 masked %and3A_541 : memref<512xi32, #tpu.memory_space<vmem>>[vector<16xi32>], vector<16xi32>, vector<16xi1>
          tpu.vector_store_idx %arg14[%sub3A_537], %add3A_523 masked %and3A_541 : memref<512xi32, #tpu.memory_space<vmem>>[vector<16xi32>], vector<16xi32>, vector<16xi1>
          %slice3A_542 = vector.extract_strided_slice %get3A_373 {offsets = [7], sizes = [1], strides = [1]} : vector<16xi32> to vector<1xi32>
          %squeeze3A_543 = vector.extract %slice3A_542[0] : i32 from vector<1xi32>
          %mul3A_544 = arith.constant 16 : i32
          %mul3A_545 = arith.muli %squeeze3A_543, %mul3A_544 : i32
          %add3A_546 = vector.broadcast %mul3A_545 : i32 to vector<16xi32>
          %add3A_547 = arith.addi %add3A_546, %iota3A : vector<16xi32>
          %gather3A_548 = tpu.vector_load_idx %arg6[%add3A_547] : memref<32768xf32, #tpu.memory_space<vmem>>[vector<16xi32>], vector<16xf32>,
          %bitcast_convert_type3A_549 = tpu.bitcast %gather3A_548 : vector<16xf32> -> vector<16xi32>
          %ge3A_550 = arith.constant 1076803666 : i32
          %ge3A_551 = vector.broadcast %ge3A_550 : i32 to vector<16xi32>
          %ge3A_552 = arith.cmpi sge, %bitcast_convert_type3A_549, %ge3A_551 : vector<16xi32>
          %convert_element_type3A_553 = arith.extui %ge3A_552 : vector<16xi1> to vector<16xi32>
          %broadcast_in_dim3A_554 = arith.constant true
          %broadcast_in_dim3A_555 = vector.broadcast %broadcast_in_dim3A_554 : i1 to vector<16xi1>
          %masked_cumsum3A_556 = tpu.scan <sum>, %convert_element_type3A_553 masked %broadcast_in_dim3A_555 : vector<16xi32>, vector<16xi1> -> vector<16xi32>
          %slice3A_557 = vector.extract_strided_slice %get3A_377 {offsets = [7], sizes = [1], strides = [1]} : vector<16xi32> to vector<1xi32>
          %squeeze3A_558 = vector.extract %slice3A_557[0] : i32 from vector<1xi32>
          %add3A_559 = vector.broadcast %squeeze3A_558 : i32 to vector<16xi32>
          %add3A_560 = arith.addi %add3A_559, %masked_cumsum3A_556 : vector<16xi32>
          %sub3A_561 = arith.subi %add3A_560, %convert_element_type3A_553 : vector<16xi32>
          %lt3A_562 = arith.constant 512 : i32
          %lt3A_563 = vector.broadcast %lt3A_562 : i32 to vector<16xi32>
          %lt3A_564 = arith.cmpi slt, %sub3A_561, %lt3A_563 : vector<16xi32>
          %and3A_565 = arith.andi %ge3A_552, %lt3A_564 : vector<16xi1>
          tpu.vector_store_idx %arg13[%sub3A_561], %bitcast_convert_type3A_549 masked %and3A_565 : memref<512xi32, #tpu.memory_space<vmem>>[vector<16xi32>], vector<16xi32>, vector<16xi1>
          tpu.vector_store_idx %arg14[%sub3A_561], %add3A_547 masked %and3A_565 : memref<512xi32, #tpu.memory_space<vmem>>[vector<16xi32>], vector<16xi32>, vector<16xi1>
          %slice3A_566 = vector.extract_strided_slice %get3A_373 {offsets = [8], sizes = [1], strides = [1]} : vector<16xi32> to vector<1xi32>
          %squeeze3A_567 = vector.extract %slice3A_566[0] : i32 from vector<1xi32>
          %mul3A_568 = arith.constant 16 : i32
          %mul3A_569 = arith.muli %squeeze3A_567, %mul3A_568 : i32
          %add3A_570 = vector.broadcast %mul3A_569 : i32 to vector<16xi32>
          %add3A_571 = arith.addi %add3A_570, %iota3A : vector<16xi32>
          %gather3A_572 = tpu.vector_load_idx %arg6[%add3A_571] : memref<32768xf32, #tpu.memory_space<vmem>>[vector<16xi32>], vector<16xf32>,
          %bitcast_convert_type3A_573 = tpu.bitcast %gather3A_572 : vector<16xf32> -> vector<16xi32>
          %ge3A_574 = arith.constant 1076803666 : i32
          %ge3A_575 = vector.broadcast %ge3A_574 : i32 to vector<16xi32>
          %ge3A_576 = arith.cmpi sge, %bitcast_convert_type3A_573, %ge3A_575 : vector<16xi32>
          %convert_element_type3A_577 = arith.extui %ge3A_576 : vector<16xi1> to vector<16xi32>
          %broadcast_in_dim3A_578 = arith.constant true
          %broadcast_in_dim3A_579 = vector.broadcast %broadcast_in_dim3A_578 : i1 to vector<16xi1>
          %masked_cumsum3A_580 = tpu.scan <sum>, %convert_element_type3A_577 masked %broadcast_in_dim3A_579 : vector<16xi32>, vector<16xi1> -> vector<16xi32>
          %slice3A_581 = vector.extract_strided_slice %get3A_377 {offsets = [8], sizes = [1], strides = [1]} : vector<16xi32> to vector<1xi32>
          %squeeze3A_582 = vector.extract %slice3A_581[0] : i32 from vector<1xi32>
          %add3A_583 = vector.broadcast %squeeze3A_582 : i32 to vector<16xi32>
          %add3A_584 = arith.addi %add3A_583, %masked_cumsum3A_580 : vector<16xi32>
          %sub3A_585 = arith.subi %add3A_584, %convert_element_type3A_577 : vector<16xi32>
          %lt3A_586 = arith.constant 512 : i32
          %lt3A_587 = vector.broadcast %lt3A_586 : i32 to vector<16xi32>
          %lt3A_588 = arith.cmpi slt, %sub3A_585, %lt3A_587 : vector<16xi32>
          %and3A_589 = arith.andi %ge3A_576, %lt3A_588 : vector<16xi1>
          tpu.vector_store_idx %arg13[%sub3A_585], %bitcast_convert_type3A_573 masked %and3A_589 : memref<512xi32, #tpu.memory_space<vmem>>[vector<16xi32>], vector<16xi32>, vector<16xi1>
          tpu.vector_store_idx %arg14[%sub3A_585], %add3A_571 masked %and3A_589 : memref<512xi32, #tpu.memory_space<vmem>>[vector<16xi32>], vector<16xi32>, vector<16xi1>
          %slice3A_590 = vector.extract_strided_slice %get3A_373 {offsets = [9], sizes = [1], strides = [1]} : vector<16xi32> to vector<1xi32>
          %squeeze3A_591 = vector.extract %slice3A_590[0] : i32 from vector<1xi32>
          %mul3A_592 = arith.constant 16 : i32
          %mul3A_593 = arith.muli %squeeze3A_591, %mul3A_592 : i32
          %add3A_594 = vector.broadcast %mul3A_593 : i32 to vector<16xi32>
          %add3A_595 = arith.addi %add3A_594, %iota3A : vector<16xi32>
          %gather3A_596 = tpu.vector_load_idx %arg6[%add3A_595] : memref<32768xf32, #tpu.memory_space<vmem>>[vector<16xi32>], vector<16xf32>,
          %bitcast_convert_type3A_597 = tpu.bitcast %gather3A_596 : vector<16xf32> -> vector<16xi32>
          %ge3A_598 = arith.constant 1076803666 : i32
          %ge3A_599 = vector.broadcast %ge3A_598 : i32 to vector<16xi32>
          %ge3A_600 = arith.cmpi sge, %bitcast_convert_type3A_597, %ge3A_599 : vector<16xi32>
          %convert_element_type3A_601 = arith.extui %ge3A_600 : vector<16xi1> to vector<16xi32>
          %broadcast_in_dim3A_602 = arith.constant true
          %broadcast_in_dim3A_603 = vector.broadcast %broadcast_in_dim3A_602 : i1 to vector<16xi1>
          %masked_cumsum3A_604 = tpu.scan <sum>, %convert_element_type3A_601 masked %broadcast_in_dim3A_603 : vector<16xi32>, vector<16xi1> -> vector<16xi32>
          %slice3A_605 = vector.extract_strided_slice %get3A_377 {offsets = [9], sizes = [1], strides = [1]} : vector<16xi32> to vector<1xi32>
          %squeeze3A_606 = vector.extract %slice3A_605[0] : i32 from vector<1xi32>
          %add3A_607 = vector.broadcast %squeeze3A_606 : i32 to vector<16xi32>
          %add3A_608 = arith.addi %add3A_607, %masked_cumsum3A_604 : vector<16xi32>
          %sub3A_609 = arith.subi %add3A_608, %convert_element_type3A_601 : vector<16xi32>
          %lt3A_610 = arith.constant 512 : i32
          %lt3A_611 = vector.broadcast %lt3A_610 : i32 to vector<16xi32>
          %lt3A_612 = arith.cmpi slt, %sub3A_609, %lt3A_611 : vector<16xi32>
          %and3A_613 = arith.andi %ge3A_600, %lt3A_612 : vector<16xi1>
          tpu.vector_store_idx %arg13[%sub3A_609], %bitcast_convert_type3A_597 masked %and3A_613 : memref<512xi32, #tpu.memory_space<vmem>>[vector<16xi32>], vector<16xi32>, vector<16xi1>
          tpu.vector_store_idx %arg14[%sub3A_609], %add3A_595 masked %and3A_613 : memref<512xi32, #tpu.memory_space<vmem>>[vector<16xi32>], vector<16xi32>, vector<16xi1>
          %slice3A_614 = vector.extract_strided_slice %get3A_373 {offsets = [10], sizes = [1], strides = [1]} : vector<16xi32> to vector<1xi32>
          %squeeze3A_615 = vector.extract %slice3A_614[0] : i32 from vector<1xi32>
          %mul3A_616 = arith.constant 16 : i32
          %mul3A_617 = arith.muli %squeeze3A_615, %mul3A_616 : i32
          %add3A_618 = vector.broadcast %mul3A_617 : i32 to vector<16xi32>
          %add3A_619 = arith.addi %add3A_618, %iota3A : vector<16xi32>
          %gather3A_620 = tpu.vector_load_idx %arg6[%add3A_619] : memref<32768xf32, #tpu.memory_space<vmem>>[vector<16xi32>], vector<16xf32>,
          %bitcast_convert_type3A_621 = tpu.bitcast %gather3A_620 : vector<16xf32> -> vector<16xi32>
          %ge3A_622 = arith.constant 1076803666 : i32
          %ge3A_623 = vector.broadcast %ge3A_622 : i32 to vector<16xi32>
          %ge3A_624 = arith.cmpi sge, %bitcast_convert_type3A_621, %ge3A_623 : vector<16xi32>
          %convert_element_type3A_625 = arith.extui %ge3A_624 : vector<16xi1> to vector<16xi32>
          %broadcast_in_dim3A_626 = arith.constant true
          %broadcast_in_dim3A_627 = vector.broadcast %broadcast_in_dim3A_626 : i1 to vector<16xi1>
          %masked_cumsum3A_628 = tpu.scan <sum>, %convert_element_type3A_625 masked %broadcast_in_dim3A_627 : vector<16xi32>, vector<16xi1> -> vector<16xi32>
          %slice3A_629 = vector.extract_strided_slice %get3A_377 {offsets = [10], sizes = [1], strides = [1]} : vector<16xi32> to vector<1xi32>
          %squeeze3A_630 = vector.extract %slice3A_629[0] : i32 from vector<1xi32>
          %add3A_631 = vector.broadcast %squeeze3A_630 : i32 to vector<16xi32>
          %add3A_632 = arith.addi %add3A_631, %masked_cumsum3A_628 : vector<16xi32>
          %sub3A_633 = arith.subi %add3A_632, %convert_element_type3A_625 : vector<16xi32>
          %lt3A_634 = arith.constant 512 : i32
          %lt3A_635 = vector.broadcast %lt3A_634 : i32 to vector<16xi32>
          %lt3A_636 = arith.cmpi slt, %sub3A_633, %lt3A_635 : vector<16xi32>
          %and3A_637 = arith.andi %ge3A_624, %lt3A_636 : vector<16xi1>
          tpu.vector_store_idx %arg13[%sub3A_633], %bitcast_convert_type3A_621 masked %and3A_637 : memref<512xi32, #tpu.memory_space<vmem>>[vector<16xi32>], vector<16xi32>, vector<16xi1>
          tpu.vector_store_idx %arg14[%sub3A_633], %add3A_619 masked %and3A_637 : memref<512xi32, #tpu.memory_space<vmem>>[vector<16xi32>], vector<16xi32>, vector<16xi1>
          %slice3A_638 = vector.extract_strided_slice %get3A_373 {offsets = [11], sizes = [1], strides = [1]} : vector<16xi32> to vector<1xi32>
          %squeeze3A_639 = vector.extract %slice3A_638[0] : i32 from vector<1xi32>
          %mul3A_640 = arith.constant 16 : i32
          %mul3A_641 = arith.muli %squeeze3A_639, %mul3A_640 : i32
          %add3A_642 = vector.broadcast %mul3A_641 : i32 to vector<16xi32>
          %add3A_643 = arith.addi %add3A_642, %iota3A : vector<16xi32>
          %gather3A_644 = tpu.vector_load_idx %arg6[%add3A_643] : memref<32768xf32, #tpu.memory_space<vmem>>[vector<16xi32>], vector<16xf32>,
          %bitcast_convert_type3A_645 = tpu.bitcast %gather3A_644 : vector<16xf32> -> vector<16xi32>
          %ge3A_646 = arith.constant 1076803666 : i32
          %ge3A_647 = vector.broadcast %ge3A_646 : i32 to vector<16xi32>
          %ge3A_648 = arith.cmpi sge, %bitcast_convert_type3A_645, %ge3A_647 : vector<16xi32>
          %convert_element_type3A_649 = arith.extui %ge3A_648 : vector<16xi1> to vector<16xi32>
          %broadcast_in_dim3A_650 = arith.constant true
          %broadcast_in_dim3A_651 = vector.broadcast %broadcast_in_dim3A_650 : i1 to vector<16xi1>
          %masked_cumsum3A_652 = tpu.scan <sum>, %convert_element_type3A_649 masked %broadcast_in_dim3A_651 : vector<16xi32>, vector<16xi1> -> vector<16xi32>
          %slice3A_653 = vector.extract_strided_slice %get3A_377 {offsets = [11], sizes = [1], strides = [1]} : vector<16xi32> to vector<1xi32>
          %squeeze3A_654 = vector.extract %slice3A_653[0] : i32 from vector<1xi32>
          %add3A_655 = vector.broadcast %squeeze3A_654 : i32 to vector<16xi32>
          %add3A_656 = arith.addi %add3A_655, %masked_cumsum3A_652 : vector<16xi32>
          %sub3A_657 = arith.subi %add3A_656, %convert_element_type3A_649 : vector<16xi32>
          %lt3A_658 = arith.constant 512 : i32
          %lt3A_659 = vector.broadcast %lt3A_658 : i32 to vector<16xi32>
          %lt3A_660 = arith.cmpi slt, %sub3A_657, %lt3A_659 : vector<16xi32>
          %and3A_661 = arith.andi %ge3A_648, %lt3A_660 : vector<16xi1>
          tpu.vector_store_idx %arg13[%sub3A_657], %bitcast_convert_type3A_645 masked %and3A_661 : memref<512xi32, #tpu.memory_space<vmem>>[vector<16xi32>], vector<16xi32>, vector<16xi1>
          tpu.vector_store_idx %arg14[%sub3A_657], %add3A_643 masked %and3A_661 : memref<512xi32, #tpu.memory_space<vmem>>[vector<16xi32>], vector<16xi32>, vector<16xi1>
          %slice3A_662 = vector.extract_strided_slice %get3A_373 {offsets = [12], sizes = [1], strides = [1]} : vector<16xi32> to vector<1xi32>
          %squeeze3A_663 = vector.extract %slice3A_662[0] : i32 from vector<1xi32>
          %mul3A_664 = arith.constant 16 : i32
          %mul3A_665 = arith.muli %squeeze3A_663, %mul3A_664 : i32
          %add3A_666 = vector.broadcast %mul3A_665 : i32 to vector<16xi32>
          %add3A_667 = arith.addi %add3A_666, %iota3A : vector<16xi32>
          %gather3A_668 = tpu.vector_load_idx %arg6[%add3A_667] : memref<32768xf32, #tpu.memory_space<vmem>>[vector<16xi32>], vector<16xf32>,
          %bitcast_convert_type3A_669 = tpu.bitcast %gather3A_668 : vector<16xf32> -> vector<16xi32>
          %ge3A_670 = arith.constant 1076803666 : i32
          %ge3A_671 = vector.broadcast %ge3A_670 : i32 to vector<16xi32>
          %ge3A_672 = arith.cmpi sge, %bitcast_convert_type3A_669, %ge3A_671 : vector<16xi32>
          %convert_element_type3A_673 = arith.extui %ge3A_672 : vector<16xi1> to vector<16xi32>
          %broadcast_in_dim3A_674 = arith.constant true
          %broadcast_in_dim3A_675 = vector.broadcast %broadcast_in_dim3A_674 : i1 to vector<16xi1>
          %masked_cumsum3A_676 = tpu.scan <sum>, %convert_element_type3A_673 masked %broadcast_in_dim3A_675 : vector<16xi32>, vector<16xi1> -> vector<16xi32>
          %slice3A_677 = vector.extract_strided_slice %get3A_377 {offsets = [12], sizes = [1], strides = [1]} : vector<16xi32> to vector<1xi32>
          %squeeze3A_678 = vector.extract %slice3A_677[0] : i32 from vector<1xi32>
          %add3A_679 = vector.broadcast %squeeze3A_678 : i32 to vector<16xi32>
          %add3A_680 = arith.addi %add3A_679, %masked_cumsum3A_676 : vector<16xi32>
          %sub3A_681 = arith.subi %add3A_680, %convert_element_type3A_673 : vector<16xi32>
          %lt3A_682 = arith.constant 512 : i32
          %lt3A_683 = vector.broadcast %lt3A_682 : i32 to vector<16xi32>
          %lt3A_684 = arith.cmpi slt, %sub3A_681, %lt3A_683 : vector<16xi32>
          %and3A_685 = arith.andi %ge3A_672, %lt3A_684 : vector<16xi1>
          tpu.vector_store_idx %arg13[%sub3A_681], %bitcast_convert_type3A_669 masked %and3A_685 : memref<512xi32, #tpu.memory_space<vmem>>[vector<16xi32>], vector<16xi32>, vector<16xi1>
          tpu.vector_store_idx %arg14[%sub3A_681], %add3A_667 masked %and3A_685 : memref<512xi32, #tpu.memory_space<vmem>>[vector<16xi32>], vector<16xi32>, vector<16xi1>
          %slice3A_686 = vector.extract_strided_slice %get3A_373 {offsets = [13], sizes = [1], strides = [1]} : vector<16xi32> to vector<1xi32>
          %squeeze3A_687 = vector.extract %slice3A_686[0] : i32 from vector<1xi32>
          %mul3A_688 = arith.constant 16 : i32
          %mul3A_689 = arith.muli %squeeze3A_687, %mul3A_688 : i32
          %add3A_690 = vector.broadcast %mul3A_689 : i32 to vector<16xi32>
          %add3A_691 = arith.addi %add3A_690, %iota3A : vector<16xi32>
          %gather3A_692 = tpu.vector_load_idx %arg6[%add3A_691] : memref<32768xf32, #tpu.memory_space<vmem>>[vector<16xi32>], vector<16xf32>,
          %bitcast_convert_type3A_693 = tpu.bitcast %gather3A_692 : vector<16xf32> -> vector<16xi32>
          %ge3A_694 = arith.constant 1076803666 : i32
          %ge3A_695 = vector.broadcast %ge3A_694 : i32 to vector<16xi32>
          %ge3A_696 = arith.cmpi sge, %bitcast_convert_type3A_693, %ge3A_695 : vector<16xi32>
          %convert_element_type3A_697 = arith.extui %ge3A_696 : vector<16xi1> to vector<16xi32>
          %broadcast_in_dim3A_698 = arith.constant true
          %broadcast_in_dim3A_699 = vector.broadcast %broadcast_in_dim3A_698 : i1 to vector<16xi1>
          %masked_cumsum3A_700 = tpu.scan <sum>, %convert_element_type3A_697 masked %broadcast_in_dim3A_699 : vector<16xi32>, vector<16xi1> -> vector<16xi32>
          %slice3A_701 = vector.extract_strided_slice %get3A_377 {offsets = [13], sizes = [1], strides = [1]} : vector<16xi32> to vector<1xi32>
          %squeeze3A_702 = vector.extract %slice3A_701[0] : i32 from vector<1xi32>
          %add3A_703 = vector.broadcast %squeeze3A_702 : i32 to vector<16xi32>
          %add3A_704 = arith.addi %add3A_703, %masked_cumsum3A_700 : vector<16xi32>
          %sub3A_705 = arith.subi %add3A_704, %convert_element_type3A_697 : vector<16xi32>
          %lt3A_706 = arith.constant 512 : i32
          %lt3A_707 = vector.broadcast %lt3A_706 : i32 to vector<16xi32>
          %lt3A_708 = arith.cmpi slt, %sub3A_705, %lt3A_707 : vector<16xi32>
          %and3A_709 = arith.andi %ge3A_696, %lt3A_708 : vector<16xi1>
          tpu.vector_store_idx %arg13[%sub3A_705], %bitcast_convert_type3A_693 masked %and3A_709 : memref<512xi32, #tpu.memory_space<vmem>>[vector<16xi32>], vector<16xi32>, vector<16xi1>
          tpu.vector_store_idx %arg14[%sub3A_705], %add3A_691 masked %and3A_709 : memref<512xi32, #tpu.memory_space<vmem>>[vector<16xi32>], vector<16xi32>, vector<16xi1>
          %slice3A_710 = vector.extract_strided_slice %get3A_373 {offsets = [14], sizes = [1], strides = [1]} : vector<16xi32> to vector<1xi32>
          %squeeze3A_711 = vector.extract %slice3A_710[0] : i32 from vector<1xi32>
          %mul3A_712 = arith.constant 16 : i32
          %mul3A_713 = arith.muli %squeeze3A_711, %mul3A_712 : i32
          %add3A_714 = vector.broadcast %mul3A_713 : i32 to vector<16xi32>
          %add3A_715 = arith.addi %add3A_714, %iota3A : vector<16xi32>
          %gather3A_716 = tpu.vector_load_idx %arg6[%add3A_715] : memref<32768xf32, #tpu.memory_space<vmem>>[vector<16xi32>], vector<16xf32>,
          %bitcast_convert_type3A_717 = tpu.bitcast %gather3A_716 : vector<16xf32> -> vector<16xi32>
          %ge3A_718 = arith.constant 1076803666 : i32
          %ge3A_719 = vector.broadcast %ge3A_718 : i32 to vector<16xi32>
          %ge3A_720 = arith.cmpi sge, %bitcast_convert_type3A_717, %ge3A_719 : vector<16xi32>
          %convert_element_type3A_721 = arith.extui %ge3A_720 : vector<16xi1> to vector<16xi32>
          %broadcast_in_dim3A_722 = arith.constant true
          %broadcast_in_dim3A_723 = vector.broadcast %broadcast_in_dim3A_722 : i1 to vector<16xi1>
          %masked_cumsum3A_724 = tpu.scan <sum>, %convert_element_type3A_721 masked %broadcast_in_dim3A_723 : vector<16xi32>, vector<16xi1> -> vector<16xi32>
          %slice3A_725 = vector.extract_strided_slice %get3A_377 {offsets = [14], sizes = [1], strides = [1]} : vector<16xi32> to vector<1xi32>
          %squeeze3A_726 = vector.extract %slice3A_725[0] : i32 from vector<1xi32>
          %add3A_727 = vector.broadcast %squeeze3A_726 : i32 to vector<16xi32>
          %add3A_728 = arith.addi %add3A_727, %masked_cumsum3A_724 : vector<16xi32>
          %sub3A_729 = arith.subi %add3A_728, %convert_element_type3A_721 : vector<16xi32>
          %lt3A_730 = arith.constant 512 : i32
          %lt3A_731 = vector.broadcast %lt3A_730 : i32 to vector<16xi32>
          %lt3A_732 = arith.cmpi slt, %sub3A_729, %lt3A_731 : vector<16xi32>
          %and3A_733 = arith.andi %ge3A_720, %lt3A_732 : vector<16xi1>
          tpu.vector_store_idx %arg13[%sub3A_729], %bitcast_convert_type3A_717 masked %and3A_733 : memref<512xi32, #tpu.memory_space<vmem>>[vector<16xi32>], vector<16xi32>, vector<16xi1>
          tpu.vector_store_idx %arg14[%sub3A_729], %add3A_715 masked %and3A_733 : memref<512xi32, #tpu.memory_space<vmem>>[vector<16xi32>], vector<16xi32>, vector<16xi1>
          %slice3A_734 = vector.extract_strided_slice %get3A_373 {offsets = [15], sizes = [1], strides = [1]} : vector<16xi32> to vector<1xi32>
          %squeeze3A_735 = vector.extract %slice3A_734[0] : i32 from vector<1xi32>
          %mul3A_736 = arith.constant 16 : i32
          %mul3A_737 = arith.muli %squeeze3A_735, %mul3A_736 : i32
          %add3A_738 = vector.broadcast %mul3A_737 : i32 to vector<16xi32>
          %add3A_739 = arith.addi %add3A_738, %iota3A : vector<16xi32>
          %gather3A_740 = tpu.vector_load_idx %arg6[%add3A_739] : memref<32768xf32, #tpu.memory_space<vmem>>[vector<16xi32>], vector<16xf32>,
          %bitcast_convert_type3A_741 = tpu.bitcast %gather3A_740 : vector<16xf32> -> vector<16xi32>
          %ge3A_742 = arith.constant 1076803666 : i32
          %ge3A_743 = vector.broadcast %ge3A_742 : i32 to vector<16xi32>
          %ge3A_744 = arith.cmpi sge, %bitcast_convert_type3A_741, %ge3A_743 : vector<16xi32>
          %convert_element_type3A_745 = arith.extui %ge3A_744 : vector<16xi1> to vector<16xi32>
          %broadcast_in_dim3A_746 = arith.constant true
          %broadcast_in_dim3A_747 = vector.broadcast %broadcast_in_dim3A_746 : i1 to vector<16xi1>
          %masked_cumsum3A_748 = tpu.scan <sum>, %convert_element_type3A_745 masked %broadcast_in_dim3A_747 : vector<16xi32>, vector<16xi1> -> vector<16xi32>
          %slice3A_749 = vector.extract_strided_slice %get3A_377 {offsets = [15], sizes = [1], strides = [1]} : vector<16xi32> to vector<1xi32>
          %squeeze3A_750 = vector.extract %slice3A_749[0] : i32 from vector<1xi32>
          %add3A_751 = vector.broadcast %squeeze3A_750 : i32 to vector<16xi32>
          %add3A_752 = arith.addi %add3A_751, %masked_cumsum3A_748 : vector<16xi32>
          %sub3A_753 = arith.subi %add3A_752, %convert_element_type3A_745 : vector<16xi32>
          %lt3A_754 = arith.constant 512 : i32
          %lt3A_755 = vector.broadcast %lt3A_754 : i32 to vector<16xi32>
          %lt3A_756 = arith.cmpi slt, %sub3A_753, %lt3A_755 : vector<16xi32>
          %and3A_757 = arith.andi %ge3A_744, %lt3A_756 : vector<16xi1>
          tpu.vector_store_idx %arg13[%sub3A_753], %bitcast_convert_type3A_741 masked %and3A_757 : memref<512xi32, #tpu.memory_space<vmem>>[vector<16xi32>], vector<16xi32>, vector<16xi1>
          tpu.vector_store_idx %arg14[%sub3A_753], %add3A_739 masked %and3A_757 : memref<512xi32, #tpu.memory_space<vmem>>[vector<16xi32>], vector<16xi32>, vector<16xi1>
        }
        scf.yield %reduce_max3A_76 : i32
      } else {
        %scan3A_331 = arith.constant 0 : i32
        %scan3A_332 = arith.constant 0 : i32
        %scan3A_333 = arith.constant 256 : i32
        %scan3A_334 = arith.addi %scan3A_332, %scan3A_333 : i32
        %scan3A_335 = arith.constant 8 : i32
        scf.for %scan3A_359 = %scan3A_332 to %scan3A_334 step %scan3A_335  : i32 {
          %mul3A_360 = arith.constant 16 : i32
          %mul3A_361 = arith.muli %scan3A_359, %mul3A_360 : i32
          %swap3A_362 = arith.index_cast %mul3A_361 : i32 to index
          %swap3A_363 = tpu.vector_load %arg9[%swap3A_362] {strides = array<i32>} : memref<4096xi32, #tpu.memory_space<vmem>>, vector<16xi32>,
          tpu.vector_store %arg9[%swap3A_362], %broadcast_in_dim3A_3 {strides = array<i32>} : memref<4096xi32, #tpu.memory_space<vmem>>, vector<16xi32>,
          %scan3A_364 = arith.constant 1 : i32
          %scan3A_365 = arith.addi %scan3A_359, %scan3A_364 : i32
          %mul3A_366 = arith.constant 16 : i32
          %mul3A_367 = arith.muli %scan3A_365, %mul3A_366 : i32
          %swap3A_368 = arith.index_cast %mul3A_367 : i32 to index
          %swap3A_369 = tpu.vector_load %arg9[%swap3A_368] {strides = array<i32>} : memref<4096xi32, #tpu.memory_space<vmem>>, vector<16xi32>,
          tpu.vector_store %arg9[%swap3A_368], %broadcast_in_dim3A_3 {strides = array<i32>} : memref<4096xi32, #tpu.memory_space<vmem>>, vector<16xi32>,
          %scan3A_370 = arith.constant 2 : i32
          %scan3A_371 = arith.addi %scan3A_359, %scan3A_370 : i32
          %mul3A_372 = arith.constant 16 : i32
          %mul3A_373 = arith.muli %scan3A_371, %mul3A_372 : i32
          %swap3A_374 = arith.index_cast %mul3A_373 : i32 to index
          %swap3A_375 = tpu.vector_load %arg9[%swap3A_374] {strides = array<i32>} : memref<4096xi32, #tpu.memory_space<vmem>>, vector<16xi32>,
          tpu.vector_store %arg9[%swap3A_374], %broadcast_in_dim3A_3 {strides = array<i32>} : memref<4096xi32, #tpu.memory_space<vmem>>, vector<16xi32>,
          %scan3A_376 = arith.constant 3 : i32
          %scan3A_377 = arith.addi %scan3A_359, %scan3A_376 : i32
          %mul3A_378 = arith.constant 16 : i32
          %mul3A_379 = arith.muli %scan3A_377, %mul3A_378 : i32
          %swap3A_380 = arith.index_cast %mul3A_379 : i32 to index
          %swap3A_381 = tpu.vector_load %arg9[%swap3A_380] {strides = array<i32>} : memref<4096xi32, #tpu.memory_space<vmem>>, vector<16xi32>,
          tpu.vector_store %arg9[%swap3A_380], %broadcast_in_dim3A_3 {strides = array<i32>} : memref<4096xi32, #tpu.memory_space<vmem>>, vector<16xi32>,
          %scan3A_382 = arith.constant 4 : i32
          %scan3A_383 = arith.addi %scan3A_359, %scan3A_382 : i32
          %mul3A_384 = arith.constant 16 : i32
          %mul3A_385 = arith.muli %scan3A_383, %mul3A_384 : i32
          %swap3A_386 = arith.index_cast %mul3A_385 : i32 to index
          %swap3A_387 = tpu.vector_load %arg9[%swap3A_386] {strides = array<i32>} : memref<4096xi32, #tpu.memory_space<vmem>>, vector<16xi32>,
          tpu.vector_store %arg9[%swap3A_386], %broadcast_in_dim3A_3 {strides = array<i32>} : memref<4096xi32, #tpu.memory_space<vmem>>, vector<16xi32>,
          %scan3A_388 = arith.constant 5 : i32
          %scan3A_389 = arith.addi %scan3A_359, %scan3A_388 : i32
          %mul3A_390 = arith.constant 16 : i32
          %mul3A_391 = arith.muli %scan3A_389, %mul3A_390 : i32
          %swap3A_392 = arith.index_cast %mul3A_391 : i32 to index
          %swap3A_393 = tpu.vector_load %arg9[%swap3A_392] {strides = array<i32>} : memref<4096xi32, #tpu.memory_space<vmem>>, vector<16xi32>,
          tpu.vector_store %arg9[%swap3A_392], %broadcast_in_dim3A_3 {strides = array<i32>} : memref<4096xi32, #tpu.memory_space<vmem>>, vector<16xi32>,
          %scan3A_394 = arith.constant 6 : i32
          %scan3A_395 = arith.addi %scan3A_359, %scan3A_394 : i32
          %mul3A_396 = arith.constant 16 : i32
          %mul3A_397 = arith.muli %scan3A_395, %mul3A_396 : i32
          %swap3A_398 = arith.index_cast %mul3A_397 : i32 to index
          %swap3A_399 = tpu.vector_load %arg9[%swap3A_398] {strides = array<i32>} : memref<4096xi32, #tpu.memory_space<vmem>>, vector<16xi32>,
          tpu.vector_store %arg9[%swap3A_398], %broadcast_in_dim3A_3 {strides = array<i32>} : memref<4096xi32, #tpu.memory_space<vmem>>, vector<16xi32>,
          %scan3A_400 = arith.constant 7 : i32
          %scan3A_401 = arith.addi %scan3A_359, %scan3A_400 : i32
          %mul3A_402 = arith.constant 16 : i32
          %mul3A_403 = arith.muli %scan3A_401, %mul3A_402 : i32
          %swap3A_404 = arith.index_cast %mul3A_403 : i32 to index
          %swap3A_405 = tpu.vector_load %arg9[%swap3A_404] {strides = array<i32>} : memref<4096xi32, #tpu.memory_space<vmem>>, vector<16xi32>,
          tpu.vector_store %arg9[%swap3A_404], %broadcast_in_dim3A_3 {strides = array<i32>} : memref<4096xi32, #tpu.memory_space<vmem>>, vector<16xi32>,
        }
        %scan3A_336 = arith.constant 256 : i32
        %scan3A_337 = arith.constant 0 : i32
        %scan3A_338 = arith.constant 0 : i32
        %scan3A_339 = arith.constant 2048 : i32
        %scan3A_340 = arith.addi %scan3A_338, %scan3A_339 : i32
        %scan3A_341 = arith.constant 8 : i32
        scf.for %scan3A_359 = %scan3A_338 to %scan3A_340 step %scan3A_341  : i32 {
          %mul3A_360 = arith.constant 16 : i32
          %mul3A_361 = arith.muli %scan3A_359, %mul3A_360 : i32
          %get3A_362 = arith.index_cast %mul3A_361 : i32 to index
          %get3A_363 = tpu.vector_load %arg6[%get3A_362] {strides = array<i32>} : memref<32768xf32, #tpu.memory_space<vmem>>, vector<16xf32>,
          %bitcast_convert_type3A_364 = tpu.bitcast %get3A_363 : vector<16xf32> -> vector<16xi32>
          %shift_right_arithmetic3A_365 = arith.constant 31 : i32
          %shift_right_arithmetic3A_366 = vector.broadcast %shift_right_arithmetic3A_365 : i32 to vector<16xi32>
          %shift_right_arithmetic3A_367 = arith.shrsi %bitcast_convert_type3A_364, %shift_right_arithmetic3A_366 : vector<16xi32>
          %and3A_368 = arith.constant 2147483647 : i32
          %and3A_369 = vector.broadcast %and3A_368 : i32 to vector<16xi32>
          %and3A_370 = arith.andi %shift_right_arithmetic3A_367, %and3A_369 : vector<16xi32>
          %xor3A_371 = arith.xori %bitcast_convert_type3A_364, %and3A_370 : vector<16xi32>
          %shift_right_arithmetic3A_372 = arith.constant 20 : i32
          %shift_right_arithmetic3A_373 = vector.broadcast %shift_right_arithmetic3A_372 : i32 to vector<16xi32>
          %shift_right_arithmetic3A_374 = arith.shrsi %xor3A_371, %shift_right_arithmetic3A_373 : vector<16xi32>
          %add3A_375 = arith.constant 2048 : i32
          %add3A_376 = vector.broadcast %add3A_375 : i32 to vector<16xi32>
          %add3A_377 = arith.addi %shift_right_arithmetic3A_374, %add3A_376 : vector<16xi32>
          tpu.vector_store_idx %arg9[%add3A_377], %broadcast_in_dim3A_5 {add = true} : memref<4096xi32, #tpu.memory_space<vmem>>[vector<16xi32>], vector<16xi32>,
          %scan3A_378 = arith.constant 1 : i32
          %scan3A_379 = arith.addi %scan3A_359, %scan3A_378 : i32
          %mul3A_380 = arith.constant 16 : i32
          %mul3A_381 = arith.muli %scan3A_379, %mul3A_380 : i32
          %get3A_382 = arith.index_cast %mul3A_381 : i32 to index
          %get3A_383 = tpu.vector_load %arg6[%get3A_382] {strides = array<i32>} : memref<32768xf32, #tpu.memory_space<vmem>>, vector<16xf32>,
          %bitcast_convert_type3A_384 = tpu.bitcast %get3A_383 : vector<16xf32> -> vector<16xi32>
          %shift_right_arithmetic3A_385 = arith.constant 31 : i32
          %shift_right_arithmetic3A_386 = vector.broadcast %shift_right_arithmetic3A_385 : i32 to vector<16xi32>
          %shift_right_arithmetic3A_387 = arith.shrsi %bitcast_convert_type3A_384, %shift_right_arithmetic3A_386 : vector<16xi32>
          %and3A_388 = arith.constant 2147483647 : i32
          %and3A_389 = vector.broadcast %and3A_388 : i32 to vector<16xi32>
          %and3A_390 = arith.andi %shift_right_arithmetic3A_387, %and3A_389 : vector<16xi32>
          %xor3A_391 = arith.xori %bitcast_convert_type3A_384, %and3A_390 : vector<16xi32>
          %shift_right_arithmetic3A_392 = arith.constant 20 : i32
          %shift_right_arithmetic3A_393 = vector.broadcast %shift_right_arithmetic3A_392 : i32 to vector<16xi32>
          %shift_right_arithmetic3A_394 = arith.shrsi %xor3A_391, %shift_right_arithmetic3A_393 : vector<16xi32>
          %add3A_395 = arith.constant 2048 : i32
          %add3A_396 = vector.broadcast %add3A_395 : i32 to vector<16xi32>
          %add3A_397 = arith.addi %shift_right_arithmetic3A_394, %add3A_396 : vector<16xi32>
          tpu.vector_store_idx %arg9[%add3A_397], %broadcast_in_dim3A_5 {add = true} : memref<4096xi32, #tpu.memory_space<vmem>>[vector<16xi32>], vector<16xi32>,
          %scan3A_398 = arith.constant 2 : i32
          %scan3A_399 = arith.addi %scan3A_359, %scan3A_398 : i32
          %mul3A_400 = arith.constant 16 : i32
          %mul3A_401 = arith.muli %scan3A_399, %mul3A_400 : i32
          %get3A_402 = arith.index_cast %mul3A_401 : i32 to index
          %get3A_403 = tpu.vector_load %arg6[%get3A_402] {strides = array<i32>} : memref<32768xf32, #tpu.memory_space<vmem>>, vector<16xf32>,
          %bitcast_convert_type3A_404 = tpu.bitcast %get3A_403 : vector<16xf32> -> vector<16xi32>
          %shift_right_arithmetic3A_405 = arith.constant 31 : i32
          %shift_right_arithmetic3A_406 = vector.broadcast %shift_right_arithmetic3A_405 : i32 to vector<16xi32>
          %shift_right_arithmetic3A_407 = arith.shrsi %bitcast_convert_type3A_404, %shift_right_arithmetic3A_406 : vector<16xi32>
          %and3A_408 = arith.constant 2147483647 : i32
          %and3A_409 = vector.broadcast %and3A_408 : i32 to vector<16xi32>
          %and3A_410 = arith.andi %shift_right_arithmetic3A_407, %and3A_409 : vector<16xi32>
          %xor3A_411 = arith.xori %bitcast_convert_type3A_404, %and3A_410 : vector<16xi32>
          %shift_right_arithmetic3A_412 = arith.constant 20 : i32
          %shift_right_arithmetic3A_413 = vector.broadcast %shift_right_arithmetic3A_412 : i32 to vector<16xi32>
          %shift_right_arithmetic3A_414 = arith.shrsi %xor3A_411, %shift_right_arithmetic3A_413 : vector<16xi32>
          %add3A_415 = arith.constant 2048 : i32
          %add3A_416 = vector.broadcast %add3A_415 : i32 to vector<16xi32>
          %add3A_417 = arith.addi %shift_right_arithmetic3A_414, %add3A_416 : vector<16xi32>
          tpu.vector_store_idx %arg9[%add3A_417], %broadcast_in_dim3A_5 {add = true} : memref<4096xi32, #tpu.memory_space<vmem>>[vector<16xi32>], vector<16xi32>,
          %scan3A_418 = arith.constant 3 : i32
          %scan3A_419 = arith.addi %scan3A_359, %scan3A_418 : i32
          %mul3A_420 = arith.constant 16 : i32
          %mul3A_421 = arith.muli %scan3A_419, %mul3A_420 : i32
          %get3A_422 = arith.index_cast %mul3A_421 : i32 to index
          %get3A_423 = tpu.vector_load %arg6[%get3A_422] {strides = array<i32>} : memref<32768xf32, #tpu.memory_space<vmem>>, vector<16xf32>,
          %bitcast_convert_type3A_424 = tpu.bitcast %get3A_423 : vector<16xf32> -> vector<16xi32>
          %shift_right_arithmetic3A_425 = arith.constant 31 : i32
          %shift_right_arithmetic3A_426 = vector.broadcast %shift_right_arithmetic3A_425 : i32 to vector<16xi32>
          %shift_right_arithmetic3A_427 = arith.shrsi %bitcast_convert_type3A_424, %shift_right_arithmetic3A_426 : vector<16xi32>
          %and3A_428 = arith.constant 2147483647 : i32
          %and3A_429 = vector.broadcast %and3A_428 : i32 to vector<16xi32>
          %and3A_430 = arith.andi %shift_right_arithmetic3A_427, %and3A_429 : vector<16xi32>
          %xor3A_431 = arith.xori %bitcast_convert_type3A_424, %and3A_430 : vector<16xi32>
          %shift_right_arithmetic3A_432 = arith.constant 20 : i32
          %shift_right_arithmetic3A_433 = vector.broadcast %shift_right_arithmetic3A_432 : i32 to vector<16xi32>
          %shift_right_arithmetic3A_434 = arith.shrsi %xor3A_431, %shift_right_arithmetic3A_433 : vector<16xi32>
          %add3A_435 = arith.constant 2048 : i32
          %add3A_436 = vector.broadcast %add3A_435 : i32 to vector<16xi32>
          %add3A_437 = arith.addi %shift_right_arithmetic3A_434, %add3A_436 : vector<16xi32>
          tpu.vector_store_idx %arg9[%add3A_437], %broadcast_in_dim3A_5 {add = true} : memref<4096xi32, #tpu.memory_space<vmem>>[vector<16xi32>], vector<16xi32>,
          %scan3A_438 = arith.constant 4 : i32
          %scan3A_439 = arith.addi %scan3A_359, %scan3A_438 : i32
          %mul3A_440 = arith.constant 16 : i32
          %mul3A_441 = arith.muli %scan3A_439, %mul3A_440 : i32
          %get3A_442 = arith.index_cast %mul3A_441 : i32 to index
          %get3A_443 = tpu.vector_load %arg6[%get3A_442] {strides = array<i32>} : memref<32768xf32, #tpu.memory_space<vmem>>, vector<16xf32>,
          %bitcast_convert_type3A_444 = tpu.bitcast %get3A_443 : vector<16xf32> -> vector<16xi32>
          %shift_right_arithmetic3A_445 = arith.constant 31 : i32
          %shift_right_arithmetic3A_446 = vector.broadcast %shift_right_arithmetic3A_445 : i32 to vector<16xi32>
          %shift_right_arithmetic3A_447 = arith.shrsi %bitcast_convert_type3A_444, %shift_right_arithmetic3A_446 : vector<16xi32>
          %and3A_448 = arith.constant 2147483647 : i32
          %and3A_449 = vector.broadcast %and3A_448 : i32 to vector<16xi32>
          %and3A_450 = arith.andi %shift_right_arithmetic3A_447, %and3A_449 : vector<16xi32>
          %xor3A_451 = arith.xori %bitcast_convert_type3A_444, %and3A_450 : vector<16xi32>
          %shift_right_arithmetic3A_452 = arith.constant 20 : i32
          %shift_right_arithmetic3A_453 = vector.broadcast %shift_right_arithmetic3A_452 : i32 to vector<16xi32>
          %shift_right_arithmetic3A_454 = arith.shrsi %xor3A_451, %shift_right_arithmetic3A_453 : vector<16xi32>
          %add3A_455 = arith.constant 2048 : i32
          %add3A_456 = vector.broadcast %add3A_455 : i32 to vector<16xi32>
          %add3A_457 = arith.addi %shift_right_arithmetic3A_454, %add3A_456 : vector<16xi32>
          tpu.vector_store_idx %arg9[%add3A_457], %broadcast_in_dim3A_5 {add = true} : memref<4096xi32, #tpu.memory_space<vmem>>[vector<16xi32>], vector<16xi32>,
          %scan3A_458 = arith.constant 5 : i32
          %scan3A_459 = arith.addi %scan3A_359, %scan3A_458 : i32
          %mul3A_460 = arith.constant 16 : i32
          %mul3A_461 = arith.muli %scan3A_459, %mul3A_460 : i32
          %get3A_462 = arith.index_cast %mul3A_461 : i32 to index
          %get3A_463 = tpu.vector_load %arg6[%get3A_462] {strides = array<i32>} : memref<32768xf32, #tpu.memory_space<vmem>>, vector<16xf32>,
          %bitcast_convert_type3A_464 = tpu.bitcast %get3A_463 : vector<16xf32> -> vector<16xi32>
          %shift_right_arithmetic3A_465 = arith.constant 31 : i32
          %shift_right_arithmetic3A_466 = vector.broadcast %shift_right_arithmetic3A_465 : i32 to vector<16xi32>
          %shift_right_arithmetic3A_467 = arith.shrsi %bitcast_convert_type3A_464, %shift_right_arithmetic3A_466 : vector<16xi32>
          %and3A_468 = arith.constant 2147483647 : i32
          %and3A_469 = vector.broadcast %and3A_468 : i32 to vector<16xi32>
          %and3A_470 = arith.andi %shift_right_arithmetic3A_467, %and3A_469 : vector<16xi32>
          %xor3A_471 = arith.xori %bitcast_convert_type3A_464, %and3A_470 : vector<16xi32>
          %shift_right_arithmetic3A_472 = arith.constant 20 : i32
          %shift_right_arithmetic3A_473 = vector.broadcast %shift_right_arithmetic3A_472 : i32 to vector<16xi32>
          %shift_right_arithmetic3A_474 = arith.shrsi %xor3A_471, %shift_right_arithmetic3A_473 : vector<16xi32>
          %add3A_475 = arith.constant 2048 : i32
          %add3A_476 = vector.broadcast %add3A_475 : i32 to vector<16xi32>
          %add3A_477 = arith.addi %shift_right_arithmetic3A_474, %add3A_476 : vector<16xi32>
          tpu.vector_store_idx %arg9[%add3A_477], %broadcast_in_dim3A_5 {add = true} : memref<4096xi32, #tpu.memory_space<vmem>>[vector<16xi32>], vector<16xi32>,
          %scan3A_478 = arith.constant 6 : i32
          %scan3A_479 = arith.addi %scan3A_359, %scan3A_478 : i32
          %mul3A_480 = arith.constant 16 : i32
          %mul3A_481 = arith.muli %scan3A_479, %mul3A_480 : i32
          %get3A_482 = arith.index_cast %mul3A_481 : i32 to index
          %get3A_483 = tpu.vector_load %arg6[%get3A_482] {strides = array<i32>} : memref<32768xf32, #tpu.memory_space<vmem>>, vector<16xf32>,
          %bitcast_convert_type3A_484 = tpu.bitcast %get3A_483 : vector<16xf32> -> vector<16xi32>
          %shift_right_arithmetic3A_485 = arith.constant 31 : i32
          %shift_right_arithmetic3A_486 = vector.broadcast %shift_right_arithmetic3A_485 : i32 to vector<16xi32>
          %shift_right_arithmetic3A_487 = arith.shrsi %bitcast_convert_type3A_484, %shift_right_arithmetic3A_486 : vector<16xi32>
          %and3A_488 = arith.constant 2147483647 : i32
          %and3A_489 = vector.broadcast %and3A_488 : i32 to vector<16xi32>
          %and3A_490 = arith.andi %shift_right_arithmetic3A_487, %and3A_489 : vector<16xi32>
          %xor3A_491 = arith.xori %bitcast_convert_type3A_484, %and3A_490 : vector<16xi32>
          %shift_right_arithmetic3A_492 = arith.constant 20 : i32
          %shift_right_arithmetic3A_493 = vector.broadcast %shift_right_arithmetic3A_492 : i32 to vector<16xi32>
          %shift_right_arithmetic3A_494 = arith.shrsi %xor3A_491, %shift_right_arithmetic3A_493 : vector<16xi32>
          %add3A_495 = arith.constant 2048 : i32
          %add3A_496 = vector.broadcast %add3A_495 : i32 to vector<16xi32>
          %add3A_497 = arith.addi %shift_right_arithmetic3A_494, %add3A_496 : vector<16xi32>
          tpu.vector_store_idx %arg9[%add3A_497], %broadcast_in_dim3A_5 {add = true} : memref<4096xi32, #tpu.memory_space<vmem>>[vector<16xi32>], vector<16xi32>,
          %scan3A_498 = arith.constant 7 : i32
          %scan3A_499 = arith.addi %scan3A_359, %scan3A_498 : i32
          %mul3A_500 = arith.constant 16 : i32
          %mul3A_501 = arith.muli %scan3A_499, %mul3A_500 : i32
          %get3A_502 = arith.index_cast %mul3A_501 : i32 to index
          %get3A_503 = tpu.vector_load %arg6[%get3A_502] {strides = array<i32>} : memref<32768xf32, #tpu.memory_space<vmem>>, vector<16xf32>,
          %bitcast_convert_type3A_504 = tpu.bitcast %get3A_503 : vector<16xf32> -> vector<16xi32>
          %shift_right_arithmetic3A_505 = arith.constant 31 : i32
          %shift_right_arithmetic3A_506 = vector.broadcast %shift_right_arithmetic3A_505 : i32 to vector<16xi32>
          %shift_right_arithmetic3A_507 = arith.shrsi %bitcast_convert_type3A_504, %shift_right_arithmetic3A_506 : vector<16xi32>
          %and3A_508 = arith.constant 2147483647 : i32
          %and3A_509 = vector.broadcast %and3A_508 : i32 to vector<16xi32>
          %and3A_510 = arith.andi %shift_right_arithmetic3A_507, %and3A_509 : vector<16xi32>
          %xor3A_511 = arith.xori %bitcast_convert_type3A_504, %and3A_510 : vector<16xi32>
          %shift_right_arithmetic3A_512 = arith.constant 20 : i32
          %shift_right_arithmetic3A_513 = vector.broadcast %shift_right_arithmetic3A_512 : i32 to vector<16xi32>
          %shift_right_arithmetic3A_514 = arith.shrsi %xor3A_511, %shift_right_arithmetic3A_513 : vector<16xi32>
          %add3A_515 = arith.constant 2048 : i32
          %add3A_516 = vector.broadcast %add3A_515 : i32 to vector<16xi32>
          %add3A_517 = arith.addi %shift_right_arithmetic3A_514, %add3A_516 : vector<16xi32>
          tpu.vector_store_idx %arg9[%add3A_517], %broadcast_in_dim3A_5 {add = true} : memref<4096xi32, #tpu.memory_space<vmem>>[vector<16xi32>], vector<16xi32>,
        }
        %scan3A_342 = arith.constant 2048 : i32
        %scan3A_343 = arith.constant 0 : i32
        %scan3A_344 = arith.constant 0 : i32
        %scan3A_345 = arith.constant 0 : i32
        %scan3A_346 = arith.constant 0 : i32
        %scan3A_347 = arith.constant 256 : i32
        %scan3A_348 = arith.addi %scan3A_346, %scan3A_347 : i32
        %scan3A_349 = arith.constant 4 : i32
        %scan3A_350:3 = scf.for %scan3A_359 = %scan3A_346 to %scan3A_348 step %scan3A_349 iter_args(%scan3A_360 = %scan3A_343, %scan3A_361 = %scan3A_344, %scan3A_362 = %scan3A_345) -> (i32, i32, i32)  : i32 {
          %sub3A_363 = arith.constant 255 : i32
          %sub3A_364 = arith.subi %sub3A_363, %scan3A_359 : i32
          %mul3A_365 = arith.constant 16 : i32
          %mul3A_366 = arith.muli %sub3A_364, %mul3A_365 : i32
          %get3A_367 = arith.index_cast %mul3A_366 : i32 to index
          %get3A_368 = tpu.vector_load %arg9[%get3A_367] {strides = array<i32>} : memref<4096xi32, #tpu.memory_space<vmem>>, vector<16xi32>,
          %broadcast_in_dim3A_369 = arith.constant true
          %broadcast_in_dim3A_370 = vector.broadcast %broadcast_in_dim3A_369 : i1 to vector<16xi1>
          %masked_cumsum3A = tpu.scan <sum>, %get3A_368 masked %broadcast_in_dim3A_370 : vector<16xi32>, vector<16xi1> -> vector<16xi32>
          %reduce_max3A_371 = arith.constant true
          %reduce_max3A_372 = vector.broadcast %reduce_max3A_371 : i1 to vector<16xi1>
          %reduce_max3A_373 = arith.constant -2147483648 : i32
          %reduce_max3A_374 = vector.broadcast %reduce_max3A_373 : i32 to vector<16xi32>
          %reduce_max3A_375 = arith.xori %masked_cumsum3A, %reduce_max3A_374 : vector<16xi32>
          %reduce_max3A_376 = tpu.scan <max>, %reduce_max3A_375 masked %reduce_max3A_372 : vector<16xi32>, vector<16xi1> -> vector<16xi32>
          %reduce_max3A_377 = arith.xori %reduce_max3A_376, %reduce_max3A_374 : vector<16xi32>
          %reduce_max3A_378 = vector.extract %reduce_max3A_377[15] : i32 from vector<16xi32>
          %sub3A_379 = vector.broadcast %reduce_max3A_378 : i32 to vector<16xi32>
          %sub3A_380 = arith.subi %sub3A_379, %masked_cumsum3A : vector<16xi32>
          %add3A_381 = arith.addi %sub3A_380, %get3A_368 : vector<16xi32>
          %add3A_382 = vector.broadcast %scan3A_360 : i32 to vector<16xi32>
          %add3A_383 = arith.addi %add3A_381, %add3A_382 : vector<16xi32>
          %ge3A_384 = arith.constant 64 : i32
          %ge3A_385 = vector.broadcast %ge3A_384 : i32 to vector<16xi32>
          %ge3A_386 = arith.cmpi sge, %add3A_383, %ge3A_385 : vector<16xi32>
          %all_reduce_population_count3A = tpu.all_reduce %ge3A_386 {dim = 0 : i64, kind = #tpu.reduction_kind<sum>} : vector<16xi1> -> vector<16xi32>
          %reduce_max3A_387 = arith.constant true
          %reduce_max3A_388 = vector.broadcast %reduce_max3A_387 : i1 to vector<16xi1>
          %reduce_max3A_389 = arith.constant -2147483648 : i32
          %reduce_max3A_390 = vector.broadcast %reduce_max3A_389 : i32 to vector<16xi32>
          %reduce_max3A_391 = arith.xori %all_reduce_population_count3A, %reduce_max3A_390 : vector<16xi32>
          %reduce_max3A_392 = tpu.scan <max>, %reduce_max3A_391 masked %reduce_max3A_388 : vector<16xi32>, vector<16xi1> -> vector<16xi32>
          %reduce_max3A_393 = arith.xori %reduce_max3A_392, %reduce_max3A_390 : vector<16xi32>
          %reduce_max3A_394 = vector.extract %reduce_max3A_393[15] : i32 from vector<16xi32>
          %eq3A = arith.constant 0 : i32
          %eq3A_395 = arith.cmpi eq, %scan3A_362, %eq3A : i32
          %gt3A_396 = arith.constant 0 : i32
          %gt3A_397 = arith.cmpi sgt, %reduce_max3A_394, %gt3A_396 : i32
          %and3A_398 = arith.andi %eq3A_395, %gt3A_397 : i1
          %mul3A_399 = arith.constant 16 : i32
          %mul3A_400 = arith.muli %sub3A_364, %mul3A_399 : i32
          %add3A_401 = arith.addi %mul3A_400, %reduce_max3A_394 : i32
          %sub3A_402 = arith.constant 1 : i32
          %sub3A_403 = arith.subi %add3A_401, %sub3A_402 : i32
          %select_n3A_404 = arith.select %and3A_398, %sub3A_403, %scan3A_361 : i32
          %jit3A_405 = arith.constant 1 : i32
          %select_n3A_406 = arith.select %and3A_398, %jit3A_405, %scan3A_362 : i32
          %add3A_407 = arith.addi %scan3A_360, %reduce_max3A_378 : i32
          %scan3A_408 = arith.constant 1 : i32
          %scan3A_409 = arith.addi %scan3A_359, %scan3A_408 : i32
          %sub3A_410 = arith.constant 255 : i32
          %sub3A_411 = arith.subi %sub3A_410, %scan3A_409 : i32
          %mul3A_412 = arith.constant 16 : i32
          %mul3A_413 = arith.muli %sub3A_411, %mul3A_412 : i32
          %get3A_414 = arith.index_cast %mul3A_413 : i32 to index
          %get3A_415 = tpu.vector_load %arg9[%get3A_414] {strides = array<i32>} : memref<4096xi32, #tpu.memory_space<vmem>>, vector<16xi32>,
          %broadcast_in_dim3A_416 = arith.constant true
          %broadcast_in_dim3A_417 = vector.broadcast %broadcast_in_dim3A_416 : i1 to vector<16xi1>
          %masked_cumsum3A_418 = tpu.scan <sum>, %get3A_415 masked %broadcast_in_dim3A_417 : vector<16xi32>, vector<16xi1> -> vector<16xi32>
          %reduce_max3A_419 = arith.constant true
          %reduce_max3A_420 = vector.broadcast %reduce_max3A_419 : i1 to vector<16xi1>
          %reduce_max3A_421 = arith.constant -2147483648 : i32
          %reduce_max3A_422 = vector.broadcast %reduce_max3A_421 : i32 to vector<16xi32>
          %reduce_max3A_423 = arith.xori %masked_cumsum3A_418, %reduce_max3A_422 : vector<16xi32>
          %reduce_max3A_424 = tpu.scan <max>, %reduce_max3A_423 masked %reduce_max3A_420 : vector<16xi32>, vector<16xi1> -> vector<16xi32>
          %reduce_max3A_425 = arith.xori %reduce_max3A_424, %reduce_max3A_422 : vector<16xi32>
          %reduce_max3A_426 = vector.extract %reduce_max3A_425[15] : i32 from vector<16xi32>
          %sub3A_427 = vector.broadcast %reduce_max3A_426 : i32 to vector<16xi32>
          %sub3A_428 = arith.subi %sub3A_427, %masked_cumsum3A_418 : vector<16xi32>
          %add3A_429 = arith.addi %sub3A_428, %get3A_415 : vector<16xi32>
          %add3A_430 = vector.broadcast %add3A_407 : i32 to vector<16xi32>
          %add3A_431 = arith.addi %add3A_429, %add3A_430 : vector<16xi32>
          %ge3A_432 = arith.constant 64 : i32
          %ge3A_433 = vector.broadcast %ge3A_432 : i32 to vector<16xi32>
          %ge3A_434 = arith.cmpi sge, %add3A_431, %ge3A_433 : vector<16xi32>
          %all_reduce_population_count3A_435 = tpu.all_reduce %ge3A_434 {dim = 0 : i64, kind = #tpu.reduction_kind<sum>} : vector<16xi1> -> vector<16xi32>
          %reduce_max3A_436 = arith.constant true
          %reduce_max3A_437 = vector.broadcast %reduce_max3A_436 : i1 to vector<16xi1>
          %reduce_max3A_438 = arith.constant -2147483648 : i32
          %reduce_max3A_439 = vector.broadcast %reduce_max3A_438 : i32 to vector<16xi32>
          %reduce_max3A_440 = arith.xori %all_reduce_population_count3A_435, %reduce_max3A_439 : vector<16xi32>
          %reduce_max3A_441 = tpu.scan <max>, %reduce_max3A_440 masked %reduce_max3A_437 : vector<16xi32>, vector<16xi1> -> vector<16xi32>
          %reduce_max3A_442 = arith.xori %reduce_max3A_441, %reduce_max3A_439 : vector<16xi32>
          %reduce_max3A_443 = vector.extract %reduce_max3A_442[15] : i32 from vector<16xi32>
          %eq3A_444 = arith.constant 0 : i32
          %eq3A_445 = arith.cmpi eq, %select_n3A_406, %eq3A_444 : i32
          %gt3A_446 = arith.constant 0 : i32
          %gt3A_447 = arith.cmpi sgt, %reduce_max3A_443, %gt3A_446 : i32
          %and3A_448 = arith.andi %eq3A_445, %gt3A_447 : i1
          %mul3A_449 = arith.constant 16 : i32
          %mul3A_450 = arith.muli %sub3A_411, %mul3A_449 : i32
          %add3A_451 = arith.addi %mul3A_450, %reduce_max3A_443 : i32
          %sub3A_452 = arith.constant 1 : i32
          %sub3A_453 = arith.subi %add3A_451, %sub3A_452 : i32
          %select_n3A_454 = arith.select %and3A_448, %sub3A_453, %select_n3A_404 : i32
          %jit3A_455 = arith.constant 1 : i32
          %select_n3A_456 = arith.select %and3A_448, %jit3A_455, %select_n3A_406 : i32
          %add3A_457 = arith.addi %add3A_407, %reduce_max3A_426 : i32
          %scan3A_458 = arith.constant 2 : i32
          %scan3A_459 = arith.addi %scan3A_359, %scan3A_458 : i32
          %sub3A_460 = arith.constant 255 : i32
          %sub3A_461 = arith.subi %sub3A_460, %scan3A_459 : i32
          %mul3A_462 = arith.constant 16 : i32
          %mul3A_463 = arith.muli %sub3A_461, %mul3A_462 : i32
          %get3A_464 = arith.index_cast %mul3A_463 : i32 to index
          %get3A_465 = tpu.vector_load %arg9[%get3A_464] {strides = array<i32>} : memref<4096xi32, #tpu.memory_space<vmem>>, vector<16xi32>,
          %broadcast_in_dim3A_466 = arith.constant true
          %broadcast_in_dim3A_467 = vector.broadcast %broadcast_in_dim3A_466 : i1 to vector<16xi1>
          %masked_cumsum3A_468 = tpu.scan <sum>, %get3A_465 masked %broadcast_in_dim3A_467 : vector<16xi32>, vector<16xi1> -> vector<16xi32>
          %reduce_max3A_469 = arith.constant true
          %reduce_max3A_470 = vector.broadcast %reduce_max3A_469 : i1 to vector<16xi1>
          %reduce_max3A_471 = arith.constant -2147483648 : i32
          %reduce_max3A_472 = vector.broadcast %reduce_max3A_471 : i32 to vector<16xi32>
          %reduce_max3A_473 = arith.xori %masked_cumsum3A_468, %reduce_max3A_472 : vector<16xi32>
          %reduce_max3A_474 = tpu.scan <max>, %reduce_max3A_473 masked %reduce_max3A_470 : vector<16xi32>, vector<16xi1> -> vector<16xi32>
          %reduce_max3A_475 = arith.xori %reduce_max3A_474, %reduce_max3A_472 : vector<16xi32>
          %reduce_max3A_476 = vector.extract %reduce_max3A_475[15] : i32 from vector<16xi32>
          %sub3A_477 = vector.broadcast %reduce_max3A_476 : i32 to vector<16xi32>
          %sub3A_478 = arith.subi %sub3A_477, %masked_cumsum3A_468 : vector<16xi32>
          %add3A_479 = arith.addi %sub3A_478, %get3A_465 : vector<16xi32>
          %add3A_480 = vector.broadcast %add3A_457 : i32 to vector<16xi32>
          %add3A_481 = arith.addi %add3A_479, %add3A_480 : vector<16xi32>
          %ge3A_482 = arith.constant 64 : i32
          %ge3A_483 = vector.broadcast %ge3A_482 : i32 to vector<16xi32>
          %ge3A_484 = arith.cmpi sge, %add3A_481, %ge3A_483 : vector<16xi32>
          %all_reduce_population_count3A_485 = tpu.all_reduce %ge3A_484 {dim = 0 : i64, kind = #tpu.reduction_kind<sum>} : vector<16xi1> -> vector<16xi32>
          %reduce_max3A_486 = arith.constant true
          %reduce_max3A_487 = vector.broadcast %reduce_max3A_486 : i1 to vector<16xi1>
          %reduce_max3A_488 = arith.constant -2147483648 : i32
          %reduce_max3A_489 = vector.broadcast %reduce_max3A_488 : i32 to vector<16xi32>
          %reduce_max3A_490 = arith.xori %all_reduce_population_count3A_485, %reduce_max3A_489 : vector<16xi32>
          %reduce_max3A_491 = tpu.scan <max>, %reduce_max3A_490 masked %reduce_max3A_487 : vector<16xi32>, vector<16xi1> -> vector<16xi32>
          %reduce_max3A_492 = arith.xori %reduce_max3A_491, %reduce_max3A_489 : vector<16xi32>
          %reduce_max3A_493 = vector.extract %reduce_max3A_492[15] : i32 from vector<16xi32>
          %eq3A_494 = arith.constant 0 : i32
          %eq3A_495 = arith.cmpi eq, %select_n3A_456, %eq3A_494 : i32
          %gt3A_496 = arith.constant 0 : i32
          %gt3A_497 = arith.cmpi sgt, %reduce_max3A_493, %gt3A_496 : i32
          %and3A_498 = arith.andi %eq3A_495, %gt3A_497 : i1
          %mul3A_499 = arith.constant 16 : i32
          %mul3A_500 = arith.muli %sub3A_461, %mul3A_499 : i32
          %add3A_501 = arith.addi %mul3A_500, %reduce_max3A_493 : i32
          %sub3A_502 = arith.constant 1 : i32
          %sub3A_503 = arith.subi %add3A_501, %sub3A_502 : i32
          %select_n3A_504 = arith.select %and3A_498, %sub3A_503, %select_n3A_454 : i32
          %jit3A_505 = arith.constant 1 : i32
          %select_n3A_506 = arith.select %and3A_498, %jit3A_505, %select_n3A_456 : i32
          %add3A_507 = arith.addi %add3A_457, %reduce_max3A_476 : i32
          %scan3A_508 = arith.constant 3 : i32
          %scan3A_509 = arith.addi %scan3A_359, %scan3A_508 : i32
          %sub3A_510 = arith.constant 255 : i32
          %sub3A_511 = arith.subi %sub3A_510, %scan3A_509 : i32
          %mul3A_512 = arith.constant 16 : i32
          %mul3A_513 = arith.muli %sub3A_511, %mul3A_512 : i32
          %get3A_514 = arith.index_cast %mul3A_513 : i32 to index
          %get3A_515 = tpu.vector_load %arg9[%get3A_514] {strides = array<i32>} : memref<4096xi32, #tpu.memory_space<vmem>>, vector<16xi32>,
          %broadcast_in_dim3A_516 = arith.constant true
          %broadcast_in_dim3A_517 = vector.broadcast %broadcast_in_dim3A_516 : i1 to vector<16xi1>
          %masked_cumsum3A_518 = tpu.scan <sum>, %get3A_515 masked %broadcast_in_dim3A_517 : vector<16xi32>, vector<16xi1> -> vector<16xi32>
          %reduce_max3A_519 = arith.constant true
          %reduce_max3A_520 = vector.broadcast %reduce_max3A_519 : i1 to vector<16xi1>
          %reduce_max3A_521 = arith.constant -2147483648 : i32
          %reduce_max3A_522 = vector.broadcast %reduce_max3A_521 : i32 to vector<16xi32>
          %reduce_max3A_523 = arith.xori %masked_cumsum3A_518, %reduce_max3A_522 : vector<16xi32>
          %reduce_max3A_524 = tpu.scan <max>, %reduce_max3A_523 masked %reduce_max3A_520 : vector<16xi32>, vector<16xi1> -> vector<16xi32>
          %reduce_max3A_525 = arith.xori %reduce_max3A_524, %reduce_max3A_522 : vector<16xi32>
          %reduce_max3A_526 = vector.extract %reduce_max3A_525[15] : i32 from vector<16xi32>
          %sub3A_527 = vector.broadcast %reduce_max3A_526 : i32 to vector<16xi32>
          %sub3A_528 = arith.subi %sub3A_527, %masked_cumsum3A_518 : vector<16xi32>
          %add3A_529 = arith.addi %sub3A_528, %get3A_515 : vector<16xi32>
          %add3A_530 = vector.broadcast %add3A_507 : i32 to vector<16xi32>
          %add3A_531 = arith.addi %add3A_529, %add3A_530 : vector<16xi32>
          %ge3A_532 = arith.constant 64 : i32
          %ge3A_533 = vector.broadcast %ge3A_532 : i32 to vector<16xi32>
          %ge3A_534 = arith.cmpi sge, %add3A_531, %ge3A_533 : vector<16xi32>
          %all_reduce_population_count3A_535 = tpu.all_reduce %ge3A_534 {dim = 0 : i64, kind = #tpu.reduction_kind<sum>} : vector<16xi1> -> vector<16xi32>
          %reduce_max3A_536 = arith.constant true
          %reduce_max3A_537 = vector.broadcast %reduce_max3A_536 : i1 to vector<16xi1>
          %reduce_max3A_538 = arith.constant -2147483648 : i32
          %reduce_max3A_539 = vector.broadcast %reduce_max3A_538 : i32 to vector<16xi32>
          %reduce_max3A_540 = arith.xori %all_reduce_population_count3A_535, %reduce_max3A_539 : vector<16xi32>
          %reduce_max3A_541 = tpu.scan <max>, %reduce_max3A_540 masked %reduce_max3A_537 : vector<16xi32>, vector<16xi1> -> vector<16xi32>
          %reduce_max3A_542 = arith.xori %reduce_max3A_541, %reduce_max3A_539 : vector<16xi32>
          %reduce_max3A_543 = vector.extract %reduce_max3A_542[15] : i32 from vector<16xi32>
          %eq3A_544 = arith.constant 0 : i32
          %eq3A_545 = arith.cmpi eq, %select_n3A_506, %eq3A_544 : i32
          %gt3A_546 = arith.constant 0 : i32
          %gt3A_547 = arith.cmpi sgt, %reduce_max3A_543, %gt3A_546 : i32
          %and3A_548 = arith.andi %eq3A_545, %gt3A_547 : i1
          %mul3A_549 = arith.constant 16 : i32
          %mul3A_550 = arith.muli %sub3A_511, %mul3A_549 : i32
          %add3A_551 = arith.addi %mul3A_550, %reduce_max3A_543 : i32
          %sub3A_552 = arith.constant 1 : i32
          %sub3A_553 = arith.subi %add3A_551, %sub3A_552 : i32
          %select_n3A_554 = arith.select %and3A_548, %sub3A_553, %select_n3A_504 : i32
          %jit3A_555 = arith.constant 1 : i32
          %select_n3A_556 = arith.select %and3A_548, %jit3A_555, %select_n3A_506 : i32
          %add3A_557 = arith.addi %add3A_507, %reduce_max3A_526 : i32
          scf.yield %add3A_557, %select_n3A_554, %select_n3A_556 : i32, i32, i32
        }
        %scan3A_351 = arith.constant 256 : i32
        %scan3A_352 = arith.constant 0 : i32
        %scan3A_353 = arith.constant 0 : i32
        %scan3A_354 = arith.constant 2048 : i32
        %scan3A_355 = arith.addi %scan3A_353, %scan3A_354 : i32
        %scan3A_356 = arith.constant 8 : i32
        %scan3A_357 = scf.for %scan3A_359 = %scan3A_353 to %scan3A_355 step %scan3A_356 iter_args(%scan3A_360 = %scan3A_352) -> (i32)  : i32 {
          %mul3A_361 = arith.constant 16 : i32
          %mul3A_362 = arith.muli %scan3A_359, %mul3A_361 : i32
          %get3A_363 = arith.index_cast %mul3A_362 : i32 to index
          %get3A_364 = tpu.vector_load %arg6[%get3A_363] {strides = array<i32>} : memref<32768xf32, #tpu.memory_space<vmem>>, vector<16xf32>,
          %bitcast_convert_type3A_365 = tpu.bitcast %get3A_364 : vector<16xf32> -> vector<16xi32>
          %shift_right_arithmetic3A_366 = arith.constant 31 : i32
          %shift_right_arithmetic3A_367 = vector.broadcast %shift_right_arithmetic3A_366 : i32 to vector<16xi32>
          %shift_right_arithmetic3A_368 = arith.shrsi %bitcast_convert_type3A_365, %shift_right_arithmetic3A_367 : vector<16xi32>
          %and3A_369 = arith.constant 2147483647 : i32
          %and3A_370 = vector.broadcast %and3A_369 : i32 to vector<16xi32>
          %and3A_371 = arith.andi %shift_right_arithmetic3A_368, %and3A_370 : vector<16xi32>
          %xor3A_372 = arith.xori %bitcast_convert_type3A_365, %and3A_371 : vector<16xi32>
          %shift_right_arithmetic3A_373 = arith.constant 20 : i32
          %shift_right_arithmetic3A_374 = vector.broadcast %shift_right_arithmetic3A_373 : i32 to vector<16xi32>
          %shift_right_arithmetic3A_375 = arith.shrsi %xor3A_372, %shift_right_arithmetic3A_374 : vector<16xi32>
          %add3A_376 = arith.constant 2048 : i32
          %add3A_377 = vector.broadcast %add3A_376 : i32 to vector<16xi32>
          %add3A_378 = arith.addi %shift_right_arithmetic3A_375, %add3A_377 : vector<16xi32>
          %ge3A_379 = vector.broadcast %scan3A_350#1 : i32 to vector<16xi32>
          %ge3A_380 = arith.cmpi sge, %add3A_378, %ge3A_379 : vector<16xi32>
          %convert_element_type3A_381 = arith.extui %ge3A_380 : vector<16xi1> to vector<16xi32>
          %broadcast_in_dim3A_382 = arith.constant true
          %broadcast_in_dim3A_383 = vector.broadcast %broadcast_in_dim3A_382 : i1 to vector<16xi1>
          %masked_cumsum3A = tpu.scan <sum>, %convert_element_type3A_381 masked %broadcast_in_dim3A_383 : vector<16xi32>, vector<16xi1> -> vector<16xi32>
          %add3A_384 = vector.broadcast %scan3A_360 : i32 to vector<16xi32>
          %add3A_385 = arith.addi %add3A_384, %masked_cumsum3A : vector<16xi32>
          %sub3A_386 = arith.subi %add3A_385, %convert_element_type3A_381 : vector<16xi32>
          %lt3A_387 = arith.constant 512 : i32
          %lt3A_388 = vector.broadcast %lt3A_387 : i32 to vector<16xi32>
          %lt3A_389 = arith.cmpi slt, %sub3A_386, %lt3A_388 : vector<16xi32>
          %and3A_390 = arith.andi %ge3A_380, %lt3A_389 : vector<16xi1>
          tpu.vector_store_idx %arg13[%sub3A_386], %xor3A_372 masked %and3A_390 : memref<512xi32, #tpu.memory_space<vmem>>[vector<16xi32>], vector<16xi32>, vector<16xi1>
          %mul3A_391 = arith.constant 16 : i32
          %mul3A_392 = arith.muli %scan3A_359, %mul3A_391 : i32
          %add3A_393 = vector.broadcast %mul3A_392 : i32 to vector<16xi32>
          %add3A_394 = arith.addi %add3A_393, %iota3A : vector<16xi32>
          tpu.vector_store_idx %arg14[%sub3A_386], %add3A_394 masked %and3A_390 : memref<512xi32, #tpu.memory_space<vmem>>[vector<16xi32>], vector<16xi32>, vector<16xi1>
          %all_reduce_population_count3A = tpu.all_reduce %ge3A_380 {dim = 0 : i64, kind = #tpu.reduction_kind<sum>} : vector<16xi1> -> vector<16xi32>
          %reduce_max3A_395 = arith.constant true
          %reduce_max3A_396 = vector.broadcast %reduce_max3A_395 : i1 to vector<16xi1>
          %reduce_max3A_397 = arith.constant -2147483648 : i32
          %reduce_max3A_398 = vector.broadcast %reduce_max3A_397 : i32 to vector<16xi32>
          %reduce_max3A_399 = arith.xori %all_reduce_population_count3A, %reduce_max3A_398 : vector<16xi32>
          %reduce_max3A_400 = tpu.scan <max>, %reduce_max3A_399 masked %reduce_max3A_396 : vector<16xi32>, vector<16xi1> -> vector<16xi32>
          %reduce_max3A_401 = arith.xori %reduce_max3A_400, %reduce_max3A_398 : vector<16xi32>
          %reduce_max3A_402 = vector.extract %reduce_max3A_401[15] : i32 from vector<16xi32>
          %add3A_403 = arith.addi %scan3A_360, %reduce_max3A_402 : i32
          %scan3A_404 = arith.constant 1 : i32
          %scan3A_405 = arith.addi %scan3A_359, %scan3A_404 : i32
          %mul3A_406 = arith.constant 16 : i32
          %mul3A_407 = arith.muli %scan3A_405, %mul3A_406 : i32
          %get3A_408 = arith.index_cast %mul3A_407 : i32 to index
          %get3A_409 = tpu.vector_load %arg6[%get3A_408] {strides = array<i32>} : memref<32768xf32, #tpu.memory_space<vmem>>, vector<16xf32>,
          %bitcast_convert_type3A_410 = tpu.bitcast %get3A_409 : vector<16xf32> -> vector<16xi32>
          %shift_right_arithmetic3A_411 = arith.constant 31 : i32
          %shift_right_arithmetic3A_412 = vector.broadcast %shift_right_arithmetic3A_411 : i32 to vector<16xi32>
          %shift_right_arithmetic3A_413 = arith.shrsi %bitcast_convert_type3A_410, %shift_right_arithmetic3A_412 : vector<16xi32>
          %and3A_414 = arith.constant 2147483647 : i32
          %and3A_415 = vector.broadcast %and3A_414 : i32 to vector<16xi32>
          %and3A_416 = arith.andi %shift_right_arithmetic3A_413, %and3A_415 : vector<16xi32>
          %xor3A_417 = arith.xori %bitcast_convert_type3A_410, %and3A_416 : vector<16xi32>
          %shift_right_arithmetic3A_418 = arith.constant 20 : i32
          %shift_right_arithmetic3A_419 = vector.broadcast %shift_right_arithmetic3A_418 : i32 to vector<16xi32>
          %shift_right_arithmetic3A_420 = arith.shrsi %xor3A_417, %shift_right_arithmetic3A_419 : vector<16xi32>
          %add3A_421 = arith.constant 2048 : i32
          %add3A_422 = vector.broadcast %add3A_421 : i32 to vector<16xi32>
          %add3A_423 = arith.addi %shift_right_arithmetic3A_420, %add3A_422 : vector<16xi32>
          %ge3A_424 = vector.broadcast %scan3A_350#1 : i32 to vector<16xi32>
          %ge3A_425 = arith.cmpi sge, %add3A_423, %ge3A_424 : vector<16xi32>
          %convert_element_type3A_426 = arith.extui %ge3A_425 : vector<16xi1> to vector<16xi32>
          %broadcast_in_dim3A_427 = arith.constant true
          %broadcast_in_dim3A_428 = vector.broadcast %broadcast_in_dim3A_427 : i1 to vector<16xi1>
          %masked_cumsum3A_429 = tpu.scan <sum>, %convert_element_type3A_426 masked %broadcast_in_dim3A_428 : vector<16xi32>, vector<16xi1> -> vector<16xi32>
          %add3A_430 = vector.broadcast %add3A_403 : i32 to vector<16xi32>
          %add3A_431 = arith.addi %add3A_430, %masked_cumsum3A_429 : vector<16xi32>
          %sub3A_432 = arith.subi %add3A_431, %convert_element_type3A_426 : vector<16xi32>
          %lt3A_433 = arith.constant 512 : i32
          %lt3A_434 = vector.broadcast %lt3A_433 : i32 to vector<16xi32>
          %lt3A_435 = arith.cmpi slt, %sub3A_432, %lt3A_434 : vector<16xi32>
          %and3A_436 = arith.andi %ge3A_425, %lt3A_435 : vector<16xi1>
          tpu.vector_store_idx %arg13[%sub3A_432], %xor3A_417 masked %and3A_436 : memref<512xi32, #tpu.memory_space<vmem>>[vector<16xi32>], vector<16xi32>, vector<16xi1>
          %mul3A_437 = arith.constant 16 : i32
          %mul3A_438 = arith.muli %scan3A_405, %mul3A_437 : i32
          %add3A_439 = vector.broadcast %mul3A_438 : i32 to vector<16xi32>
          %add3A_440 = arith.addi %add3A_439, %iota3A : vector<16xi32>
          tpu.vector_store_idx %arg14[%sub3A_432], %add3A_440 masked %and3A_436 : memref<512xi32, #tpu.memory_space<vmem>>[vector<16xi32>], vector<16xi32>, vector<16xi1>
          %all_reduce_population_count3A_441 = tpu.all_reduce %ge3A_425 {dim = 0 : i64, kind = #tpu.reduction_kind<sum>} : vector<16xi1> -> vector<16xi32>
          %reduce_max3A_442 = arith.constant true
          %reduce_max3A_443 = vector.broadcast %reduce_max3A_442 : i1 to vector<16xi1>
          %reduce_max3A_444 = arith.constant -2147483648 : i32
          %reduce_max3A_445 = vector.broadcast %reduce_max3A_444 : i32 to vector<16xi32>
          %reduce_max3A_446 = arith.xori %all_reduce_population_count3A_441, %reduce_max3A_445 : vector<16xi32>
          %reduce_max3A_447 = tpu.scan <max>, %reduce_max3A_446 masked %reduce_max3A_443 : vector<16xi32>, vector<16xi1> -> vector<16xi32>
          %reduce_max3A_448 = arith.xori %reduce_max3A_447, %reduce_max3A_445 : vector<16xi32>
          %reduce_max3A_449 = vector.extract %reduce_max3A_448[15] : i32 from vector<16xi32>
          %add3A_450 = arith.addi %add3A_403, %reduce_max3A_449 : i32
          %scan3A_451 = arith.constant 2 : i32
          %scan3A_452 = arith.addi %scan3A_359, %scan3A_451 : i32
          %mul3A_453 = arith.constant 16 : i32
          %mul3A_454 = arith.muli %scan3A_452, %mul3A_453 : i32
          %get3A_455 = arith.index_cast %mul3A_454 : i32 to index
          %get3A_456 = tpu.vector_load %arg6[%get3A_455] {strides = array<i32>} : memref<32768xf32, #tpu.memory_space<vmem>>, vector<16xf32>,
          %bitcast_convert_type3A_457 = tpu.bitcast %get3A_456 : vector<16xf32> -> vector<16xi32>
          %shift_right_arithmetic3A_458 = arith.constant 31 : i32
          %shift_right_arithmetic3A_459 = vector.broadcast %shift_right_arithmetic3A_458 : i32 to vector<16xi32>
          %shift_right_arithmetic3A_460 = arith.shrsi %bitcast_convert_type3A_457, %shift_right_arithmetic3A_459 : vector<16xi32>
          %and3A_461 = arith.constant 2147483647 : i32
          %and3A_462 = vector.broadcast %and3A_461 : i32 to vector<16xi32>
          %and3A_463 = arith.andi %shift_right_arithmetic3A_460, %and3A_462 : vector<16xi32>
          %xor3A_464 = arith.xori %bitcast_convert_type3A_457, %and3A_463 : vector<16xi32>
          %shift_right_arithmetic3A_465 = arith.constant 20 : i32
          %shift_right_arithmetic3A_466 = vector.broadcast %shift_right_arithmetic3A_465 : i32 to vector<16xi32>
          %shift_right_arithmetic3A_467 = arith.shrsi %xor3A_464, %shift_right_arithmetic3A_466 : vector<16xi32>
          %add3A_468 = arith.constant 2048 : i32
          %add3A_469 = vector.broadcast %add3A_468 : i32 to vector<16xi32>
          %add3A_470 = arith.addi %shift_right_arithmetic3A_467, %add3A_469 : vector<16xi32>
          %ge3A_471 = vector.broadcast %scan3A_350#1 : i32 to vector<16xi32>
          %ge3A_472 = arith.cmpi sge, %add3A_470, %ge3A_471 : vector<16xi32>
          %convert_element_type3A_473 = arith.extui %ge3A_472 : vector<16xi1> to vector<16xi32>
          %broadcast_in_dim3A_474 = arith.constant true
          %broadcast_in_dim3A_475 = vector.broadcast %broadcast_in_dim3A_474 : i1 to vector<16xi1>
          %masked_cumsum3A_476 = tpu.scan <sum>, %convert_element_type3A_473 masked %broadcast_in_dim3A_475 : vector<16xi32>, vector<16xi1> -> vector<16xi32>
          %add3A_477 = vector.broadcast %add3A_450 : i32 to vector<16xi32>
          %add3A_478 = arith.addi %add3A_477, %masked_cumsum3A_476 : vector<16xi32>
          %sub3A_479 = arith.subi %add3A_478, %convert_element_type3A_473 : vector<16xi32>
          %lt3A_480 = arith.constant 512 : i32
          %lt3A_481 = vector.broadcast %lt3A_480 : i32 to vector<16xi32>
          %lt3A_482 = arith.cmpi slt, %sub3A_479, %lt3A_481 : vector<16xi32>
          %and3A_483 = arith.andi %ge3A_472, %lt3A_482 : vector<16xi1>
          tpu.vector_store_idx %arg13[%sub3A_479], %xor3A_464 masked %and3A_483 : memref<512xi32, #tpu.memory_space<vmem>>[vector<16xi32>], vector<16xi32>, vector<16xi1>
          %mul3A_484 = arith.constant 16 : i32
          %mul3A_485 = arith.muli %scan3A_452, %mul3A_484 : i32
          %add3A_486 = vector.broadcast %mul3A_485 : i32 to vector<16xi32>
          %add3A_487 = arith.addi %add3A_486, %iota3A : vector<16xi32>
          tpu.vector_store_idx %arg14[%sub3A_479], %add3A_487 masked %and3A_483 : memref<512xi32, #tpu.memory_space<vmem>>[vector<16xi32>], vector<16xi32>, vector<16xi1>
          %all_reduce_population_count3A_488 = tpu.all_reduce %ge3A_472 {dim = 0 : i64, kind = #tpu.reduction_kind<sum>} : vector<16xi1> -> vector<16xi32>
          %reduce_max3A_489 = arith.constant true
          %reduce_max3A_490 = vector.broadcast %reduce_max3A_489 : i1 to vector<16xi1>
          %reduce_max3A_491 = arith.constant -2147483648 : i32
          %reduce_max3A_492 = vector.broadcast %reduce_max3A_491 : i32 to vector<16xi32>
          %reduce_max3A_493 = arith.xori %all_reduce_population_count3A_488, %reduce_max3A_492 : vector<16xi32>
          %reduce_max3A_494 = tpu.scan <max>, %reduce_max3A_493 masked %reduce_max3A_490 : vector<16xi32>, vector<16xi1> -> vector<16xi32>
          %reduce_max3A_495 = arith.xori %reduce_max3A_494, %reduce_max3A_492 : vector<16xi32>
          %reduce_max3A_496 = vector.extract %reduce_max3A_495[15] : i32 from vector<16xi32>
          %add3A_497 = arith.addi %add3A_450, %reduce_max3A_496 : i32
          %scan3A_498 = arith.constant 3 : i32
          %scan3A_499 = arith.addi %scan3A_359, %scan3A_498 : i32
          %mul3A_500 = arith.constant 16 : i32
          %mul3A_501 = arith.muli %scan3A_499, %mul3A_500 : i32
          %get3A_502 = arith.index_cast %mul3A_501 : i32 to index
          %get3A_503 = tpu.vector_load %arg6[%get3A_502] {strides = array<i32>} : memref<32768xf32, #tpu.memory_space<vmem>>, vector<16xf32>,
          %bitcast_convert_type3A_504 = tpu.bitcast %get3A_503 : vector<16xf32> -> vector<16xi32>
          %shift_right_arithmetic3A_505 = arith.constant 31 : i32
          %shift_right_arithmetic3A_506 = vector.broadcast %shift_right_arithmetic3A_505 : i32 to vector<16xi32>
          %shift_right_arithmetic3A_507 = arith.shrsi %bitcast_convert_type3A_504, %shift_right_arithmetic3A_506 : vector<16xi32>
          %and3A_508 = arith.constant 2147483647 : i32
          %and3A_509 = vector.broadcast %and3A_508 : i32 to vector<16xi32>
          %and3A_510 = arith.andi %shift_right_arithmetic3A_507, %and3A_509 : vector<16xi32>
          %xor3A_511 = arith.xori %bitcast_convert_type3A_504, %and3A_510 : vector<16xi32>
          %shift_right_arithmetic3A_512 = arith.constant 20 : i32
          %shift_right_arithmetic3A_513 = vector.broadcast %shift_right_arithmetic3A_512 : i32 to vector<16xi32>
          %shift_right_arithmetic3A_514 = arith.shrsi %xor3A_511, %shift_right_arithmetic3A_513 : vector<16xi32>
          %add3A_515 = arith.constant 2048 : i32
          %add3A_516 = vector.broadcast %add3A_515 : i32 to vector<16xi32>
          %add3A_517 = arith.addi %shift_right_arithmetic3A_514, %add3A_516 : vector<16xi32>
          %ge3A_518 = vector.broadcast %scan3A_350#1 : i32 to vector<16xi32>
          %ge3A_519 = arith.cmpi sge, %add3A_517, %ge3A_518 : vector<16xi32>
          %convert_element_type3A_520 = arith.extui %ge3A_519 : vector<16xi1> to vector<16xi32>
          %broadcast_in_dim3A_521 = arith.constant true
          %broadcast_in_dim3A_522 = vector.broadcast %broadcast_in_dim3A_521 : i1 to vector<16xi1>
          %masked_cumsum3A_523 = tpu.scan <sum>, %convert_element_type3A_520 masked %broadcast_in_dim3A_522 : vector<16xi32>, vector<16xi1> -> vector<16xi32>
          %add3A_524 = vector.broadcast %add3A_497 : i32 to vector<16xi32>
          %add3A_525 = arith.addi %add3A_524, %masked_cumsum3A_523 : vector<16xi32>
          %sub3A_526 = arith.subi %add3A_525, %convert_element_type3A_520 : vector<16xi32>
          %lt3A_527 = arith.constant 512 : i32
          %lt3A_528 = vector.broadcast %lt3A_527 : i32 to vector<16xi32>
          %lt3A_529 = arith.cmpi slt, %sub3A_526, %lt3A_528 : vector<16xi32>
          %and3A_530 = arith.andi %ge3A_519, %lt3A_529 : vector<16xi1>
          tpu.vector_store_idx %arg13[%sub3A_526], %xor3A_511 masked %and3A_530 : memref<512xi32, #tpu.memory_space<vmem>>[vector<16xi32>], vector<16xi32>, vector<16xi1>
          %mul3A_531 = arith.constant 16 : i32
          %mul3A_532 = arith.muli %scan3A_499, %mul3A_531 : i32
          %add3A_533 = vector.broadcast %mul3A_532 : i32 to vector<16xi32>
          %add3A_534 = arith.addi %add3A_533, %iota3A : vector<16xi32>
          tpu.vector_store_idx %arg14[%sub3A_526], %add3A_534 masked %and3A_530 : memref<512xi32, #tpu.memory_space<vmem>>[vector<16xi32>], vector<16xi32>, vector<16xi1>
          %all_reduce_population_count3A_535 = tpu.all_reduce %ge3A_519 {dim = 0 : i64, kind = #tpu.reduction_kind<sum>} : vector<16xi1> -> vector<16xi32>
          %reduce_max3A_536 = arith.constant true
          %reduce_max3A_537 = vector.broadcast %reduce_max3A_536 : i1 to vector<16xi1>
          %reduce_max3A_538 = arith.constant -2147483648 : i32
          %reduce_max3A_539 = vector.broadcast %reduce_max3A_538 : i32 to vector<16xi32>
          %reduce_max3A_540 = arith.xori %all_reduce_population_count3A_535, %reduce_max3A_539 : vector<16xi32>
          %reduce_max3A_541 = tpu.scan <max>, %reduce_max3A_540 masked %reduce_max3A_537 : vector<16xi32>, vector<16xi1> -> vector<16xi32>
          %reduce_max3A_542 = arith.xori %reduce_max3A_541, %reduce_max3A_539 : vector<16xi32>
          %reduce_max3A_543 = vector.extract %reduce_max3A_542[15] : i32 from vector<16xi32>
          %add3A_544 = arith.addi %add3A_497, %reduce_max3A_543 : i32
          %scan3A_545 = arith.constant 4 : i32
          %scan3A_546 = arith.addi %scan3A_359, %scan3A_545 : i32
          %mul3A_547 = arith.constant 16 : i32
          %mul3A_548 = arith.muli %scan3A_546, %mul3A_547 : i32
          %get3A_549 = arith.index_cast %mul3A_548 : i32 to index
          %get3A_550 = tpu.vector_load %arg6[%get3A_549] {strides = array<i32>} : memref<32768xf32, #tpu.memory_space<vmem>>, vector<16xf32>,
          %bitcast_convert_type3A_551 = tpu.bitcast %get3A_550 : vector<16xf32> -> vector<16xi32>
          %shift_right_arithmetic3A_552 = arith.constant 31 : i32
          %shift_right_arithmetic3A_553 = vector.broadcast %shift_right_arithmetic3A_552 : i32 to vector<16xi32>
          %shift_right_arithmetic3A_554 = arith.shrsi %bitcast_convert_type3A_551, %shift_right_arithmetic3A_553 : vector<16xi32>
          %and3A_555 = arith.constant 2147483647 : i32
          %and3A_556 = vector.broadcast %and3A_555 : i32 to vector<16xi32>
          %and3A_557 = arith.andi %shift_right_arithmetic3A_554, %and3A_556 : vector<16xi32>
          %xor3A_558 = arith.xori %bitcast_convert_type3A_551, %and3A_557 : vector<16xi32>
          %shift_right_arithmetic3A_559 = arith.constant 20 : i32
          %shift_right_arithmetic3A_560 = vector.broadcast %shift_right_arithmetic3A_559 : i32 to vector<16xi32>
          %shift_right_arithmetic3A_561 = arith.shrsi %xor3A_558, %shift_right_arithmetic3A_560 : vector<16xi32>
          %add3A_562 = arith.constant 2048 : i32
          %add3A_563 = vector.broadcast %add3A_562 : i32 to vector<16xi32>
          %add3A_564 = arith.addi %shift_right_arithmetic3A_561, %add3A_563 : vector<16xi32>
          %ge3A_565 = vector.broadcast %scan3A_350#1 : i32 to vector<16xi32>
          %ge3A_566 = arith.cmpi sge, %add3A_564, %ge3A_565 : vector<16xi32>
          %convert_element_type3A_567 = arith.extui %ge3A_566 : vector<16xi1> to vector<16xi32>
          %broadcast_in_dim3A_568 = arith.constant true
          %broadcast_in_dim3A_569 = vector.broadcast %broadcast_in_dim3A_568 : i1 to vector<16xi1>
          %masked_cumsum3A_570 = tpu.scan <sum>, %convert_element_type3A_567 masked %broadcast_in_dim3A_569 : vector<16xi32>, vector<16xi1> -> vector<16xi32>
          %add3A_571 = vector.broadcast %add3A_544 : i32 to vector<16xi32>
          %add3A_572 = arith.addi %add3A_571, %masked_cumsum3A_570 : vector<16xi32>
          %sub3A_573 = arith.subi %add3A_572, %convert_element_type3A_567 : vector<16xi32>
          %lt3A_574 = arith.constant 512 : i32
          %lt3A_575 = vector.broadcast %lt3A_574 : i32 to vector<16xi32>
          %lt3A_576 = arith.cmpi slt, %sub3A_573, %lt3A_575 : vector<16xi32>
          %and3A_577 = arith.andi %ge3A_566, %lt3A_576 : vector<16xi1>
          tpu.vector_store_idx %arg13[%sub3A_573], %xor3A_558 masked %and3A_577 : memref<512xi32, #tpu.memory_space<vmem>>[vector<16xi32>], vector<16xi32>, vector<16xi1>
          %mul3A_578 = arith.constant 16 : i32
          %mul3A_579 = arith.muli %scan3A_546, %mul3A_578 : i32
          %add3A_580 = vector.broadcast %mul3A_579 : i32 to vector<16xi32>
          %add3A_581 = arith.addi %add3A_580, %iota3A : vector<16xi32>
          tpu.vector_store_idx %arg14[%sub3A_573], %add3A_581 masked %and3A_577 : memref<512xi32, #tpu.memory_space<vmem>>[vector<16xi32>], vector<16xi32>, vector<16xi1>
          %all_reduce_population_count3A_582 = tpu.all_reduce %ge3A_566 {dim = 0 : i64, kind = #tpu.reduction_kind<sum>} : vector<16xi1> -> vector<16xi32>
          %reduce_max3A_583 = arith.constant true
          %reduce_max3A_584 = vector.broadcast %reduce_max3A_583 : i1 to vector<16xi1>
          %reduce_max3A_585 = arith.constant -2147483648 : i32
          %reduce_max3A_586 = vector.broadcast %reduce_max3A_585 : i32 to vector<16xi32>
          %reduce_max3A_587 = arith.xori %all_reduce_population_count3A_582, %reduce_max3A_586 : vector<16xi32>
          %reduce_max3A_588 = tpu.scan <max>, %reduce_max3A_587 masked %reduce_max3A_584 : vector<16xi32>, vector<16xi1> -> vector<16xi32>
          %reduce_max3A_589 = arith.xori %reduce_max3A_588, %reduce_max3A_586 : vector<16xi32>
          %reduce_max3A_590 = vector.extract %reduce_max3A_589[15] : i32 from vector<16xi32>
          %add3A_591 = arith.addi %add3A_544, %reduce_max3A_590 : i32
          %scan3A_592 = arith.constant 5 : i32
          %scan3A_593 = arith.addi %scan3A_359, %scan3A_592 : i32
          %mul3A_594 = arith.constant 16 : i32
          %mul3A_595 = arith.muli %scan3A_593, %mul3A_594 : i32
          %get3A_596 = arith.index_cast %mul3A_595 : i32 to index
          %get3A_597 = tpu.vector_load %arg6[%get3A_596] {strides = array<i32>} : memref<32768xf32, #tpu.memory_space<vmem>>, vector<16xf32>,
          %bitcast_convert_type3A_598 = tpu.bitcast %get3A_597 : vector<16xf32> -> vector<16xi32>
          %shift_right_arithmetic3A_599 = arith.constant 31 : i32
          %shift_right_arithmetic3A_600 = vector.broadcast %shift_right_arithmetic3A_599 : i32 to vector<16xi32>
          %shift_right_arithmetic3A_601 = arith.shrsi %bitcast_convert_type3A_598, %shift_right_arithmetic3A_600 : vector<16xi32>
          %and3A_602 = arith.constant 2147483647 : i32
          %and3A_603 = vector.broadcast %and3A_602 : i32 to vector<16xi32>
          %and3A_604 = arith.andi %shift_right_arithmetic3A_601, %and3A_603 : vector<16xi32>
          %xor3A_605 = arith.xori %bitcast_convert_type3A_598, %and3A_604 : vector<16xi32>
          %shift_right_arithmetic3A_606 = arith.constant 20 : i32
          %shift_right_arithmetic3A_607 = vector.broadcast %shift_right_arithmetic3A_606 : i32 to vector<16xi32>
          %shift_right_arithmetic3A_608 = arith.shrsi %xor3A_605, %shift_right_arithmetic3A_607 : vector<16xi32>
          %add3A_609 = arith.constant 2048 : i32
          %add3A_610 = vector.broadcast %add3A_609 : i32 to vector<16xi32>
          %add3A_611 = arith.addi %shift_right_arithmetic3A_608, %add3A_610 : vector<16xi32>
          %ge3A_612 = vector.broadcast %scan3A_350#1 : i32 to vector<16xi32>
          %ge3A_613 = arith.cmpi sge, %add3A_611, %ge3A_612 : vector<16xi32>
          %convert_element_type3A_614 = arith.extui %ge3A_613 : vector<16xi1> to vector<16xi32>
          %broadcast_in_dim3A_615 = arith.constant true
          %broadcast_in_dim3A_616 = vector.broadcast %broadcast_in_dim3A_615 : i1 to vector<16xi1>
          %masked_cumsum3A_617 = tpu.scan <sum>, %convert_element_type3A_614 masked %broadcast_in_dim3A_616 : vector<16xi32>, vector<16xi1> -> vector<16xi32>
          %add3A_618 = vector.broadcast %add3A_591 : i32 to vector<16xi32>
          %add3A_619 = arith.addi %add3A_618, %masked_cumsum3A_617 : vector<16xi32>
          %sub3A_620 = arith.subi %add3A_619, %convert_element_type3A_614 : vector<16xi32>
          %lt3A_621 = arith.constant 512 : i32
          %lt3A_622 = vector.broadcast %lt3A_621 : i32 to vector<16xi32>
          %lt3A_623 = arith.cmpi slt, %sub3A_620, %lt3A_622 : vector<16xi32>
          %and3A_624 = arith.andi %ge3A_613, %lt3A_623 : vector<16xi1>
          tpu.vector_store_idx %arg13[%sub3A_620], %xor3A_605 masked %and3A_624 : memref<512xi32, #tpu.memory_space<vmem>>[vector<16xi32>], vector<16xi32>, vector<16xi1>
          %mul3A_625 = arith.constant 16 : i32
          %mul3A_626 = arith.muli %scan3A_593, %mul3A_625 : i32
          %add3A_627 = vector.broadcast %mul3A_626 : i32 to vector<16xi32>
          %add3A_628 = arith.addi %add3A_627, %iota3A : vector<16xi32>
          tpu.vector_store_idx %arg14[%sub3A_620], %add3A_628 masked %and3A_624 : memref<512xi32, #tpu.memory_space<vmem>>[vector<16xi32>], vector<16xi32>, vector<16xi1>
          %all_reduce_population_count3A_629 = tpu.all_reduce %ge3A_613 {dim = 0 : i64, kind = #tpu.reduction_kind<sum>} : vector<16xi1> -> vector<16xi32>
          %reduce_max3A_630 = arith.constant true
          %reduce_max3A_631 = vector.broadcast %reduce_max3A_630 : i1 to vector<16xi1>
          %reduce_max3A_632 = arith.constant -2147483648 : i32
          %reduce_max3A_633 = vector.broadcast %reduce_max3A_632 : i32 to vector<16xi32>
          %reduce_max3A_634 = arith.xori %all_reduce_population_count3A_629, %reduce_max3A_633 : vector<16xi32>
          %reduce_max3A_635 = tpu.scan <max>, %reduce_max3A_634 masked %reduce_max3A_631 : vector<16xi32>, vector<16xi1> -> vector<16xi32>
          %reduce_max3A_636 = arith.xori %reduce_max3A_635, %reduce_max3A_633 : vector<16xi32>
          %reduce_max3A_637 = vector.extract %reduce_max3A_636[15] : i32 from vector<16xi32>
          %add3A_638 = arith.addi %add3A_591, %reduce_max3A_637 : i32
          %scan3A_639 = arith.constant 6 : i32
          %scan3A_640 = arith.addi %scan3A_359, %scan3A_639 : i32
          %mul3A_641 = arith.constant 16 : i32
          %mul3A_642 = arith.muli %scan3A_640, %mul3A_641 : i32
          %get3A_643 = arith.index_cast %mul3A_642 : i32 to index
          %get3A_644 = tpu.vector_load %arg6[%get3A_643] {strides = array<i32>} : memref<32768xf32, #tpu.memory_space<vmem>>, vector<16xf32>,
          %bitcast_convert_type3A_645 = tpu.bitcast %get3A_644 : vector<16xf32> -> vector<16xi32>
          %shift_right_arithmetic3A_646 = arith.constant 31 : i32
          %shift_right_arithmetic3A_647 = vector.broadcast %shift_right_arithmetic3A_646 : i32 to vector<16xi32>
          %shift_right_arithmetic3A_648 = arith.shrsi %bitcast_convert_type3A_645, %shift_right_arithmetic3A_647 : vector<16xi32>
          %and3A_649 = arith.constant 2147483647 : i32
          %and3A_650 = vector.broadcast %and3A_649 : i32 to vector<16xi32>
          %and3A_651 = arith.andi %shift_right_arithmetic3A_648, %and3A_650 : vector<16xi32>
          %xor3A_652 = arith.xori %bitcast_convert_type3A_645, %and3A_651 : vector<16xi32>
          %shift_right_arithmetic3A_653 = arith.constant 20 : i32
          %shift_right_arithmetic3A_654 = vector.broadcast %shift_right_arithmetic3A_653 : i32 to vector<16xi32>
          %shift_right_arithmetic3A_655 = arith.shrsi %xor3A_652, %shift_right_arithmetic3A_654 : vector<16xi32>
          %add3A_656 = arith.constant 2048 : i32
          %add3A_657 = vector.broadcast %add3A_656 : i32 to vector<16xi32>
          %add3A_658 = arith.addi %shift_right_arithmetic3A_655, %add3A_657 : vector<16xi32>
          %ge3A_659 = vector.broadcast %scan3A_350#1 : i32 to vector<16xi32>
          %ge3A_660 = arith.cmpi sge, %add3A_658, %ge3A_659 : vector<16xi32>
          %convert_element_type3A_661 = arith.extui %ge3A_660 : vector<16xi1> to vector<16xi32>
          %broadcast_in_dim3A_662 = arith.constant true
          %broadcast_in_dim3A_663 = vector.broadcast %broadcast_in_dim3A_662 : i1 to vector<16xi1>
          %masked_cumsum3A_664 = tpu.scan <sum>, %convert_element_type3A_661 masked %broadcast_in_dim3A_663 : vector<16xi32>, vector<16xi1> -> vector<16xi32>
          %add3A_665 = vector.broadcast %add3A_638 : i32 to vector<16xi32>
          %add3A_666 = arith.addi %add3A_665, %masked_cumsum3A_664 : vector<16xi32>
          %sub3A_667 = arith.subi %add3A_666, %convert_element_type3A_661 : vector<16xi32>
          %lt3A_668 = arith.constant 512 : i32
          %lt3A_669 = vector.broadcast %lt3A_668 : i32 to vector<16xi32>
          %lt3A_670 = arith.cmpi slt, %sub3A_667, %lt3A_669 : vector<16xi32>
          %and3A_671 = arith.andi %ge3A_660, %lt3A_670 : vector<16xi1>
          tpu.vector_store_idx %arg13[%sub3A_667], %xor3A_652 masked %and3A_671 : memref<512xi32, #tpu.memory_space<vmem>>[vector<16xi32>], vector<16xi32>, vector<16xi1>
          %mul3A_672 = arith.constant 16 : i32
          %mul3A_673 = arith.muli %scan3A_640, %mul3A_672 : i32
          %add3A_674 = vector.broadcast %mul3A_673 : i32 to vector<16xi32>
          %add3A_675 = arith.addi %add3A_674, %iota3A : vector<16xi32>
          tpu.vector_store_idx %arg14[%sub3A_667], %add3A_675 masked %and3A_671 : memref<512xi32, #tpu.memory_space<vmem>>[vector<16xi32>], vector<16xi32>, vector<16xi1>
          %all_reduce_population_count3A_676 = tpu.all_reduce %ge3A_660 {dim = 0 : i64, kind = #tpu.reduction_kind<sum>} : vector<16xi1> -> vector<16xi32>
          %reduce_max3A_677 = arith.constant true
          %reduce_max3A_678 = vector.broadcast %reduce_max3A_677 : i1 to vector<16xi1>
          %reduce_max3A_679 = arith.constant -2147483648 : i32
          %reduce_max3A_680 = vector.broadcast %reduce_max3A_679 : i32 to vector<16xi32>
          %reduce_max3A_681 = arith.xori %all_reduce_population_count3A_676, %reduce_max3A_680 : vector<16xi32>
          %reduce_max3A_682 = tpu.scan <max>, %reduce_max3A_681 masked %reduce_max3A_678 : vector<16xi32>, vector<16xi1> -> vector<16xi32>
          %reduce_max3A_683 = arith.xori %reduce_max3A_682, %reduce_max3A_680 : vector<16xi32>
          %reduce_max3A_684 = vector.extract %reduce_max3A_683[15] : i32 from vector<16xi32>
          %add3A_685 = arith.addi %add3A_638, %reduce_max3A_684 : i32
          %scan3A_686 = arith.constant 7 : i32
          %scan3A_687 = arith.addi %scan3A_359, %scan3A_686 : i32
          %mul3A_688 = arith.constant 16 : i32
          %mul3A_689 = arith.muli %scan3A_687, %mul3A_688 : i32
          %get3A_690 = arith.index_cast %mul3A_689 : i32 to index
          %get3A_691 = tpu.vector_load %arg6[%get3A_690] {strides = array<i32>} : memref<32768xf32, #tpu.memory_space<vmem>>, vector<16xf32>,
          %bitcast_convert_type3A_692 = tpu.bitcast %get3A_691 : vector<16xf32> -> vector<16xi32>
          %shift_right_arithmetic3A_693 = arith.constant 31 : i32
          %shift_right_arithmetic3A_694 = vector.broadcast %shift_right_arithmetic3A_693 : i32 to vector<16xi32>
          %shift_right_arithmetic3A_695 = arith.shrsi %bitcast_convert_type3A_692, %shift_right_arithmetic3A_694 : vector<16xi32>
          %and3A_696 = arith.constant 2147483647 : i32
          %and3A_697 = vector.broadcast %and3A_696 : i32 to vector<16xi32>
          %and3A_698 = arith.andi %shift_right_arithmetic3A_695, %and3A_697 : vector<16xi32>
          %xor3A_699 = arith.xori %bitcast_convert_type3A_692, %and3A_698 : vector<16xi32>
          %shift_right_arithmetic3A_700 = arith.constant 20 : i32
          %shift_right_arithmetic3A_701 = vector.broadcast %shift_right_arithmetic3A_700 : i32 to vector<16xi32>
          %shift_right_arithmetic3A_702 = arith.shrsi %xor3A_699, %shift_right_arithmetic3A_701 : vector<16xi32>
          %add3A_703 = arith.constant 2048 : i32
          %add3A_704 = vector.broadcast %add3A_703 : i32 to vector<16xi32>
          %add3A_705 = arith.addi %shift_right_arithmetic3A_702, %add3A_704 : vector<16xi32>
          %ge3A_706 = vector.broadcast %scan3A_350#1 : i32 to vector<16xi32>
          %ge3A_707 = arith.cmpi sge, %add3A_705, %ge3A_706 : vector<16xi32>
          %convert_element_type3A_708 = arith.extui %ge3A_707 : vector<16xi1> to vector<16xi32>
          %broadcast_in_dim3A_709 = arith.constant true
          %broadcast_in_dim3A_710 = vector.broadcast %broadcast_in_dim3A_709 : i1 to vector<16xi1>
          %masked_cumsum3A_711 = tpu.scan <sum>, %convert_element_type3A_708 masked %broadcast_in_dim3A_710 : vector<16xi32>, vector<16xi1> -> vector<16xi32>
          %add3A_712 = vector.broadcast %add3A_685 : i32 to vector<16xi32>
          %add3A_713 = arith.addi %add3A_712, %masked_cumsum3A_711 : vector<16xi32>
          %sub3A_714 = arith.subi %add3A_713, %convert_element_type3A_708 : vector<16xi32>
          %lt3A_715 = arith.constant 512 : i32
          %lt3A_716 = vector.broadcast %lt3A_715 : i32 to vector<16xi32>
          %lt3A_717 = arith.cmpi slt, %sub3A_714, %lt3A_716 : vector<16xi32>
          %and3A_718 = arith.andi %ge3A_707, %lt3A_717 : vector<16xi1>
          tpu.vector_store_idx %arg13[%sub3A_714], %xor3A_699 masked %and3A_718 : memref<512xi32, #tpu.memory_space<vmem>>[vector<16xi32>], vector<16xi32>, vector<16xi1>
          %mul3A_719 = arith.constant 16 : i32
          %mul3A_720 = arith.muli %scan3A_687, %mul3A_719 : i32
          %add3A_721 = vector.broadcast %mul3A_720 : i32 to vector<16xi32>
          %add3A_722 = arith.addi %add3A_721, %iota3A : vector<16xi32>
          tpu.vector_store_idx %arg14[%sub3A_714], %add3A_722 masked %and3A_718 : memref<512xi32, #tpu.memory_space<vmem>>[vector<16xi32>], vector<16xi32>, vector<16xi1>
          %all_reduce_population_count3A_723 = tpu.all_reduce %ge3A_707 {dim = 0 : i64, kind = #tpu.reduction_kind<sum>} : vector<16xi1> -> vector<16xi32>
          %reduce_max3A_724 = arith.constant true
          %reduce_max3A_725 = vector.broadcast %reduce_max3A_724 : i1 to vector<16xi1>
          %reduce_max3A_726 = arith.constant -2147483648 : i32
          %reduce_max3A_727 = vector.broadcast %reduce_max3A_726 : i32 to vector<16xi32>
          %reduce_max3A_728 = arith.xori %all_reduce_population_count3A_723, %reduce_max3A_727 : vector<16xi32>
          %reduce_max3A_729 = tpu.scan <max>, %reduce_max3A_728 masked %reduce_max3A_725 : vector<16xi32>, vector<16xi1> -> vector<16xi32>
          %reduce_max3A_730 = arith.xori %reduce_max3A_729, %reduce_max3A_727 : vector<16xi32>
          %reduce_max3A_731 = vector.extract %reduce_max3A_730[15] : i32 from vector<16xi32>
          %add3A_732 = arith.addi %add3A_685, %reduce_max3A_731 : i32
          scf.yield %add3A_732 : i32
        }
        %scan3A_358 = arith.constant 2048 : i32
        scf.yield %scan3A_357 : i32
      }
      %min3A_90 = arith.constant 512 : i32
      %min3A_91 = arith.minsi %cond3A_89, %min3A_90 : i32
      %add3A_92 = arith.constant 16 : i32
      %add3A_93 = arith.addi %min3A_91, %add3A_92 : i32
      %sub3A_94 = arith.constant 1 : i32
      %sub3A_95 = arith.subi %add3A_93, %sub3A_94 : i32
      %jit3A = arith.constant 16 : i32
      %div3A = arith.divsi %sub3A_95, %jit3A : i32
      %sign3A = arith.constant 0 : i32
      %sign3A_96 = arith.cmpi sgt, %sub3A_95, %sign3A : i32
      %sign3A_97 = arith.extui %sign3A_96 : i1 to i32
      %sign3A_98 = arith.constant 0 : i32
      %sign3A_99 = arith.cmpi slt, %sub3A_95, %sign3A_98 : i32
      %sign3A_100 = arith.extui %sign3A_99 : i1 to i32
      %sign3A_101 = arith.subi %sign3A_97, %sign3A_100 : i32
      %sign3A_102 = arith.constant 0 : i32
      %sign3A_103 = arith.cmpi sgt, %jit3A, %sign3A_102 : i32
      %sign3A_104 = arith.extui %sign3A_103 : i1 to i32
      %sign3A_105 = arith.constant 0 : i32
      %sign3A_106 = arith.cmpi slt, %jit3A, %sign3A_105 : i32
      %sign3A_107 = arith.extui %sign3A_106 : i1 to i32
      %sign3A_108 = arith.subi %sign3A_104, %sign3A_107 : i32
      %ne3A = arith.cmpi ne, %sign3A_101, %sign3A_108 : i32
      %rem3A = arith.remsi %sub3A_95, %jit3A : i32
      %ne3A_109 = arith.constant 0 : i32
      %ne3A_110 = arith.cmpi ne, %rem3A, %ne3A_109 : i32
      %and3A_111 = arith.andi %ne3A, %ne3A_110 : i1
      %sub3A_112 = arith.constant 1 : i32
      %sub3A_113 = arith.subi %div3A, %sub3A_112 : i32
      %select_n3A = arith.select %and3A_111, %sub3A_113, %div3A : i32
      %lt3A = arith.constant 3 : i32
      %lt3A_114 = arith.cmpi slt, %scan3A_46, %lt3A : i32
      %convert_element_type3A_115 = arith.extui %lt3A_114 : i1 to i32
      %cond3A_116 = arith.constant 0 : i32
      %cond3A_117 = arith.cmpi ne, %convert_element_type3A_115, %cond3A_116 : i32
      scf.if %cond3A_117 {
        %add3A_331 = arith.constant 1 : i32
        %add3A_332 = arith.addi %add3A_49, %add3A_331 : i32
        %dma_start3A_333 = arith.constant 0 : i32
        %dma_start3A_334 = tpu.memref_slice %arg2[%add3A_332, %dma_start3A_333] : memref<128x32768xf32, #tpu.memory_space<hbm>> -> memref<1x32768xf32, #tpu.memory_space<hbm>>
        %dma_start3A_335 = tpu.memref_squeeze %dma_start3A_334 : memref<1x32768xf32, #tpu.memory_space<hbm>> -> memref<32768xf32, #tpu.memory_space<hbm>>
        %dma_start3A_336 = arith.constant 0 : i32
        %dma_start3A_337 = tpu.memref_slice %arg2[%add3A_332, %dma_start3A_336] : memref<128x32768xf32, #tpu.memory_space<hbm>> -> memref<1x32768xf32, #tpu.memory_space<hbm>>
        %dma_start3A_338 = tpu.memref_squeeze %dma_start3A_337 : memref<1x32768xf32, #tpu.memory_space<hbm>> -> memref<32768xf32, #tpu.memory_space<hbm>>
        tpu.enqueue_dma source(%dma_start3A_338 : memref<32768xf32, #tpu.memory_space<hbm>>) target(%arg6 : memref<32768xf32, #tpu.memory_space<vmem>>) target_semaphore(%arg19 : memref<!tpu.dma_semaphore, #tpu.memory_space<semaphore_mem>>)
      } else {
      }
      %gt3A = arith.constant 0 : i32
      %gt3A_118 = arith.cmpi sgt, %scan3A_46, %gt3A : i32
      %convert_element_type3A_119 = arith.extui %gt3A_118 : i1 to i32
      %cond3A_120 = arith.constant 0 : i32
      %cond3A_121 = arith.cmpi ne, %convert_element_type3A_119, %cond3A_120 : i32
      scf.if %cond3A_121 {
        %dma_wait3A_331 = arith.constant 0 : i32
        %dma_wait3A_332 = tpu.memref_slice %arg3[%add3A_49, %dma_wait3A_331] : memref<128x32768xf32, #tpu.memory_space<hbm>> -> memref<1x32768xf32, #tpu.memory_space<hbm>>
        %dma_wait3A_333 = tpu.memref_squeeze %dma_wait3A_332 : memref<1x32768xf32, #tpu.memory_space<hbm>> -> memref<32768xf32, #tpu.memory_space<hbm>>
        %dma_wait3A_334 = arith.constant 0 : i32
        %dma_wait3A_335 = tpu.memref_slice %arg3[%add3A_49, %dma_wait3A_334] : memref<128x32768xf32, #tpu.memory_space<hbm>> -> memref<1x32768xf32, #tpu.memory_space<hbm>>
        %dma_wait3A_336 = tpu.memref_squeeze %dma_wait3A_335 : memref<1x32768xf32, #tpu.memory_space<hbm>> -> memref<32768xf32, #tpu.memory_space<hbm>>
        tpu.wait_dma2 semaphore(%arg20 : memref<!tpu.dma_semaphore, #tpu.memory_space<semaphore_mem>>) src(%arg7 : memref<32768xf32, #tpu.memory_space<vmem>>) dst(%dma_wait3A_336 : memref<32768xf32, #tpu.memory_space<hbm>>)
        %dma_wait3A_337 = arith.constant 0 : i32
        %dma_wait3A_338 = tpu.memref_slice %arg4[%add3A_49, %dma_wait3A_337] : memref<128x32768xi32, #tpu.memory_space<hbm>> -> memref<1x32768xi32, #tpu.memory_space<hbm>>
        %dma_wait3A_339 = tpu.memref_squeeze %dma_wait3A_338 : memref<1x32768xi32, #tpu.memory_space<hbm>> -> memref<32768xi32, #tpu.memory_space<hbm>>
        %dma_wait3A_340 = arith.constant 0 : i32
        %dma_wait3A_341 = tpu.memref_slice %arg4[%add3A_49, %dma_wait3A_340] : memref<128x32768xi32, #tpu.memory_space<hbm>> -> memref<1x32768xi32, #tpu.memory_space<hbm>>
        %dma_wait3A_342 = tpu.memref_squeeze %dma_wait3A_341 : memref<1x32768xi32, #tpu.memory_space<hbm>> -> memref<32768xi32, #tpu.memory_space<hbm>>
        tpu.wait_dma2 semaphore(%arg21 : memref<!tpu.dma_semaphore, #tpu.memory_space<semaphore_mem>>) src(%arg8 : memref<32768xi32, #tpu.memory_space<vmem>>) dst(%dma_wait3A_342 : memref<32768xi32, #tpu.memory_space<hbm>>)
        %scan3A_343 = arith.constant 0 : i32
        %scan3A_344 = arith.constant 0 : i32
        %mul3A_345 = arith.constant 16 : i32
        %mul3A_346 = arith.muli %scan3A_344, %mul3A_345 : i32
        %get3A_347 = arith.index_cast %mul3A_346 : i32 to index
        %get3A_348 = tpu.vector_load %arg18[%get3A_347] {strides = array<i32>} : memref<64xi32, #tpu.memory_space<vmem>>, vector<16xi32>,
        tpu.vector_store_idx %arg7[%get3A_348], %broadcast_in_dim3A_1 : memref<32768xf32, #tpu.memory_space<vmem>>[vector<16xi32>], vector<16xf32>,
        tpu.vector_store_idx %arg8[%get3A_348], %broadcast_in_dim3A_3 : memref<32768xi32, #tpu.memory_space<vmem>>[vector<16xi32>], vector<16xi32>,
        %scan3A_349 = arith.constant 1 : i32
        %mul3A_350 = arith.constant 16 : i32
        %mul3A_351 = arith.muli %scan3A_349, %mul3A_350 : i32
        %get3A_352 = arith.index_cast %mul3A_351 : i32 to index
        %get3A_353 = tpu.vector_load %arg18[%get3A_352] {strides = array<i32>} : memref<64xi32, #tpu.memory_space<vmem>>, vector<16xi32>,
        tpu.vector_store_idx %arg7[%get3A_353], %broadcast_in_dim3A_1 : memref<32768xf32, #tpu.memory_space<vmem>>[vector<16xi32>], vector<16xf32>,
        tpu.vector_store_idx %arg8[%get3A_353], %broadcast_in_dim3A_3 : memref<32768xi32, #tpu.memory_space<vmem>>[vector<16xi32>], vector<16xi32>,
        %scan3A_354 = arith.constant 2 : i32
        %mul3A_355 = arith.constant 16 : i32
        %mul3A_356 = arith.muli %scan3A_354, %mul3A_355 : i32
        %get3A_357 = arith.index_cast %mul3A_356 : i32 to index
        %get3A_358 = tpu.vector_load %arg18[%get3A_357] {strides = array<i32>} : memref<64xi32, #tpu.memory_space<vmem>>, vector<16xi32>,
        tpu.vector_store_idx %arg7[%get3A_358], %broadcast_in_dim3A_1 : memref<32768xf32, #tpu.memory_space<vmem>>[vector<16xi32>], vector<16xf32>,
        tpu.vector_store_idx %arg8[%get3A_358], %broadcast_in_dim3A_3 : memref<32768xi32, #tpu.memory_space<vmem>>[vector<16xi32>], vector<16xi32>,
        %scan3A_359 = arith.constant 3 : i32
        %mul3A_360 = arith.constant 16 : i32
        %mul3A_361 = arith.muli %scan3A_359, %mul3A_360 : i32
        %get3A_362 = arith.index_cast %mul3A_361 : i32 to index
        %get3A_363 = tpu.vector_load %arg18[%get3A_362] {strides = array<i32>} : memref<64xi32, #tpu.memory_space<vmem>>, vector<16xi32>,
        tpu.vector_store_idx %arg7[%get3A_363], %broadcast_in_dim3A_1 : memref<32768xf32, #tpu.memory_space<vmem>>[vector<16xi32>], vector<16xf32>,
        tpu.vector_store_idx %arg8[%get3A_363], %broadcast_in_dim3A_3 : memref<32768xi32, #tpu.memory_space<vmem>>[vector<16xi32>], vector<16xi32>,
        %scan3A_364 = arith.constant 4 : i32
      } else {
      }
      %scan3A_122 = arith.constant 0 : i32
      %scan3A_123 = arith.constant 0 : i32
      %mul3A_124 = arith.constant 16 : i32
      %mul3A_125 = arith.muli %scan3A_123, %mul3A_124 : i32
      %swap3A = arith.index_cast %mul3A_125 : i32 to index
      %swap3A_126 = tpu.vector_load %arg9[%swap3A] {strides = array<i32>} : memref<4096xi32, #tpu.memory_space<vmem>>, vector<16xi32>,
      tpu.vector_store %arg9[%swap3A], %broadcast_in_dim3A_3 {strides = array<i32>} : memref<4096xi32, #tpu.memory_space<vmem>>, vector<16xi32>,
      %scan3A_127 = arith.constant 1 : i32
      %mul3A_128 = arith.constant 16 : i32
      %mul3A_129 = arith.muli %scan3A_127, %mul3A_128 : i32
      %swap3A_130 = arith.index_cast %mul3A_129 : i32 to index
      %swap3A_131 = tpu.vector_load %arg9[%swap3A_130] {strides = array<i32>} : memref<4096xi32, #tpu.memory_space<vmem>>, vector<16xi32>,
      tpu.vector_store %arg9[%swap3A_130], %broadcast_in_dim3A_3 {strides = array<i32>} : memref<4096xi32, #tpu.memory_space<vmem>>, vector<16xi32>,
      %scan3A_132 = arith.constant 2 : i32
      %mul3A_133 = arith.constant 16 : i32
      %mul3A_134 = arith.muli %scan3A_132, %mul3A_133 : i32
      %swap3A_135 = arith.index_cast %mul3A_134 : i32 to index
      %swap3A_136 = tpu.vector_load %arg9[%swap3A_135] {strides = array<i32>} : memref<4096xi32, #tpu.memory_space<vmem>>, vector<16xi32>,
      tpu.vector_store %arg9[%swap3A_135], %broadcast_in_dim3A_3 {strides = array<i32>} : memref<4096xi32, #tpu.memory_space<vmem>>, vector<16xi32>,
      %scan3A_137 = arith.constant 3 : i32
      %mul3A_138 = arith.constant 16 : i32
      %mul3A_139 = arith.muli %scan3A_137, %mul3A_138 : i32
      %swap3A_140 = arith.index_cast %mul3A_139 : i32 to index
      %swap3A_141 = tpu.vector_load %arg9[%swap3A_140] {strides = array<i32>} : memref<4096xi32, #tpu.memory_space<vmem>>, vector<16xi32>,
      tpu.vector_store %arg9[%swap3A_140], %broadcast_in_dim3A_3 {strides = array<i32>} : memref<4096xi32, #tpu.memory_space<vmem>>, vector<16xi32>,
      %scan3A_142 = arith.constant 4 : i32
      %mul3A_143 = arith.constant 16 : i32
      %mul3A_144 = arith.muli %scan3A_142, %mul3A_143 : i32
      %swap3A_145 = arith.index_cast %mul3A_144 : i32 to index
      %swap3A_146 = tpu.vector_load %arg9[%swap3A_145] {strides = array<i32>} : memref<4096xi32, #tpu.memory_space<vmem>>, vector<16xi32>,
      tpu.vector_store %arg9[%swap3A_145], %broadcast_in_dim3A_3 {strides = array<i32>} : memref<4096xi32, #tpu.memory_space<vmem>>, vector<16xi32>,
      %scan3A_147 = arith.constant 5 : i32
      %mul3A_148 = arith.constant 16 : i32
      %mul3A_149 = arith.muli %scan3A_147, %mul3A_148 : i32
      %swap3A_150 = arith.index_cast %mul3A_149 : i32 to index
      %swap3A_151 = tpu.vector_load %arg9[%swap3A_150] {strides = array<i32>} : memref<4096xi32, #tpu.memory_space<vmem>>, vector<16xi32>,
      tpu.vector_store %arg9[%swap3A_150], %broadcast_in_dim3A_3 {strides = array<i32>} : memref<4096xi32, #tpu.memory_space<vmem>>, vector<16xi32>,
      %scan3A_152 = arith.constant 6 : i32
      %mul3A_153 = arith.constant 16 : i32
      %mul3A_154 = arith.muli %scan3A_152, %mul3A_153 : i32
      %swap3A_155 = arith.index_cast %mul3A_154 : i32 to index
      %swap3A_156 = tpu.vector_load %arg9[%swap3A_155] {strides = array<i32>} : memref<4096xi32, #tpu.memory_space<vmem>>, vector<16xi32>,
      tpu.vector_store %arg9[%swap3A_155], %broadcast_in_dim3A_3 {strides = array<i32>} : memref<4096xi32, #tpu.memory_space<vmem>>, vector<16xi32>,
      %scan3A_157 = arith.constant 7 : i32
      %mul3A_158 = arith.constant 16 : i32
      %mul3A_159 = arith.muli %scan3A_157, %mul3A_158 : i32
      %swap3A_160 = arith.index_cast %mul3A_159 : i32 to index
      %swap3A_161 = tpu.vector_load %arg9[%swap3A_160] {strides = array<i32>} : memref<4096xi32, #tpu.memory_space<vmem>>, vector<16xi32>,
      tpu.vector_store %arg9[%swap3A_160], %broadcast_in_dim3A_3 {strides = array<i32>} : memref<4096xi32, #tpu.memory_space<vmem>>, vector<16xi32>,
      %scan3A_162 = arith.constant 8 : i32
      %while3A = arith.constant 0 : i32
      %while3A_163 = arith.constant 0 : i32
      %while3A_164 = arith.subi %select_n3A, %while3A_163 : i32
      %while3A_165 = arith.addi %while3A_163, %while3A_164 : i32
      %while3A_166 = arith.constant 1 : i32
      %while3A_167 = arith.divsi %while3A_164, %while3A_166 : i32
      %while3A_168 = arith.muli %while3A_167, %while3A_166 : i32
      %while3A_169 = arith.addi %while3A_163, %while3A_168 : i32
      %while3A_170 = arith.constant 1 : i32
      scf.for %while3A_331 = %while3A_163 to %while3A_169 step %while3A_170  : i32 {
        %mul3A_332 = arith.constant 16 : i32
        %mul3A_333 = arith.muli %while3A_331, %mul3A_332 : i32
        %get3A_334 = arith.index_cast %mul3A_333 : i32 to index
        %get3A_335 = tpu.vector_load %arg13[%get3A_334] {strides = array<i32>} : memref<512xi32, #tpu.memory_space<vmem>>, vector<16xi32>,
        %mul3A_336 = arith.constant 16 : i32
        %mul3A_337 = arith.muli %while3A_331, %mul3A_336 : i32
        %add3A_338 = vector.broadcast %mul3A_337 : i32 to vector<16xi32>
        %add3A_339 = arith.addi %add3A_338, %iota3A : vector<16xi32>
        %lt3A_340 = vector.broadcast %min3A_91 : i32 to vector<16xi32>
        %lt3A_341 = arith.cmpi slt, %add3A_339, %lt3A_340 : vector<16xi32>
        %sub3A_342 = arith.constant 1076803666 : i32
        %sub3A_343 = vector.broadcast %sub3A_342 : i32 to vector<16xi32>
        %sub3A_344 = arith.subi %get3A_335, %sub3A_343 : vector<16xi32>
        %shift_right_arithmetic3A_345 = arith.constant 17 : i32
        %shift_right_arithmetic3A_346 = vector.broadcast %shift_right_arithmetic3A_345 : i32 to vector<16xi32>
        %shift_right_arithmetic3A_347 = arith.shrsi %sub3A_344, %shift_right_arithmetic3A_346 : vector<16xi32>
        %jit3A_348 = arith.constant 0 : i32
        %jit3A_349 = arith.constant 127 : i32
        %max3A_350 = vector.broadcast %jit3A_348 : i32 to vector<16xi32>
        %max3A_351 = arith.maxsi %max3A_350, %shift_right_arithmetic3A_347 : vector<16xi32>
        %min3A_352 = vector.broadcast %jit3A_349 : i32 to vector<16xi32>
        %min3A_353 = arith.minsi %min3A_352, %max3A_351 : vector<16xi32>
        tpu.vector_store_idx %arg9[%min3A_353], %broadcast_in_dim3A_5 masked %lt3A_341 {add = true} : memref<4096xi32, #tpu.memory_space<vmem>>[vector<16xi32>], vector<16xi32>, vector<16xi1>
      }
      %while3A_171 = arith.constant 1 : i32
      scf.for %while3A_331 = %while3A_169 to %while3A_165 step %while3A_171  : i32 {
        %mul3A_332 = arith.constant 16 : i32
        %mul3A_333 = arith.muli %while3A_331, %mul3A_332 : i32
        %get3A_334 = arith.index_cast %mul3A_333 : i32 to index
        %get3A_335 = tpu.vector_load %arg13[%get3A_334] {strides = array<i32>} : memref<512xi32, #tpu.memory_space<vmem>>, vector<16xi32>,
        %mul3A_336 = arith.constant 16 : i32
        %mul3A_337 = arith.muli %while3A_331, %mul3A_336 : i32
        %add3A_338 = vector.broadcast %mul3A_337 : i32 to vector<16xi32>
        %add3A_339 = arith.addi %add3A_338, %iota3A : vector<16xi32>
        %lt3A_340 = vector.broadcast %min3A_91 : i32 to vector<16xi32>
        %lt3A_341 = arith.cmpi slt, %add3A_339, %lt3A_340 : vector<16xi32>
        %sub3A_342 = arith.constant 1076803666 : i32
        %sub3A_343 = vector.broadcast %sub3A_342 : i32 to vector<16xi32>
        %sub3A_344 = arith.subi %get3A_335, %sub3A_343 : vector<16xi32>
        %shift_right_arithmetic3A_345 = arith.constant 17 : i32
        %shift_right_arithmetic3A_346 = vector.broadcast %shift_right_arithmetic3A_345 : i32 to vector<16xi32>
        %shift_right_arithmetic3A_347 = arith.shrsi %sub3A_344, %shift_right_arithmetic3A_346 : vector<16xi32>
        %jit3A_348 = arith.constant 0 : i32
        %jit3A_349 = arith.constant 127 : i32
        %max3A_350 = vector.broadcast %jit3A_348 : i32 to vector<16xi32>
        %max3A_351 = arith.maxsi %max3A_350, %shift_right_arithmetic3A_347 : vector<16xi32>
        %min3A_352 = vector.broadcast %jit3A_349 : i32 to vector<16xi32>
        %min3A_353 = arith.minsi %min3A_352, %max3A_351 : vector<16xi32>
        tpu.vector_store_idx %arg9[%min3A_353], %broadcast_in_dim3A_5 masked %lt3A_341 {add = true} : memref<4096xi32, #tpu.memory_space<vmem>>[vector<16xi32>], vector<16xi32>, vector<16xi1>
      }
      %scan3A_172 = arith.constant 0 : i32
      %scan3A_173 = arith.constant 0 : i32
      %scan3A_174 = arith.constant 0 : i32
      %scan3A_175 = arith.constant 0 : i32
      %scan3A_176 = arith.constant 8 : i32
      %scan3A_177 = arith.addi %scan3A_175, %scan3A_176 : i32
      %scan3A_178 = arith.constant 1 : i32
      %scan3A_179:3 = scf.for %scan3A_331 = %scan3A_175 to %scan3A_177 step %scan3A_178 iter_args(%scan3A_332 = %scan3A_172, %scan3A_333 = %scan3A_173, %scan3A_334 = %scan3A_174) -> (i32, i32, i32)  : i32 {
        %sub3A_335 = arith.constant 7 : i32
        %sub3A_336 = arith.subi %sub3A_335, %scan3A_331 : i32
        %mul3A_337 = arith.constant 16 : i32
        %mul3A_338 = arith.muli %sub3A_336, %mul3A_337 : i32
        %get3A_339 = arith.index_cast %mul3A_338 : i32 to index
        %get3A_340 = tpu.vector_load %arg9[%get3A_339] {strides = array<i32>} : memref<4096xi32, #tpu.memory_space<vmem>>, vector<16xi32>,
        %broadcast_in_dim3A_341 = arith.constant true
        %broadcast_in_dim3A_342 = vector.broadcast %broadcast_in_dim3A_341 : i1 to vector<16xi1>
        %masked_cumsum3A = tpu.scan <sum>, %get3A_340 masked %broadcast_in_dim3A_342 : vector<16xi32>, vector<16xi1> -> vector<16xi32>
        %reduce_max3A_343 = arith.constant true
        %reduce_max3A_344 = vector.broadcast %reduce_max3A_343 : i1 to vector<16xi1>
        %reduce_max3A_345 = arith.constant -2147483648 : i32
        %reduce_max3A_346 = vector.broadcast %reduce_max3A_345 : i32 to vector<16xi32>
        %reduce_max3A_347 = arith.xori %masked_cumsum3A, %reduce_max3A_346 : vector<16xi32>
        %reduce_max3A_348 = tpu.scan <max>, %reduce_max3A_347 masked %reduce_max3A_344 : vector<16xi32>, vector<16xi1> -> vector<16xi32>
        %reduce_max3A_349 = arith.xori %reduce_max3A_348, %reduce_max3A_346 : vector<16xi32>
        %reduce_max3A_350 = vector.extract %reduce_max3A_349[15] : i32 from vector<16xi32>
        %sub3A_351 = vector.broadcast %reduce_max3A_350 : i32 to vector<16xi32>
        %sub3A_352 = arith.subi %sub3A_351, %masked_cumsum3A : vector<16xi32>
        %add3A_353 = arith.addi %sub3A_352, %get3A_340 : vector<16xi32>
        %add3A_354 = vector.broadcast %scan3A_332 : i32 to vector<16xi32>
        %add3A_355 = arith.addi %add3A_353, %add3A_354 : vector<16xi32>
        %ge3A_356 = arith.constant 64 : i32
        %ge3A_357 = vector.broadcast %ge3A_356 : i32 to vector<16xi32>
        %ge3A_358 = arith.cmpi sge, %add3A_355, %ge3A_357 : vector<16xi32>
        %all_reduce_population_count3A = tpu.all_reduce %ge3A_358 {dim = 0 : i64, kind = #tpu.reduction_kind<sum>} : vector<16xi1> -> vector<16xi32>
        %reduce_max3A_359 = arith.constant true
        %reduce_max3A_360 = vector.broadcast %reduce_max3A_359 : i1 to vector<16xi1>
        %reduce_max3A_361 = arith.constant -2147483648 : i32
        %reduce_max3A_362 = vector.broadcast %reduce_max3A_361 : i32 to vector<16xi32>
        %reduce_max3A_363 = arith.xori %all_reduce_population_count3A, %reduce_max3A_362 : vector<16xi32>
        %reduce_max3A_364 = tpu.scan <max>, %reduce_max3A_363 masked %reduce_max3A_360 : vector<16xi32>, vector<16xi1> -> vector<16xi32>
        %reduce_max3A_365 = arith.xori %reduce_max3A_364, %reduce_max3A_362 : vector<16xi32>
        %reduce_max3A_366 = vector.extract %reduce_max3A_365[15] : i32 from vector<16xi32>
        %eq3A = arith.constant 0 : i32
        %eq3A_367 = arith.cmpi eq, %scan3A_334, %eq3A : i32
        %gt3A_368 = arith.constant 0 : i32
        %gt3A_369 = arith.cmpi sgt, %reduce_max3A_366, %gt3A_368 : i32
        %and3A_370 = arith.andi %eq3A_367, %gt3A_369 : i1
        %mul3A_371 = arith.constant 16 : i32
        %mul3A_372 = arith.muli %sub3A_336, %mul3A_371 : i32
        %add3A_373 = arith.addi %mul3A_372, %reduce_max3A_366 : i32
        %sub3A_374 = arith.constant 1 : i32
        %sub3A_375 = arith.subi %add3A_373, %sub3A_374 : i32
        %select_n3A_376 = arith.select %and3A_370, %sub3A_375, %scan3A_333 : i32
        %jit3A_377 = arith.constant 1 : i32
        %select_n3A_378 = arith.select %and3A_370, %jit3A_377, %scan3A_334 : i32
        %add3A_379 = arith.addi %scan3A_332, %reduce_max3A_350 : i32
        scf.yield %add3A_379, %select_n3A_376, %select_n3A_378 : i32, i32, i32
      }
      %scan3A_180 = arith.constant 8 : i32
      %shift_left3A = arith.constant 17 : i32
      %shift_left3A_181 = arith.shli %scan3A_179#1, %shift_left3A : i32
      %add3A_182 = arith.constant 1076803666 : i32
      %add3A_183 = arith.addi %add3A_182, %shift_left3A_181 : i32
      %scan3A_184 = arith.constant 0 : i32
      %scan3A_185 = arith.constant 0 : i32
      %scan3A_186 = arith.constant 32 : i32
      %scan3A_187 = arith.addi %scan3A_185, %scan3A_186 : i32
      %scan3A_188 = arith.constant 4 : i32
      scf.for %scan3A_331 = %scan3A_185 to %scan3A_187 step %scan3A_188  : i32 {
        %broadcast_in_dim3A_332 = arith.constant -2147483648 : i32
        %broadcast_in_dim3A_333 = vector.broadcast %broadcast_in_dim3A_332 : i32 to vector<16xi32>
        %mul3A_334 = arith.constant 16 : i32
        %mul3A_335 = arith.muli %scan3A_331, %mul3A_334 : i32
        %swap3A_336 = arith.index_cast %mul3A_335 : i32 to index
        %swap3A_337 = tpu.vector_load %arg15[%swap3A_336] {strides = array<i32>} : memref<512xi32, #tpu.memory_space<vmem>>, vector<16xi32>,
        tpu.vector_store %arg15[%swap3A_336], %broadcast_in_dim3A_333 {strides = array<i32>} : memref<512xi32, #tpu.memory_space<vmem>>, vector<16xi32>,
        %broadcast_in_dim3A_338 = arith.constant 2147483647 : i32
        %broadcast_in_dim3A_339 = vector.broadcast %broadcast_in_dim3A_338 : i32 to vector<16xi32>
        %mul3A_340 = arith.constant 16 : i32
        %mul3A_341 = arith.muli %scan3A_331, %mul3A_340 : i32
        %swap3A_342 = arith.index_cast %mul3A_341 : i32 to index
        %swap3A_343 = tpu.vector_load %arg16[%swap3A_342] {strides = array<i32>} : memref<512xi32, #tpu.memory_space<vmem>>, vector<16xi32>,
        tpu.vector_store %arg16[%swap3A_342], %broadcast_in_dim3A_339 {strides = array<i32>} : memref<512xi32, #tpu.memory_space<vmem>>, vector<16xi32>,
        %scan3A_344 = arith.constant 1 : i32
        %scan3A_345 = arith.addi %scan3A_331, %scan3A_344 : i32
        %broadcast_in_dim3A_346 = arith.constant -2147483648 : i32
        %broadcast_in_dim3A_347 = vector.broadcast %broadcast_in_dim3A_346 : i32 to vector<16xi32>
        %mul3A_348 = arith.constant 16 : i32
        %mul3A_349 = arith.muli %scan3A_345, %mul3A_348 : i32
        %swap3A_350 = arith.index_cast %mul3A_349 : i32 to index
        %swap3A_351 = tpu.vector_load %arg15[%swap3A_350] {strides = array<i32>} : memref<512xi32, #tpu.memory_space<vmem>>, vector<16xi32>,
        tpu.vector_store %arg15[%swap3A_350], %broadcast_in_dim3A_347 {strides = array<i32>} : memref<512xi32, #tpu.memory_space<vmem>>, vector<16xi32>,
        %broadcast_in_dim3A_352 = arith.constant 2147483647 : i32
        %broadcast_in_dim3A_353 = vector.broadcast %broadcast_in_dim3A_352 : i32 to vector<16xi32>
        %mul3A_354 = arith.constant 16 : i32
        %mul3A_355 = arith.muli %scan3A_345, %mul3A_354 : i32
        %swap3A_356 = arith.index_cast %mul3A_355 : i32 to index
        %swap3A_357 = tpu.vector_load %arg16[%swap3A_356] {strides = array<i32>} : memref<512xi32, #tpu.memory_space<vmem>>, vector<16xi32>,
        tpu.vector_store %arg16[%swap3A_356], %broadcast_in_dim3A_353 {strides = array<i32>} : memref<512xi32, #tpu.memory_space<vmem>>, vector<16xi32>,
        %scan3A_358 = arith.constant 2 : i32
        %scan3A_359 = arith.addi %scan3A_331, %scan3A_358 : i32
        %broadcast_in_dim3A_360 = arith.constant -2147483648 : i32
        %broadcast_in_dim3A_361 = vector.broadcast %broadcast_in_dim3A_360 : i32 to vector<16xi32>
        %mul3A_362 = arith.constant 16 : i32
        %mul3A_363 = arith.muli %scan3A_359, %mul3A_362 : i32
        %swap3A_364 = arith.index_cast %mul3A_363 : i32 to index
        %swap3A_365 = tpu.vector_load %arg15[%swap3A_364] {strides = array<i32>} : memref<512xi32, #tpu.memory_space<vmem>>, vector<16xi32>,
        tpu.vector_store %arg15[%swap3A_364], %broadcast_in_dim3A_361 {strides = array<i32>} : memref<512xi32, #tpu.memory_space<vmem>>, vector<16xi32>,
        %broadcast_in_dim3A_366 = arith.constant 2147483647 : i32
        %broadcast_in_dim3A_367 = vector.broadcast %broadcast_in_dim3A_366 : i32 to vector<16xi32>
        %mul3A_368 = arith.constant 16 : i32
        %mul3A_369 = arith.muli %scan3A_359, %mul3A_368 : i32
        %swap3A_370 = arith.index_cast %mul3A_369 : i32 to index
        %swap3A_371 = tpu.vector_load %arg16[%swap3A_370] {strides = array<i32>} : memref<512xi32, #tpu.memory_space<vmem>>, vector<16xi32>,
        tpu.vector_store %arg16[%swap3A_370], %broadcast_in_dim3A_367 {strides = array<i32>} : memref<512xi32, #tpu.memory_space<vmem>>, vector<16xi32>,
        %scan3A_372 = arith.constant 3 : i32
        %scan3A_373 = arith.addi %scan3A_331, %scan3A_372 : i32
        %broadcast_in_dim3A_374 = arith.constant -2147483648 : i32
        %broadcast_in_dim3A_375 = vector.broadcast %broadcast_in_dim3A_374 : i32 to vector<16xi32>
        %mul3A_376 = arith.constant 16 : i32
        %mul3A_377 = arith.muli %scan3A_373, %mul3A_376 : i32
        %swap3A_378 = arith.index_cast %mul3A_377 : i32 to index
        %swap3A_379 = tpu.vector_load %arg15[%swap3A_378] {strides = array<i32>} : memref<512xi32, #tpu.memory_space<vmem>>, vector<16xi32>,
        tpu.vector_store %arg15[%swap3A_378], %broadcast_in_dim3A_375 {strides = array<i32>} : memref<512xi32, #tpu.memory_space<vmem>>, vector<16xi32>,
        %broadcast_in_dim3A_380 = arith.constant 2147483647 : i32
        %broadcast_in_dim3A_381 = vector.broadcast %broadcast_in_dim3A_380 : i32 to vector<16xi32>
        %mul3A_382 = arith.constant 16 : i32
        %mul3A_383 = arith.muli %scan3A_373, %mul3A_382 : i32
        %swap3A_384 = arith.index_cast %mul3A_383 : i32 to index
        %swap3A_385 = tpu.vector_load %arg16[%swap3A_384] {strides = array<i32>} : memref<512xi32, #tpu.memory_space<vmem>>, vector<16xi32>,
        tpu.vector_store %arg16[%swap3A_384], %broadcast_in_dim3A_381 {strides = array<i32>} : memref<512xi32, #tpu.memory_space<vmem>>, vector<16xi32>,
      }
      %scan3A_189 = arith.constant 32 : i32
      %while3A_190 = arith.constant 0 : i32
      %while3A_191 = arith.constant 0 : i32
      %while3A_192 = arith.subi %select_n3A, %while3A_190 : i32
      %while3A_193 = arith.addi %while3A_190, %while3A_192 : i32
      %while3A_194 = arith.constant 1 : i32
      %while3A_195 = arith.divsi %while3A_192, %while3A_194 : i32
      %while3A_196 = arith.muli %while3A_195, %while3A_194 : i32
      %while3A_197 = arith.addi %while3A_190, %while3A_196 : i32
      %while3A_198 = arith.constant 1 : i32
      %while3A_199 = scf.for %while3A_331 = %while3A_190 to %while3A_197 step %while3A_198 iter_args(%while3A_332 = %while3A_191) -> (i32)  : i32 {
        %mul3A_333 = arith.constant 16 : i32
        %mul3A_334 = arith.muli %while3A_331, %mul3A_333 : i32
        %get3A_335 = arith.index_cast %mul3A_334 : i32 to index
        %get3A_336 = tpu.vector_load %arg13[%get3A_335] {strides = array<i32>} : memref<512xi32, #tpu.memory_space<vmem>>, vector<16xi32>,
        %mul3A_337 = arith.constant 16 : i32
        %mul3A_338 = arith.muli %while3A_331, %mul3A_337 : i32
        %get3A_339 = arith.index_cast %mul3A_338 : i32 to index
        %get3A_340 = tpu.vector_load %arg14[%get3A_339] {strides = array<i32>} : memref<512xi32, #tpu.memory_space<vmem>>, vector<16xi32>,
        %mul3A_341 = arith.constant 16 : i32
        %mul3A_342 = arith.muli %while3A_331, %mul3A_341 : i32
        %add3A_343 = vector.broadcast %mul3A_342 : i32 to vector<16xi32>
        %add3A_344 = arith.addi %add3A_343, %iota3A : vector<16xi32>
        %lt3A_345 = vector.broadcast %min3A_91 : i32 to vector<16xi32>
        %lt3A_346 = arith.cmpi slt, %add3A_344, %lt3A_345 : vector<16xi32>
        %ge3A_347 = vector.broadcast %add3A_183 : i32 to vector<16xi32>
        %ge3A_348 = arith.cmpi sge, %get3A_336, %ge3A_347 : vector<16xi32>
        %eq3A = arith.constant 0 : i32
        %eq3A_349 = arith.cmpi eq, %scan3A_179#1, %eq3A : i32
        %or3A = vector.broadcast %eq3A_349 : i1 to vector<16xi1>
        %or3A_350 = arith.ori %ge3A_348, %or3A : vector<16xi1>
        %and3A_351 = arith.andi %lt3A_346, %or3A_350 : vector<16xi1>
        %convert_element_type3A_352 = arith.extui %and3A_351 : vector<16xi1> to vector<16xi32>
        %broadcast_in_dim3A_353 = arith.constant true
        %broadcast_in_dim3A_354 = vector.broadcast %broadcast_in_dim3A_353 : i1 to vector<16xi1>
        %masked_cumsum3A = tpu.scan <sum>, %convert_element_type3A_352 masked %broadcast_in_dim3A_354 : vector<16xi32>, vector<16xi1> -> vector<16xi32>
        %add3A_355 = vector.broadcast %while3A_332 : i32 to vector<16xi32>
        %add3A_356 = arith.addi %add3A_355, %masked_cumsum3A : vector<16xi32>
        %sub3A_357 = arith.subi %add3A_356, %convert_element_type3A_352 : vector<16xi32>
        %lt3A_358 = arith.constant 512 : i32
        %lt3A_359 = vector.broadcast %lt3A_358 : i32 to vector<16xi32>
        %lt3A_360 = arith.cmpi slt, %sub3A_357, %lt3A_359 : vector<16xi32>
        %and3A_361 = arith.andi %and3A_351, %lt3A_360 : vector<16xi1>
        tpu.vector_store_idx %arg15[%sub3A_357], %get3A_336 masked %and3A_361 : memref<512xi32, #tpu.memory_space<vmem>>[vector<16xi32>], vector<16xi32>, vector<16xi1>
        tpu.vector_store_idx %arg16[%sub3A_357], %get3A_340 masked %and3A_361 : memref<512xi32, #tpu.memory_space<vmem>>[vector<16xi32>], vector<16xi32>, vector<16xi1>
        %all_reduce_population_count3A = tpu.all_reduce %and3A_351 {dim = 0 : i64, kind = #tpu.reduction_kind<sum>} : vector<16xi1> -> vector<16xi32>
        %reduce_max3A_362 = arith.constant true
        %reduce_max3A_363 = vector.broadcast %reduce_max3A_362 : i1 to vector<16xi1>
        %reduce_max3A_364 = arith.constant -2147483648 : i32
        %reduce_max3A_365 = vector.broadcast %reduce_max3A_364 : i32 to vector<16xi32>
        %reduce_max3A_366 = arith.xori %all_reduce_population_count3A, %reduce_max3A_365 : vector<16xi32>
        %reduce_max3A_367 = tpu.scan <max>, %reduce_max3A_366 masked %reduce_max3A_363 : vector<16xi32>, vector<16xi1> -> vector<16xi32>
        %reduce_max3A_368 = arith.xori %reduce_max3A_367, %reduce_max3A_365 : vector<16xi32>
        %reduce_max3A_369 = vector.extract %reduce_max3A_368[15] : i32 from vector<16xi32>
        %add3A_370 = arith.addi %while3A_332, %reduce_max3A_369 : i32
        scf.yield %add3A_370 : i32
      }
      %while3A_200 = arith.constant 1 : i32
      %while3A_201 = scf.for %while3A_331 = %while3A_197 to %while3A_193 step %while3A_200 iter_args(%while3A_332 = %while3A_199) -> (i32)  : i32 {
        %mul3A_333 = arith.constant 16 : i32
        %mul3A_334 = arith.muli %while3A_331, %mul3A_333 : i32
        %get3A_335 = arith.index_cast %mul3A_334 : i32 to index
        %get3A_336 = tpu.vector_load %arg13[%get3A_335] {strides = array<i32>} : memref<512xi32, #tpu.memory_space<vmem>>, vector<16xi32>,
        %mul3A_337 = arith.constant 16 : i32
        %mul3A_338 = arith.muli %while3A_331, %mul3A_337 : i32
        %get3A_339 = arith.index_cast %mul3A_338 : i32 to index
        %get3A_340 = tpu.vector_load %arg14[%get3A_339] {strides = array<i32>} : memref<512xi32, #tpu.memory_space<vmem>>, vector<16xi32>,
        %mul3A_341 = arith.constant 16 : i32
        %mul3A_342 = arith.muli %while3A_331, %mul3A_341 : i32
        %add3A_343 = vector.broadcast %mul3A_342 : i32 to vector<16xi32>
        %add3A_344 = arith.addi %add3A_343, %iota3A : vector<16xi32>
        %lt3A_345 = vector.broadcast %min3A_91 : i32 to vector<16xi32>
        %lt3A_346 = arith.cmpi slt, %add3A_344, %lt3A_345 : vector<16xi32>
        %ge3A_347 = vector.broadcast %add3A_183 : i32 to vector<16xi32>
        %ge3A_348 = arith.cmpi sge, %get3A_336, %ge3A_347 : vector<16xi32>
        %eq3A = arith.constant 0 : i32
        %eq3A_349 = arith.cmpi eq, %scan3A_179#1, %eq3A : i32
        %or3A = vector.broadcast %eq3A_349 : i1 to vector<16xi1>
        %or3A_350 = arith.ori %ge3A_348, %or3A : vector<16xi1>
        %and3A_351 = arith.andi %lt3A_346, %or3A_350 : vector<16xi1>
        %convert_element_type3A_352 = arith.extui %and3A_351 : vector<16xi1> to vector<16xi32>
        %broadcast_in_dim3A_353 = arith.constant true
        %broadcast_in_dim3A_354 = vector.broadcast %broadcast_in_dim3A_353 : i1 to vector<16xi1>
        %masked_cumsum3A = tpu.scan <sum>, %convert_element_type3A_352 masked %broadcast_in_dim3A_354 : vector<16xi32>, vector<16xi1> -> vector<16xi32>
        %add3A_355 = vector.broadcast %while3A_332 : i32 to vector<16xi32>
        %add3A_356 = arith.addi %add3A_355, %masked_cumsum3A : vector<16xi32>
        %sub3A_357 = arith.subi %add3A_356, %convert_element_type3A_352 : vector<16xi32>
        %lt3A_358 = arith.constant 512 : i32
        %lt3A_359 = vector.broadcast %lt3A_358 : i32 to vector<16xi32>
        %lt3A_360 = arith.cmpi slt, %sub3A_357, %lt3A_359 : vector<16xi32>
        %and3A_361 = arith.andi %and3A_351, %lt3A_360 : vector<16xi1>
        tpu.vector_store_idx %arg15[%sub3A_357], %get3A_336 masked %and3A_361 : memref<512xi32, #tpu.memory_space<vmem>>[vector<16xi32>], vector<16xi32>, vector<16xi1>
        tpu.vector_store_idx %arg16[%sub3A_357], %get3A_340 masked %and3A_361 : memref<512xi32, #tpu.memory_space<vmem>>[vector<16xi32>], vector<16xi32>, vector<16xi1>
        %all_reduce_population_count3A = tpu.all_reduce %and3A_351 {dim = 0 : i64, kind = #tpu.reduction_kind<sum>} : vector<16xi1> -> vector<16xi32>
        %reduce_max3A_362 = arith.constant true
        %reduce_max3A_363 = vector.broadcast %reduce_max3A_362 : i1 to vector<16xi1>
        %reduce_max3A_364 = arith.constant -2147483648 : i32
        %reduce_max3A_365 = vector.broadcast %reduce_max3A_364 : i32 to vector<16xi32>
        %reduce_max3A_366 = arith.xori %all_reduce_population_count3A, %reduce_max3A_365 : vector<16xi32>
        %reduce_max3A_367 = tpu.scan <max>, %reduce_max3A_366 masked %reduce_max3A_363 : vector<16xi32>, vector<16xi1> -> vector<16xi32>
        %reduce_max3A_368 = arith.xori %reduce_max3A_367, %reduce_max3A_365 : vector<16xi32>
        %reduce_max3A_369 = vector.extract %reduce_max3A_368[15] : i32 from vector<16xi32>
        %add3A_370 = arith.addi %while3A_332, %reduce_max3A_369 : i32
        scf.yield %add3A_370 : i32
      }
      %min3A_202 = arith.constant 512 : i32
      %min3A_203 = arith.minsi %while3A_201, %min3A_202 : i32
      %add3A_204 = arith.constant 16 : i32
      %add3A_205 = arith.addi %min3A_203, %add3A_204 : i32
      %sub3A_206 = arith.constant 1 : i32
      %sub3A_207 = arith.subi %add3A_205, %sub3A_206 : i32
      %jit3A_208 = arith.constant 16 : i32
      %div3A_209 = arith.divsi %sub3A_207, %jit3A_208 : i32
      %sign3A_210 = arith.constant 0 : i32
      %sign3A_211 = arith.cmpi sgt, %sub3A_207, %sign3A_210 : i32
      %sign3A_212 = arith.extui %sign3A_211 : i1 to i32
      %sign3A_213 = arith.constant 0 : i32
      %sign3A_214 = arith.cmpi slt, %sub3A_207, %sign3A_213 : i32
      %sign3A_215 = arith.extui %sign3A_214 : i1 to i32
      %sign3A_216 = arith.subi %sign3A_212, %sign3A_215 : i32
      %sign3A_217 = arith.constant 0 : i32
      %sign3A_218 = arith.cmpi sgt, %jit3A_208, %sign3A_217 : i32
      %sign3A_219 = arith.extui %sign3A_218 : i1 to i32
      %sign3A_220 = arith.constant 0 : i32
      %sign3A_221 = arith.cmpi slt, %jit3A_208, %sign3A_220 : i32
      %sign3A_222 = arith.extui %sign3A_221 : i1 to i32
      %sign3A_223 = arith.subi %sign3A_219, %sign3A_222 : i32
      %ne3A_224 = arith.cmpi ne, %sign3A_216, %sign3A_223 : i32
      %rem3A_225 = arith.remsi %sub3A_207, %jit3A_208 : i32
      %ne3A_226 = arith.constant 0 : i32
      %ne3A_227 = arith.cmpi ne, %rem3A_225, %ne3A_226 : i32
      %and3A_228 = arith.andi %ne3A_224, %ne3A_227 : i1
      %sub3A_229 = arith.constant 1 : i32
      %sub3A_230 = arith.subi %div3A_209, %sub3A_229 : i32
      %select_n3A_231 = arith.select %and3A_228, %sub3A_230, %div3A_209 : i32
      %while3A_232 = arith.constant 0 : i32
      %while3A_233 = arith.constant 0 : i32
      %while3A_234 = arith.subi %select_n3A_231, %while3A_233 : i32
      %while3A_235 = arith.addi %while3A_233, %while3A_234 : i32
      %while3A_236 = arith.constant 1 : i32
      %while3A_237 = arith.divsi %while3A_234, %while3A_236 : i32
      %while3A_238 = arith.muli %while3A_237, %while3A_236 : i32
      %while3A_239 = arith.addi %while3A_233, %while3A_238 : i32
      %while3A_240 = arith.constant 1 : i32
      scf.for %while3A_331 = %while3A_233 to %while3A_239 step %while3A_240  : i32 {
        %mul3A_332 = arith.constant 16 : i32
        %mul3A_333 = arith.muli %while3A_331, %mul3A_332 : i32
        %get3A_334 = arith.index_cast %mul3A_333 : i32 to index
        %get3A_335 = tpu.vector_load %arg15[%get3A_334] {strides = array<i32>} : memref<512xi32, #tpu.memory_space<vmem>>, vector<16xi32>,
        %mul3A_336 = arith.constant 16 : i32
        %mul3A_337 = arith.muli %while3A_331, %mul3A_336 : i32
        %get3A_338 = arith.index_cast %mul3A_337 : i32 to index
        %get3A_339 = tpu.vector_load %arg16[%get3A_338] {strides = array<i32>} : memref<512xi32, #tpu.memory_space<vmem>>, vector<16xi32>,
        %while3A_340 = arith.constant 0 : i32
        %while3A_341 = arith.subi %select_n3A_231, %while3A_340 : i32
        %while3A_342 = arith.addi %while3A_340, %while3A_341 : i32
        %while3A_343 = arith.constant 1 : i32
        %while3A_344 = arith.divsi %while3A_341, %while3A_343 : i32
        %while3A_345 = arith.muli %while3A_344, %while3A_343 : i32
        %while3A_346 = arith.addi %while3A_340, %while3A_345 : i32
        %while3A_347 = arith.constant 1 : i32
        %while3A_348 = scf.for %while3A_354 = %while3A_340 to %while3A_346 step %while3A_347 iter_args(%while3A_355 = %broadcast_in_dim3A_3) -> (vector<16xi32>)  : i32 {
          %mul3A_356 = arith.constant 16 : i32
          %mul3A_357 = arith.muli %while3A_354, %mul3A_356 : i32
          %get3A_358 = arith.index_cast %mul3A_357 : i32 to index
          %get3A_359 = tpu.vector_load %arg15[%get3A_358] {strides = array<i32>} : memref<512xi32, #tpu.memory_space<vmem>>, vector<16xi32>,
          %mul3A_360 = arith.constant 16 : i32
          %mul3A_361 = arith.muli %while3A_354, %mul3A_360 : i32
          %get3A_362 = arith.index_cast %mul3A_361 : i32 to index
          %get3A_363 = tpu.vector_load %arg16[%get3A_362] {strides = array<i32>} : memref<512xi32, #tpu.memory_space<vmem>>, vector<16xi32>,
          %slice3A = vector.extract_strided_slice %get3A_359 {offsets = [0], sizes = [1], strides = [1]} : vector<16xi32> to vector<1xi32>
          %squeeze3A = vector.extract %slice3A[0] : i32 from vector<1xi32>
          %slice3A_364 = vector.extract_strided_slice %get3A_363 {offsets = [0], sizes = [1], strides = [1]} : vector<16xi32> to vector<1xi32>
          %squeeze3A_365 = vector.extract %slice3A_364[0] : i32 from vector<1xi32>
          %gt3A_366 = vector.broadcast %squeeze3A : i32 to vector<16xi32>
          %gt3A_367 = arith.cmpi sgt, %gt3A_366, %get3A_335 : vector<16xi32>
          %eq3A = vector.broadcast %squeeze3A : i32 to vector<16xi32>
          %eq3A_368 = arith.cmpi eq, %eq3A, %get3A_335 : vector<16xi32>
          %lt3A_369 = vector.broadcast %squeeze3A_365 : i32 to vector<16xi32>
          %lt3A_370 = arith.cmpi slt, %lt3A_369, %get3A_339 : vector<16xi32>
          %and3A_371 = arith.andi %eq3A_368, %lt3A_370 : vector<16xi1>
          %or3A = arith.ori %gt3A_367, %and3A_371 : vector<16xi1>
          %convert_element_type3A_372 = arith.extui %or3A : vector<16xi1> to vector<16xi32>
          %add3A_373 = arith.addi %while3A_355, %convert_element_type3A_372 : vector<16xi32>
          %slice3A_374 = vector.extract_strided_slice %get3A_359 {offsets = [1], sizes = [1], strides = [1]} : vector<16xi32> to vector<1xi32>
          %squeeze3A_375 = vector.extract %slice3A_374[0] : i32 from vector<1xi32>
          %slice3A_376 = vector.extract_strided_slice %get3A_363 {offsets = [1], sizes = [1], strides = [1]} : vector<16xi32> to vector<1xi32>
          %squeeze3A_377 = vector.extract %slice3A_376[0] : i32 from vector<1xi32>
          %gt3A_378 = vector.broadcast %squeeze3A_375 : i32 to vector<16xi32>
          %gt3A_379 = arith.cmpi sgt, %gt3A_378, %get3A_335 : vector<16xi32>
          %eq3A_380 = vector.broadcast %squeeze3A_375 : i32 to vector<16xi32>
          %eq3A_381 = arith.cmpi eq, %eq3A_380, %get3A_335 : vector<16xi32>
          %lt3A_382 = vector.broadcast %squeeze3A_377 : i32 to vector<16xi32>
          %lt3A_383 = arith.cmpi slt, %lt3A_382, %get3A_339 : vector<16xi32>
          %and3A_384 = arith.andi %eq3A_381, %lt3A_383 : vector<16xi1>
          %or3A_385 = arith.ori %gt3A_379, %and3A_384 : vector<16xi1>
          %convert_element_type3A_386 = arith.extui %or3A_385 : vector<16xi1> to vector<16xi32>
          %add3A_387 = arith.addi %add3A_373, %convert_element_type3A_386 : vector<16xi32>
          %slice3A_388 = vector.extract_strided_slice %get3A_359 {offsets = [2], sizes = [1], strides = [1]} : vector<16xi32> to vector<1xi32>
          %squeeze3A_389 = vector.extract %slice3A_388[0] : i32 from vector<1xi32>
          %slice3A_390 = vector.extract_strided_slice %get3A_363 {offsets = [2], sizes = [1], strides = [1]} : vector<16xi32> to vector<1xi32>
          %squeeze3A_391 = vector.extract %slice3A_390[0] : i32 from vector<1xi32>
          %gt3A_392 = vector.broadcast %squeeze3A_389 : i32 to vector<16xi32>
          %gt3A_393 = arith.cmpi sgt, %gt3A_392, %get3A_335 : vector<16xi32>
          %eq3A_394 = vector.broadcast %squeeze3A_389 : i32 to vector<16xi32>
          %eq3A_395 = arith.cmpi eq, %eq3A_394, %get3A_335 : vector<16xi32>
          %lt3A_396 = vector.broadcast %squeeze3A_391 : i32 to vector<16xi32>
          %lt3A_397 = arith.cmpi slt, %lt3A_396, %get3A_339 : vector<16xi32>
          %and3A_398 = arith.andi %eq3A_395, %lt3A_397 : vector<16xi1>
          %or3A_399 = arith.ori %gt3A_393, %and3A_398 : vector<16xi1>
          %convert_element_type3A_400 = arith.extui %or3A_399 : vector<16xi1> to vector<16xi32>
          %add3A_401 = arith.addi %add3A_387, %convert_element_type3A_400 : vector<16xi32>
          %slice3A_402 = vector.extract_strided_slice %get3A_359 {offsets = [3], sizes = [1], strides = [1]} : vector<16xi32> to vector<1xi32>
          %squeeze3A_403 = vector.extract %slice3A_402[0] : i32 from vector<1xi32>
          %slice3A_404 = vector.extract_strided_slice %get3A_363 {offsets = [3], sizes = [1], strides = [1]} : vector<16xi32> to vector<1xi32>
          %squeeze3A_405 = vector.extract %slice3A_404[0] : i32 from vector<1xi32>
          %gt3A_406 = vector.broadcast %squeeze3A_403 : i32 to vector<16xi32>
          %gt3A_407 = arith.cmpi sgt, %gt3A_406, %get3A_335 : vector<16xi32>
          %eq3A_408 = vector.broadcast %squeeze3A_403 : i32 to vector<16xi32>
          %eq3A_409 = arith.cmpi eq, %eq3A_408, %get3A_335 : vector<16xi32>
          %lt3A_410 = vector.broadcast %squeeze3A_405 : i32 to vector<16xi32>
          %lt3A_411 = arith.cmpi slt, %lt3A_410, %get3A_339 : vector<16xi32>
          %and3A_412 = arith.andi %eq3A_409, %lt3A_411 : vector<16xi1>
          %or3A_413 = arith.ori %gt3A_407, %and3A_412 : vector<16xi1>
          %convert_element_type3A_414 = arith.extui %or3A_413 : vector<16xi1> to vector<16xi32>
          %add3A_415 = arith.addi %add3A_401, %convert_element_type3A_414 : vector<16xi32>
          %slice3A_416 = vector.extract_strided_slice %get3A_359 {offsets = [4], sizes = [1], strides = [1]} : vector<16xi32> to vector<1xi32>
          %squeeze3A_417 = vector.extract %slice3A_416[0] : i32 from vector<1xi32>
          %slice3A_418 = vector.extract_strided_slice %get3A_363 {offsets = [4], sizes = [1], strides = [1]} : vector<16xi32> to vector<1xi32>
          %squeeze3A_419 = vector.extract %slice3A_418[0] : i32 from vector<1xi32>
          %gt3A_420 = vector.broadcast %squeeze3A_417 : i32 to vector<16xi32>
          %gt3A_421 = arith.cmpi sgt, %gt3A_420, %get3A_335 : vector<16xi32>
          %eq3A_422 = vector.broadcast %squeeze3A_417 : i32 to vector<16xi32>
          %eq3A_423 = arith.cmpi eq, %eq3A_422, %get3A_335 : vector<16xi32>
          %lt3A_424 = vector.broadcast %squeeze3A_419 : i32 to vector<16xi32>
          %lt3A_425 = arith.cmpi slt, %lt3A_424, %get3A_339 : vector<16xi32>
          %and3A_426 = arith.andi %eq3A_423, %lt3A_425 : vector<16xi1>
          %or3A_427 = arith.ori %gt3A_421, %and3A_426 : vector<16xi1>
          %convert_element_type3A_428 = arith.extui %or3A_427 : vector<16xi1> to vector<16xi32>
          %add3A_429 = arith.addi %add3A_415, %convert_element_type3A_428 : vector<16xi32>
          %slice3A_430 = vector.extract_strided_slice %get3A_359 {offsets = [5], sizes = [1], strides = [1]} : vector<16xi32> to vector<1xi32>
          %squeeze3A_431 = vector.extract %slice3A_430[0] : i32 from vector<1xi32>
          %slice3A_432 = vector.extract_strided_slice %get3A_363 {offsets = [5], sizes = [1], strides = [1]} : vector<16xi32> to vector<1xi32>
          %squeeze3A_433 = vector.extract %slice3A_432[0] : i32 from vector<1xi32>
          %gt3A_434 = vector.broadcast %squeeze3A_431 : i32 to vector<16xi32>
          %gt3A_435 = arith.cmpi sgt, %gt3A_434, %get3A_335 : vector<16xi32>
          %eq3A_436 = vector.broadcast %squeeze3A_431 : i32 to vector<16xi32>
          %eq3A_437 = arith.cmpi eq, %eq3A_436, %get3A_335 : vector<16xi32>
          %lt3A_438 = vector.broadcast %squeeze3A_433 : i32 to vector<16xi32>
          %lt3A_439 = arith.cmpi slt, %lt3A_438, %get3A_339 : vector<16xi32>
          %and3A_440 = arith.andi %eq3A_437, %lt3A_439 : vector<16xi1>
          %or3A_441 = arith.ori %gt3A_435, %and3A_440 : vector<16xi1>
          %convert_element_type3A_442 = arith.extui %or3A_441 : vector<16xi1> to vector<16xi32>
          %add3A_443 = arith.addi %add3A_429, %convert_element_type3A_442 : vector<16xi32>
          %slice3A_444 = vector.extract_strided_slice %get3A_359 {offsets = [6], sizes = [1], strides = [1]} : vector<16xi32> to vector<1xi32>
          %squeeze3A_445 = vector.extract %slice3A_444[0] : i32 from vector<1xi32>
          %slice3A_446 = vector.extract_strided_slice %get3A_363 {offsets = [6], sizes = [1], strides = [1]} : vector<16xi32> to vector<1xi32>
          %squeeze3A_447 = vector.extract %slice3A_446[0] : i32 from vector<1xi32>
          %gt3A_448 = vector.broadcast %squeeze3A_445 : i32 to vector<16xi32>
          %gt3A_449 = arith.cmpi sgt, %gt3A_448, %get3A_335 : vector<16xi32>
          %eq3A_450 = vector.broadcast %squeeze3A_445 : i32 to vector<16xi32>
          %eq3A_451 = arith.cmpi eq, %eq3A_450, %get3A_335 : vector<16xi32>
          %lt3A_452 = vector.broadcast %squeeze3A_447 : i32 to vector<16xi32>
          %lt3A_453 = arith.cmpi slt, %lt3A_452, %get3A_339 : vector<16xi32>
          %and3A_454 = arith.andi %eq3A_451, %lt3A_453 : vector<16xi1>
          %or3A_455 = arith.ori %gt3A_449, %and3A_454 : vector<16xi1>
          %convert_element_type3A_456 = arith.extui %or3A_455 : vector<16xi1> to vector<16xi32>
          %add3A_457 = arith.addi %add3A_443, %convert_element_type3A_456 : vector<16xi32>
          %slice3A_458 = vector.extract_strided_slice %get3A_359 {offsets = [7], sizes = [1], strides = [1]} : vector<16xi32> to vector<1xi32>
          %squeeze3A_459 = vector.extract %slice3A_458[0] : i32 from vector<1xi32>
          %slice3A_460 = vector.extract_strided_slice %get3A_363 {offsets = [7], sizes = [1], strides = [1]} : vector<16xi32> to vector<1xi32>
          %squeeze3A_461 = vector.extract %slice3A_460[0] : i32 from vector<1xi32>
          %gt3A_462 = vector.broadcast %squeeze3A_459 : i32 to vector<16xi32>
          %gt3A_463 = arith.cmpi sgt, %gt3A_462, %get3A_335 : vector<16xi32>
          %eq3A_464 = vector.broadcast %squeeze3A_459 : i32 to vector<16xi32>
          %eq3A_465 = arith.cmpi eq, %eq3A_464, %get3A_335 : vector<16xi32>
          %lt3A_466 = vector.broadcast %squeeze3A_461 : i32 to vector<16xi32>
          %lt3A_467 = arith.cmpi slt, %lt3A_466, %get3A_339 : vector<16xi32>
          %and3A_468 = arith.andi %eq3A_465, %lt3A_467 : vector<16xi1>
          %or3A_469 = arith.ori %gt3A_463, %and3A_468 : vector<16xi1>
          %convert_element_type3A_470 = arith.extui %or3A_469 : vector<16xi1> to vector<16xi32>
          %add3A_471 = arith.addi %add3A_457, %convert_element_type3A_470 : vector<16xi32>
          %slice3A_472 = vector.extract_strided_slice %get3A_359 {offsets = [8], sizes = [1], strides = [1]} : vector<16xi32> to vector<1xi32>
          %squeeze3A_473 = vector.extract %slice3A_472[0] : i32 from vector<1xi32>
          %slice3A_474 = vector.extract_strided_slice %get3A_363 {offsets = [8], sizes = [1], strides = [1]} : vector<16xi32> to vector<1xi32>
          %squeeze3A_475 = vector.extract %slice3A_474[0] : i32 from vector<1xi32>
          %gt3A_476 = vector.broadcast %squeeze3A_473 : i32 to vector<16xi32>
          %gt3A_477 = arith.cmpi sgt, %gt3A_476, %get3A_335 : vector<16xi32>
          %eq3A_478 = vector.broadcast %squeeze3A_473 : i32 to vector<16xi32>
          %eq3A_479 = arith.cmpi eq, %eq3A_478, %get3A_335 : vector<16xi32>
          %lt3A_480 = vector.broadcast %squeeze3A_475 : i32 to vector<16xi32>
          %lt3A_481 = arith.cmpi slt, %lt3A_480, %get3A_339 : vector<16xi32>
          %and3A_482 = arith.andi %eq3A_479, %lt3A_481 : vector<16xi1>
          %or3A_483 = arith.ori %gt3A_477, %and3A_482 : vector<16xi1>
          %convert_element_type3A_484 = arith.extui %or3A_483 : vector<16xi1> to vector<16xi32>
          %add3A_485 = arith.addi %add3A_471, %convert_element_type3A_484 : vector<16xi32>
          %slice3A_486 = vector.extract_strided_slice %get3A_359 {offsets = [9], sizes = [1], strides = [1]} : vector<16xi32> to vector<1xi32>
          %squeeze3A_487 = vector.extract %slice3A_486[0] : i32 from vector<1xi32>
          %slice3A_488 = vector.extract_strided_slice %get3A_363 {offsets = [9], sizes = [1], strides = [1]} : vector<16xi32> to vector<1xi32>
          %squeeze3A_489 = vector.extract %slice3A_488[0] : i32 from vector<1xi32>
          %gt3A_490 = vector.broadcast %squeeze3A_487 : i32 to vector<16xi32>
          %gt3A_491 = arith.cmpi sgt, %gt3A_490, %get3A_335 : vector<16xi32>
          %eq3A_492 = vector.broadcast %squeeze3A_487 : i32 to vector<16xi32>
          %eq3A_493 = arith.cmpi eq, %eq3A_492, %get3A_335 : vector<16xi32>
          %lt3A_494 = vector.broadcast %squeeze3A_489 : i32 to vector<16xi32>
          %lt3A_495 = arith.cmpi slt, %lt3A_494, %get3A_339 : vector<16xi32>
          %and3A_496 = arith.andi %eq3A_493, %lt3A_495 : vector<16xi1>
          %or3A_497 = arith.ori %gt3A_491, %and3A_496 : vector<16xi1>
          %convert_element_type3A_498 = arith.extui %or3A_497 : vector<16xi1> to vector<16xi32>
          %add3A_499 = arith.addi %add3A_485, %convert_element_type3A_498 : vector<16xi32>
          %slice3A_500 = vector.extract_strided_slice %get3A_359 {offsets = [10], sizes = [1], strides = [1]} : vector<16xi32> to vector<1xi32>
          %squeeze3A_501 = vector.extract %slice3A_500[0] : i32 from vector<1xi32>
          %slice3A_502 = vector.extract_strided_slice %get3A_363 {offsets = [10], sizes = [1], strides = [1]} : vector<16xi32> to vector<1xi32>
          %squeeze3A_503 = vector.extract %slice3A_502[0] : i32 from vector<1xi32>
          %gt3A_504 = vector.broadcast %squeeze3A_501 : i32 to vector<16xi32>
          %gt3A_505 = arith.cmpi sgt, %gt3A_504, %get3A_335 : vector<16xi32>
          %eq3A_506 = vector.broadcast %squeeze3A_501 : i32 to vector<16xi32>
          %eq3A_507 = arith.cmpi eq, %eq3A_506, %get3A_335 : vector<16xi32>
          %lt3A_508 = vector.broadcast %squeeze3A_503 : i32 to vector<16xi32>
          %lt3A_509 = arith.cmpi slt, %lt3A_508, %get3A_339 : vector<16xi32>
          %and3A_510 = arith.andi %eq3A_507, %lt3A_509 : vector<16xi1>
          %or3A_511 = arith.ori %gt3A_505, %and3A_510 : vector<16xi1>
          %convert_element_type3A_512 = arith.extui %or3A_511 : vector<16xi1> to vector<16xi32>
          %add3A_513 = arith.addi %add3A_499, %convert_element_type3A_512 : vector<16xi32>
          %slice3A_514 = vector.extract_strided_slice %get3A_359 {offsets = [11], sizes = [1], strides = [1]} : vector<16xi32> to vector<1xi32>
          %squeeze3A_515 = vector.extract %slice3A_514[0] : i32 from vector<1xi32>
          %slice3A_516 = vector.extract_strided_slice %get3A_363 {offsets = [11], sizes = [1], strides = [1]} : vector<16xi32> to vector<1xi32>
          %squeeze3A_517 = vector.extract %slice3A_516[0] : i32 from vector<1xi32>
          %gt3A_518 = vector.broadcast %squeeze3A_515 : i32 to vector<16xi32>
          %gt3A_519 = arith.cmpi sgt, %gt3A_518, %get3A_335 : vector<16xi32>
          %eq3A_520 = vector.broadcast %squeeze3A_515 : i32 to vector<16xi32>
          %eq3A_521 = arith.cmpi eq, %eq3A_520, %get3A_335 : vector<16xi32>
          %lt3A_522 = vector.broadcast %squeeze3A_517 : i32 to vector<16xi32>
          %lt3A_523 = arith.cmpi slt, %lt3A_522, %get3A_339 : vector<16xi32>
          %and3A_524 = arith.andi %eq3A_521, %lt3A_523 : vector<16xi1>
          %or3A_525 = arith.ori %gt3A_519, %and3A_524 : vector<16xi1>
          %convert_element_type3A_526 = arith.extui %or3A_525 : vector<16xi1> to vector<16xi32>
          %add3A_527 = arith.addi %add3A_513, %convert_element_type3A_526 : vector<16xi32>
          %slice3A_528 = vector.extract_strided_slice %get3A_359 {offsets = [12], sizes = [1], strides = [1]} : vector<16xi32> to vector<1xi32>
          %squeeze3A_529 = vector.extract %slice3A_528[0] : i32 from vector<1xi32>
          %slice3A_530 = vector.extract_strided_slice %get3A_363 {offsets = [12], sizes = [1], strides = [1]} : vector<16xi32> to vector<1xi32>
          %squeeze3A_531 = vector.extract %slice3A_530[0] : i32 from vector<1xi32>
          %gt3A_532 = vector.broadcast %squeeze3A_529 : i32 to vector<16xi32>
          %gt3A_533 = arith.cmpi sgt, %gt3A_532, %get3A_335 : vector<16xi32>
          %eq3A_534 = vector.broadcast %squeeze3A_529 : i32 to vector<16xi32>
          %eq3A_535 = arith.cmpi eq, %eq3A_534, %get3A_335 : vector<16xi32>
          %lt3A_536 = vector.broadcast %squeeze3A_531 : i32 to vector<16xi32>
          %lt3A_537 = arith.cmpi slt, %lt3A_536, %get3A_339 : vector<16xi32>
          %and3A_538 = arith.andi %eq3A_535, %lt3A_537 : vector<16xi1>
          %or3A_539 = arith.ori %gt3A_533, %and3A_538 : vector<16xi1>
          %convert_element_type3A_540 = arith.extui %or3A_539 : vector<16xi1> to vector<16xi32>
          %add3A_541 = arith.addi %add3A_527, %convert_element_type3A_540 : vector<16xi32>
          %slice3A_542 = vector.extract_strided_slice %get3A_359 {offsets = [13], sizes = [1], strides = [1]} : vector<16xi32> to vector<1xi32>
          %squeeze3A_543 = vector.extract %slice3A_542[0] : i32 from vector<1xi32>
          %slice3A_544 = vector.extract_strided_slice %get3A_363 {offsets = [13], sizes = [1], strides = [1]} : vector<16xi32> to vector<1xi32>
          %squeeze3A_545 = vector.extract %slice3A_544[0] : i32 from vector<1xi32>
          %gt3A_546 = vector.broadcast %squeeze3A_543 : i32 to vector<16xi32>
          %gt3A_547 = arith.cmpi sgt, %gt3A_546, %get3A_335 : vector<16xi32>
          %eq3A_548 = vector.broadcast %squeeze3A_543 : i32 to vector<16xi32>
          %eq3A_549 = arith.cmpi eq, %eq3A_548, %get3A_335 : vector<16xi32>
          %lt3A_550 = vector.broadcast %squeeze3A_545 : i32 to vector<16xi32>
          %lt3A_551 = arith.cmpi slt, %lt3A_550, %get3A_339 : vector<16xi32>
          %and3A_552 = arith.andi %eq3A_549, %lt3A_551 : vector<16xi1>
          %or3A_553 = arith.ori %gt3A_547, %and3A_552 : vector<16xi1>
          %convert_element_type3A_554 = arith.extui %or3A_553 : vector<16xi1> to vector<16xi32>
          %add3A_555 = arith.addi %add3A_541, %convert_element_type3A_554 : vector<16xi32>
          %slice3A_556 = vector.extract_strided_slice %get3A_359 {offsets = [14], sizes = [1], strides = [1]} : vector<16xi32> to vector<1xi32>
          %squeeze3A_557 = vector.extract %slice3A_556[0] : i32 from vector<1xi32>
          %slice3A_558 = vector.extract_strided_slice %get3A_363 {offsets = [14], sizes = [1], strides = [1]} : vector<16xi32> to vector<1xi32>
          %squeeze3A_559 = vector.extract %slice3A_558[0] : i32 from vector<1xi32>
          %gt3A_560 = vector.broadcast %squeeze3A_557 : i32 to vector<16xi32>
          %gt3A_561 = arith.cmpi sgt, %gt3A_560, %get3A_335 : vector<16xi32>
          %eq3A_562 = vector.broadcast %squeeze3A_557 : i32 to vector<16xi32>
          %eq3A_563 = arith.cmpi eq, %eq3A_562, %get3A_335 : vector<16xi32>
          %lt3A_564 = vector.broadcast %squeeze3A_559 : i32 to vector<16xi32>
          %lt3A_565 = arith.cmpi slt, %lt3A_564, %get3A_339 : vector<16xi32>
          %and3A_566 = arith.andi %eq3A_563, %lt3A_565 : vector<16xi1>
          %or3A_567 = arith.ori %gt3A_561, %and3A_566 : vector<16xi1>
          %convert_element_type3A_568 = arith.extui %or3A_567 : vector<16xi1> to vector<16xi32>
          %add3A_569 = arith.addi %add3A_555, %convert_element_type3A_568 : vector<16xi32>
          %slice3A_570 = vector.extract_strided_slice %get3A_359 {offsets = [15], sizes = [1], strides = [1]} : vector<16xi32> to vector<1xi32>
          %squeeze3A_571 = vector.extract %slice3A_570[0] : i32 from vector<1xi32>
          %slice3A_572 = vector.extract_strided_slice %get3A_363 {offsets = [15], sizes = [1], strides = [1]} : vector<16xi32> to vector<1xi32>
          %squeeze3A_573 = vector.extract %slice3A_572[0] : i32 from vector<1xi32>
          %gt3A_574 = vector.broadcast %squeeze3A_571 : i32 to vector<16xi32>
          %gt3A_575 = arith.cmpi sgt, %gt3A_574, %get3A_335 : vector<16xi32>
          %eq3A_576 = vector.broadcast %squeeze3A_571 : i32 to vector<16xi32>
          %eq3A_577 = arith.cmpi eq, %eq3A_576, %get3A_335 : vector<16xi32>
          %lt3A_578 = vector.broadcast %squeeze3A_573 : i32 to vector<16xi32>
          %lt3A_579 = arith.cmpi slt, %lt3A_578, %get3A_339 : vector<16xi32>
          %and3A_580 = arith.andi %eq3A_577, %lt3A_579 : vector<16xi1>
          %or3A_581 = arith.ori %gt3A_575, %and3A_580 : vector<16xi1>
          %convert_element_type3A_582 = arith.extui %or3A_581 : vector<16xi1> to vector<16xi32>
          %add3A_583 = arith.addi %add3A_569, %convert_element_type3A_582 : vector<16xi32>
          scf.yield %add3A_583 : vector<16xi32>
        }
        %while3A_349 = arith.constant 1 : i32
        %while3A_350 = scf.for %while3A_354 = %while3A_346 to %while3A_342 step %while3A_349 iter_args(%while3A_355 = %while3A_348) -> (vector<16xi32>)  : i32 {
          %mul3A_356 = arith.constant 16 : i32
          %mul3A_357 = arith.muli %while3A_354, %mul3A_356 : i32
          %get3A_358 = arith.index_cast %mul3A_357 : i32 to index
          %get3A_359 = tpu.vector_load %arg15[%get3A_358] {strides = array<i32>} : memref<512xi32, #tpu.memory_space<vmem>>, vector<16xi32>,
          %mul3A_360 = arith.constant 16 : i32
          %mul3A_361 = arith.muli %while3A_354, %mul3A_360 : i32
          %get3A_362 = arith.index_cast %mul3A_361 : i32 to index
          %get3A_363 = tpu.vector_load %arg16[%get3A_362] {strides = array<i32>} : memref<512xi32, #tpu.memory_space<vmem>>, vector<16xi32>,
          %slice3A = vector.extract_strided_slice %get3A_359 {offsets = [0], sizes = [1], strides = [1]} : vector<16xi32> to vector<1xi32>
          %squeeze3A = vector.extract %slice3A[0] : i32 from vector<1xi32>
          %slice3A_364 = vector.extract_strided_slice %get3A_363 {offsets = [0], sizes = [1], strides = [1]} : vector<16xi32> to vector<1xi32>
          %squeeze3A_365 = vector.extract %slice3A_364[0] : i32 from vector<1xi32>
          %gt3A_366 = vector.broadcast %squeeze3A : i32 to vector<16xi32>
          %gt3A_367 = arith.cmpi sgt, %gt3A_366, %get3A_335 : vector<16xi32>
          %eq3A = vector.broadcast %squeeze3A : i32 to vector<16xi32>
          %eq3A_368 = arith.cmpi eq, %eq3A, %get3A_335 : vector<16xi32>
          %lt3A_369 = vector.broadcast %squeeze3A_365 : i32 to vector<16xi32>
          %lt3A_370 = arith.cmpi slt, %lt3A_369, %get3A_339 : vector<16xi32>
          %and3A_371 = arith.andi %eq3A_368, %lt3A_370 : vector<16xi1>
          %or3A = arith.ori %gt3A_367, %and3A_371 : vector<16xi1>
          %convert_element_type3A_372 = arith.extui %or3A : vector<16xi1> to vector<16xi32>
          %add3A_373 = arith.addi %while3A_355, %convert_element_type3A_372 : vector<16xi32>
          %slice3A_374 = vector.extract_strided_slice %get3A_359 {offsets = [1], sizes = [1], strides = [1]} : vector<16xi32> to vector<1xi32>
          %squeeze3A_375 = vector.extract %slice3A_374[0] : i32 from vector<1xi32>
          %slice3A_376 = vector.extract_strided_slice %get3A_363 {offsets = [1], sizes = [1], strides = [1]} : vector<16xi32> to vector<1xi32>
          %squeeze3A_377 = vector.extract %slice3A_376[0] : i32 from vector<1xi32>
          %gt3A_378 = vector.broadcast %squeeze3A_375 : i32 to vector<16xi32>
          %gt3A_379 = arith.cmpi sgt, %gt3A_378, %get3A_335 : vector<16xi32>
          %eq3A_380 = vector.broadcast %squeeze3A_375 : i32 to vector<16xi32>
          %eq3A_381 = arith.cmpi eq, %eq3A_380, %get3A_335 : vector<16xi32>
          %lt3A_382 = vector.broadcast %squeeze3A_377 : i32 to vector<16xi32>
          %lt3A_383 = arith.cmpi slt, %lt3A_382, %get3A_339 : vector<16xi32>
          %and3A_384 = arith.andi %eq3A_381, %lt3A_383 : vector<16xi1>
          %or3A_385 = arith.ori %gt3A_379, %and3A_384 : vector<16xi1>
          %convert_element_type3A_386 = arith.extui %or3A_385 : vector<16xi1> to vector<16xi32>
          %add3A_387 = arith.addi %add3A_373, %convert_element_type3A_386 : vector<16xi32>
          %slice3A_388 = vector.extract_strided_slice %get3A_359 {offsets = [2], sizes = [1], strides = [1]} : vector<16xi32> to vector<1xi32>
          %squeeze3A_389 = vector.extract %slice3A_388[0] : i32 from vector<1xi32>
          %slice3A_390 = vector.extract_strided_slice %get3A_363 {offsets = [2], sizes = [1], strides = [1]} : vector<16xi32> to vector<1xi32>
          %squeeze3A_391 = vector.extract %slice3A_390[0] : i32 from vector<1xi32>
          %gt3A_392 = vector.broadcast %squeeze3A_389 : i32 to vector<16xi32>
          %gt3A_393 = arith.cmpi sgt, %gt3A_392, %get3A_335 : vector<16xi32>
          %eq3A_394 = vector.broadcast %squeeze3A_389 : i32 to vector<16xi32>
          %eq3A_395 = arith.cmpi eq, %eq3A_394, %get3A_335 : vector<16xi32>
          %lt3A_396 = vector.broadcast %squeeze3A_391 : i32 to vector<16xi32>
          %lt3A_397 = arith.cmpi slt, %lt3A_396, %get3A_339 : vector<16xi32>
          %and3A_398 = arith.andi %eq3A_395, %lt3A_397 : vector<16xi1>
          %or3A_399 = arith.ori %gt3A_393, %and3A_398 : vector<16xi1>
          %convert_element_type3A_400 = arith.extui %or3A_399 : vector<16xi1> to vector<16xi32>
          %add3A_401 = arith.addi %add3A_387, %convert_element_type3A_400 : vector<16xi32>
          %slice3A_402 = vector.extract_strided_slice %get3A_359 {offsets = [3], sizes = [1], strides = [1]} : vector<16xi32> to vector<1xi32>
          %squeeze3A_403 = vector.extract %slice3A_402[0] : i32 from vector<1xi32>
          %slice3A_404 = vector.extract_strided_slice %get3A_363 {offsets = [3], sizes = [1], strides = [1]} : vector<16xi32> to vector<1xi32>
          %squeeze3A_405 = vector.extract %slice3A_404[0] : i32 from vector<1xi32>
          %gt3A_406 = vector.broadcast %squeeze3A_403 : i32 to vector<16xi32>
          %gt3A_407 = arith.cmpi sgt, %gt3A_406, %get3A_335 : vector<16xi32>
          %eq3A_408 = vector.broadcast %squeeze3A_403 : i32 to vector<16xi32>
          %eq3A_409 = arith.cmpi eq, %eq3A_408, %get3A_335 : vector<16xi32>
          %lt3A_410 = vector.broadcast %squeeze3A_405 : i32 to vector<16xi32>
          %lt3A_411 = arith.cmpi slt, %lt3A_410, %get3A_339 : vector<16xi32>
          %and3A_412 = arith.andi %eq3A_409, %lt3A_411 : vector<16xi1>
          %or3A_413 = arith.ori %gt3A_407, %and3A_412 : vector<16xi1>
          %convert_element_type3A_414 = arith.extui %or3A_413 : vector<16xi1> to vector<16xi32>
          %add3A_415 = arith.addi %add3A_401, %convert_element_type3A_414 : vector<16xi32>
          %slice3A_416 = vector.extract_strided_slice %get3A_359 {offsets = [4], sizes = [1], strides = [1]} : vector<16xi32> to vector<1xi32>
          %squeeze3A_417 = vector.extract %slice3A_416[0] : i32 from vector<1xi32>
          %slice3A_418 = vector.extract_strided_slice %get3A_363 {offsets = [4], sizes = [1], strides = [1]} : vector<16xi32> to vector<1xi32>
          %squeeze3A_419 = vector.extract %slice3A_418[0] : i32 from vector<1xi32>
          %gt3A_420 = vector.broadcast %squeeze3A_417 : i32 to vector<16xi32>
          %gt3A_421 = arith.cmpi sgt, %gt3A_420, %get3A_335 : vector<16xi32>
          %eq3A_422 = vector.broadcast %squeeze3A_417 : i32 to vector<16xi32>
          %eq3A_423 = arith.cmpi eq, %eq3A_422, %get3A_335 : vector<16xi32>
          %lt3A_424 = vector.broadcast %squeeze3A_419 : i32 to vector<16xi32>
          %lt3A_425 = arith.cmpi slt, %lt3A_424, %get3A_339 : vector<16xi32>
          %and3A_426 = arith.andi %eq3A_423, %lt3A_425 : vector<16xi1>
          %or3A_427 = arith.ori %gt3A_421, %and3A_426 : vector<16xi1>
          %convert_element_type3A_428 = arith.extui %or3A_427 : vector<16xi1> to vector<16xi32>
          %add3A_429 = arith.addi %add3A_415, %convert_element_type3A_428 : vector<16xi32>
          %slice3A_430 = vector.extract_strided_slice %get3A_359 {offsets = [5], sizes = [1], strides = [1]} : vector<16xi32> to vector<1xi32>
          %squeeze3A_431 = vector.extract %slice3A_430[0] : i32 from vector<1xi32>
          %slice3A_432 = vector.extract_strided_slice %get3A_363 {offsets = [5], sizes = [1], strides = [1]} : vector<16xi32> to vector<1xi32>
          %squeeze3A_433 = vector.extract %slice3A_432[0] : i32 from vector<1xi32>
          %gt3A_434 = vector.broadcast %squeeze3A_431 : i32 to vector<16xi32>
          %gt3A_435 = arith.cmpi sgt, %gt3A_434, %get3A_335 : vector<16xi32>
          %eq3A_436 = vector.broadcast %squeeze3A_431 : i32 to vector<16xi32>
          %eq3A_437 = arith.cmpi eq, %eq3A_436, %get3A_335 : vector<16xi32>
          %lt3A_438 = vector.broadcast %squeeze3A_433 : i32 to vector<16xi32>
          %lt3A_439 = arith.cmpi slt, %lt3A_438, %get3A_339 : vector<16xi32>
          %and3A_440 = arith.andi %eq3A_437, %lt3A_439 : vector<16xi1>
          %or3A_441 = arith.ori %gt3A_435, %and3A_440 : vector<16xi1>
          %convert_element_type3A_442 = arith.extui %or3A_441 : vector<16xi1> to vector<16xi32>
          %add3A_443 = arith.addi %add3A_429, %convert_element_type3A_442 : vector<16xi32>
          %slice3A_444 = vector.extract_strided_slice %get3A_359 {offsets = [6], sizes = [1], strides = [1]} : vector<16xi32> to vector<1xi32>
          %squeeze3A_445 = vector.extract %slice3A_444[0] : i32 from vector<1xi32>
          %slice3A_446 = vector.extract_strided_slice %get3A_363 {offsets = [6], sizes = [1], strides = [1]} : vector<16xi32> to vector<1xi32>
          %squeeze3A_447 = vector.extract %slice3A_446[0] : i32 from vector<1xi32>
          %gt3A_448 = vector.broadcast %squeeze3A_445 : i32 to vector<16xi32>
          %gt3A_449 = arith.cmpi sgt, %gt3A_448, %get3A_335 : vector<16xi32>
          %eq3A_450 = vector.broadcast %squeeze3A_445 : i32 to vector<16xi32>
          %eq3A_451 = arith.cmpi eq, %eq3A_450, %get3A_335 : vector<16xi32>
          %lt3A_452 = vector.broadcast %squeeze3A_447 : i32 to vector<16xi32>
          %lt3A_453 = arith.cmpi slt, %lt3A_452, %get3A_339 : vector<16xi32>
          %and3A_454 = arith.andi %eq3A_451, %lt3A_453 : vector<16xi1>
          %or3A_455 = arith.ori %gt3A_449, %and3A_454 : vector<16xi1>
          %convert_element_type3A_456 = arith.extui %or3A_455 : vector<16xi1> to vector<16xi32>
          %add3A_457 = arith.addi %add3A_443, %convert_element_type3A_456 : vector<16xi32>
          %slice3A_458 = vector.extract_strided_slice %get3A_359 {offsets = [7], sizes = [1], strides = [1]} : vector<16xi32> to vector<1xi32>
          %squeeze3A_459 = vector.extract %slice3A_458[0] : i32 from vector<1xi32>
          %slice3A_460 = vector.extract_strided_slice %get3A_363 {offsets = [7], sizes = [1], strides = [1]} : vector<16xi32> to vector<1xi32>
          %squeeze3A_461 = vector.extract %slice3A_460[0] : i32 from vector<1xi32>
          %gt3A_462 = vector.broadcast %squeeze3A_459 : i32 to vector<16xi32>
          %gt3A_463 = arith.cmpi sgt, %gt3A_462, %get3A_335 : vector<16xi32>
          %eq3A_464 = vector.broadcast %squeeze3A_459 : i32 to vector<16xi32>
          %eq3A_465 = arith.cmpi eq, %eq3A_464, %get3A_335 : vector<16xi32>
          %lt3A_466 = vector.broadcast %squeeze3A_461 : i32 to vector<16xi32>
          %lt3A_467 = arith.cmpi slt, %lt3A_466, %get3A_339 : vector<16xi32>
          %and3A_468 = arith.andi %eq3A_465, %lt3A_467 : vector<16xi1>
          %or3A_469 = arith.ori %gt3A_463, %and3A_468 : vector<16xi1>
          %convert_element_type3A_470 = arith.extui %or3A_469 : vector<16xi1> to vector<16xi32>
          %add3A_471 = arith.addi %add3A_457, %convert_element_type3A_470 : vector<16xi32>
          %slice3A_472 = vector.extract_strided_slice %get3A_359 {offsets = [8], sizes = [1], strides = [1]} : vector<16xi32> to vector<1xi32>
          %squeeze3A_473 = vector.extract %slice3A_472[0] : i32 from vector<1xi32>
          %slice3A_474 = vector.extract_strided_slice %get3A_363 {offsets = [8], sizes = [1], strides = [1]} : vector<16xi32> to vector<1xi32>
          %squeeze3A_475 = vector.extract %slice3A_474[0] : i32 from vector<1xi32>
          %gt3A_476 = vector.broadcast %squeeze3A_473 : i32 to vector<16xi32>
          %gt3A_477 = arith.cmpi sgt, %gt3A_476, %get3A_335 : vector<16xi32>
          %eq3A_478 = vector.broadcast %squeeze3A_473 : i32 to vector<16xi32>
          %eq3A_479 = arith.cmpi eq, %eq3A_478, %get3A_335 : vector<16xi32>
          %lt3A_480 = vector.broadcast %squeeze3A_475 : i32 to vector<16xi32>
          %lt3A_481 = arith.cmpi slt, %lt3A_480, %get3A_339 : vector<16xi32>
          %and3A_482 = arith.andi %eq3A_479, %lt3A_481 : vector<16xi1>
          %or3A_483 = arith.ori %gt3A_477, %and3A_482 : vector<16xi1>
          %convert_element_type3A_484 = arith.extui %or3A_483 : vector<16xi1> to vector<16xi32>
          %add3A_485 = arith.addi %add3A_471, %convert_element_type3A_484 : vector<16xi32>
          %slice3A_486 = vector.extract_strided_slice %get3A_359 {offsets = [9], sizes = [1], strides = [1]} : vector<16xi32> to vector<1xi32>
          %squeeze3A_487 = vector.extract %slice3A_486[0] : i32 from vector<1xi32>
          %slice3A_488 = vector.extract_strided_slice %get3A_363 {offsets = [9], sizes = [1], strides = [1]} : vector<16xi32> to vector<1xi32>
          %squeeze3A_489 = vector.extract %slice3A_488[0] : i32 from vector<1xi32>
          %gt3A_490 = vector.broadcast %squeeze3A_487 : i32 to vector<16xi32>
          %gt3A_491 = arith.cmpi sgt, %gt3A_490, %get3A_335 : vector<16xi32>
          %eq3A_492 = vector.broadcast %squeeze3A_487 : i32 to vector<16xi32>
          %eq3A_493 = arith.cmpi eq, %eq3A_492, %get3A_335 : vector<16xi32>
          %lt3A_494 = vector.broadcast %squeeze3A_489 : i32 to vector<16xi32>
          %lt3A_495 = arith.cmpi slt, %lt3A_494, %get3A_339 : vector<16xi32>
          %and3A_496 = arith.andi %eq3A_493, %lt3A_495 : vector<16xi1>
          %or3A_497 = arith.ori %gt3A_491, %and3A_496 : vector<16xi1>
          %convert_element_type3A_498 = arith.extui %or3A_497 : vector<16xi1> to vector<16xi32>
          %add3A_499 = arith.addi %add3A_485, %convert_element_type3A_498 : vector<16xi32>
          %slice3A_500 = vector.extract_strided_slice %get3A_359 {offsets = [10], sizes = [1], strides = [1]} : vector<16xi32> to vector<1xi32>
          %squeeze3A_501 = vector.extract %slice3A_500[0] : i32 from vector<1xi32>
          %slice3A_502 = vector.extract_strided_slice %get3A_363 {offsets = [10], sizes = [1], strides = [1]} : vector<16xi32> to vector<1xi32>
          %squeeze3A_503 = vector.extract %slice3A_502[0] : i32 from vector<1xi32>
          %gt3A_504 = vector.broadcast %squeeze3A_501 : i32 to vector<16xi32>
          %gt3A_505 = arith.cmpi sgt, %gt3A_504, %get3A_335 : vector<16xi32>
          %eq3A_506 = vector.broadcast %squeeze3A_501 : i32 to vector<16xi32>
          %eq3A_507 = arith.cmpi eq, %eq3A_506, %get3A_335 : vector<16xi32>
          %lt3A_508 = vector.broadcast %squeeze3A_503 : i32 to vector<16xi32>
          %lt3A_509 = arith.cmpi slt, %lt3A_508, %get3A_339 : vector<16xi32>
          %and3A_510 = arith.andi %eq3A_507, %lt3A_509 : vector<16xi1>
          %or3A_511 = arith.ori %gt3A_505, %and3A_510 : vector<16xi1>
          %convert_element_type3A_512 = arith.extui %or3A_511 : vector<16xi1> to vector<16xi32>
          %add3A_513 = arith.addi %add3A_499, %convert_element_type3A_512 : vector<16xi32>
          %slice3A_514 = vector.extract_strided_slice %get3A_359 {offsets = [11], sizes = [1], strides = [1]} : vector<16xi32> to vector<1xi32>
          %squeeze3A_515 = vector.extract %slice3A_514[0] : i32 from vector<1xi32>
          %slice3A_516 = vector.extract_strided_slice %get3A_363 {offsets = [11], sizes = [1], strides = [1]} : vector<16xi32> to vector<1xi32>
          %squeeze3A_517 = vector.extract %slice3A_516[0] : i32 from vector<1xi32>
          %gt3A_518 = vector.broadcast %squeeze3A_515 : i32 to vector<16xi32>
          %gt3A_519 = arith.cmpi sgt, %gt3A_518, %get3A_335 : vector<16xi32>
          %eq3A_520 = vector.broadcast %squeeze3A_515 : i32 to vector<16xi32>
          %eq3A_521 = arith.cmpi eq, %eq3A_520, %get3A_335 : vector<16xi32>
          %lt3A_522 = vector.broadcast %squeeze3A_517 : i32 to vector<16xi32>
          %lt3A_523 = arith.cmpi slt, %lt3A_522, %get3A_339 : vector<16xi32>
          %and3A_524 = arith.andi %eq3A_521, %lt3A_523 : vector<16xi1>
          %or3A_525 = arith.ori %gt3A_519, %and3A_524 : vector<16xi1>
          %convert_element_type3A_526 = arith.extui %or3A_525 : vector<16xi1> to vector<16xi32>
          %add3A_527 = arith.addi %add3A_513, %convert_element_type3A_526 : vector<16xi32>
          %slice3A_528 = vector.extract_strided_slice %get3A_359 {offsets = [12], sizes = [1], strides = [1]} : vector<16xi32> to vector<1xi32>
          %squeeze3A_529 = vector.extract %slice3A_528[0] : i32 from vector<1xi32>
          %slice3A_530 = vector.extract_strided_slice %get3A_363 {offsets = [12], sizes = [1], strides = [1]} : vector<16xi32> to vector<1xi32>
          %squeeze3A_531 = vector.extract %slice3A_530[0] : i32 from vector<1xi32>
          %gt3A_532 = vector.broadcast %squeeze3A_529 : i32 to vector<16xi32>
          %gt3A_533 = arith.cmpi sgt, %gt3A_532, %get3A_335 : vector<16xi32>
          %eq3A_534 = vector.broadcast %squeeze3A_529 : i32 to vector<16xi32>
          %eq3A_535 = arith.cmpi eq, %eq3A_534, %get3A_335 : vector<16xi32>
          %lt3A_536 = vector.broadcast %squeeze3A_531 : i32 to vector<16xi32>
          %lt3A_537 = arith.cmpi slt, %lt3A_536, %get3A_339 : vector<16xi32>
          %and3A_538 = arith.andi %eq3A_535, %lt3A_537 : vector<16xi1>
          %or3A_539 = arith.ori %gt3A_533, %and3A_538 : vector<16xi1>
          %convert_element_type3A_540 = arith.extui %or3A_539 : vector<16xi1> to vector<16xi32>
          %add3A_541 = arith.addi %add3A_527, %convert_element_type3A_540 : vector<16xi32>
          %slice3A_542 = vector.extract_strided_slice %get3A_359 {offsets = [13], sizes = [1], strides = [1]} : vector<16xi32> to vector<1xi32>
          %squeeze3A_543 = vector.extract %slice3A_542[0] : i32 from vector<1xi32>
          %slice3A_544 = vector.extract_strided_slice %get3A_363 {offsets = [13], sizes = [1], strides = [1]} : vector<16xi32> to vector<1xi32>
          %squeeze3A_545 = vector.extract %slice3A_544[0] : i32 from vector<1xi32>
          %gt3A_546 = vector.broadcast %squeeze3A_543 : i32 to vector<16xi32>
          %gt3A_547 = arith.cmpi sgt, %gt3A_546, %get3A_335 : vector<16xi32>
          %eq3A_548 = vector.broadcast %squeeze3A_543 : i32 to vector<16xi32>
          %eq3A_549 = arith.cmpi eq, %eq3A_548, %get3A_335 : vector<16xi32>
          %lt3A_550 = vector.broadcast %squeeze3A_545 : i32 to vector<16xi32>
          %lt3A_551 = arith.cmpi slt, %lt3A_550, %get3A_339 : vector<16xi32>
          %and3A_552 = arith.andi %eq3A_549, %lt3A_551 : vector<16xi1>
          %or3A_553 = arith.ori %gt3A_547, %and3A_552 : vector<16xi1>
          %convert_element_type3A_554 = arith.extui %or3A_553 : vector<16xi1> to vector<16xi32>
          %add3A_555 = arith.addi %add3A_541, %convert_element_type3A_554 : vector<16xi32>
          %slice3A_556 = vector.extract_strided_slice %get3A_359 {offsets = [14], sizes = [1], strides = [1]} : vector<16xi32> to vector<1xi32>
          %squeeze3A_557 = vector.extract %slice3A_556[0] : i32 from vector<1xi32>
          %slice3A_558 = vector.extract_strided_slice %get3A_363 {offsets = [14], sizes = [1], strides = [1]} : vector<16xi32> to vector<1xi32>
          %squeeze3A_559 = vector.extract %slice3A_558[0] : i32 from vector<1xi32>
          %gt3A_560 = vector.broadcast %squeeze3A_557 : i32 to vector<16xi32>
          %gt3A_561 = arith.cmpi sgt, %gt3A_560, %get3A_335 : vector<16xi32>
          %eq3A_562 = vector.broadcast %squeeze3A_557 : i32 to vector<16xi32>
          %eq3A_563 = arith.cmpi eq, %eq3A_562, %get3A_335 : vector<16xi32>
          %lt3A_564 = vector.broadcast %squeeze3A_559 : i32 to vector<16xi32>
          %lt3A_565 = arith.cmpi slt, %lt3A_564, %get3A_339 : vector<16xi32>
          %and3A_566 = arith.andi %eq3A_563, %lt3A_565 : vector<16xi1>
          %or3A_567 = arith.ori %gt3A_561, %and3A_566 : vector<16xi1>
          %convert_element_type3A_568 = arith.extui %or3A_567 : vector<16xi1> to vector<16xi32>
          %add3A_569 = arith.addi %add3A_555, %convert_element_type3A_568 : vector<16xi32>
          %slice3A_570 = vector.extract_strided_slice %get3A_359 {offsets = [15], sizes = [1], strides = [1]} : vector<16xi32> to vector<1xi32>
          %squeeze3A_571 = vector.extract %slice3A_570[0] : i32 from vector<1xi32>
          %slice3A_572 = vector.extract_strided_slice %get3A_363 {offsets = [15], sizes = [1], strides = [1]} : vector<16xi32> to vector<1xi32>
          %squeeze3A_573 = vector.extract %slice3A_572[0] : i32 from vector<1xi32>
          %gt3A_574 = vector.broadcast %squeeze3A_571 : i32 to vector<16xi32>
          %gt3A_575 = arith.cmpi sgt, %gt3A_574, %get3A_335 : vector<16xi32>
          %eq3A_576 = vector.broadcast %squeeze3A_571 : i32 to vector<16xi32>
          %eq3A_577 = arith.cmpi eq, %eq3A_576, %get3A_335 : vector<16xi32>
          %lt3A_578 = vector.broadcast %squeeze3A_573 : i32 to vector<16xi32>
          %lt3A_579 = arith.cmpi slt, %lt3A_578, %get3A_339 : vector<16xi32>
          %and3A_580 = arith.andi %eq3A_577, %lt3A_579 : vector<16xi1>
          %or3A_581 = arith.ori %gt3A_575, %and3A_580 : vector<16xi1>
          %convert_element_type3A_582 = arith.extui %or3A_581 : vector<16xi1> to vector<16xi32>
          %add3A_583 = arith.addi %add3A_569, %convert_element_type3A_582 : vector<16xi32>
          scf.yield %add3A_583 : vector<16xi32>
        }
        %lt3A_351 = arith.constant 64 : i32
        %lt3A_352 = vector.broadcast %lt3A_351 : i32 to vector<16xi32>
        %lt3A_353 = arith.cmpi slt, %while3A_350, %lt3A_352 : vector<16xi32>
        tpu.vector_store_idx %arg17[%while3A_350], %get3A_335 masked %lt3A_353 : memref<64xi32, #tpu.memory_space<vmem>>[vector<16xi32>], vector<16xi32>, vector<16xi1>
        tpu.vector_store_idx %arg18[%while3A_350], %get3A_339 masked %lt3A_353 : memref<64xi32, #tpu.memory_space<vmem>>[vector<16xi32>], vector<16xi32>, vector<16xi1>
      }
      %while3A_241 = arith.constant 1 : i32
      scf.for %while3A_331 = %while3A_239 to %while3A_235 step %while3A_241  : i32 {
        %mul3A_332 = arith.constant 16 : i32
        %mul3A_333 = arith.muli %while3A_331, %mul3A_332 : i32
        %get3A_334 = arith.index_cast %mul3A_333 : i32 to index
        %get3A_335 = tpu.vector_load %arg15[%get3A_334] {strides = array<i32>} : memref<512xi32, #tpu.memory_space<vmem>>, vector<16xi32>,
        %mul3A_336 = arith.constant 16 : i32
        %mul3A_337 = arith.muli %while3A_331, %mul3A_336 : i32
        %get3A_338 = arith.index_cast %mul3A_337 : i32 to index
        %get3A_339 = tpu.vector_load %arg16[%get3A_338] {strides = array<i32>} : memref<512xi32, #tpu.memory_space<vmem>>, vector<16xi32>,
        %while3A_340 = arith.constant 0 : i32
        %while3A_341 = arith.subi %select_n3A_231, %while3A_340 : i32
        %while3A_342 = arith.addi %while3A_340, %while3A_341 : i32
        %while3A_343 = arith.constant 1 : i32
        %while3A_344 = arith.divsi %while3A_341, %while3A_343 : i32
        %while3A_345 = arith.muli %while3A_344, %while3A_343 : i32
        %while3A_346 = arith.addi %while3A_340, %while3A_345 : i32
        %while3A_347 = arith.constant 1 : i32
        %while3A_348 = scf.for %while3A_354 = %while3A_340 to %while3A_346 step %while3A_347 iter_args(%while3A_355 = %broadcast_in_dim3A_3) -> (vector<16xi32>)  : i32 {
          %mul3A_356 = arith.constant 16 : i32
          %mul3A_357 = arith.muli %while3A_354, %mul3A_356 : i32
          %get3A_358 = arith.index_cast %mul3A_357 : i32 to index
          %get3A_359 = tpu.vector_load %arg15[%get3A_358] {strides = array<i32>} : memref<512xi32, #tpu.memory_space<vmem>>, vector<16xi32>,
          %mul3A_360 = arith.constant 16 : i32
          %mul3A_361 = arith.muli %while3A_354, %mul3A_360 : i32
          %get3A_362 = arith.index_cast %mul3A_361 : i32 to index
          %get3A_363 = tpu.vector_load %arg16[%get3A_362] {strides = array<i32>} : memref<512xi32, #tpu.memory_space<vmem>>, vector<16xi32>,
          %slice3A = vector.extract_strided_slice %get3A_359 {offsets = [0], sizes = [1], strides = [1]} : vector<16xi32> to vector<1xi32>
          %squeeze3A = vector.extract %slice3A[0] : i32 from vector<1xi32>
          %slice3A_364 = vector.extract_strided_slice %get3A_363 {offsets = [0], sizes = [1], strides = [1]} : vector<16xi32> to vector<1xi32>
          %squeeze3A_365 = vector.extract %slice3A_364[0] : i32 from vector<1xi32>
          %gt3A_366 = vector.broadcast %squeeze3A : i32 to vector<16xi32>
          %gt3A_367 = arith.cmpi sgt, %gt3A_366, %get3A_335 : vector<16xi32>
          %eq3A = vector.broadcast %squeeze3A : i32 to vector<16xi32>
          %eq3A_368 = arith.cmpi eq, %eq3A, %get3A_335 : vector<16xi32>
          %lt3A_369 = vector.broadcast %squeeze3A_365 : i32 to vector<16xi32>
          %lt3A_370 = arith.cmpi slt, %lt3A_369, %get3A_339 : vector<16xi32>
          %and3A_371 = arith.andi %eq3A_368, %lt3A_370 : vector<16xi1>
          %or3A = arith.ori %gt3A_367, %and3A_371 : vector<16xi1>
          %convert_element_type3A_372 = arith.extui %or3A : vector<16xi1> to vector<16xi32>
          %add3A_373 = arith.addi %while3A_355, %convert_element_type3A_372 : vector<16xi32>
          %slice3A_374 = vector.extract_strided_slice %get3A_359 {offsets = [1], sizes = [1], strides = [1]} : vector<16xi32> to vector<1xi32>
          %squeeze3A_375 = vector.extract %slice3A_374[0] : i32 from vector<1xi32>
          %slice3A_376 = vector.extract_strided_slice %get3A_363 {offsets = [1], sizes = [1], strides = [1]} : vector<16xi32> to vector<1xi32>
          %squeeze3A_377 = vector.extract %slice3A_376[0] : i32 from vector<1xi32>
          %gt3A_378 = vector.broadcast %squeeze3A_375 : i32 to vector<16xi32>
          %gt3A_379 = arith.cmpi sgt, %gt3A_378, %get3A_335 : vector<16xi32>
          %eq3A_380 = vector.broadcast %squeeze3A_375 : i32 to vector<16xi32>
          %eq3A_381 = arith.cmpi eq, %eq3A_380, %get3A_335 : vector<16xi32>
          %lt3A_382 = vector.broadcast %squeeze3A_377 : i32 to vector<16xi32>
          %lt3A_383 = arith.cmpi slt, %lt3A_382, %get3A_339 : vector<16xi32>
          %and3A_384 = arith.andi %eq3A_381, %lt3A_383 : vector<16xi1>
          %or3A_385 = arith.ori %gt3A_379, %and3A_384 : vector<16xi1>
          %convert_element_type3A_386 = arith.extui %or3A_385 : vector<16xi1> to vector<16xi32>
          %add3A_387 = arith.addi %add3A_373, %convert_element_type3A_386 : vector<16xi32>
          %slice3A_388 = vector.extract_strided_slice %get3A_359 {offsets = [2], sizes = [1], strides = [1]} : vector<16xi32> to vector<1xi32>
          %squeeze3A_389 = vector.extract %slice3A_388[0] : i32 from vector<1xi32>
          %slice3A_390 = vector.extract_strided_slice %get3A_363 {offsets = [2], sizes = [1], strides = [1]} : vector<16xi32> to vector<1xi32>
          %squeeze3A_391 = vector.extract %slice3A_390[0] : i32 from vector<1xi32>
          %gt3A_392 = vector.broadcast %squeeze3A_389 : i32 to vector<16xi32>
          %gt3A_393 = arith.cmpi sgt, %gt3A_392, %get3A_335 : vector<16xi32>
          %eq3A_394 = vector.broadcast %squeeze3A_389 : i32 to vector<16xi32>
          %eq3A_395 = arith.cmpi eq, %eq3A_394, %get3A_335 : vector<16xi32>
          %lt3A_396 = vector.broadcast %squeeze3A_391 : i32 to vector<16xi32>
          %lt3A_397 = arith.cmpi slt, %lt3A_396, %get3A_339 : vector<16xi32>
          %and3A_398 = arith.andi %eq3A_395, %lt3A_397 : vector<16xi1>
          %or3A_399 = arith.ori %gt3A_393, %and3A_398 : vector<16xi1>
          %convert_element_type3A_400 = arith.extui %or3A_399 : vector<16xi1> to vector<16xi32>
          %add3A_401 = arith.addi %add3A_387, %convert_element_type3A_400 : vector<16xi32>
          %slice3A_402 = vector.extract_strided_slice %get3A_359 {offsets = [3], sizes = [1], strides = [1]} : vector<16xi32> to vector<1xi32>
          %squeeze3A_403 = vector.extract %slice3A_402[0] : i32 from vector<1xi32>
          %slice3A_404 = vector.extract_strided_slice %get3A_363 {offsets = [3], sizes = [1], strides = [1]} : vector<16xi32> to vector<1xi32>
          %squeeze3A_405 = vector.extract %slice3A_404[0] : i32 from vector<1xi32>
          %gt3A_406 = vector.broadcast %squeeze3A_403 : i32 to vector<16xi32>
          %gt3A_407 = arith.cmpi sgt, %gt3A_406, %get3A_335 : vector<16xi32>
          %eq3A_408 = vector.broadcast %squeeze3A_403 : i32 to vector<16xi32>
          %eq3A_409 = arith.cmpi eq, %eq3A_408, %get3A_335 : vector<16xi32>
          %lt3A_410 = vector.broadcast %squeeze3A_405 : i32 to vector<16xi32>
          %lt3A_411 = arith.cmpi slt, %lt3A_410, %get3A_339 : vector<16xi32>
          %and3A_412 = arith.andi %eq3A_409, %lt3A_411 : vector<16xi1>
          %or3A_413 = arith.ori %gt3A_407, %and3A_412 : vector<16xi1>
          %convert_element_type3A_414 = arith.extui %or3A_413 : vector<16xi1> to vector<16xi32>
          %add3A_415 = arith.addi %add3A_401, %convert_element_type3A_414 : vector<16xi32>
          %slice3A_416 = vector.extract_strided_slice %get3A_359 {offsets = [4], sizes = [1], strides = [1]} : vector<16xi32> to vector<1xi32>
          %squeeze3A_417 = vector.extract %slice3A_416[0] : i32 from vector<1xi32>
          %slice3A_418 = vector.extract_strided_slice %get3A_363 {offsets = [4], sizes = [1], strides = [1]} : vector<16xi32> to vector<1xi32>
          %squeeze3A_419 = vector.extract %slice3A_418[0] : i32 from vector<1xi32>
          %gt3A_420 = vector.broadcast %squeeze3A_417 : i32 to vector<16xi32>
          %gt3A_421 = arith.cmpi sgt, %gt3A_420, %get3A_335 : vector<16xi32>
          %eq3A_422 = vector.broadcast %squeeze3A_417 : i32 to vector<16xi32>
          %eq3A_423 = arith.cmpi eq, %eq3A_422, %get3A_335 : vector<16xi32>
          %lt3A_424 = vector.broadcast %squeeze3A_419 : i32 to vector<16xi32>
          %lt3A_425 = arith.cmpi slt, %lt3A_424, %get3A_339 : vector<16xi32>
          %and3A_426 = arith.andi %eq3A_423, %lt3A_425 : vector<16xi1>
          %or3A_427 = arith.ori %gt3A_421, %and3A_426 : vector<16xi1>
          %convert_element_type3A_428 = arith.extui %or3A_427 : vector<16xi1> to vector<16xi32>
          %add3A_429 = arith.addi %add3A_415, %convert_element_type3A_428 : vector<16xi32>
          %slice3A_430 = vector.extract_strided_slice %get3A_359 {offsets = [5], sizes = [1], strides = [1]} : vector<16xi32> to vector<1xi32>
          %squeeze3A_431 = vector.extract %slice3A_430[0] : i32 from vector<1xi32>
          %slice3A_432 = vector.extract_strided_slice %get3A_363 {offsets = [5], sizes = [1], strides = [1]} : vector<16xi32> to vector<1xi32>
          %squeeze3A_433 = vector.extract %slice3A_432[0] : i32 from vector<1xi32>
          %gt3A_434 = vector.broadcast %squeeze3A_431 : i32 to vector<16xi32>
          %gt3A_435 = arith.cmpi sgt, %gt3A_434, %get3A_335 : vector<16xi32>
          %eq3A_436 = vector.broadcast %squeeze3A_431 : i32 to vector<16xi32>
          %eq3A_437 = arith.cmpi eq, %eq3A_436, %get3A_335 : vector<16xi32>
          %lt3A_438 = vector.broadcast %squeeze3A_433 : i32 to vector<16xi32>
          %lt3A_439 = arith.cmpi slt, %lt3A_438, %get3A_339 : vector<16xi32>
          %and3A_440 = arith.andi %eq3A_437, %lt3A_439 : vector<16xi1>
          %or3A_441 = arith.ori %gt3A_435, %and3A_440 : vector<16xi1>
          %convert_element_type3A_442 = arith.extui %or3A_441 : vector<16xi1> to vector<16xi32>
          %add3A_443 = arith.addi %add3A_429, %convert_element_type3A_442 : vector<16xi32>
          %slice3A_444 = vector.extract_strided_slice %get3A_359 {offsets = [6], sizes = [1], strides = [1]} : vector<16xi32> to vector<1xi32>
          %squeeze3A_445 = vector.extract %slice3A_444[0] : i32 from vector<1xi32>
          %slice3A_446 = vector.extract_strided_slice %get3A_363 {offsets = [6], sizes = [1], strides = [1]} : vector<16xi32> to vector<1xi32>
          %squeeze3A_447 = vector.extract %slice3A_446[0] : i32 from vector<1xi32>
          %gt3A_448 = vector.broadcast %squeeze3A_445 : i32 to vector<16xi32>
          %gt3A_449 = arith.cmpi sgt, %gt3A_448, %get3A_335 : vector<16xi32>
          %eq3A_450 = vector.broadcast %squeeze3A_445 : i32 to vector<16xi32>
          %eq3A_451 = arith.cmpi eq, %eq3A_450, %get3A_335 : vector<16xi32>
          %lt3A_452 = vector.broadcast %squeeze3A_447 : i32 to vector<16xi32>
          %lt3A_453 = arith.cmpi slt, %lt3A_452, %get3A_339 : vector<16xi32>
          %and3A_454 = arith.andi %eq3A_451, %lt3A_453 : vector<16xi1>
          %or3A_455 = arith.ori %gt3A_449, %and3A_454 : vector<16xi1>
          %convert_element_type3A_456 = arith.extui %or3A_455 : vector<16xi1> to vector<16xi32>
          %add3A_457 = arith.addi %add3A_443, %convert_element_type3A_456 : vector<16xi32>
          %slice3A_458 = vector.extract_strided_slice %get3A_359 {offsets = [7], sizes = [1], strides = [1]} : vector<16xi32> to vector<1xi32>
          %squeeze3A_459 = vector.extract %slice3A_458[0] : i32 from vector<1xi32>
          %slice3A_460 = vector.extract_strided_slice %get3A_363 {offsets = [7], sizes = [1], strides = [1]} : vector<16xi32> to vector<1xi32>
          %squeeze3A_461 = vector.extract %slice3A_460[0] : i32 from vector<1xi32>
          %gt3A_462 = vector.broadcast %squeeze3A_459 : i32 to vector<16xi32>
          %gt3A_463 = arith.cmpi sgt, %gt3A_462, %get3A_335 : vector<16xi32>
          %eq3A_464 = vector.broadcast %squeeze3A_459 : i32 to vector<16xi32>
          %eq3A_465 = arith.cmpi eq, %eq3A_464, %get3A_335 : vector<16xi32>
          %lt3A_466 = vector.broadcast %squeeze3A_461 : i32 to vector<16xi32>
          %lt3A_467 = arith.cmpi slt, %lt3A_466, %get3A_339 : vector<16xi32>
          %and3A_468 = arith.andi %eq3A_465, %lt3A_467 : vector<16xi1>
          %or3A_469 = arith.ori %gt3A_463, %and3A_468 : vector<16xi1>
          %convert_element_type3A_470 = arith.extui %or3A_469 : vector<16xi1> to vector<16xi32>
          %add3A_471 = arith.addi %add3A_457, %convert_element_type3A_470 : vector<16xi32>
          %slice3A_472 = vector.extract_strided_slice %get3A_359 {offsets = [8], sizes = [1], strides = [1]} : vector<16xi32> to vector<1xi32>
          %squeeze3A_473 = vector.extract %slice3A_472[0] : i32 from vector<1xi32>
          %slice3A_474 = vector.extract_strided_slice %get3A_363 {offsets = [8], sizes = [1], strides = [1]} : vector<16xi32> to vector<1xi32>
          %squeeze3A_475 = vector.extract %slice3A_474[0] : i32 from vector<1xi32>
          %gt3A_476 = vector.broadcast %squeeze3A_473 : i32 to vector<16xi32>
          %gt3A_477 = arith.cmpi sgt, %gt3A_476, %get3A_335 : vector<16xi32>
          %eq3A_478 = vector.broadcast %squeeze3A_473 : i32 to vector<16xi32>
          %eq3A_479 = arith.cmpi eq, %eq3A_478, %get3A_335 : vector<16xi32>
          %lt3A_480 = vector.broadcast %squeeze3A_475 : i32 to vector<16xi32>
          %lt3A_481 = arith.cmpi slt, %lt3A_480, %get3A_339 : vector<16xi32>
          %and3A_482 = arith.andi %eq3A_479, %lt3A_481 : vector<16xi1>
          %or3A_483 = arith.ori %gt3A_477, %and3A_482 : vector<16xi1>
          %convert_element_type3A_484 = arith.extui %or3A_483 : vector<16xi1> to vector<16xi32>
          %add3A_485 = arith.addi %add3A_471, %convert_element_type3A_484 : vector<16xi32>
          %slice3A_486 = vector.extract_strided_slice %get3A_359 {offsets = [9], sizes = [1], strides = [1]} : vector<16xi32> to vector<1xi32>
          %squeeze3A_487 = vector.extract %slice3A_486[0] : i32 from vector<1xi32>
          %slice3A_488 = vector.extract_strided_slice %get3A_363 {offsets = [9], sizes = [1], strides = [1]} : vector<16xi32> to vector<1xi32>
          %squeeze3A_489 = vector.extract %slice3A_488[0] : i32 from vector<1xi32>
          %gt3A_490 = vector.broadcast %squeeze3A_487 : i32 to vector<16xi32>
          %gt3A_491 = arith.cmpi sgt, %gt3A_490, %get3A_335 : vector<16xi32>
          %eq3A_492 = vector.broadcast %squeeze3A_487 : i32 to vector<16xi32>
          %eq3A_493 = arith.cmpi eq, %eq3A_492, %get3A_335 : vector<16xi32>
          %lt3A_494 = vector.broadcast %squeeze3A_489 : i32 to vector<16xi32>
          %lt3A_495 = arith.cmpi slt, %lt3A_494, %get3A_339 : vector<16xi32>
          %and3A_496 = arith.andi %eq3A_493, %lt3A_495 : vector<16xi1>
          %or3A_497 = arith.ori %gt3A_491, %and3A_496 : vector<16xi1>
          %convert_element_type3A_498 = arith.extui %or3A_497 : vector<16xi1> to vector<16xi32>
          %add3A_499 = arith.addi %add3A_485, %convert_element_type3A_498 : vector<16xi32>
          %slice3A_500 = vector.extract_strided_slice %get3A_359 {offsets = [10], sizes = [1], strides = [1]} : vector<16xi32> to vector<1xi32>
          %squeeze3A_501 = vector.extract %slice3A_500[0] : i32 from vector<1xi32>
          %slice3A_502 = vector.extract_strided_slice %get3A_363 {offsets = [10], sizes = [1], strides = [1]} : vector<16xi32> to vector<1xi32>
          %squeeze3A_503 = vector.extract %slice3A_502[0] : i32 from vector<1xi32>
          %gt3A_504 = vector.broadcast %squeeze3A_501 : i32 to vector<16xi32>
          %gt3A_505 = arith.cmpi sgt, %gt3A_504, %get3A_335 : vector<16xi32>
          %eq3A_506 = vector.broadcast %squeeze3A_501 : i32 to vector<16xi32>
          %eq3A_507 = arith.cmpi eq, %eq3A_506, %get3A_335 : vector<16xi32>
          %lt3A_508 = vector.broadcast %squeeze3A_503 : i32 to vector<16xi32>
          %lt3A_509 = arith.cmpi slt, %lt3A_508, %get3A_339 : vector<16xi32>
          %and3A_510 = arith.andi %eq3A_507, %lt3A_509 : vector<16xi1>
          %or3A_511 = arith.ori %gt3A_505, %and3A_510 : vector<16xi1>
          %convert_element_type3A_512 = arith.extui %or3A_511 : vector<16xi1> to vector<16xi32>
          %add3A_513 = arith.addi %add3A_499, %convert_element_type3A_512 : vector<16xi32>
          %slice3A_514 = vector.extract_strided_slice %get3A_359 {offsets = [11], sizes = [1], strides = [1]} : vector<16xi32> to vector<1xi32>
          %squeeze3A_515 = vector.extract %slice3A_514[0] : i32 from vector<1xi32>
          %slice3A_516 = vector.extract_strided_slice %get3A_363 {offsets = [11], sizes = [1], strides = [1]} : vector<16xi32> to vector<1xi32>
          %squeeze3A_517 = vector.extract %slice3A_516[0] : i32 from vector<1xi32>
          %gt3A_518 = vector.broadcast %squeeze3A_515 : i32 to vector<16xi32>
          %gt3A_519 = arith.cmpi sgt, %gt3A_518, %get3A_335 : vector<16xi32>
          %eq3A_520 = vector.broadcast %squeeze3A_515 : i32 to vector<16xi32>
          %eq3A_521 = arith.cmpi eq, %eq3A_520, %get3A_335 : vector<16xi32>
          %lt3A_522 = vector.broadcast %squeeze3A_517 : i32 to vector<16xi32>
          %lt3A_523 = arith.cmpi slt, %lt3A_522, %get3A_339 : vector<16xi32>
          %and3A_524 = arith.andi %eq3A_521, %lt3A_523 : vector<16xi1>
          %or3A_525 = arith.ori %gt3A_519, %and3A_524 : vector<16xi1>
          %convert_element_type3A_526 = arith.extui %or3A_525 : vector<16xi1> to vector<16xi32>
          %add3A_527 = arith.addi %add3A_513, %convert_element_type3A_526 : vector<16xi32>
          %slice3A_528 = vector.extract_strided_slice %get3A_359 {offsets = [12], sizes = [1], strides = [1]} : vector<16xi32> to vector<1xi32>
          %squeeze3A_529 = vector.extract %slice3A_528[0] : i32 from vector<1xi32>
          %slice3A_530 = vector.extract_strided_slice %get3A_363 {offsets = [12], sizes = [1], strides = [1]} : vector<16xi32> to vector<1xi32>
          %squeeze3A_531 = vector.extract %slice3A_530[0] : i32 from vector<1xi32>
          %gt3A_532 = vector.broadcast %squeeze3A_529 : i32 to vector<16xi32>
          %gt3A_533 = arith.cmpi sgt, %gt3A_532, %get3A_335 : vector<16xi32>
          %eq3A_534 = vector.broadcast %squeeze3A_529 : i32 to vector<16xi32>
          %eq3A_535 = arith.cmpi eq, %eq3A_534, %get3A_335 : vector<16xi32>
          %lt3A_536 = vector.broadcast %squeeze3A_531 : i32 to vector<16xi32>
          %lt3A_537 = arith.cmpi slt, %lt3A_536, %get3A_339 : vector<16xi32>
          %and3A_538 = arith.andi %eq3A_535, %lt3A_537 : vector<16xi1>
          %or3A_539 = arith.ori %gt3A_533, %and3A_538 : vector<16xi1>
          %convert_element_type3A_540 = arith.extui %or3A_539 : vector<16xi1> to vector<16xi32>
          %add3A_541 = arith.addi %add3A_527, %convert_element_type3A_540 : vector<16xi32>
          %slice3A_542 = vector.extract_strided_slice %get3A_359 {offsets = [13], sizes = [1], strides = [1]} : vector<16xi32> to vector<1xi32>
          %squeeze3A_543 = vector.extract %slice3A_542[0] : i32 from vector<1xi32>
          %slice3A_544 = vector.extract_strided_slice %get3A_363 {offsets = [13], sizes = [1], strides = [1]} : vector<16xi32> to vector<1xi32>
          %squeeze3A_545 = vector.extract %slice3A_544[0] : i32 from vector<1xi32>
          %gt3A_546 = vector.broadcast %squeeze3A_543 : i32 to vector<16xi32>
          %gt3A_547 = arith.cmpi sgt, %gt3A_546, %get3A_335 : vector<16xi32>
          %eq3A_548 = vector.broadcast %squeeze3A_543 : i32 to vector<16xi32>
          %eq3A_549 = arith.cmpi eq, %eq3A_548, %get3A_335 : vector<16xi32>
          %lt3A_550 = vector.broadcast %squeeze3A_545 : i32 to vector<16xi32>
          %lt3A_551 = arith.cmpi slt, %lt3A_550, %get3A_339 : vector<16xi32>
          %and3A_552 = arith.andi %eq3A_549, %lt3A_551 : vector<16xi1>
          %or3A_553 = arith.ori %gt3A_547, %and3A_552 : vector<16xi1>
          %convert_element_type3A_554 = arith.extui %or3A_553 : vector<16xi1> to vector<16xi32>
          %add3A_555 = arith.addi %add3A_541, %convert_element_type3A_554 : vector<16xi32>
          %slice3A_556 = vector.extract_strided_slice %get3A_359 {offsets = [14], sizes = [1], strides = [1]} : vector<16xi32> to vector<1xi32>
          %squeeze3A_557 = vector.extract %slice3A_556[0] : i32 from vector<1xi32>
          %slice3A_558 = vector.extract_strided_slice %get3A_363 {offsets = [14], sizes = [1], strides = [1]} : vector<16xi32> to vector<1xi32>
          %squeeze3A_559 = vector.extract %slice3A_558[0] : i32 from vector<1xi32>
          %gt3A_560 = vector.broadcast %squeeze3A_557 : i32 to vector<16xi32>
          %gt3A_561 = arith.cmpi sgt, %gt3A_560, %get3A_335 : vector<16xi32>
          %eq3A_562 = vector.broadcast %squeeze3A_557 : i32 to vector<16xi32>
          %eq3A_563 = arith.cmpi eq, %eq3A_562, %get3A_335 : vector<16xi32>
          %lt3A_564 = vector.broadcast %squeeze3A_559 : i32 to vector<16xi32>
          %lt3A_565 = arith.cmpi slt, %lt3A_564, %get3A_339 : vector<16xi32>
          %and3A_566 = arith.andi %eq3A_563, %lt3A_565 : vector<16xi1>
          %or3A_567 = arith.ori %gt3A_561, %and3A_566 : vector<16xi1>
          %convert_element_type3A_568 = arith.extui %or3A_567 : vector<16xi1> to vector<16xi32>
          %add3A_569 = arith.addi %add3A_555, %convert_element_type3A_568 : vector<16xi32>
          %slice3A_570 = vector.extract_strided_slice %get3A_359 {offsets = [15], sizes = [1], strides = [1]} : vector<16xi32> to vector<1xi32>
          %squeeze3A_571 = vector.extract %slice3A_570[0] : i32 from vector<1xi32>
          %slice3A_572 = vector.extract_strided_slice %get3A_363 {offsets = [15], sizes = [1], strides = [1]} : vector<16xi32> to vector<1xi32>
          %squeeze3A_573 = vector.extract %slice3A_572[0] : i32 from vector<1xi32>
          %gt3A_574 = vector.broadcast %squeeze3A_571 : i32 to vector<16xi32>
          %gt3A_575 = arith.cmpi sgt, %gt3A_574, %get3A_335 : vector<16xi32>
          %eq3A_576 = vector.broadcast %squeeze3A_571 : i32 to vector<16xi32>
          %eq3A_577 = arith.cmpi eq, %eq3A_576, %get3A_335 : vector<16xi32>
          %lt3A_578 = vector.broadcast %squeeze3A_573 : i32 to vector<16xi32>
          %lt3A_579 = arith.cmpi slt, %lt3A_578, %get3A_339 : vector<16xi32>
          %and3A_580 = arith.andi %eq3A_577, %lt3A_579 : vector<16xi1>
          %or3A_581 = arith.ori %gt3A_575, %and3A_580 : vector<16xi1>
          %convert_element_type3A_582 = arith.extui %or3A_581 : vector<16xi1> to vector<16xi32>
          %add3A_583 = arith.addi %add3A_569, %convert_element_type3A_582 : vector<16xi32>
          scf.yield %add3A_583 : vector<16xi32>
        }
        %while3A_349 = arith.constant 1 : i32
        %while3A_350 = scf.for %while3A_354 = %while3A_346 to %while3A_342 step %while3A_349 iter_args(%while3A_355 = %while3A_348) -> (vector<16xi32>)  : i32 {
          %mul3A_356 = arith.constant 16 : i32
          %mul3A_357 = arith.muli %while3A_354, %mul3A_356 : i32
          %get3A_358 = arith.index_cast %mul3A_357 : i32 to index
          %get3A_359 = tpu.vector_load %arg15[%get3A_358] {strides = array<i32>} : memref<512xi32, #tpu.memory_space<vmem>>, vector<16xi32>,
          %mul3A_360 = arith.constant 16 : i32
          %mul3A_361 = arith.muli %while3A_354, %mul3A_360 : i32
          %get3A_362 = arith.index_cast %mul3A_361 : i32 to index
          %get3A_363 = tpu.vector_load %arg16[%get3A_362] {strides = array<i32>} : memref<512xi32, #tpu.memory_space<vmem>>, vector<16xi32>,
          %slice3A = vector.extract_strided_slice %get3A_359 {offsets = [0], sizes = [1], strides = [1]} : vector<16xi32> to vector<1xi32>
          %squeeze3A = vector.extract %slice3A[0] : i32 from vector<1xi32>
          %slice3A_364 = vector.extract_strided_slice %get3A_363 {offsets = [0], sizes = [1], strides = [1]} : vector<16xi32> to vector<1xi32>
          %squeeze3A_365 = vector.extract %slice3A_364[0] : i32 from vector<1xi32>
          %gt3A_366 = vector.broadcast %squeeze3A : i32 to vector<16xi32>
          %gt3A_367 = arith.cmpi sgt, %gt3A_366, %get3A_335 : vector<16xi32>
          %eq3A = vector.broadcast %squeeze3A : i32 to vector<16xi32>
          %eq3A_368 = arith.cmpi eq, %eq3A, %get3A_335 : vector<16xi32>
          %lt3A_369 = vector.broadcast %squeeze3A_365 : i32 to vector<16xi32>
          %lt3A_370 = arith.cmpi slt, %lt3A_369, %get3A_339 : vector<16xi32>
          %and3A_371 = arith.andi %eq3A_368, %lt3A_370 : vector<16xi1>
          %or3A = arith.ori %gt3A_367, %and3A_371 : vector<16xi1>
          %convert_element_type3A_372 = arith.extui %or3A : vector<16xi1> to vector<16xi32>
          %add3A_373 = arith.addi %while3A_355, %convert_element_type3A_372 : vector<16xi32>
          %slice3A_374 = vector.extract_strided_slice %get3A_359 {offsets = [1], sizes = [1], strides = [1]} : vector<16xi32> to vector<1xi32>
          %squeeze3A_375 = vector.extract %slice3A_374[0] : i32 from vector<1xi32>
          %slice3A_376 = vector.extract_strided_slice %get3A_363 {offsets = [1], sizes = [1], strides = [1]} : vector<16xi32> to vector<1xi32>
          %squeeze3A_377 = vector.extract %slice3A_376[0] : i32 from vector<1xi32>
          %gt3A_378 = vector.broadcast %squeeze3A_375 : i32 to vector<16xi32>
          %gt3A_379 = arith.cmpi sgt, %gt3A_378, %get3A_335 : vector<16xi32>
          %eq3A_380 = vector.broadcast %squeeze3A_375 : i32 to vector<16xi32>
          %eq3A_381 = arith.cmpi eq, %eq3A_380, %get3A_335 : vector<16xi32>
          %lt3A_382 = vector.broadcast %squeeze3A_377 : i32 to vector<16xi32>
          %lt3A_383 = arith.cmpi slt, %lt3A_382, %get3A_339 : vector<16xi32>
          %and3A_384 = arith.andi %eq3A_381, %lt3A_383 : vector<16xi1>
          %or3A_385 = arith.ori %gt3A_379, %and3A_384 : vector<16xi1>
          %convert_element_type3A_386 = arith.extui %or3A_385 : vector<16xi1> to vector<16xi32>
          %add3A_387 = arith.addi %add3A_373, %convert_element_type3A_386 : vector<16xi32>
          %slice3A_388 = vector.extract_strided_slice %get3A_359 {offsets = [2], sizes = [1], strides = [1]} : vector<16xi32> to vector<1xi32>
          %squeeze3A_389 = vector.extract %slice3A_388[0] : i32 from vector<1xi32>
          %slice3A_390 = vector.extract_strided_slice %get3A_363 {offsets = [2], sizes = [1], strides = [1]} : vector<16xi32> to vector<1xi32>
          %squeeze3A_391 = vector.extract %slice3A_390[0] : i32 from vector<1xi32>
          %gt3A_392 = vector.broadcast %squeeze3A_389 : i32 to vector<16xi32>
          %gt3A_393 = arith.cmpi sgt, %gt3A_392, %get3A_335 : vector<16xi32>
          %eq3A_394 = vector.broadcast %squeeze3A_389 : i32 to vector<16xi32>
          %eq3A_395 = arith.cmpi eq, %eq3A_394, %get3A_335 : vector<16xi32>
          %lt3A_396 = vector.broadcast %squeeze3A_391 : i32 to vector<16xi32>
          %lt3A_397 = arith.cmpi slt, %lt3A_396, %get3A_339 : vector<16xi32>
          %and3A_398 = arith.andi %eq3A_395, %lt3A_397 : vector<16xi1>
          %or3A_399 = arith.ori %gt3A_393, %and3A_398 : vector<16xi1>
          %convert_element_type3A_400 = arith.extui %or3A_399 : vector<16xi1> to vector<16xi32>
          %add3A_401 = arith.addi %add3A_387, %convert_element_type3A_400 : vector<16xi32>
          %slice3A_402 = vector.extract_strided_slice %get3A_359 {offsets = [3], sizes = [1], strides = [1]} : vector<16xi32> to vector<1xi32>
          %squeeze3A_403 = vector.extract %slice3A_402[0] : i32 from vector<1xi32>
          %slice3A_404 = vector.extract_strided_slice %get3A_363 {offsets = [3], sizes = [1], strides = [1]} : vector<16xi32> to vector<1xi32>
          %squeeze3A_405 = vector.extract %slice3A_404[0] : i32 from vector<1xi32>
          %gt3A_406 = vector.broadcast %squeeze3A_403 : i32 to vector<16xi32>
          %gt3A_407 = arith.cmpi sgt, %gt3A_406, %get3A_335 : vector<16xi32>
          %eq3A_408 = vector.broadcast %squeeze3A_403 : i32 to vector<16xi32>
          %eq3A_409 = arith.cmpi eq, %eq3A_408, %get3A_335 : vector<16xi32>
          %lt3A_410 = vector.broadcast %squeeze3A_405 : i32 to vector<16xi32>
          %lt3A_411 = arith.cmpi slt, %lt3A_410, %get3A_339 : vector<16xi32>
          %and3A_412 = arith.andi %eq3A_409, %lt3A_411 : vector<16xi1>
          %or3A_413 = arith.ori %gt3A_407, %and3A_412 : vector<16xi1>
          %convert_element_type3A_414 = arith.extui %or3A_413 : vector<16xi1> to vector<16xi32>
          %add3A_415 = arith.addi %add3A_401, %convert_element_type3A_414 : vector<16xi32>
          %slice3A_416 = vector.extract_strided_slice %get3A_359 {offsets = [4], sizes = [1], strides = [1]} : vector<16xi32> to vector<1xi32>
          %squeeze3A_417 = vector.extract %slice3A_416[0] : i32 from vector<1xi32>
          %slice3A_418 = vector.extract_strided_slice %get3A_363 {offsets = [4], sizes = [1], strides = [1]} : vector<16xi32> to vector<1xi32>
          %squeeze3A_419 = vector.extract %slice3A_418[0] : i32 from vector<1xi32>
          %gt3A_420 = vector.broadcast %squeeze3A_417 : i32 to vector<16xi32>
          %gt3A_421 = arith.cmpi sgt, %gt3A_420, %get3A_335 : vector<16xi32>
          %eq3A_422 = vector.broadcast %squeeze3A_417 : i32 to vector<16xi32>
          %eq3A_423 = arith.cmpi eq, %eq3A_422, %get3A_335 : vector<16xi32>
          %lt3A_424 = vector.broadcast %squeeze3A_419 : i32 to vector<16xi32>
          %lt3A_425 = arith.cmpi slt, %lt3A_424, %get3A_339 : vector<16xi32>
          %and3A_426 = arith.andi %eq3A_423, %lt3A_425 : vector<16xi1>
          %or3A_427 = arith.ori %gt3A_421, %and3A_426 : vector<16xi1>
          %convert_element_type3A_428 = arith.extui %or3A_427 : vector<16xi1> to vector<16xi32>
          %add3A_429 = arith.addi %add3A_415, %convert_element_type3A_428 : vector<16xi32>
          %slice3A_430 = vector.extract_strided_slice %get3A_359 {offsets = [5], sizes = [1], strides = [1]} : vector<16xi32> to vector<1xi32>
          %squeeze3A_431 = vector.extract %slice3A_430[0] : i32 from vector<1xi32>
          %slice3A_432 = vector.extract_strided_slice %get3A_363 {offsets = [5], sizes = [1], strides = [1]} : vector<16xi32> to vector<1xi32>
          %squeeze3A_433 = vector.extract %slice3A_432[0] : i32 from vector<1xi32>
          %gt3A_434 = vector.broadcast %squeeze3A_431 : i32 to vector<16xi32>
          %gt3A_435 = arith.cmpi sgt, %gt3A_434, %get3A_335 : vector<16xi32>
          %eq3A_436 = vector.broadcast %squeeze3A_431 : i32 to vector<16xi32>
          %eq3A_437 = arith.cmpi eq, %eq3A_436, %get3A_335 : vector<16xi32>
          %lt3A_438 = vector.broadcast %squeeze3A_433 : i32 to vector<16xi32>
          %lt3A_439 = arith.cmpi slt, %lt3A_438, %get3A_339 : vector<16xi32>
          %and3A_440 = arith.andi %eq3A_437, %lt3A_439 : vector<16xi1>
          %or3A_441 = arith.ori %gt3A_435, %and3A_440 : vector<16xi1>
          %convert_element_type3A_442 = arith.extui %or3A_441 : vector<16xi1> to vector<16xi32>
          %add3A_443 = arith.addi %add3A_429, %convert_element_type3A_442 : vector<16xi32>
          %slice3A_444 = vector.extract_strided_slice %get3A_359 {offsets = [6], sizes = [1], strides = [1]} : vector<16xi32> to vector<1xi32>
          %squeeze3A_445 = vector.extract %slice3A_444[0] : i32 from vector<1xi32>
          %slice3A_446 = vector.extract_strided_slice %get3A_363 {offsets = [6], sizes = [1], strides = [1]} : vector<16xi32> to vector<1xi32>
          %squeeze3A_447 = vector.extract %slice3A_446[0] : i32 from vector<1xi32>
          %gt3A_448 = vector.broadcast %squeeze3A_445 : i32 to vector<16xi32>
          %gt3A_449 = arith.cmpi sgt, %gt3A_448, %get3A_335 : vector<16xi32>
          %eq3A_450 = vector.broadcast %squeeze3A_445 : i32 to vector<16xi32>
          %eq3A_451 = arith.cmpi eq, %eq3A_450, %get3A_335 : vector<16xi32>
          %lt3A_452 = vector.broadcast %squeeze3A_447 : i32 to vector<16xi32>
          %lt3A_453 = arith.cmpi slt, %lt3A_452, %get3A_339 : vector<16xi32>
          %and3A_454 = arith.andi %eq3A_451, %lt3A_453 : vector<16xi1>
          %or3A_455 = arith.ori %gt3A_449, %and3A_454 : vector<16xi1>
          %convert_element_type3A_456 = arith.extui %or3A_455 : vector<16xi1> to vector<16xi32>
          %add3A_457 = arith.addi %add3A_443, %convert_element_type3A_456 : vector<16xi32>
          %slice3A_458 = vector.extract_strided_slice %get3A_359 {offsets = [7], sizes = [1], strides = [1]} : vector<16xi32> to vector<1xi32>
          %squeeze3A_459 = vector.extract %slice3A_458[0] : i32 from vector<1xi32>
          %slice3A_460 = vector.extract_strided_slice %get3A_363 {offsets = [7], sizes = [1], strides = [1]} : vector<16xi32> to vector<1xi32>
          %squeeze3A_461 = vector.extract %slice3A_460[0] : i32 from vector<1xi32>
          %gt3A_462 = vector.broadcast %squeeze3A_459 : i32 to vector<16xi32>
          %gt3A_463 = arith.cmpi sgt, %gt3A_462, %get3A_335 : vector<16xi32>
          %eq3A_464 = vector.broadcast %squeeze3A_459 : i32 to vector<16xi32>
          %eq3A_465 = arith.cmpi eq, %eq3A_464, %get3A_335 : vector<16xi32>
          %lt3A_466 = vector.broadcast %squeeze3A_461 : i32 to vector<16xi32>
          %lt3A_467 = arith.cmpi slt, %lt3A_466, %get3A_339 : vector<16xi32>
          %and3A_468 = arith.andi %eq3A_465, %lt3A_467 : vector<16xi1>
          %or3A_469 = arith.ori %gt3A_463, %and3A_468 : vector<16xi1>
          %convert_element_type3A_470 = arith.extui %or3A_469 : vector<16xi1> to vector<16xi32>
          %add3A_471 = arith.addi %add3A_457, %convert_element_type3A_470 : vector<16xi32>
          %slice3A_472 = vector.extract_strided_slice %get3A_359 {offsets = [8], sizes = [1], strides = [1]} : vector<16xi32> to vector<1xi32>
          %squeeze3A_473 = vector.extract %slice3A_472[0] : i32 from vector<1xi32>
          %slice3A_474 = vector.extract_strided_slice %get3A_363 {offsets = [8], sizes = [1], strides = [1]} : vector<16xi32> to vector<1xi32>
          %squeeze3A_475 = vector.extract %slice3A_474[0] : i32 from vector<1xi32>
          %gt3A_476 = vector.broadcast %squeeze3A_473 : i32 to vector<16xi32>
          %gt3A_477 = arith.cmpi sgt, %gt3A_476, %get3A_335 : vector<16xi32>
          %eq3A_478 = vector.broadcast %squeeze3A_473 : i32 to vector<16xi32>
          %eq3A_479 = arith.cmpi eq, %eq3A_478, %get3A_335 : vector<16xi32>
          %lt3A_480 = vector.broadcast %squeeze3A_475 : i32 to vector<16xi32>
          %lt3A_481 = arith.cmpi slt, %lt3A_480, %get3A_339 : vector<16xi32>
          %and3A_482 = arith.andi %eq3A_479, %lt3A_481 : vector<16xi1>
          %or3A_483 = arith.ori %gt3A_477, %and3A_482 : vector<16xi1>
          %convert_element_type3A_484 = arith.extui %or3A_483 : vector<16xi1> to vector<16xi32>
          %add3A_485 = arith.addi %add3A_471, %convert_element_type3A_484 : vector<16xi32>
          %slice3A_486 = vector.extract_strided_slice %get3A_359 {offsets = [9], sizes = [1], strides = [1]} : vector<16xi32> to vector<1xi32>
          %squeeze3A_487 = vector.extract %slice3A_486[0] : i32 from vector<1xi32>
          %slice3A_488 = vector.extract_strided_slice %get3A_363 {offsets = [9], sizes = [1], strides = [1]} : vector<16xi32> to vector<1xi32>
          %squeeze3A_489 = vector.extract %slice3A_488[0] : i32 from vector<1xi32>
          %gt3A_490 = vector.broadcast %squeeze3A_487 : i32 to vector<16xi32>
          %gt3A_491 = arith.cmpi sgt, %gt3A_490, %get3A_335 : vector<16xi32>
          %eq3A_492 = vector.broadcast %squeeze3A_487 : i32 to vector<16xi32>
          %eq3A_493 = arith.cmpi eq, %eq3A_492, %get3A_335 : vector<16xi32>
          %lt3A_494 = vector.broadcast %squeeze3A_489 : i32 to vector<16xi32>
          %lt3A_495 = arith.cmpi slt, %lt3A_494, %get3A_339 : vector<16xi32>
          %and3A_496 = arith.andi %eq3A_493, %lt3A_495 : vector<16xi1>
          %or3A_497 = arith.ori %gt3A_491, %and3A_496 : vector<16xi1>
          %convert_element_type3A_498 = arith.extui %or3A_497 : vector<16xi1> to vector<16xi32>
          %add3A_499 = arith.addi %add3A_485, %convert_element_type3A_498 : vector<16xi32>
          %slice3A_500 = vector.extract_strided_slice %get3A_359 {offsets = [10], sizes = [1], strides = [1]} : vector<16xi32> to vector<1xi32>
          %squeeze3A_501 = vector.extract %slice3A_500[0] : i32 from vector<1xi32>
          %slice3A_502 = vector.extract_strided_slice %get3A_363 {offsets = [10], sizes = [1], strides = [1]} : vector<16xi32> to vector<1xi32>
          %squeeze3A_503 = vector.extract %slice3A_502[0] : i32 from vector<1xi32>
          %gt3A_504 = vector.broadcast %squeeze3A_501 : i32 to vector<16xi32>
          %gt3A_505 = arith.cmpi sgt, %gt3A_504, %get3A_335 : vector<16xi32>
          %eq3A_506 = vector.broadcast %squeeze3A_501 : i32 to vector<16xi32>
          %eq3A_507 = arith.cmpi eq, %eq3A_506, %get3A_335 : vector<16xi32>
          %lt3A_508 = vector.broadcast %squeeze3A_503 : i32 to vector<16xi32>
          %lt3A_509 = arith.cmpi slt, %lt3A_508, %get3A_339 : vector<16xi32>
          %and3A_510 = arith.andi %eq3A_507, %lt3A_509 : vector<16xi1>
          %or3A_511 = arith.ori %gt3A_505, %and3A_510 : vector<16xi1>
          %convert_element_type3A_512 = arith.extui %or3A_511 : vector<16xi1> to vector<16xi32>
          %add3A_513 = arith.addi %add3A_499, %convert_element_type3A_512 : vector<16xi32>
          %slice3A_514 = vector.extract_strided_slice %get3A_359 {offsets = [11], sizes = [1], strides = [1]} : vector<16xi32> to vector<1xi32>
          %squeeze3A_515 = vector.extract %slice3A_514[0] : i32 from vector<1xi32>
          %slice3A_516 = vector.extract_strided_slice %get3A_363 {offsets = [11], sizes = [1], strides = [1]} : vector<16xi32> to vector<1xi32>
          %squeeze3A_517 = vector.extract %slice3A_516[0] : i32 from vector<1xi32>
          %gt3A_518 = vector.broadcast %squeeze3A_515 : i32 to vector<16xi32>
          %gt3A_519 = arith.cmpi sgt, %gt3A_518, %get3A_335 : vector<16xi32>
          %eq3A_520 = vector.broadcast %squeeze3A_515 : i32 to vector<16xi32>
          %eq3A_521 = arith.cmpi eq, %eq3A_520, %get3A_335 : vector<16xi32>
          %lt3A_522 = vector.broadcast %squeeze3A_517 : i32 to vector<16xi32>
          %lt3A_523 = arith.cmpi slt, %lt3A_522, %get3A_339 : vector<16xi32>
          %and3A_524 = arith.andi %eq3A_521, %lt3A_523 : vector<16xi1>
          %or3A_525 = arith.ori %gt3A_519, %and3A_524 : vector<16xi1>
          %convert_element_type3A_526 = arith.extui %or3A_525 : vector<16xi1> to vector<16xi32>
          %add3A_527 = arith.addi %add3A_513, %convert_element_type3A_526 : vector<16xi32>
          %slice3A_528 = vector.extract_strided_slice %get3A_359 {offsets = [12], sizes = [1], strides = [1]} : vector<16xi32> to vector<1xi32>
          %squeeze3A_529 = vector.extract %slice3A_528[0] : i32 from vector<1xi32>
          %slice3A_530 = vector.extract_strided_slice %get3A_363 {offsets = [12], sizes = [1], strides = [1]} : vector<16xi32> to vector<1xi32>
          %squeeze3A_531 = vector.extract %slice3A_530[0] : i32 from vector<1xi32>
          %gt3A_532 = vector.broadcast %squeeze3A_529 : i32 to vector<16xi32>
          %gt3A_533 = arith.cmpi sgt, %gt3A_532, %get3A_335 : vector<16xi32>
          %eq3A_534 = vector.broadcast %squeeze3A_529 : i32 to vector<16xi32>
          %eq3A_535 = arith.cmpi eq, %eq3A_534, %get3A_335 : vector<16xi32>
          %lt3A_536 = vector.broadcast %squeeze3A_531 : i32 to vector<16xi32>
          %lt3A_537 = arith.cmpi slt, %lt3A_536, %get3A_339 : vector<16xi32>
          %and3A_538 = arith.andi %eq3A_535, %lt3A_537 : vector<16xi1>
          %or3A_539 = arith.ori %gt3A_533, %and3A_538 : vector<16xi1>
          %convert_element_type3A_540 = arith.extui %or3A_539 : vector<16xi1> to vector<16xi32>
          %add3A_541 = arith.addi %add3A_527, %convert_element_type3A_540 : vector<16xi32>
          %slice3A_542 = vector.extract_strided_slice %get3A_359 {offsets = [13], sizes = [1], strides = [1]} : vector<16xi32> to vector<1xi32>
          %squeeze3A_543 = vector.extract %slice3A_542[0] : i32 from vector<1xi32>
          %slice3A_544 = vector.extract_strided_slice %get3A_363 {offsets = [13], sizes = [1], strides = [1]} : vector<16xi32> to vector<1xi32>
          %squeeze3A_545 = vector.extract %slice3A_544[0] : i32 from vector<1xi32>
          %gt3A_546 = vector.broadcast %squeeze3A_543 : i32 to vector<16xi32>
          %gt3A_547 = arith.cmpi sgt, %gt3A_546, %get3A_335 : vector<16xi32>
          %eq3A_548 = vector.broadcast %squeeze3A_543 : i32 to vector<16xi32>
          %eq3A_549 = arith.cmpi eq, %eq3A_548, %get3A_335 : vector<16xi32>
          %lt3A_550 = vector.broadcast %squeeze3A_545 : i32 to vector<16xi32>
          %lt3A_551 = arith.cmpi slt, %lt3A_550, %get3A_339 : vector<16xi32>
          %and3A_552 = arith.andi %eq3A_549, %lt3A_551 : vector<16xi1>
          %or3A_553 = arith.ori %gt3A_547, %and3A_552 : vector<16xi1>
          %convert_element_type3A_554 = arith.extui %or3A_553 : vector<16xi1> to vector<16xi32>
          %add3A_555 = arith.addi %add3A_541, %convert_element_type3A_554 : vector<16xi32>
          %slice3A_556 = vector.extract_strided_slice %get3A_359 {offsets = [14], sizes = [1], strides = [1]} : vector<16xi32> to vector<1xi32>
          %squeeze3A_557 = vector.extract %slice3A_556[0] : i32 from vector<1xi32>
          %slice3A_558 = vector.extract_strided_slice %get3A_363 {offsets = [14], sizes = [1], strides = [1]} : vector<16xi32> to vector<1xi32>
          %squeeze3A_559 = vector.extract %slice3A_558[0] : i32 from vector<1xi32>
          %gt3A_560 = vector.broadcast %squeeze3A_557 : i32 to vector<16xi32>
          %gt3A_561 = arith.cmpi sgt, %gt3A_560, %get3A_335 : vector<16xi32>
          %eq3A_562 = vector.broadcast %squeeze3A_557 : i32 to vector<16xi32>
          %eq3A_563 = arith.cmpi eq, %eq3A_562, %get3A_335 : vector<16xi32>
          %lt3A_564 = vector.broadcast %squeeze3A_559 : i32 to vector<16xi32>
          %lt3A_565 = arith.cmpi slt, %lt3A_564, %get3A_339 : vector<16xi32>
          %and3A_566 = arith.andi %eq3A_563, %lt3A_565 : vector<16xi1>
          %or3A_567 = arith.ori %gt3A_561, %and3A_566 : vector<16xi1>
          %convert_element_type3A_568 = arith.extui %or3A_567 : vector<16xi1> to vector<16xi32>
          %add3A_569 = arith.addi %add3A_555, %convert_element_type3A_568 : vector<16xi32>
          %slice3A_570 = vector.extract_strided_slice %get3A_359 {offsets = [15], sizes = [1], strides = [1]} : vector<16xi32> to vector<1xi32>
          %squeeze3A_571 = vector.extract %slice3A_570[0] : i32 from vector<1xi32>
          %slice3A_572 = vector.extract_strided_slice %get3A_363 {offsets = [15], sizes = [1], strides = [1]} : vector<16xi32> to vector<1xi32>
          %squeeze3A_573 = vector.extract %slice3A_572[0] : i32 from vector<1xi32>
          %gt3A_574 = vector.broadcast %squeeze3A_571 : i32 to vector<16xi32>
          %gt3A_575 = arith.cmpi sgt, %gt3A_574, %get3A_335 : vector<16xi32>
          %eq3A_576 = vector.broadcast %squeeze3A_571 : i32 to vector<16xi32>
          %eq3A_577 = arith.cmpi eq, %eq3A_576, %get3A_335 : vector<16xi32>
          %lt3A_578 = vector.broadcast %squeeze3A_573 : i32 to vector<16xi32>
          %lt3A_579 = arith.cmpi slt, %lt3A_578, %get3A_339 : vector<16xi32>
          %and3A_580 = arith.andi %eq3A_577, %lt3A_579 : vector<16xi1>
          %or3A_581 = arith.ori %gt3A_575, %and3A_580 : vector<16xi1>
          %convert_element_type3A_582 = arith.extui %or3A_581 : vector<16xi1> to vector<16xi32>
          %add3A_583 = arith.addi %add3A_569, %convert_element_type3A_582 : vector<16xi32>
          scf.yield %add3A_583 : vector<16xi32>
        }
        %lt3A_351 = arith.constant 64 : i32
        %lt3A_352 = vector.broadcast %lt3A_351 : i32 to vector<16xi32>
        %lt3A_353 = arith.cmpi slt, %while3A_350, %lt3A_352 : vector<16xi32>
        tpu.vector_store_idx %arg17[%while3A_350], %get3A_335 masked %lt3A_353 : memref<64xi32, #tpu.memory_space<vmem>>[vector<16xi32>], vector<16xi32>, vector<16xi1>
        tpu.vector_store_idx %arg18[%while3A_350], %get3A_339 masked %lt3A_353 : memref<64xi32, #tpu.memory_space<vmem>>[vector<16xi32>], vector<16xi32>, vector<16xi1>
      }
      "tpu.region"() ({
        %run_scoped3A = tpu.sem_alloc : memref<!tpu.dma_semaphore, #tpu.memory_space<semaphore_mem>>
        %dma_start3A_331 = arith.constant 0 : i32
        %dma_start3A_332 = tpu.memref_slice %arg5[%add3A_49, %dma_start3A_331] : memref<128x64xi32, #tpu.memory_space<hbm>> -> memref<1x64xi32, #tpu.memory_space<hbm>>
        %dma_start3A_333 = tpu.memref_squeeze %dma_start3A_332 : memref<1x64xi32, #tpu.memory_space<hbm>> -> memref<64xi32, #tpu.memory_space<hbm>>
        %dma_start3A_334 = arith.constant 0 : i32
        %dma_start3A_335 = tpu.memref_slice %arg5[%add3A_49, %dma_start3A_334] : memref<128x64xi32, #tpu.memory_space<hbm>> -> memref<1x64xi32, #tpu.memory_space<hbm>>
        %dma_start3A_336 = tpu.memref_squeeze %dma_start3A_335 : memref<1x64xi32, #tpu.memory_space<hbm>> -> memref<64xi32, #tpu.memory_space<hbm>>
        tpu.enqueue_dma source(%arg18 : memref<64xi32, #tpu.memory_space<vmem>>) target(%dma_start3A_336 : memref<64xi32, #tpu.memory_space<hbm>>) target_semaphore(%run_scoped3A : memref<!tpu.dma_semaphore, #tpu.memory_space<semaphore_mem>>)
        %dma_wait3A_337 = arith.constant 0 : i32
        %dma_wait3A_338 = tpu.memref_slice %arg5[%add3A_49, %dma_wait3A_337] : memref<128x64xi32, #tpu.memory_space<hbm>> -> memref<1x64xi32, #tpu.memory_space<hbm>>
        %dma_wait3A_339 = tpu.memref_squeeze %dma_wait3A_338 : memref<1x64xi32, #tpu.memory_space<hbm>> -> memref<64xi32, #tpu.memory_space<hbm>>
        %dma_wait3A_340 = arith.constant 0 : i32
        %dma_wait3A_341 = tpu.memref_slice %arg5[%add3A_49, %dma_wait3A_340] : memref<128x64xi32, #tpu.memory_space<hbm>> -> memref<1x64xi32, #tpu.memory_space<hbm>>
        %dma_wait3A_342 = tpu.memref_squeeze %dma_wait3A_341 : memref<1x64xi32, #tpu.memory_space<hbm>> -> memref<64xi32, #tpu.memory_space<hbm>>
        tpu.wait_dma2 semaphore(%run_scoped3A : memref<!tpu.dma_semaphore, #tpu.memory_space<semaphore_mem>>) src(%arg18 : memref<64xi32, #tpu.memory_space<vmem>>) dst(%dma_wait3A_342 : memref<64xi32, #tpu.memory_space<hbm>>)
        tpu.yield
      }) : () -> ()
      %scan3A_242 = arith.constant 0 : i32
      %scan3A_243 = arith.constant 0 : i32
      %mul3A_244 = arith.constant 16 : i32
      %mul3A_245 = arith.muli %scan3A_243, %mul3A_244 : i32
      %get3A = arith.index_cast %mul3A_245 : i32 to index
      %get3A_246 = tpu.vector_load %arg17[%get3A] {strides = array<i32>} : memref<64xi32, #tpu.memory_space<vmem>>, vector<16xi32>,
      %shift_right_arithmetic3A = arith.constant 31 : i32
      %shift_right_arithmetic3A_247 = vector.broadcast %shift_right_arithmetic3A : i32 to vector<16xi32>
      %shift_right_arithmetic3A_248 = arith.shrsi %get3A_246, %shift_right_arithmetic3A_247 : vector<16xi32>
      %and3A_249 = arith.constant 2147483647 : i32
      %and3A_250 = vector.broadcast %and3A_249 : i32 to vector<16xi32>
      %and3A_251 = arith.andi %shift_right_arithmetic3A_248, %and3A_250 : vector<16xi32>
      %xor3A = arith.xori %get3A_246, %and3A_251 : vector<16xi32>
      %bitcast_convert_type3A = tpu.bitcast %xor3A : vector<16xi32> -> vector<16xf32>
      %max3A = arith.constant 0.000000e+00 : f32
      %max3A_252 = vector.broadcast %max3A : f32 to vector<16xf32>
      %max3A_253 = arith.maximumf %bitcast_convert_type3A, %max3A_252 : vector<16xf32>
      %mul3A_254 = arith.constant 16 : i32
      %mul3A_255 = arith.muli %scan3A_243, %mul3A_254 : i32
      %get3A_256 = arith.index_cast %mul3A_255 : i32 to index
      %get3A_257 = tpu.vector_load %arg18[%get3A_256] {strides = array<i32>} : memref<64xi32, #tpu.memory_space<vmem>>, vector<16xi32>,
      tpu.vector_store_idx %arg7[%get3A_257], %max3A_253 : memref<32768xf32, #tpu.memory_space<vmem>>[vector<16xi32>], vector<16xf32>,
      tpu.vector_store_idx %arg8[%get3A_257], %broadcast_in_dim3A_5 : memref<32768xi32, #tpu.memory_space<vmem>>[vector<16xi32>], vector<16xi32>,
      %scan3A_258 = arith.constant 1 : i32
      %mul3A_259 = arith.constant 16 : i32
      %mul3A_260 = arith.muli %scan3A_258, %mul3A_259 : i32
      %get3A_261 = arith.index_cast %mul3A_260 : i32 to index
      %get3A_262 = tpu.vector_load %arg17[%get3A_261] {strides = array<i32>} : memref<64xi32, #tpu.memory_space<vmem>>, vector<16xi32>,
      %shift_right_arithmetic3A_263 = arith.constant 31 : i32
      %shift_right_arithmetic3A_264 = vector.broadcast %shift_right_arithmetic3A_263 : i32 to vector<16xi32>
      %shift_right_arithmetic3A_265 = arith.shrsi %get3A_262, %shift_right_arithmetic3A_264 : vector<16xi32>
      %and3A_266 = arith.constant 2147483647 : i32
      %and3A_267 = vector.broadcast %and3A_266 : i32 to vector<16xi32>
      %and3A_268 = arith.andi %shift_right_arithmetic3A_265, %and3A_267 : vector<16xi32>
      %xor3A_269 = arith.xori %get3A_262, %and3A_268 : vector<16xi32>
      %bitcast_convert_type3A_270 = tpu.bitcast %xor3A_269 : vector<16xi32> -> vector<16xf32>
      %max3A_271 = arith.constant 0.000000e+00 : f32
      %max3A_272 = vector.broadcast %max3A_271 : f32 to vector<16xf32>
      %max3A_273 = arith.maximumf %bitcast_convert_type3A_270, %max3A_272 : vector<16xf32>
      %mul3A_274 = arith.constant 16 : i32
      %mul3A_275 = arith.muli %scan3A_258, %mul3A_274 : i32
      %get3A_276 = arith.index_cast %mul3A_275 : i32 to index
      %get3A_277 = tpu.vector_load %arg18[%get3A_276] {strides = array<i32>} : memref<64xi32, #tpu.memory_space<vmem>>, vector<16xi32>,
      tpu.vector_store_idx %arg7[%get3A_277], %max3A_273 : memref<32768xf32, #tpu.memory_space<vmem>>[vector<16xi32>], vector<16xf32>,
      tpu.vector_store_idx %arg8[%get3A_277], %broadcast_in_dim3A_5 : memref<32768xi32, #tpu.memory_space<vmem>>[vector<16xi32>], vector<16xi32>,
      %scan3A_278 = arith.constant 2 : i32
      %mul3A_279 = arith.constant 16 : i32
      %mul3A_280 = arith.muli %scan3A_278, %mul3A_279 : i32
      %get3A_281 = arith.index_cast %mul3A_280 : i32 to index
      %get3A_282 = tpu.vector_load %arg17[%get3A_281] {strides = array<i32>} : memref<64xi32, #tpu.memory_space<vmem>>, vector<16xi32>,
      %shift_right_arithmetic3A_283 = arith.constant 31 : i32
      %shift_right_arithmetic3A_284 = vector.broadcast %shift_right_arithmetic3A_283 : i32 to vector<16xi32>
      %shift_right_arithmetic3A_285 = arith.shrsi %get3A_282, %shift_right_arithmetic3A_284 : vector<16xi32>
      %and3A_286 = arith.constant 2147483647 : i32
      %and3A_287 = vector.broadcast %and3A_286 : i32 to vector<16xi32>
      %and3A_288 = arith.andi %shift_right_arithmetic3A_285, %and3A_287 : vector<16xi32>
      %xor3A_289 = arith.xori %get3A_282, %and3A_288 : vector<16xi32>
      %bitcast_convert_type3A_290 = tpu.bitcast %xor3A_289 : vector<16xi32> -> vector<16xf32>
      %max3A_291 = arith.constant 0.000000e+00 : f32
      %max3A_292 = vector.broadcast %max3A_291 : f32 to vector<16xf32>
      %max3A_293 = arith.maximumf %bitcast_convert_type3A_290, %max3A_292 : vector<16xf32>
      %mul3A_294 = arith.constant 16 : i32
      %mul3A_295 = arith.muli %scan3A_278, %mul3A_294 : i32
      %get3A_296 = arith.index_cast %mul3A_295 : i32 to index
      %get3A_297 = tpu.vector_load %arg18[%get3A_296] {strides = array<i32>} : memref<64xi32, #tpu.memory_space<vmem>>, vector<16xi32>,
      tpu.vector_store_idx %arg7[%get3A_297], %max3A_293 : memref<32768xf32, #tpu.memory_space<vmem>>[vector<16xi32>], vector<16xf32>,
      tpu.vector_store_idx %arg8[%get3A_297], %broadcast_in_dim3A_5 : memref<32768xi32, #tpu.memory_space<vmem>>[vector<16xi32>], vector<16xi32>,
      %scan3A_298 = arith.constant 3 : i32
      %mul3A_299 = arith.constant 16 : i32
      %mul3A_300 = arith.muli %scan3A_298, %mul3A_299 : i32
      %get3A_301 = arith.index_cast %mul3A_300 : i32 to index
      %get3A_302 = tpu.vector_load %arg17[%get3A_301] {strides = array<i32>} : memref<64xi32, #tpu.memory_space<vmem>>, vector<16xi32>,
      %shift_right_arithmetic3A_303 = arith.constant 31 : i32
      %shift_right_arithmetic3A_304 = vector.broadcast %shift_right_arithmetic3A_303 : i32 to vector<16xi32>
      %shift_right_arithmetic3A_305 = arith.shrsi %get3A_302, %shift_right_arithmetic3A_304 : vector<16xi32>
      %and3A_306 = arith.constant 2147483647 : i32
      %and3A_307 = vector.broadcast %and3A_306 : i32 to vector<16xi32>
      %and3A_308 = arith.andi %shift_right_arithmetic3A_305, %and3A_307 : vector<16xi32>
      %xor3A_309 = arith.xori %get3A_302, %and3A_308 : vector<16xi32>
      %bitcast_convert_type3A_310 = tpu.bitcast %xor3A_309 : vector<16xi32> -> vector<16xf32>
      %max3A_311 = arith.constant 0.000000e+00 : f32
      %max3A_312 = vector.broadcast %max3A_311 : f32 to vector<16xf32>
      %max3A_313 = arith.maximumf %bitcast_convert_type3A_310, %max3A_312 : vector<16xf32>
      %mul3A_314 = arith.constant 16 : i32
      %mul3A_315 = arith.muli %scan3A_298, %mul3A_314 : i32
      %get3A_316 = arith.index_cast %mul3A_315 : i32 to index
      %get3A_317 = tpu.vector_load %arg18[%get3A_316] {strides = array<i32>} : memref<64xi32, #tpu.memory_space<vmem>>, vector<16xi32>,
      tpu.vector_store_idx %arg7[%get3A_317], %max3A_313 : memref<32768xf32, #tpu.memory_space<vmem>>[vector<16xi32>], vector<16xf32>,
      tpu.vector_store_idx %arg8[%get3A_317], %broadcast_in_dim3A_5 : memref<32768xi32, #tpu.memory_space<vmem>>[vector<16xi32>], vector<16xi32>,
      %scan3A_318 = arith.constant 4 : i32
      %dma_start3A_319 = arith.constant 0 : i32
      %dma_start3A_320 = tpu.memref_slice %arg3[%add3A_49, %dma_start3A_319] : memref<128x32768xf32, #tpu.memory_space<hbm>> -> memref<1x32768xf32, #tpu.memory_space<hbm>>
      %dma_start3A_321 = tpu.memref_squeeze %dma_start3A_320 : memref<1x32768xf32, #tpu.memory_space<hbm>> -> memref<32768xf32, #tpu.memory_space<hbm>>
      %dma_start3A_322 = arith.constant 0 : i32
      %dma_start3A_323 = tpu.memref_slice %arg3[%add3A_49, %dma_start3A_322] : memref<128x32768xf32, #tpu.memory_space<hbm>> -> memref<1x32768xf32, #tpu.memory_space<hbm>>
      %dma_start3A_324 = tpu.memref_squeeze %dma_start3A_323 : memref<1x32768xf32, #tpu.memory_space<hbm>> -> memref<32768xf32, #tpu.memory_space<hbm>>
      tpu.enqueue_dma source(%arg7 : memref<32768xf32, #tpu.memory_space<vmem>>) target(%dma_start3A_324 : memref<32768xf32, #tpu.memory_space<hbm>>) target_semaphore(%arg20 : memref<!tpu.dma_semaphore, #tpu.memory_space<semaphore_mem>>)
      %dma_start3A_325 = arith.constant 0 : i32
      %dma_start3A_326 = tpu.memref_slice %arg4[%add3A_49, %dma_start3A_325] : memref<128x32768xi32, #tpu.memory_space<hbm>> -> memref<1x32768xi32, #tpu.memory_space<hbm>>
      %dma_start3A_327 = tpu.memref_squeeze %dma_start3A_326 : memref<1x32768xi32, #tpu.memory_space<hbm>> -> memref<32768xi32, #tpu.memory_space<hbm>>
      %dma_start3A_328 = arith.constant 0 : i32
      %dma_start3A_329 = tpu.memref_slice %arg4[%add3A_49, %dma_start3A_328] : memref<128x32768xi32, #tpu.memory_space<hbm>> -> memref<1x32768xi32, #tpu.memory_space<hbm>>
      %dma_start3A_330 = tpu.memref_squeeze %dma_start3A_329 : memref<1x32768xi32, #tpu.memory_space<hbm>> -> memref<32768xi32, #tpu.memory_space<hbm>>
      tpu.enqueue_dma source(%arg8 : memref<32768xi32, #tpu.memory_space<vmem>>) target(%dma_start3A_330 : memref<32768xi32, #tpu.memory_space<hbm>>) target_semaphore(%arg21 : memref<!tpu.dma_semaphore, #tpu.memory_space<semaphore_mem>>)
      "tpu.region"() ({
        %run_scoped3A = tpu.sem_alloc : memref<!tpu.dma_semaphore, #tpu.memory_space<semaphore_mem>>
        %dma_start3A_331 = arith.constant 0 : i32
        %dma_start3A_332 = tpu.memref_slice %arg5[%add3A_49, %dma_start3A_331] : memref<128x64xi32, #tpu.memory_space<hbm>> -> memref<1x64xi32, #tpu.memory_space<hbm>>
        %dma_start3A_333 = tpu.memref_squeeze %dma_start3A_332 : memref<1x64xi32, #tpu.memory_space<hbm>> -> memref<64xi32, #tpu.memory_space<hbm>>
        %dma_start3A_334 = arith.constant 0 : i32
        %dma_start3A_335 = tpu.memref_slice %arg5[%add3A_49, %dma_start3A_334] : memref<128x64xi32, #tpu.memory_space<hbm>> -> memref<1x64xi32, #tpu.memory_space<hbm>>
        %dma_start3A_336 = tpu.memref_squeeze %dma_start3A_335 : memref<1x64xi32, #tpu.memory_space<hbm>> -> memref<64xi32, #tpu.memory_space<hbm>>
        tpu.enqueue_dma source(%arg18 : memref<64xi32, #tpu.memory_space<vmem>>) target(%dma_start3A_336 : memref<64xi32, #tpu.memory_space<hbm>>) target_semaphore(%run_scoped3A : memref<!tpu.dma_semaphore, #tpu.memory_space<semaphore_mem>>)
        %dma_wait3A_337 = arith.constant 0 : i32
        %dma_wait3A_338 = tpu.memref_slice %arg5[%add3A_49, %dma_wait3A_337] : memref<128x64xi32, #tpu.memory_space<hbm>> -> memref<1x64xi32, #tpu.memory_space<hbm>>
        %dma_wait3A_339 = tpu.memref_squeeze %dma_wait3A_338 : memref<1x64xi32, #tpu.memory_space<hbm>> -> memref<64xi32, #tpu.memory_space<hbm>>
        %dma_wait3A_340 = arith.constant 0 : i32
        %dma_wait3A_341 = tpu.memref_slice %arg5[%add3A_49, %dma_wait3A_340] : memref<128x64xi32, #tpu.memory_space<hbm>> -> memref<1x64xi32, #tpu.memory_space<hbm>>
        %dma_wait3A_342 = tpu.memref_squeeze %dma_wait3A_341 : memref<1x64xi32, #tpu.memory_space<hbm>> -> memref<64xi32, #tpu.memory_space<hbm>>
        tpu.wait_dma2 semaphore(%run_scoped3A : memref<!tpu.dma_semaphore, #tpu.memory_space<semaphore_mem>>) src(%arg18 : memref<64xi32, #tpu.memory_space<vmem>>) dst(%dma_wait3A_342 : memref<64xi32, #tpu.memory_space<hbm>>)
        tpu.yield
      }) : () -> ()
    }
    %scan3A_29 = arith.constant 4 : i32
    %mul3A_30 = arith.constant 4 : i32
    %mul3A_31 = arith.muli %add3A, %mul3A_30 : i32
    %add3A_32 = arith.constant 4 : i32
    %add3A_33 = arith.addi %mul3A_31, %add3A_32 : i32
    %sub3A = arith.constant 1 : i32
    %sub3A_34 = arith.subi %add3A_33, %sub3A : i32
    %dma_wait3A = arith.constant 0 : i32
    %dma_wait3A_35 = tpu.memref_slice %arg3[%sub3A_34, %dma_wait3A] : memref<128x32768xf32, #tpu.memory_space<hbm>> -> memref<1x32768xf32, #tpu.memory_space<hbm>>
    %dma_wait3A_36 = tpu.memref_squeeze %dma_wait3A_35 : memref<1x32768xf32, #tpu.memory_space<hbm>> -> memref<32768xf32, #tpu.memory_space<hbm>>
    %dma_wait3A_37 = arith.constant 0 : i32
    %dma_wait3A_38 = tpu.memref_slice %arg3[%sub3A_34, %dma_wait3A_37] : memref<128x32768xf32, #tpu.memory_space<hbm>> -> memref<1x32768xf32, #tpu.memory_space<hbm>>
    %dma_wait3A_39 = tpu.memref_squeeze %dma_wait3A_38 : memref<1x32768xf32, #tpu.memory_space<hbm>> -> memref<32768xf32, #tpu.memory_space<hbm>>
    tpu.wait_dma2 semaphore(%arg20 : memref<!tpu.dma_semaphore, #tpu.memory_space<semaphore_mem>>) src(%arg7 : memref<32768xf32, #tpu.memory_space<vmem>>) dst(%dma_wait3A_39 : memref<32768xf32, #tpu.memory_space<hbm>>)
    %dma_wait3A_40 = arith.constant 0 : i32
    %dma_wait3A_41 = tpu.memref_slice %arg4[%sub3A_34, %dma_wait3A_40] : memref<128x32768xi32, #tpu.memory_space<hbm>> -> memref<1x32768xi32, #tpu.memory_space<hbm>>
    %dma_wait3A_42 = tpu.memref_squeeze %dma_wait3A_41 : memref<1x32768xi32, #tpu.memory_space<hbm>> -> memref<32768xi32, #tpu.memory_space<hbm>>
    %dma_wait3A_43 = arith.constant 0 : i32
    %dma_wait3A_44 = tpu.memref_slice %arg4[%sub3A_34, %dma_wait3A_43] : memref<128x32768xi32, #tpu.memory_space<hbm>> -> memref<1x32768xi32, #tpu.memory_space<hbm>>
    %dma_wait3A_45 = tpu.memref_squeeze %dma_wait3A_44 : memref<1x32768xi32, #tpu.memory_space<hbm>> -> memref<32768xi32, #tpu.memory_space<hbm>>
    tpu.wait_dma2 semaphore(%arg21 : memref<!tpu.dma_semaphore, #tpu.memory_space<semaphore_mem>>) src(%arg8 : memref<32768xi32, #tpu.memory_space<vmem>>) dst(%dma_wait3A_45 : memref<32768xi32, #tpu.memory_space<hbm>>)
    return
  }
}

</mosaic_0001>

<sc_bundles>
// kernel: kernel.3.cloned.1.call-start
scs
__scs_entry_jumppad:
0x0: {  	(pc) =	sbr.rel $0x88, $3  }
0x1: {  	(tag) =	ssettag $0x0;
	lr =	simm.s32 $0x1  }
0x2: {  	[smem:$0x3FA0] =	sst lr;
	_ =	strace $0xD0000000  }
0x3: {  	_ = 	snop  }
0x4: {  	_ = 	snop  }
0x5: {  	_ = 	snop  }
0x6: {  	_ = 	snop  }
0x7: {  	_ = 	snop  }
__scs_overlays_trampoline_lowered:
0x8: {  	[smem:$0x3FAF] =	sst s0  }
0x9: {  	[smem:$0x3FB0] =	sst s1  }
0xa: {  	[smem:$0x3FB1] =	sst s2  }
0xb: {  	[smem:$0x3FB2] =	sst s3  }
0xc: {  	[smem:$0x3FB3] =	sst s4  }
0xd: {  	[smem:$0x3FB4] =	sst s5  }
0xe: {  	[smem:$0x3FB5] =	sst s6  }
0xf: {  	[smem:$0x3FB6] =	sst s7  }
0x10: {  	[smem:$0x3FB7] =	sst s8  }
0x11: {  	[smem:$0x3FB8] =	sst s9;
	s0 =	simm.s32 @!p0 $0x0  }
0x12: {  	s1 =	sld [smem:$0x3F9E];
	s0 =	simm.s32 @p0 $0x1  }
0x13: {  	[smem:$0x3FB9] =	sst s0;
	s0 =	simm.s32 @!p1 $0x0  }
0x14: {  	s2 =	sld [smem:$0x3F9D];
	s0 =	simm.s32 @p1 $0x1  }
0x15: {  	[smem:$0x3FBA] =	sst s0;
	s0 =	simm.s32 @!p2 $0x0  }
0x16: {  	s3 =	sld [smem:$0x3FDB];
	s0 =	simm.s32 @p2 $0x1  }
0x17: {  	s4 =	simm.s32 $0x1BF5;
	[smem:$0x3FBC] =	sst s0  }
0x18: {  	s0 =	sld [smem:$0x3F9F];
	_ =	swait.ge [sflag:s4], $0x0  }
0x19: {  	s7 =	sld [smem:$0x3FA0]  }
0x1a: {  	s8 =	sadd.s32 $0xFFFFE003, lr  }
0x1b: {  	s9 =	sadd.s32 $0xFFFFFEF7, lr;
	s5 =	simm.s32 $0xFFFFFFFF;
	p2 =	slt.u32 s8, $0xFFFFF086  }
0x1c: {  	p1 =	slt.u32 s9, $0xF7A;
	s5 =	simm.s32 @!p2 $0x0  }
0x1d: {  	s5 =	simm.s32 @p1 $0x1;
	p0 =	seq.s32 s7, s2  }
0x1e: {  	s7 =	smul.u32 @!p0 $0xF7A, s2;
	p2 =	seq.s32 @!p0 s5, $0x0  }
0x1f: {  	s9 =	smul.u32 $0xF7A, s1;
	s8 =	simm.s32 @!p0 $0x1BF5;
	p2 =	por !p2, p0  }
0x20: {  	[sflag:s8] =	ssyncset.s32 @!p0 $0xFFFFF086;
	s6 =	sadd.s32 @!p0 s3, s7;
	s7 =	simm.s32 @!p0 $0x108  }
0x21: {  	s3 =	sadd.s32 s3, s9;
	s6 =	sadd.s32 @!p0 $0x88, s6;
	s7 =	simm.s32 @p2 $0x1082  }
0x22: {  	[simem:s7], [sflag:s8] =	dma.local @!p0 [hbm:s6], $0xF7A  }
0x23: {  	s9 =	sor.u32 $0xD0000000, s2;
	s6 =	simm.s32 $0x108;
	_ =	swait.ge @!p0 [sflag:s8], $0x0  }
0x24: {  	s3 =	sadd.s32 $0x88, s3;
	s6 =	simm.s32 @!p1 $0x1082;
	[sflag:s4] =	ssyncset.s32 $0xFFFFF086  }
0x25: {  	[simem:s6], [sflag:s4] =	dma.local [hbm:s3], $0xF7A  }
0x26: {  	[smem:$0x3FA0] =	sst s1;
	(tag) =	ssettag s2;
	_ =	strace s9  }
0x27: {  	s1 =	sld [smem:$0x3FB0]  }
0x28: {  	s2 =	sld [smem:$0x3FB1]  }
0x29: {  	s4 =	sld [smem:$0x3FB3]  }
0x2a: {  	p0 =	seq.s32 s5, $0x0;
	s5 =	sld [smem:$0x3FB4]  }
0x2b: {  	s6 =	sld [smem:$0x3FB5]  }
0x2c: {  	s7 =	sld [smem:$0x3FB6]  }
0x2d: {  	s3 =	simm.s32 $0x108;
	s8 =	sld [smem:$0x3FB7]  }
0x2e: {  	s3 =	simm.s32 @!p0 $0x1082;
	s9 =	sld [smem:$0x3FB8]  }
0x2f: {  	lr =	sadd.s32 s0, s3;
	s0 =	sld [smem:$0x3FAF]  }
0x30: {  	s3 =	sld [smem:$0x3FB2]  }
0x31: {  	[smem:$0x3FBB] =	sst s10  }
0x32: {  	s10 =	sld [smem:$0x3FB9];
	_ =	sdelay $0x3  }
0x33: {  	p0 =	seq.s32 s10, $0x1;
	s10 =	sld [smem:$0x3FBB];
	_ =	sdelay $0x3  }
0x34: {  	[smem:$0x3FBB] =	sst s10  }
0x35: {  	s10 =	sld [smem:$0x3FBA];
	_ =	sdelay $0x3  }
0x36: {  	p1 =	seq.s32 s10, $0x1;
	s10 =	sld [smem:$0x3FBB];
	_ =	sdelay $0x3  }
0x37: {  	[smem:$0x3FBB] =	sst s10  }
0x38: {  	s10 =	sld [smem:$0x3FBC]  }
0x39: {  	_ = 	snop;
	(pc) =	sbr.ind lr, $3  }
0x3a: {  	_ = 	snop  }
0x3b: {  	_ = 	snop  }
0x3c: {  	p2 =	seq.s32 s10, $0x1;
	s10 =	sld [smem:$0x3FBB]  }
0x3d: {  	_ =	shalt  }
0x3e: {  	_ =	shalt  }
0x3f: {  	_ =	shalt  }
0x40: {  	_ =	shalt  }
0x41: {  	_ =	shalt  }
0x42: {  	_ =	shalt  }
0x43: {  	_ =	shalt  }
0x44: {  	_ =	shalt  }
0x45: {  	_ =	shalt  }
0x46: {  	_ =	shalt  }
0x47: {  	_ =	shalt  }
0x48: {  	_ =	shalt  }
0x49: {  	_ =	shalt  }
0x4a: {  	_ =	shalt  }
0x4b: {  	_ =	shalt  }
0x4c: {  	_ =	shalt  }
0x4d: {  	_ =	shalt  }
0x4e: {  	_ =	shalt  }
0x4f: {  	_ =	shalt  }
0x50: {  	_ =	shalt  }
0x51: {  	_ =	shalt  }
0x52: {  	_ =	shalt  }
0x53: {  	_ =	shalt  }
0x54: {  	_ =	shalt  }
0x55: {  	_ =	shalt  }
0x56: {  	_ =	shalt  }
0x57: {  	_ =	shalt  }
0x58: {  	_ =	shalt  }
0x59: {  	_ =	shalt  }
0x5a: {  	_ =	shalt  }
0x5b: {  	_ =	shalt  }
0x5c: {  	_ =	shalt  }
0x5d: {  	_ =	shalt  }
0x5e: {  	_ =	shalt  }
0x5f: {  	_ =	shalt  }
0x60: {  	_ =	shalt  }
0x61: {  	_ =	shalt  }
0x62: {  	_ =	shalt  }
0x63: {  	_ =	shalt  }
0x64: {  	_ =	shalt  }
0x65: {  	_ =	shalt  }
0x66: {  	_ =	shalt  }
0x67: {  	_ =	shalt  }
0x68: {  	_ =	shalt  }
0x69: {  	_ =	shalt  }
0x6a: {  	_ =	shalt  }
0x6b: {  	_ =	shalt  }
0x6c: {  	_ =	shalt  }
0x6d: {  	_ =	shalt  }
0x6e: {  	_ =	shalt  }
0x6f: {  	_ =	shalt  }
0x70: {  	_ =	shalt  }
0x71: {  	_ =	shalt  }
0x72: {  	_ =	shalt  }
0x73: {  	_ =	shalt  }
0x74: {  	_ =	shalt  }
0x75: {  	_ =	shalt  }
0x76: {  	_ =	shalt  }
0x77: {  	_ =	shalt  }
0x78: {  	_ =	shalt  }
0x79: {  	_ =	shalt  }
0x7a: {  	_ =	shalt  }
0x7b: {  	_ =	shalt  }
0x7c: {  	_ =	shalt  }
0x7d: {  	_ =	shalt  }
0x7e: {  	_ =	shalt  }
0x7f: {  	_ =	shalt  }
0x80: {  	_ =	shalt  }
0x81: {  	_ =	shalt  }
0x82: {  	_ =	shalt  }
0x83: {  	_ =	shalt  }
0x84: {  	_ =	shalt  }
0x85: {  	_ =	shalt  }
0x86: {  	_ =	shalt  }
0x87: {  	_ =	shalt  }
.Lfunc_end0:
.L_simem_size_0:
called_computation_lowered:
.L_overlay_start_0:
0x88: {  	s2 =	sld [smem:$0x3FD9]  }
0x89: {  	s3 =	sld [smem:$0x3FFE];
	_ =	sdelay $0x1  }
0x8a: {  	s1 =	srdreg.scid  }
0x8b: {  	s0 =	sand.u32 $0x1, s1  }
0x8c: {  	s14 =	sshll.u32 s0, $0xA;
	s2 =	sadd.s32 s3, s2  }
0x8d: {  	s2 =	sadd.s32 s2, s14  }
0x8e: {  	[smem:$0x3FC7] =	sst s2  }
0x8f: {  	_ = 	snop  }
0x90: {  	s2 =	sld [smem:$0x3FD0];
	_ =	sdelay $0x2  }
0x91: {  	s4 =	simm.s32 $0xA;
	s5 =	simm.s32 $0x10;
	s15 =	sld [smem:$0x3FC9]  }
0x92: {  	[smem:s5], [sflag:s4] =	dma.local [hbm:s2], $0x1  }
0x93: {  	_ =	swait.eq [sflag:s4], $0x1  }
0x94: {  	[sflag:s4] =	ssyncset.done $0x0  }
0x95: {  	s16 =	sld [smem:$0x10];
	[sflag:s4] =	ssyncadd.s32 $0xFFFFFFFF  }
0x96: {  	s17 =	sld [smem:$0x11];
	(tm) =	ssettm $0x1  }
0x97: {  	s18 =	sld [smem:$0x3FFB];
	_ =	sdelay $0x3  }
0x98: {  	_ =	strace s18  }
0x99: {  	s5 =	sld [smem:$0x3FFC];
	_ =	sdelay $0x3  }
0x9a: {  	_ =	strace s5  }
0x9b: {  	s5 =	sld [smem:$0x3FFD];
	_ =	sdelay $0x3  }
0x9c: {  	_ =	strace s5  }
0x9d: {  	_ =	strace $0x8FFFFFFF  }
0x9e: {  	s19 =	sld [smem:$0x3FDB];
	_ =	sdelay $0x1  }
0x9f: {  	s6 =	simm.s32 $_scs_section_size  }
0xa0: {  	s7 =	simm.s32 $_size__tile_overlayer_lowered;
	s8 =	simm.s32 $_tile_overlayer_lowered  }
0xa1: {  	s22 =	simm.s32 $0x1BFF;
	s21 =	sshll.u32 s8, $0x1;
	s5 =	sadd.s32 s6, s19  }
0xa2: {  	s9 =	simm.s32 $0x0;
	s20 =	sshll.u32 s7, $0x1;
	s7 =	sadd.s32 s21, s5  }
0xa3: {  	[timem:s9], [sflag:s22] =	dma.local [hbm:s7], s20  }
0xa4: {  	_ =	swait.ge [sflag:s22], s20  }
0xa5: {  	s6 =	ssub.s32 $0x0, s20;
	[sflag:s22] =	ssyncset.done $0x0  }
0xa6: {  	[sflag:s22] =	ssyncadd.s32 s6;
	_ =	sdelay $0x1  }
0xa7: {  	s23 =	simm.s32 $0x1B8B  }
0xa8: {  	_ =	swait.ge [sflag:s23], $0x1  }
0xa9: {  	[sflag:s23] =	ssyncset.done $0x0  }
0xaa: {  	s25 =	simm.s32 $0x1B8E;
	s24 =	sld [smem:$0x3FFE];
	[sflag:s23] =	ssyncadd.s32 $0xFFFFFFFF  }
0xab: {  	s26 =	simm.s32 $execute0_lowered;
	[smem:$0x3FD2] =	sst s25  }
0xac: {  	s7 =	sshll.u32 s26, $0x1;
	_ =	strace $0x80000046;
	[dreg:$0x1] =	wrdreg $0xFFFFFFFF  }
0xad: {  	s28 =	simm.s32 $_size_execute0_lowered;
	s5 =	sadd.s32 s5, s7;
	[dreg:$0x0] =	wrdreg $0x0  }
0xae: {  	s7 =	sshll.u32 s28, $0x1;
	[dreg:$0x2] =	wrdreg s5  }
0xaf: {  	[dreg:$0x3] =	wrdreg s7  }
0xb0: {  	[dreg:$0x4] =	wrdreg $0xC0  }
0xb1: {  	_ =	task [dreg:s9], $0x5FFFF  }
0xb2: {  	[dreg:$0x1] =	wrdreg $0xFFFFFFFF  }
0xb3: {  	[dreg:$0x0] =	wrdreg $0x60  }
0xb4: {  	[dreg:$0x2] =	wrdreg s15  }
0xb5: {  	[dreg:$0x3] =	wrdreg s16  }
0xb6: {  	[dreg:$0x4] =	wrdreg s24  }
0xb7: {  	[dreg:$0x5] =	wrdreg s17  }
0xb8: {  	[dreg:$0x6] =	wrdreg $0x9  }
0xb9: {  	_ =	task.clear_ibuf [dreg:s9], $0x7FFFF;
	_ =	strace $0x90000046  }
0xba: {  	s29 =	simm.s32 $0x9;
	_ =	strace $0x80000048  }
0xbb: {  	_ =	swait.ge [sflag:s29], $0x1  }
0xbc: {  	[sflag:s29] =	ssyncadd.s32 $0xFFFFFFFF  }
0xbd: {  	_ =	strace $0x90000048  }
0xbe: {  	_ =	sfence  }
0xbf: {  	s30 =	sld [smem:$0x0];
	_ =	sdelay $0x2  }
0xc0: {  	s31 =	sshll.u32 s1, $0xD;
	s1 =	sshrl.u32 s1, $0x2  }
0xc1: {  	s3 =	sand.u32 $0x4000, s31;
	s1 =	sadd.s32 s1, s30  }
0xc2: {  	s0 =	sor.u32 s3, s0;
	s1 =	sshll.u32 s1, $0x11  }
0xc3: {  	s0 =	sor.u32 s1, s0  }
0xc4: {  	s0 =	sadd.s32 $0x8F2B, s0  }
0xc5: {  	[sflag:s0] =	ssyncadd.remote.s32 $0x1  }
0xc6: {  	_ =	sfence.sel $0xFFFF  }
0xc7: {  	[dreg:$0x0] =	wrdreg $0xFFFFFFFF;
	(pc) =	sbr.abs _section_cstart, $3  }
0xc8: {  	[dreg:$0x1] =	wrdreg $0xFFFFFFFF  }
0xc9: {  	_ =	task.clear_ibuf [dreg:s9], $0x2FFFF;
	_ =	strace $0x9FFFFFFF  }
0xca: {  	(tm) =	ssettm $0x7FFFFFFF  }
0xcb: {  	_ =	shalt  }
tec
execute0_lowered:
.L_overlay_start_1:
0x0: {  	(tag) =	ssettag $0x1  }
0x1: {  	s12 =	rddreg [dreg:$0x0]  }
0x2: {  	s13 =	rddreg [dreg:$0x1]  }
0x3: {  	s0 =	rddreg [dreg:$0x2];
	s4 =	simm.s32 $0x0;
	vm14 =	vmmov $0x1;
	v7 =	vimm.s32 $0x0  }
0x4: {  	[smem:$0x7FF] =	sst s4;
	v7 =	vsel vm14, $0xFFFFFFFF, v7  }
0x5: {  	s14 =	rddreg [dreg:$0x3];
	vm4 =	vmmov $0x3;
	_ =	strace $0x80000047;
	[tilespmem:$0x1FF20] =	vst v7;
	v7 =	vimm.s32 $0x0  }
0x6: {  	v7 =	vsel vm4, $0xFFFFFFFF, v7  }
0x7: {  	vm5 =	vmmov $0x7;
	[tilespmem:$0x1FF30] =	vst v7;
	v7 =	vimm.s32 $0x0  }
0x8: {  	v7 =	vsel vm5, $0xFFFFFFFF, v7  }
0x9: {  	vm6 =	vmmov $0xf;
	[tilespmem:$0x1FF40] =	vst v7;
	v7 =	vimm.s32 $0x0  }
0xa: {  	v7 =	vsel vm6, $0xFFFFFFFF, v7  }
0xb: {  	vm9 =	vmmov $0x1f;
	[tilespmem:$0x1FF50] =	vst v7;
	v7 =	vimm.s32 $0x0  }
0xc: {  	v7 =	vsel vm9, $0xFFFFFFFF, v7  }
0xd: {  	vm7 =	vmmov $0x3f;
	[tilespmem:$0x1FF60] =	vst v7;
	v7 =	vimm.s32 $0x0  }
0xe: {  	v7 =	vsel vm7, $0xFFFFFFFF, v7  }
0xf: {  	vm8 =	vmmov $0x7f;
	[tilespmem:$0x1FF70] =	vst v7;
	v7 =	vimm.s32 $0x0  }
0x10: {  	v7 =	vsel vm8, $0xFFFFFFFF, v7  }
0x11: {  	vm10 =	vmmov $0xff;
	[tilespmem:$0x1FF80] =	vst v7;
	v7 =	vimm.s32 $0x0  }
0x12: {  	v7 =	vsel vm10, $0xFFFFFFFF, v7  }
0x13: {  	s1 =	srdreg.scid;
	vm11 =	vmmov $0x1ff;
	[tilespmem:$0x1FF90] =	vst v7;
	v7 =	vimm.s32 $0x0  }
0x14: {  	s7 =	stileid.u32;
	s15 =	simm.s32 $0x19800;
	s16 =	simm.s32 $0x19A00;
	v7 =	vsel vm11, $0xFFFFFFFF, v7  }
0x15: {  	s17 =	simm.s32 $0x19C00;
	s18 =	simm.s32 $0x19E00;
	s19 =	simm.s32 $0x18000;
	vm3 =	vmmov $0x7ff;
	[tilespmem:$0x1FFA0] =	vst v7;
	v7 =	vimm.s32 $0x0  }
0x16: {  	s20 =	simm.s32 $0x1A000;
	s21 =	simm.s32 $0x1A200;
	s22 =	simm.s32 $0x1A400;
	v7 =	vsel vm3, $0xFFFFFFFF, v7  }
0x17: {  	vm12 =	vmmov $0xfff;
	s23 =	simm.s32 $0x1A480;
	s25 =	simm.s32 $0x8000;
	s1 =	sand.u32 $0x1, s1;
	[tilespmem:$0x1FFB0] =	vst v7;
	v7 =	vimm.s32 $0x0  }
0x18: {  	s29 =	sadd.s32 $0x800, s0;
	s3 =	sshll.u32 s7, $0x3;
	s31 =	sshll.u32 s7, $0xA;
	v7 =	vsel vm12, $0xFFFFFFFF, v7  }
0x19: {  	vm13 =	vmmov $0x1fff;
	s6 =	sshll.u32 s7, $0xF;
	s24 =	sshll.u32 s7, $0x12;
	[dreg:$0x8] =	wrdreg s31;
	[tilespmem:$0x1FFC0] =	vst v7;
	v7 =	vimm.s32 $0x0  }
0x1a: {  	vm0 =	vmmov $0x3ff;
	v5 =	vimm.s32 $0x0;
	s26 =	ssub.s32 $0x2, s1;
	s5 =	sshll.u32 s1, $0x6;
	[dreg:$0x5] =	wrdreg s29;
	v7 =	vsel vm13, $0xFFFFFFFF, v7  }
.Ltmp0:
0x1b: {  	v5 =	vsel vm0, $0xFFFFFFFF, v5;
	vm0 =	vmmov $0x3fff;
	s1 =	sshll.u32 s1, $0x2;
	[dreg:$0x7] =	wrdreg s24;
	[tilespmem:$0x1FFD0] =	vst v7;
	v7 =	vimm.s32 $0x0;
	(pc) =	sbr.rel .LBB2_1-.Ltmp0, $4  }
0x1c: {  	v0 =	vimm.f32 $0.0e+00;
	s2 =	sshrl.u32 s26, $0x1;
	s5 =	sadd.s32 s12, s5;
	s28 =	sor.u32 s1, s3;
	v7 =	vsel vm0, $0xFFFFFFFF, v7  }
0x1d: {  	v1 =	vimm.s32 $0x0;
	vm1 =	vmmov $0x7fff;
	s3 =	simm.s32 $0x80;
	s0 =	ssub.s32 s26, s2;
	s30 =	sadd.s32 s6, s5;
	[tilespmem:$0x1FFE0] =	vst v7;
	v7 =	vimm.s32 $0x0  }
0x1e: {  	v2 =	vimm.s32 $0x80000000;
	v3 =	vimm.s32 $0x7FFFFFFF;
	[tilespmem:$0x1FF10] =	vst v5;
	s6 =	simm.s32 $0x400;
	[dreg:$0x6] =	wrdreg s30;
	s0 =	smax.u32 s0, $0x1;
	v7 =	vsel vm1, $0xFFFFFFFF, v7  }
0x1f: {  	v4 =	vimm.s32 $0x200;
	v6 =	vimm.s32 $0x1;
	v5 =	vlaneseq.u32;
	s26 =	simm.s32 $0x10000;
	s2 =	simm.s32 $0x0;
	[dreg:$0x9] =	wrdreg s0;
	[tilespmem:$0x1FFF0] =	vst v7  }
.LBB2_43:
0x20: {  	s0 =	simm.s32 $0x2  }
0x21: {  	_ =	swait.ge [sflag:s0], $0x8000  }
0x22: {  	[sflag:s0] =	ssyncset.done $0x0  }
0x23: {  	s1 =	simm.s32 $0x3;
	[sflag:s0] =	ssyncadd.s32 $0xFFFF8000  }
0x24: {  	_ =	swait.ge [sflag:s1], $0x8000  }
0x25: {  	s2 =	rddreg [dreg:$0xa]  }
0x26: {  	s31 =	rddreg [dreg:$0x9];
	s2 =	sadd.s32 $0x1, s2  }
0x27: {  	p0 =	sne.s32 s2, s31  }
.Ltmp1:
0x28: {  	_ = 	snop;
	(pc) =	sbr.rel @!p0 .LBB2_44-.Ltmp1, $3  }
0x29: {  	_ =	sdelay $0x1  }
0x2a: {  	[sflag:s1] =	ssyncset.done $0x0  }
0x2b: {  	[sflag:s1] =	ssyncadd.s32 $0xFFFF8000  }
.LBB2_1:
0x2c: {  	s1 =	simm.s32 $0x8040  }
0x2d: {  	[tilespmem:s1+$0xFFFFFFC0] =	vst v0  }
0x2e: {  	[tilespmem:s1+$0x30] =	vst v0  }
0x2f: {  	[tilespmem:s1+$0x20] =	vst v0  }
0x30: {  	[tilespmem:s1+$0x10] =	vst v0  }
0x31: {  	[tilespmem:s1+$0x0] =	vst v0  }
0x32: {  	[tilespmem:s1+$0xFFFFFFF0] =	vst v0  }
0x33: {  	[dreg:$0xa] =	wrdreg s2;
	s2 =	simm.s32 $0x0;
	[tilespmem:s1+$0xFFFFFFE0] =	vst v0  }
.LBB2_2:
0x34: {  	s2 =	sadd.s32 $0x8, s2;
	[tilespmem:s1+$0xFFFFFFD0] =	vst v0;
	s1 =	sadd.s32 $0x80, s1;
	s0 =	simm.s32 $0x10040  }
0x35: {  	[tilespmem:s1+$0xFFFFFFC0] =	vst v0;
	p0 =	slt.u32 s2, $0x7F8  }
0x36: {  	[tilespmem:s1+$0x30] =	vst v0  }
.Ltmp2:
0x37: {  	[tilespmem:s1+$0x20] =	vst v0;
	(pc) =	sbr.rel @p0 .LBB2_2-.Ltmp2, $4  }
0x38: {  	[tilespmem:s1+$0x10] =	vst v0  }
0x39: {  	[tilespmem:s1+$0x0] =	vst v0  }
0x3a: {  	[tilespmem:s1+$0xFFFFFFF0] =	vst v0  }
0x3b: {  	[tilespmem:s1+$0xFFFFFFE0] =	vst v0  }
0x3c: {  	[tilespmem:s1+$0xFFFFFFD0] =	vst v0  }
0x3d: {  	[tilespmem:s0+$0xFFFFFFC0] =	vst v1  }
0x3e: {  	[tilespmem:s0+$0x30] =	vst v1  }
0x3f: {  	[tilespmem:s0+$0x20] =	vst v1  }
0x40: {  	[tilespmem:s0+$0x10] =	vst v1  }
0x41: {  	[tilespmem:s0+$0x0] =	vst v1  }
0x42: {  	[tilespmem:s0+$0xFFFFFFF0] =	vst v1  }
0x43: {  	s1 =	simm.s32 $0x0;
	[tilespmem:s0+$0xFFFFFFE0] =	vst v1  }
.LBB2_4:
0x44: {  	s1 =	sadd.s32 $0x8, s1;
	[tilespmem:s0+$0xFFFFFFD0] =	vst v1;
	s0 =	sadd.s32 $0x80, s0  }
0x45: {  	[tilespmem:s0+$0xFFFFFFC0] =	vst v1;
	p0 =	slt.u32 s1, $0x7F8  }
0x46: {  	[tilespmem:s0+$0x30] =	vst v1  }
.Ltmp3:
0x47: {  	[tilespmem:s0+$0x20] =	vst v1;
	(pc) =	sbr.rel @p0 .LBB2_4-.Ltmp3, $4  }
0x48: {  	[tilespmem:s0+$0x10] =	vst v1  }
0x49: {  	[tilespmem:s0+$0x0] =	vst v1  }
0x4a: {  	[tilespmem:s0+$0xFFFFFFF0] =	vst v1  }
0x4b: {  	[tilespmem:s0+$0xFFFFFFE0] =	vst v1  }
.Ltmp4:
0x4c: {  	(pc) =	sbr.rel .LBB2_6-.Ltmp4, $3  }
0x4d: {  	_ =	sdelay $0x1  }
0x4e: {  	[tilespmem:s0+$0xFFFFFFD0] =	vst v1;
	s31 =	simm.s32 $0x0;
	s30 =	rddreg [dreg:$0x6]  }
0x4f: {  	[tilespmem:s31], [sflag:$0x1] =	stream.strided.gather [hbm4b:s30+s3], $0x8000, s6, s3, $0x38;
	[tilespmem:$0x1A500] =	vst v63  }
.LBB2_42:
0x50: {  	s1 =	rddreg [dreg:$0x8]  }
0x51: {  	s1 =	sor.u32 s1, s5  }
0x52: {  	s1 =	sshrl.u32 s1, $0x3  }
0x53: {  	s8 =	simm.s32 $0x4;
	s1 =	sadd.s32 s14, s1  }
0x54: {  	[hbm4b:s1+s4] =	stream.linear.scatter [tilespmem:s23], [sflag:$0x4], $0x80, $0x38;
	[tilespmem:$0x1A500] =	vst v63  }
0x55: {  	_ =	swait.ge [sflag:s8], $0x80  }
0x56: {  	[sflag:s8] =	ssyncset.done $0x0  }
0x57: {  	[sflag:s8] =	ssyncadd.s32 $0xFFFFFF80  }
0x58: {  	v7 =	vld [tilespmem:$0x1A400]  }
0x59: {  	v8 =	vld [tilespmem:$0x1A480];
	_ =	sdelay $0x3  }
0x5a: {  	v9 =	vshra.s32 v7, $0x1F  }
0x5b: {  	v9 =	vand.u32 $0x7FFFFFFF, v9  }
0x5c: {  	v7 =	vxor.u32 v7, v9  }
0x5d: {  	v7 =	vmax.f32 v7, $0.0e+00  }
0x5e: {  	[tilespmem:v8+s25+$0x0] =	vst.idx.msk $0xffff, v7  }
0x5f: {  	[tilespmem:v8+s26+$0x0] =	vst.idx.msk $0xffff, v6  }
0x60: {  	v7 =	vld [tilespmem:$0x1A410]  }
0x61: {  	v8 =	vld [tilespmem:$0x1A490];
	_ =	sdelay $0x3  }
0x62: {  	v61 =	vshra.s32 v7, $0x1F  }
0x63: {  	v9 =	vand.u32 $0x7FFFFFFF, v61  }
0x64: {  	v7 =	vxor.u32 v7, v9  }
0x65: {  	v7 =	vmax.f32 v7, $0.0e+00  }
0x66: {  	[tilespmem:v8+s25+$0x0] =	vst.idx.msk $0xffff, v7  }
0x67: {  	[tilespmem:v8+s26+$0x0] =	vst.idx.msk $0xffff, v6  }
0x68: {  	v7 =	vld [tilespmem:$0x1A420]  }
0x69: {  	v8 =	vld [tilespmem:$0x1A4A0];
	_ =	sdelay $0x3  }
0x6a: {  	v62 =	vshra.s32 v7, $0x1F  }
0x6b: {  	v9 =	vand.u32 $0x7FFFFFFF, v62  }
0x6c: {  	v7 =	vxor.u32 v7, v9  }
0x6d: {  	v7 =	vmax.f32 v7, $0.0e+00  }
0x6e: {  	[tilespmem:v8+s25+$0x0] =	vst.idx.msk $0xffff, v7  }
0x6f: {  	[tilespmem:v8+s26+$0x0] =	vst.idx.msk $0xffff, v6  }
0x70: {  	v7 =	vld [tilespmem:$0x1A430]  }
0x71: {  	v8 =	vld [tilespmem:$0x1A4B0];
	_ =	sdelay $0x3  }
0x72: {  	v63 =	vshra.s32 v7, $0x1F  }
0x73: {  	v9 =	vand.u32 $0x7FFFFFFF, v63  }
0x74: {  	v7 =	vxor.u32 v7, v9  }
0x75: {  	v7 =	vmax.f32 v7, $0.0e+00  }
0x76: {  	s0 =	sshrl.u32 s0, $0x3;
	[tilespmem:v8+s25+$0x0] =	vst.idx.msk $0xffff, v7  }
0x77: {  	s30 =	simm.s32 $0x80;
	s7 =	simm.s32 $0x400;
	s2 =	sadd.s32 s13, s0;
	[tilespmem:v8+s26+$0x0] =	vst.idx.msk $0xffff, v6  }
0x78: {  	[hbm4b:s2+s30] =	stream.strided.scatter [tilespmem:s25], [sflag:$0x2], $0x8000, s7, s30, $0x38;
	[tilespmem:$0x1A500] =	vst v63  }
0x79: {  	s0 =	sadd.s32 s29, s0  }
0x7a: {  	[hbm4b:s0+s30] =	stream.strided.scatter [tilespmem:s26], [sflag:$0x3], $0x8000, s7, s30, $0x38;
	[tilespmem:$0x1A500] =	vst v63  }
0x7b: {  	_ = 	snop  }
0x7c: {  	[hbm4b:s1+s4] =	stream.linear.scatter [tilespmem:s23], [sflag:$0x4], $0x80, $0x38;
	[tilespmem:$0x1A500] =	vst v63  }
0x7d: {  	_ =	swait.ge [sflag:s8], $0x80  }
0x7e: {  	v7 =	vld [tilespmem:$0x1FF20];
	_ =	sdelay $0x4  }
0x7f: {  	vm14 =	vnez.u8 v7;
	v7 =	vld [tilespmem:$0x1FF30];
	_ =	sdelay $0x4  }
0x80: {  	vm4 =	vnez.u8 v7;
	v7 =	vld [tilespmem:$0x1FF40];
	_ =	sdelay $0x4  }
0x81: {  	vm5 =	vnez.u8 v7;
	v7 =	vld [tilespmem:$0x1FF50];
	_ =	sdelay $0x4  }
0x82: {  	vm6 =	vnez.u8 v7;
	v7 =	vld [tilespmem:$0x1FF70];
	_ =	sdelay $0x4  }
0x83: {  	vm7 =	vnez.u8 v7;
	v7 =	vld [tilespmem:$0x1FF80];
	_ =	sdelay $0x4  }
0x84: {  	vm8 =	vnez.u8 v7;
	v7 =	vld [tilespmem:$0x1FF90];
	_ =	sdelay $0x4  }
0x85: {  	vm10 =	vnez.u8 v7;
	v7 =	vld [tilespmem:$0x1FFA0];
	_ =	sdelay $0x4  }
0x86: {  	vm11 =	vnez.u8 v7;
	v7 =	vld [tilespmem:$0x1FFB0];
	_ =	sdelay $0x4  }
0x87: {  	vm3 =	vnez.u8 v7;
	v7 =	vld [tilespmem:$0x1FFC0];
	_ =	sdelay $0x3  }
0x88: {  	s31 =	sadd.s32 $0x1, s31  }
0x89: {  	p0 =	sne.s32 s31, $0x4;
	vm12 =	vnez.u8 v7;
	v7 =	vld [tilespmem:$0x1FFD0]  }
.Ltmp5:
0x8a: {  	_ = 	snop;
	(pc) =	sbr.rel @!p0 .LBB2_43-.Ltmp5, $3  }
0x8b: {  	_ =	sdelay $0x1  }
0x8c: {  	[sflag:s8] =	ssyncset.done $0x0  }
0x8d: {  	s3 =	simm.s32 $0x80;
	s6 =	simm.s32 $0x400;
	[sflag:s8] =	ssyncadd.s32 $0xFFFFFF80;
	vm13 =	vnez.u8 v7  }
.LBB2_6:
0x8e: {  	s0 =	simm.s32 $0x1  }
0x8f: {  	_ =	swait.ge [sflag:s0], $0x8000  }
0x90: {  	[sflag:s0] =	ssyncset.done $0x0  }
0x91: {  	[sflag:s0] =	ssyncadd.s32 $0xFFFF8000  }
0x92: {  	[tilespmem:$0x19C00] =	vst v2  }
0x93: {  	[tilespmem:$0x19E00] =	vst v3  }
0x94: {  	[tilespmem:$0x19800] =	vst v1  }
0x95: {  	[tilespmem:$0x19A00] =	vst v4  }
0x96: {  	[tilespmem:$0x19C10] =	vst v2  }
0x97: {  	[tilespmem:$0x19E10] =	vst v3  }
0x98: {  	[tilespmem:$0x19810] =	vst v1  }
0x99: {  	[tilespmem:$0x19A10] =	vst v4  }
0x9a: {  	[tilespmem:$0x19C20] =	vst v2  }
0x9b: {  	[tilespmem:$0x19E20] =	vst v3  }
0x9c: {  	[tilespmem:$0x19820] =	vst v1  }
0x9d: {  	[tilespmem:$0x19A20] =	vst v4  }
0x9e: {  	[tilespmem:$0x19C30] =	vst v2  }
0x9f: {  	[tilespmem:$0x19E30] =	vst v3  }
0xa0: {  	[tilespmem:$0x19830] =	vst v1  }
0xa1: {  	[tilespmem:$0x19A30] =	vst v4  }
0xa2: {  	[tilespmem:$0x19C40] =	vst v2  }
0xa3: {  	[tilespmem:$0x19E40] =	vst v3  }
0xa4: {  	[tilespmem:$0x19840] =	vst v1  }
0xa5: {  	[tilespmem:$0x19A40] =	vst v4  }
0xa6: {  	[tilespmem:$0x19C50] =	vst v2  }
0xa7: {  	[tilespmem:$0x19E50] =	vst v3  }
0xa8: {  	[tilespmem:$0x19850] =	vst v1  }
0xa9: {  	[tilespmem:$0x19A50] =	vst v4  }
0xaa: {  	[tilespmem:$0x19C60] =	vst v2  }
0xab: {  	[tilespmem:$0x19E60] =	vst v3  }
0xac: {  	[tilespmem:$0x19860] =	vst v1  }
0xad: {  	[tilespmem:$0x19A60] =	vst v4  }
0xae: {  	[tilespmem:$0x19C70] =	vst v2  }
0xaf: {  	[tilespmem:$0x19E70] =	vst v3  }
0xb0: {  	[tilespmem:$0x19870] =	vst v1  }
0xb1: {  	[tilespmem:$0x19A70] =	vst v4  }
0xb2: {  	[tilespmem:$0x19C80] =	vst v2  }
0xb3: {  	[tilespmem:$0x19E80] =	vst v3  }
0xb4: {  	[tilespmem:$0x19880] =	vst v1  }
0xb5: {  	[tilespmem:$0x19A80] =	vst v4  }
0xb6: {  	[tilespmem:$0x19C90] =	vst v2  }
0xb7: {  	[tilespmem:$0x19E90] =	vst v3  }
0xb8: {  	[tilespmem:$0x19890] =	vst v1  }
0xb9: {  	[tilespmem:$0x19A90] =	vst v4  }
0xba: {  	[tilespmem:$0x19CA0] =	vst v2  }
0xbb: {  	[tilespmem:$0x19EA0] =	vst v3  }
0xbc: {  	[tilespmem:$0x198A0] =	vst v1  }
0xbd: {  	[tilespmem:$0x19AA0] =	vst v4  }
0xbe: {  	[tilespmem:$0x19CB0] =	vst v2  }
0xbf: {  	[tilespmem:$0x19EB0] =	vst v3  }
0xc0: {  	[tilespmem:$0x198B0] =	vst v1  }
0xc1: {  	[tilespmem:$0x19AB0] =	vst v4  }
0xc2: {  	[tilespmem:$0x19CC0] =	vst v2  }
0xc3: {  	[tilespmem:$0x19EC0] =	vst v3  }
0xc4: {  	[tilespmem:$0x198C0] =	vst v1  }
0xc5: {  	[tilespmem:$0x19AC0] =	vst v4  }
0xc6: {  	[tilespmem:$0x19CD0] =	vst v2  }
0xc7: {  	[tilespmem:$0x19ED0] =	vst v3  }
0xc8: {  	[tilespmem:$0x198D0] =	vst v1  }
0xc9: {  	[tilespmem:$0x19AD0] =	vst v4  }
0xca: {  	[tilespmem:$0x19CE0] =	vst v2  }
0xcb: {  	[tilespmem:$0x19EE0] =	vst v3  }
0xcc: {  	[tilespmem:$0x198E0] =	vst v1  }
0xcd: {  	[tilespmem:$0x19AE0] =	vst v4  }
0xce: {  	[tilespmem:$0x19CF0] =	vst v2  }
0xcf: {  	[tilespmem:$0x19EF0] =	vst v3  }
0xd0: {  	[tilespmem:$0x198F0] =	vst v1  }
0xd1: {  	[tilespmem:$0x19AF0] =	vst v4  }
0xd2: {  	[tilespmem:$0x19D00] =	vst v2  }
0xd3: {  	[tilespmem:$0x19F00] =	vst v3  }
0xd4: {  	[tilespmem:$0x19900] =	vst v1  }
0xd5: {  	[tilespmem:$0x19B00] =	vst v4  }
0xd6: {  	[tilespmem:$0x19D10] =	vst v2  }
0xd7: {  	[tilespmem:$0x19F10] =	vst v3  }
0xd8: {  	[tilespmem:$0x19910] =	vst v1  }
0xd9: {  	[tilespmem:$0x19B10] =	vst v4  }
0xda: {  	[tilespmem:$0x19D20] =	vst v2  }
0xdb: {  	[tilespmem:$0x19F20] =	vst v3  }
0xdc: {  	[tilespmem:$0x19920] =	vst v1  }
0xdd: {  	[tilespmem:$0x19B20] =	vst v4  }
0xde: {  	[tilespmem:$0x19D30] =	vst v2  }
0xdf: {  	[tilespmem:$0x19F30] =	vst v3  }
0xe0: {  	[tilespmem:$0x19930] =	vst v1  }
0xe1: {  	[tilespmem:$0x19B30] =	vst v4  }
0xe2: {  	[tilespmem:$0x19D40] =	vst v2  }
0xe3: {  	[tilespmem:$0x19F40] =	vst v3  }
0xe4: {  	[tilespmem:$0x19940] =	vst v1  }
0xe5: {  	[tilespmem:$0x19B40] =	vst v4  }
0xe6: {  	[tilespmem:$0x19D50] =	vst v2  }
0xe7: {  	[tilespmem:$0x19F50] =	vst v3  }
0xe8: {  	[tilespmem:$0x19950] =	vst v1  }
0xe9: {  	[tilespmem:$0x19B50] =	vst v4  }
0xea: {  	[tilespmem:$0x19D60] =	vst v2  }
0xeb: {  	[tilespmem:$0x19F60] =	vst v3  }
0xec: {  	[tilespmem:$0x19960] =	vst v1  }
0xed: {  	[tilespmem:$0x19B60] =	vst v4  }
0xee: {  	[tilespmem:$0x19D70] =	vst v2  }
0xef: {  	[tilespmem:$0x19F70] =	vst v3  }
0xf0: {  	[tilespmem:$0x19970] =	vst v1  }
0xf1: {  	[tilespmem:$0x19B70] =	vst v4  }
0xf2: {  	[tilespmem:$0x19D80] =	vst v2  }
0xf3: {  	[tilespmem:$0x19F80] =	vst v3  }
0xf4: {  	[tilespmem:$0x19980] =	vst v1  }
0xf5: {  	[tilespmem:$0x19B80] =	vst v4  }
0xf6: {  	[tilespmem:$0x19D90] =	vst v2  }
0xf7: {  	[tilespmem:$0x19F90] =	vst v3  }
0xf8: {  	[tilespmem:$0x19990] =	vst v1  }
0xf9: {  	[tilespmem:$0x19B90] =	vst v4  }
0xfa: {  	[tilespmem:$0x19DA0] =	vst v2  }
0xfb: {  	[tilespmem:$0x19FA0] =	vst v3  }
0xfc: {  	[tilespmem:$0x199A0] =	vst v1  }
0xfd: {  	[tilespmem:$0x19BA0] =	vst v4  }
0xfe: {  	[tilespmem:$0x19DB0] =	vst v2  }
0xff: {  	[tilespmem:$0x19FB0] =	vst v3  }
0x100: {  	[tilespmem:$0x199B0] =	vst v1  }
0x101: {  	[tilespmem:$0x19BB0] =	vst v4  }
0x102: {  	[tilespmem:$0x19DC0] =	vst v2  }
0x103: {  	[tilespmem:$0x19FC0] =	vst v3  }
0x104: {  	[tilespmem:$0x199C0] =	vst v1  }
0x105: {  	[tilespmem:$0x19BC0] =	vst v4  }
0x106: {  	[tilespmem:$0x19DD0] =	vst v2  }
0x107: {  	[tilespmem:$0x19FD0] =	vst v3  }
0x108: {  	[tilespmem:$0x199D0] =	vst v1  }
0x109: {  	[tilespmem:$0x19BD0] =	vst v4  }
0x10a: {  	[tilespmem:$0x19DE0] =	vst v2  }
0x10b: {  	[tilespmem:$0x19FE0] =	vst v3  }
0x10c: {  	[tilespmem:$0x199E0] =	vst v1  }
0x10d: {  	[tilespmem:$0x19BE0] =	vst v4  }
0x10e: {  	[tilespmem:$0x19DF0] =	vst v2  }
0x10f: {  	[tilespmem:$0x19FF0] =	vst v3  }
0x110: {  	[tilespmem:$0x199F0] =	vst v1  }
0x111: {  	s30 =	simm.s32 $0x80;
	[tilespmem:$0x19BF0] =	vst v4  }
0x112: {  	v9 =	vld [tilespmem:s30+$0xFFFFFF80]  }
0x113: {  	v10 =	vld [tilespmem:s30+$0xFFFFFF90]  }
0x114: {  	v8 =	vld [tilespmem:s30+$0xFFFFFFA0]  }
0x115: {  	v11 =	vld [tilespmem:s30+$0xFFFFFFB0]  }
0x116: {  	v12 =	vld [tilespmem:s30+$0xFFFFFFC0]  }
0x117: {  	v13 =	vld [tilespmem:s30+$0xFFFFFFD0]  }
0x118: {  	vm0 =	vgt.s32 v9, $0x402EB851;
	vm1 =	vgt.s32 v10, $0x402EB851;
	v9 =	vld [tilespmem:s30+$0xFFFFFFE0]  }
0x119: {  	v14 =	vld [tilespmem:s30+$0xFFFFFFF0];
	vm2 =	vgt.s32 v8, $0x402EB851;
	v8 =	vmpcnt.ones.xlane vm0;
	v10 =	vmpcnt.ones.xlane vm1  }
0x11a: {  	v15 =	vmpcnt.ones.xlane vm2;
	vm0 =	vgt.s32 v11, $0x402EB851  }
0x11b: {  	v8 =	vsel vm14, v8, v10;
	v10 =	vmpcnt.ones.xlane vm0;
	vm0 =	vgt.s32 v12, $0x402EB851  }
0x11c: {  	v8 =	vsel vm4, v8, v15;
	v15 =	vmpcnt.ones.xlane vm0;
	vm0 =	vgt.s32 v13, $0x402EB851  }
0x11d: {  	v8 =	vsel vm5, v8, v10;
	v10 =	vmpcnt.ones.xlane vm0;
	vm0 =	vgt.s32 v9, $0x402EB851  }
0x11e: {  	v9 =	vmpcnt.ones.xlane vm0;
	vm0 =	vgt.s32 v14, $0x402EB851;
	v14 =	vld [tilespmem:$0x1FF60]  }
0x11f: {  	v11 =	vld [tilespmem:s30+$0x0]  }
0x120: {  	v12 =	vld [tilespmem:s30+$0x10]  }
0x121: {  	v13 =	vld [tilespmem:s30+$0x20]  }
0x122: {  	v16 =	vld [tilespmem:s30+$0x30]  }
0x123: {  	v8 =	vsel vm6, v8, v15;
	vm1 =	vnez.u8 v14  }
0x124: {  	v14 =	vmpcnt.ones.xlane vm0;
	vm0 =	vgt.s32 v11, $0x402EB851;
	v8 =	vsel vm1, v8, v10  }
0x125: {  	v15 =	vmpcnt.ones.xlane vm0;
	vm0 =	vgt.s32 v12, $0x402EB851;
	v9 =	vsel vm7, v8, v9  }
0x126: {  	v12 =	vsel vm8, v9, v14;
	v14 =	vmpcnt.ones.xlane vm0;
	vm0 =	vgt.s32 v13, $0x402EB851  }
0x127: {  	v13 =	vmpcnt.ones.xlane vm0;
	vm0 =	vgt.s32 v16, $0x402EB851;
	v16 =	vld [tilespmem:$0x1FFE0];
	_ =	sdelay $0x2  }
0x128: {  	v7 =	vld [tilespmem:s30+$0x70]  }
0x129: {  	v17 =	vld [tilespmem:s30+$0x40]  }
0x12a: {  	vm15 =	vnez.u8 v16;
	v16 =	vld [tilespmem:$0x1FF10]  }
0x12b: {  	v10 =	vld [tilespmem:s30+$0x50]  }
0x12c: {  	s2 =	simm.s32 $0x180;
	v11 =	vld [tilespmem:s30+$0x60]  }
0x12d: {  	v8 =	vld [tilespmem:s2+$0xFFFFFFA0];
	v15 =	vsel vm10, v12, v15  }
0x12e: {  	v9 =	vld [tilespmem:s2+$0xFFFFFF80];
	v15 =	vsel vm11, v15, v14  }
0x12f: {  	s3 =	simm.s32 $0x80;
	s1 =	simm.s32 $0x0;
	s0 =	simm.s32 $0x40;
	v12 =	vld [tilespmem:s2+$0xFFFFFF90];
	v14 =	vmpcnt.ones.xlane vm0;
	vm0 =	vgt.s32 v17, $0x402EB851;
	vm9 =	vnez.u8 v16  }
.LBB2_7:
0x130: {  	v13 =	vsel vm9, v15, v13;
	v15 =	vmpcnt.ones.xlane vm0;
	vm0 =	vgt.s32 v10, $0x402EB851  }
0x131: {  	v13 =	vsel vm3, v13, v14;
	v14 =	vmpcnt.ones.xlane vm0;
	vm0 =	vgt.s32 v11, $0x402EB851  }
0x132: {  	v16 =	vld [tilespmem:s2+$0x70];
	v13 =	vsel vm12, v13, v15;
	v15 =	vmpcnt.ones.xlane vm0  }
0x133: {  	v17 =	vld [tilespmem:$0x1FFF0];
	v19 =	vsel vm13, v13, v14  }
0x134: {  	v18 =	vsel vm15, v19, v15;
	v15 =	vld [tilespmem:$0x1FF60]  }
0x135: {  	v10 =	vld [tilespmem:s2+$0xFFFFFFB0]  }
0x136: {  	v11 =	vld [tilespmem:s2+$0xFFFFFFC0];
	vm0 =	vgt.s32 v7, $0x402EB851  }
0x137: {  	vm1 =	vgt.s32 v8, $0x402EB851;
	v8 =	vld [tilespmem:s2+$0xFFFFFFD0];
	v13 =	vmpcnt.ones.xlane vm0;
	vm0 =	vgt.s32 v9, $0x402EB851  }
0x138: {  	vm2 =	vgt.s32 v12, $0x402EB851;
	v9 =	vld [tilespmem:s2+$0xFFFFFFE0];
	v12 =	vmpcnt.ones.xlane vm0;
	vm0 =	vnez.u8 v17  }
0x139: {  	s5 =	sshra.s32 s1, $0x2;
	v14 =	vmpcnt.ones.xlane vm2;
	v13 =	vsel vm0, v18, v13;
	vm2 =	vnez.u8 v15;
	v15 =	vld [tilespmem:s2+$0xFFFFFFF0]  }
0x13a: {  	v7 =	vmov v16;
	v16 =	vmpcnt.ones.xlane vm1;
	vm0 =	vgt.s32 v10, $0x402EB851;
	v10 =	vld [tilespmem:s2+$0x0];
	[tilespmem:s5+$0x19000] =	vst v13  }
0x13b: {  	v12 =	vsel vm14, v12, v14;
	v13 =	vmpcnt.ones.xlane vm0;
	vm0 =	vgt.s32 v11, $0x402EB851;
	v11 =	vld [tilespmem:s2+$0x10]  }
0x13c: {  	v12 =	vsel vm4, v12, v16;
	v14 =	vmpcnt.ones.xlane vm0;
	vm0 =	vgt.s32 v8, $0x402EB851;
	v16 =	vld [tilespmem:s2+$0x20]  }
0x13d: {  	v17 =	vld [tilespmem:s2+$0x30];
	v8 =	vsel vm5, v12, v13;
	v12 =	vmpcnt.ones.xlane vm0;
	vm0 =	vgt.s32 v9, $0x402EB851  }
0x13e: {  	p0 =	sne.s32 s3, $0x1FC0;
	v63 =	vld [tilespmem:s2+$0x40];
	v8 =	vsel vm6, v8, v14;
	v9 =	vmpcnt.ones.xlane vm0;
	vm0 =	vgt.s32 v15, $0x402EB851  }
.Ltmp6:
0x13f: {  	v8 =	vsel vm2, v8, v12;
	v12 =	vmpcnt.ones.xlane vm0;
	vm0 =	vgt.s32 v10, $0x402EB851;
	v10 =	vld [tilespmem:s2+$0x50];
	(pc) =	sbr.rel @p0 .LBB2_7-.Ltmp6, $4  }
0x140: {  	v9 =	vsel vm7, v8, v9;
	v13 =	vmpcnt.ones.xlane vm0;
	vm0 =	vgt.s32 v11, $0x402EB851;
	v11 =	vld [tilespmem:s2+$0x60];
	s2 =	sadd.s32 $0x100, s2  }
0x141: {  	v8 =	vld [tilespmem:s2+$0xFFFFFFA0];
	v12 =	vsel vm8, v9, v12;
	v14 =	vmpcnt.ones.xlane vm0;
	vm0 =	vgt.s32 v16, $0x402EB851  }
0x142: {  	v9 =	vld [tilespmem:s2+$0xFFFFFF80];
	v15 =	vsel vm10, v12, v13;
	v13 =	vmpcnt.ones.xlane vm0;
	vm0 =	vgt.s32 v17, $0x402EB851  }
0x143: {  	s1 =	smov.u32 s0;
	s0 =	smov.u32 s3;
	s3 =	sadd.s32 $0x40, s3;
	v12 =	vld [tilespmem:s2+$0xFFFFFF90];
	v15 =	vsel vm11, v15, v14;
	v14 =	vmpcnt.ones.xlane vm0;
	vm0 =	vgt.s32 v63, $0x402EB851  }
0x144: {  	_ = 	snop  }
0x145: {  	v16 =	vmpcnt.ones.xlane vm0;
	vm0 =	vgt.s32 v10, $0x402EB851;
	v10 =	vld [tilespmem:s2+$0xFFFFFFB0]  }
0x146: {  	vm1 =	vgt.s32 v11, $0x402EB851;
	v11 =	vmpcnt.ones.xlane vm0;
	vm0 =	vgt.s32 v7, $0x402EB851;
	v7 =	vld [tilespmem:s2+$0xFFFFFFC0]  }
0x147: {  	v13 =	vsel vm9, v15, v13;
	v47 =	vmpcnt.ones.xlane vm0;
	vm0 =	vgt.s32 v9, $0x402EB851;
	v9 =	vld [tilespmem:s2+$0xFFFFFFD0]  }
0x148: {  	v49 =	vld [tilespmem:s2+$0xFFFFFFE0];
	v13 =	vsel vm3, v13, v14;
	v48 =	vmpcnt.ones.xlane vm0;
	vm0 =	vgt.s32 v12, $0x402EB851  }
0x149: {  	v13 =	vsel vm12, v13, v16;
	v50 =	vmpcnt.ones.xlane vm0;
	vm0 =	vgt.s32 v8, $0x402EB851;
	v8 =	vld [tilespmem:s2+$0xFFFFFFF0]  }
0x14a: {  	v11 =	vsel vm13, v13, v11;
	v51 =	vmpcnt.ones.xlane vm0;
	vm0 =	vgt.s32 v10, $0x402EB851;
	v10 =	vld [tilespmem:s2+$0x0]  }
0x14b: {  	v14 =	vsel vm14, v48, v50;
	v52 =	vmpcnt.ones.xlane vm0;
	vm14 =	vgt.s32 v7, $0x402EB851;
	v7 =	vld [tilespmem:s2+$0x10]  }
0x14c: {  	v13 =	vsel vm4, v14, v51;
	v53 =	vmpcnt.ones.xlane vm14;
	vm14 =	vgt.s32 v9, $0x402EB851;
	v9 =	vld [tilespmem:s2+$0x20]  }
0x14d: {  	v55 =	vld [tilespmem:s2+$0x30];
	vm4 =	vgt.s32 v49, $0x402EB851;
	v13 =	vsel vm5, v13, v52;
	v54 =	vmpcnt.ones.xlane vm14  }
0x14e: {  	v56 =	vmpcnt.ones.xlane vm4;
	v13 =	vsel vm6, v13, v53;
	vm5 =	vgt.s32 v8, $0x402EB851;
	v8 =	vld [tilespmem:s2+$0x40]  }
0x14f: {  	v13 =	vsel vm2, v13, v54;
	v57 =	vmpcnt.ones.xlane vm5;
	vm6 =	vgt.s32 v10, $0x402EB851;
	v10 =	vld [tilespmem:s2+$0x50]  }
0x150: {  	v13 =	vsel vm7, v13, v56;
	v58 =	vmpcnt.ones.xlane vm6;
	vm14 =	vgt.s32 v7, $0x402EB851  }
0x151: {  	v7 =	vld [tilespmem:s2+$0x60];
	v13 =	vsel vm8, v13, v57;
	v59 =	vmpcnt.ones.xlane vm14;
	vm4 =	vgt.s32 v9, $0x402EB851  }
0x152: {  	vm5 =	vgt.s32 v55, $0x402EB851;
	v13 =	vsel vm10, v13, v58;
	v60 =	vmpcnt.ones.xlane vm4  }
0x153: {  	v62 =	vmpcnt.ones.xlane vm5;
	v61 =	vsel vm11, v13, v59;
	vm6 =	vgt.s32 v8, $0x402EB851  }
0x154: {  	v8 =	vsel vm9, v61, v60;
	v63 =	vmpcnt.ones.xlane vm6;
	vm7 =	vgt.s32 v10, $0x402EB851  }
0x155: {  	v8 =	vsel vm3, v8, v62;
	v10 =	vmpcnt.ones.xlane vm7  }
0x156: {  	v9 =	vld [tilespmem:s2+$0x70];
	vm8 =	vgt.s32 v7, $0x402EB851;
	v7 =	vsel vm12, v8, v63  }
0x157: {  	v7 =	vsel vm13, v7, v10;
	v10 =	vld [tilespmem:$0x1FFF0];
	_ =	sdelay $0x1  }
0x158: {  	v17 =	vmpcnt.ones.xlane vm1;
	_ =	sdelay $0x1  }
0x159: {  	v11 =	vsel vm15, v11, v17;
	v8 =	vmpcnt.ones.xlane vm8;
	vm9 =	vgt.s32 v9, $0x402EB851  }
0x15a: {  	vm10 =	vmmov vm15;
	v9 =	vmpcnt.ones.xlane vm9;
	vm11 =	vnez.u8 v10  }
0x15b: {  	s1 =	sshra.s32 s1, $0x2;
	v7 =	vsel vm10, v7, v8;
	v10 =	vsel vm11, v11, v47  }
0x15c: {  	s0 =	sshra.s32 s0, $0x2;
	v7 =	vsel vm11, v7, v9;
	[tilespmem:s1+$0x19000] =	vst v10  }
0x15d: {  	[tilespmem:s0+$0x19000] =	vst v7;
	s1 =	simm.s32 $0x19000  }
0x15e: {  	v9 =	vld [tilespmem:s1+$0x0]  }
0x15f: {  	s2 =	simm.s32 $0x10;
	v8 =	vimm.s32 $0x0;
	s0 =	simm.s32 $0x0;
	v7 =	vimm.s32 $0x0  }
.LBB2_9:
0x160: {  	p0 =	sne.s32 s2, $0x7F0;
	_ =	sdelay $0x2  }
0x161: {  	v10 =	vsub.s32 v8, v9;
	vm0 =	vgt.s32 v9, $0x0;
	(xrf0) =	vadd.scan.msk.s32 $0xffff, v9  }
0x162: {  	v9 =	vsel vm0, $0xFFFFFFFF, v1;
	v11 =	vsel vm0, $0x1, v1  }
0x163: {  	(xrf0) =	vadd.scan.msk.s32 $0xffff, v11;
	_ =	sdelay $0x3  }
0x164: {  	v11, _, _ =	vpop (xrf0)  }
0x165: {  	v12 =	vbroadcast v11, $0xF  }
0x166: {  	v9 =	vadd.s32 v9, v7;
	v13, _, _ =	vpop (xrf0)  }
0x167: {  	v9 =	vadd.s32 v13, v9;
	v8 =	vadd.s32 v8, v12;
	v12 =	vbroadcast v13, $0xF  }
0x168: {  	vm1 =	vlt.s32 v9, $0x200  }
0x169: {  	vm0 =	vmand vm0, vm1;
	v7 =	vadd.s32 v7, v12;
	_ =	sdelay $0x4  }
.Ltmp7:
0x16a: {  	v12 =	vor.u32 s0, v5;
	s0 =	smov.u32 s2;
	(pc) =	sbr.rel @p0 .LBB2_9-.Ltmp7, $4  }
0x16b: {  	v10 =	vadd.s32 v11, v10;
	[tilespmem:v9+s15+$0x0] =	vst.idx.msk vm0, v12  }
0x16c: {  	s1 =	sadd.s32 $0x10, s1;
	[tilespmem:v9+s16+$0x0] =	vst.idx.msk vm0, v10  }
0x16d: {  	v9 =	vld [tilespmem:s1+$0x0]  }
0x16e: {  	s2 =	sadd.s32 $0x10, s2  }
0x16f: {  	_ =	sdelay $0x2  }
0x170: {  	(xrf0) =	vadd.scan.msk.s32 $0xffff, v9;
	_ =	sdelay $0x5  }
0x171: {  	v10, _, _ =	vpop (xrf0)  }
0x172: {  	v11 =	vbroadcast v10, $0xF  }
0x173: {  	vm0 =	vgt.s32 v9, $0x0  }
0x174: {  	v12 =	vsel vm0, $0x1, v1;
	v11 =	vadd.s32 v8, v11  }
0x175: {  	(xrf0) =	vadd.scan.msk.s32 $0xffff, v12;
	v11 =	vxor.u32 $0x80000000, v11  }
0x176: {  	(xrf0) =	vmax.scan.msk.u32 $0xffff, v11;
	_ =	sdelay $0x4  }
0x177: {  	v59, _, _ =	vpop (xrf0)  }
0x178: {  	v60, _, _ =	vpop (xrf0)  }
0x179: {  	(v2sf) =	vpush v60, $0xF;
	_ =	sdelay $0xa  }
0x17a: {  	v61 =	vsel vm0, $0xFFFFFFFF, v1  }
0x17b: {  	v12 =	vadd.s32 v61, v7  }
0x17c: {  	v12 =	vadd.s32 v59, v12  }
0x17d: {  	vm1 =	vlt.s32 v12, $0x200  }
0x17e: {  	vm0 =	vmand vm0, vm1;
	s2 =	spop (v2sf)  }
0x17f: {  	s30 =	sadd.s32 $0x7FFFFFC0, s2  }
0x180: {  	p0 =	sgt.u32 s30, $0x1C0  }
.Ltmp8:
0x181: {  	_ = 	snop;
	(pc) =	sbr.rel @p0 .LBB2_14-.Ltmp8, $4  }
0x182: {  	_ = 	snop  }
0x183: {  	v63 =	vor.u32 s0, v5;
	v8 =	vsub.s32 v8, v9;
	v62 =	vbroadcast v59, $0xF  }
0x184: {  	v8 =	vadd.s32 v10, v8;
	[tilespmem:v12+s15+$0x0] =	vst.idx.msk vm0, v63  }
0x185: {  	s1 =	simm.s32 $0xFFFFFFF8;
	s0 =	simm.s32 $0x18040;
	v7 =	vadd.s32 v7, v62;
	[tilespmem:v12+s16+$0x0] =	vst.idx.msk vm0, v8  }
0x186: {  	v7 =	vxor.u32 $0x80000000, v7  }
0x187: {  	(xrf0) =	vmax.scan.msk.u32 $0xffff, v7;
	_ =	sdelay $0x5  }
0x188: {  	v7, _, _ =	vpop (xrf0)  }
0x189: {  	(v2sf) =	vpush v7, $0xF;
	_ =	sdelay $0xe  }
0x18a: {  	s0 =	spop (v2sf)  }
0x18b: {  	s0 =	sxor.u32 $0x80000000, s0  }
0x18c: {  	p0 =	slt.s32 s0, $0x200  }
0x18d: {  	p1 =	slt.s32 s0, $0xFFFFFFF2;
	s0 =	simm.s32 @!p0 $0x200  }
0x18e: {  	s0 =	sadd.s32 $0xF, s0  }
0x18f: {  	s1 =	sand.u32 $0xF, s0  }
0x190: {  	s30 =	sshra.s32 s0, $0x1F;
	p6 =	sne.s32 s1, $0x0  }
0x191: {  	s1 =	sshrl.u32 s30, $0x1C;
	p0 =	por !p1, !p6  }
0x192: {  	s0 =	sadd.s32 s1, s0;
	s1 =	simm.s32 $0x1;
	p0 =	por !p0, !p0  }
0x193: {  	s0 =	sshra.s32 s0, $0x4;
	s1 =	simm.s32 @!p0 $0x0  }
0x194: {  	s5 =	ssub.s32 s0, s1  }
0x195: {  	p0 =	slt.s32 s5, $0x1  }
.Ltmp9:
0x196: {  	_ = 	snop;
	(pc) =	sbr.rel @p0 .LBB2_22-.Ltmp9, $2  }
0x197: {  	_ =	sdelay $0x2  }
0x198: {  	s0 =	sxor.u32 $0x80000000, s2  }
0x199: {  	s8 =	simm.s32 $0x19800;
	s11 =	simm.s32 $0x19A00  }
.LBB2_13:
0x19a: {  	v7 =	vld [tilespmem:s8+$0x0];
	_ =	sdelay $0x4  }
0x19b: {  	v8 =	vshll.u32 v7, $0x4  }
0x19c: {  	v7 =	vbroadcast v8, $0x0;
	_ =	sdelay $0x1  }
0x19d: {  	v9 =	vor.u32 v5, v7;
	_ =	sdelay $0x4  }
0x19e: {  	v10 =	vld.idx.msk [tilespmem:v9+s4+$0x0], $0xffff;
	_ =	sdelay $0x4  }
0x19f: {  	vm0 =	vgt.s32 v10, $0x402EB851  }
0x1a0: {  	v7 =	vld [tilespmem:s11+$0x0];
	v11 =	vsel vm0, $0x1, v1  }
0x1a1: {  	(xrf0) =	vadd.scan.msk.s32 $0xffff, v11;
	_ =	sdelay $0x3  }
0x1a2: {  	v39 =	vbroadcast v7, $0x0  }
0x1a3: {  	v12 =	vsel vm0, $0xFFFFFFFF, v1  }
0x1a4: {  	v11 =	vadd.s32 v12, v39;
	v13, _, _ =	vpop (xrf0)  }
0x1a5: {  	v11 =	vadd.s32 v13, v11  }
0x1a6: {  	vm1 =	vlt.s32 v11, $0x200  }
0x1a7: {  	vm0 =	vmand vm0, vm1  }
0x1a8: {  	v40 =	vbroadcast v8, $0x1;
	_ =	sdelay $0x1  }
0x1a9: {  	v12 =	vor.u32 v5, v40;
	_ =	sdelay $0x2  }
0x1aa: {  	[tilespmem:v11+s17+$0x0] =	vst.idx.msk vm0, v10  }
0x1ab: {  	[tilespmem:v11+s18+$0x0] =	vst.idx.msk vm0, v9  }
0x1ac: {  	v9 =	vld.idx.msk [tilespmem:v12+s4+$0x0], $0xffff;
	_ =	sdelay $0x4  }
0x1ad: {  	vm10 =	vgt.s32 v9, $0x402EB851  }
0x1ae: {  	v41 =	vsel vm10, $0x1, v1  }
0x1af: {  	(xrf0) =	vadd.scan.msk.s32 $0xffff, v41;
	_ =	sdelay $0x3  }
0x1b0: {  	v42 =	vbroadcast v7, $0x1  }
0x1b1: {  	v43 =	vsel vm10, $0xFFFFFFFF, v1  }
0x1b2: {  	v10 =	vadd.s32 v43, v42;
	v44, _, _ =	vpop (xrf0)  }
0x1b3: {  	v10 =	vadd.s32 v44, v10  }
0x1b4: {  	vm11 =	vlt.s32 v10, $0x200  }
0x1b5: {  	vm0 =	vmand vm10, vm11  }
0x1b6: {  	v45 =	vbroadcast v8, $0x2;
	_ =	sdelay $0x1  }
0x1b7: {  	v11 =	vor.u32 v5, v45;
	_ =	sdelay $0x2  }
0x1b8: {  	[tilespmem:v10+s17+$0x0] =	vst.idx.msk vm0, v9  }
0x1b9: {  	[tilespmem:v10+s18+$0x0] =	vst.idx.msk vm0, v12  }
0x1ba: {  	v9 =	vld.idx.msk [tilespmem:v11+s4+$0x0], $0xffff;
	_ =	sdelay $0x4  }
0x1bb: {  	vm12 =	vgt.s32 v9, $0x402EB851  }
0x1bc: {  	v46 =	vsel vm12, $0x1, v1  }
0x1bd: {  	(xrf0) =	vadd.scan.msk.s32 $0xffff, v46;
	_ =	sdelay $0x3  }
0x1be: {  	v47 =	vbroadcast v7, $0x2  }
0x1bf: {  	v48 =	vsel vm12, $0xFFFFFFFF, v1  }
0x1c0: {  	v10 =	vadd.s32 v48, v47;
	v49, _, _ =	vpop (xrf0)  }
0x1c1: {  	v10 =	vadd.s32 v49, v10  }
0x1c2: {  	vm13 =	vlt.s32 v10, $0x200  }
0x1c3: {  	vm0 =	vmand vm12, vm13  }
0x1c4: {  	v50 =	vbroadcast v8, $0x3;
	_ =	sdelay $0x1  }
0x1c5: {  	v12 =	vor.u32 v5, v50;
	_ =	sdelay $0x2  }
0x1c6: {  	[tilespmem:v10+s17+$0x0] =	vst.idx.msk vm0, v9  }
0x1c7: {  	[tilespmem:v10+s18+$0x0] =	vst.idx.msk vm0, v11  }
0x1c8: {  	v9 =	vld.idx.msk [tilespmem:v12+s4+$0x0], $0xffff;
	_ =	sdelay $0x4  }
0x1c9: {  	vm14 =	vgt.s32 v9, $0x402EB851  }
0x1ca: {  	v51 =	vsel vm14, $0x1, v1  }
0x1cb: {  	(xrf0) =	vadd.scan.msk.s32 $0xffff, v51;
	_ =	sdelay $0x3  }
0x1cc: {  	v52 =	vbroadcast v7, $0x3  }
0x1cd: {  	v53 =	vsel vm14, $0xFFFFFFFF, v1  }
0x1ce: {  	v10 =	vadd.s32 v53, v52;
	v54, _, _ =	vpop (xrf0)  }
0x1cf: {  	v10 =	vadd.s32 v54, v10  }
0x1d0: {  	vm15 =	vlt.s32 v10, $0x200  }
0x1d1: {  	vm0 =	vmand vm14, vm15  }
0x1d2: {  	v55 =	vbroadcast v8, $0x4;
	_ =	sdelay $0x1  }
0x1d3: {  	v11 =	vor.u32 v5, v55;
	_ =	sdelay $0x2  }
0x1d4: {  	[tilespmem:v10+s17+$0x0] =	vst.idx.msk vm0, v9  }
0x1d5: {  	[tilespmem:v10+s18+$0x0] =	vst.idx.msk vm0, v12  }
0x1d6: {  	v9 =	vld.idx.msk [tilespmem:v11+s4+$0x0], $0xffff;
	_ =	sdelay $0x4  }
0x1d7: {  	vm4 =	vgt.s32 v9, $0x402EB851  }
0x1d8: {  	v56 =	vsel vm4, $0x1, v1  }
0x1d9: {  	(xrf0) =	vadd.scan.msk.s32 $0xffff, v56;
	_ =	sdelay $0x3  }
0x1da: {  	v57 =	vbroadcast v7, $0x4  }
0x1db: {  	v58 =	vsel vm4, $0xFFFFFFFF, v1  }
0x1dc: {  	v10 =	vadd.s32 v58, v57;
	v59, _, _ =	vpop (xrf0)  }
0x1dd: {  	v10 =	vadd.s32 v59, v10  }
0x1de: {  	vm5 =	vlt.s32 v10, $0x200  }
0x1df: {  	vm0 =	vmand vm4, vm5  }
0x1e0: {  	v60 =	vbroadcast v8, $0x5;
	_ =	sdelay $0x1  }
0x1e1: {  	v12 =	vor.u32 v5, v60;
	_ =	sdelay $0x2  }
0x1e2: {  	[tilespmem:v10+s17+$0x0] =	vst.idx.msk vm0, v9  }
0x1e3: {  	[tilespmem:v10+s18+$0x0] =	vst.idx.msk vm0, v11  }
0x1e4: {  	v9 =	vld.idx.msk [tilespmem:v12+s4+$0x0], $0xffff;
	_ =	sdelay $0x4  }
0x1e5: {  	vm6 =	vgt.s32 v9, $0x402EB851  }
0x1e6: {  	v61 =	vsel vm6, $0x1, v1  }
0x1e7: {  	(xrf0) =	vadd.scan.msk.s32 $0xffff, v61;
	_ =	sdelay $0x3  }
0x1e8: {  	v62 =	vbroadcast v7, $0x5  }
0x1e9: {  	v63 =	vsel vm6, $0xFFFFFFFF, v1  }
0x1ea: {  	v10 =	vadd.s32 v63, v62;
	v16, _, _ =	vpop (xrf0)  }
0x1eb: {  	v10 =	vadd.s32 v16, v10  }
0x1ec: {  	vm7 =	vlt.s32 v10, $0x200  }
0x1ed: {  	vm0 =	vmand vm6, vm7  }
0x1ee: {  	v17 =	vbroadcast v8, $0x6;
	_ =	sdelay $0x1  }
0x1ef: {  	v11 =	vor.u32 v5, v17;
	_ =	sdelay $0x2  }
0x1f0: {  	[tilespmem:v10+s17+$0x0] =	vst.idx.msk vm0, v9  }
0x1f1: {  	[tilespmem:v10+s18+$0x0] =	vst.idx.msk vm0, v12  }
0x1f2: {  	v9 =	vld.idx.msk [tilespmem:v11+s4+$0x0], $0xffff;
	_ =	sdelay $0x4  }
0x1f3: {  	vm8 =	vgt.s32 v9, $0x402EB851  }
0x1f4: {  	v18 =	vsel vm8, $0x1, v1  }
0x1f5: {  	(xrf0) =	vadd.scan.msk.s32 $0xffff, v18;
	_ =	sdelay $0x3  }
0x1f6: {  	v19 =	vbroadcast v7, $0x6  }
0x1f7: {  	v20 =	vsel vm8, $0xFFFFFFFF, v1  }
0x1f8: {  	v10 =	vadd.s32 v20, v19;
	v21, _, _ =	vpop (xrf0)  }
0x1f9: {  	v10 =	vadd.s32 v21, v10  }
0x1fa: {  	vm9 =	vlt.s32 v10, $0x200  }
0x1fb: {  	vm0 =	vmand vm8, vm9  }
0x1fc: {  	v22 =	vbroadcast v8, $0x7;
	_ =	sdelay $0x1  }
0x1fd: {  	v12 =	vor.u32 v5, v22;
	_ =	sdelay $0x2  }
0x1fe: {  	[tilespmem:v10+s17+$0x0] =	vst.idx.msk vm0, v9  }
0x1ff: {  	[tilespmem:v10+s18+$0x0] =	vst.idx.msk vm0, v11  }
0x200: {  	v9 =	vld.idx.msk [tilespmem:v12+s4+$0x0], $0xffff;
	_ =	sdelay $0x4  }
0x201: {  	vm10 =	vgt.s32 v9, $0x402EB851  }
0x202: {  	v23 =	vsel vm10, $0x1, v1  }
0x203: {  	(xrf0) =	vadd.scan.msk.s32 $0xffff, v23;
	_ =	sdelay $0x3  }
0x204: {  	v24 =	vbroadcast v7, $0x7  }
0x205: {  	v25 =	vsel vm10, $0xFFFFFFFF, v1  }
0x206: {  	v10 =	vadd.s32 v25, v24;
	v26, _, _ =	vpop (xrf0)  }
0x207: {  	v10 =	vadd.s32 v26, v10  }
0x208: {  	vm11 =	vlt.s32 v10, $0x200  }
0x209: {  	vm0 =	vmand vm10, vm11  }
0x20a: {  	v27 =	vbroadcast v8, $0x8;
	_ =	sdelay $0x1  }
0x20b: {  	v11 =	vor.u32 v5, v27;
	_ =	sdelay $0x2  }
0x20c: {  	[tilespmem:v10+s17+$0x0] =	vst.idx.msk vm0, v9  }
0x20d: {  	[tilespmem:v10+s18+$0x0] =	vst.idx.msk vm0, v12  }
0x20e: {  	v9 =	vld.idx.msk [tilespmem:v11+s4+$0x0], $0xffff;
	_ =	sdelay $0x4  }
0x20f: {  	vm12 =	vgt.s32 v9, $0x402EB851  }
0x210: {  	v28 =	vsel vm12, $0x1, v1  }
0x211: {  	(xrf0) =	vadd.scan.msk.s32 $0xffff, v28;
	_ =	sdelay $0x3  }
0x212: {  	v29 =	vbroadcast v7, $0x8  }
0x213: {  	v30 =	vsel vm12, $0xFFFFFFFF, v1  }
0x214: {  	v10 =	vadd.s32 v30, v29;
	v31, _, _ =	vpop (xrf0)  }
0x215: {  	v10 =	vadd.s32 v31, v10  }
0x216: {  	vm13 =	vlt.s32 v10, $0x200  }
0x217: {  	vm0 =	vmand vm12, vm13  }
0x218: {  	v32 =	vbroadcast v8, $0x9;
	_ =	sdelay $0x1  }
0x219: {  	v12 =	vor.u32 v5, v32;
	_ =	sdelay $0x2  }
0x21a: {  	[tilespmem:v10+s17+$0x0] =	vst.idx.msk vm0, v9  }
0x21b: {  	[tilespmem:v10+s18+$0x0] =	vst.idx.msk vm0, v11  }
0x21c: {  	v9 =	vld.idx.msk [tilespmem:v12+s4+$0x0], $0xffff;
	_ =	sdelay $0x4  }
0x21d: {  	vm14 =	vgt.s32 v9, $0x402EB851  }
0x21e: {  	v33 =	vsel vm14, $0x1, v1  }
0x21f: {  	(xrf0) =	vadd.scan.msk.s32 $0xffff, v33;
	_ =	sdelay $0x3  }
0x220: {  	v34 =	vbroadcast v7, $0x9  }
0x221: {  	v35 =	vsel vm14, $0xFFFFFFFF, v1  }
0x222: {  	v10 =	vadd.s32 v35, v34;
	v36, _, _ =	vpop (xrf0)  }
0x223: {  	v10 =	vadd.s32 v36, v10  }
0x224: {  	vm15 =	vlt.s32 v10, $0x200  }
0x225: {  	vm0 =	vmand vm14, vm15  }
0x226: {  	v37 =	vbroadcast v8, $0xA;
	_ =	sdelay $0x1  }
0x227: {  	v11 =	vor.u32 v5, v37;
	_ =	sdelay $0x2  }
0x228: {  	[tilespmem:v10+s17+$0x0] =	vst.idx.msk vm0, v9  }
0x229: {  	[tilespmem:v10+s18+$0x0] =	vst.idx.msk vm0, v12  }
0x22a: {  	v9 =	vld.idx.msk [tilespmem:v11+s4+$0x0], $0xffff;
	_ =	sdelay $0x4  }
0x22b: {  	vm4 =	vgt.s32 v9, $0x402EB851  }
0x22c: {  	v38 =	vsel vm4, $0x1, v1  }
0x22d: {  	(xrf0) =	vadd.scan.msk.s32 $0xffff, v38;
	_ =	sdelay $0x3  }
0x22e: {  	v39 =	vbroadcast v7, $0xA  }
0x22f: {  	v40 =	vsel vm4, $0xFFFFFFFF, v1  }
0x230: {  	v10 =	vadd.s32 v40, v39;
	v41, _, _ =	vpop (xrf0)  }
0x231: {  	v10 =	vadd.s32 v41, v10  }
0x232: {  	vm5 =	vlt.s32 v10, $0x200  }
0x233: {  	vm0 =	vmand vm4, vm5  }
0x234: {  	v42 =	vbroadcast v8, $0xB;
	_ =	sdelay $0x1  }
0x235: {  	v12 =	vor.u32 v5, v42;
	_ =	sdelay $0x2  }
0x236: {  	[tilespmem:v10+s17+$0x0] =	vst.idx.msk vm0, v9  }
0x237: {  	[tilespmem:v10+s18+$0x0] =	vst.idx.msk vm0, v11  }
0x238: {  	v9 =	vld.idx.msk [tilespmem:v12+s4+$0x0], $0xffff;
	_ =	sdelay $0x4  }
0x239: {  	vm6 =	vgt.s32 v9, $0x402EB851  }
0x23a: {  	v43 =	vsel vm6, $0x1, v1  }
0x23b: {  	(xrf0) =	vadd.scan.msk.s32 $0xffff, v43;
	_ =	sdelay $0x3  }
0x23c: {  	v44 =	vbroadcast v7, $0xB  }
0x23d: {  	v45 =	vsel vm6, $0xFFFFFFFF, v1  }
0x23e: {  	v10 =	vadd.s32 v45, v44;
	v46, _, _ =	vpop (xrf0)  }
0x23f: {  	v10 =	vadd.s32 v46, v10  }
0x240: {  	vm7 =	vlt.s32 v10, $0x200  }
0x241: {  	vm0 =	vmand vm6, vm7  }
0x242: {  	v47 =	vbroadcast v8, $0xC;
	_ =	sdelay $0x1  }
0x243: {  	v11 =	vor.u32 v5, v47;
	_ =	sdelay $0x2  }
0x244: {  	[tilespmem:v10+s17+$0x0] =	vst.idx.msk vm0, v9  }
0x245: {  	[tilespmem:v10+s18+$0x0] =	vst.idx.msk vm0, v12  }
0x246: {  	v9 =	vld.idx.msk [tilespmem:v11+s4+$0x0], $0xffff;
	_ =	sdelay $0x4  }
0x247: {  	vm8 =	vgt.s32 v9, $0x402EB851  }
0x248: {  	v48 =	vsel vm8, $0x1, v1  }
0x249: {  	(xrf0) =	vadd.scan.msk.s32 $0xffff, v48;
	_ =	sdelay $0x3  }
0x24a: {  	v49 =	vbroadcast v7, $0xC  }
0x24b: {  	v50 =	vsel vm8, $0xFFFFFFFF, v1  }
0x24c: {  	v10 =	vadd.s32 v50, v49;
	v51, _, _ =	vpop (xrf0)  }
0x24d: {  	v10 =	vadd.s32 v51, v10  }
0x24e: {  	vm9 =	vlt.s32 v10, $0x200  }
0x24f: {  	vm0 =	vmand vm8, vm9  }
0x250: {  	v52 =	vbroadcast v8, $0xD;
	_ =	sdelay $0x1  }
0x251: {  	v12 =	vor.u32 v5, v52;
	_ =	sdelay $0x2  }
0x252: {  	[tilespmem:v10+s17+$0x0] =	vst.idx.msk vm0, v9  }
0x253: {  	[tilespmem:v10+s18+$0x0] =	vst.idx.msk vm0, v11  }
0x254: {  	v9 =	vld.idx.msk [tilespmem:v12+s4+$0x0], $0xffff;
	_ =	sdelay $0x4  }
0x255: {  	vm10 =	vgt.s32 v9, $0x402EB851  }
0x256: {  	v53 =	vsel vm10, $0x1, v1  }
0x257: {  	(xrf0) =	vadd.scan.msk.s32 $0xffff, v53;
	_ =	sdelay $0x3  }
0x258: {  	v54 =	vbroadcast v7, $0xD  }
0x259: {  	v55 =	vsel vm10, $0xFFFFFFFF, v1  }
0x25a: {  	v10 =	vadd.s32 v55, v54;
	v56, _, _ =	vpop (xrf0)  }
0x25b: {  	v10 =	vadd.s32 v56, v10  }
0x25c: {  	vm11 =	vlt.s32 v10, $0x200  }
0x25d: {  	vm0 =	vmand vm10, vm11  }
0x25e: {  	v57 =	vbroadcast v8, $0xE;
	_ =	sdelay $0x1  }
0x25f: {  	v11 =	vor.u32 v5, v57;
	_ =	sdelay $0x2  }
0x260: {  	[tilespmem:v10+s17+$0x0] =	vst.idx.msk vm0, v9  }
0x261: {  	[tilespmem:v10+s18+$0x0] =	vst.idx.msk vm0, v12  }
0x262: {  	v9 =	vld.idx.msk [tilespmem:v11+s4+$0x0], $0xffff;
	_ =	sdelay $0x2  }
0x263: {  	(v2sf) =	vpush v8, $0xF;
	_ =	sdelay $0x1  }
0x264: {  	vm12 =	vgt.s32 v9, $0x402EB851  }
0x265: {  	v8 =	vsel vm12, $0x1, v1  }
0x266: {  	(xrf0) =	vadd.scan.msk.s32 $0xffff, v8;
	_ =	sdelay $0x3  }
0x267: {  	v8 =	vbroadcast v7, $0xE  }
0x268: {  	v58 =	vsel vm12, $0xFFFFFFFF, v1  }
0x269: {  	v8 =	vadd.s32 v58, v8;
	v59, _, _ =	vpop (xrf0)  }
0x26a: {  	v8 =	vadd.s32 v59, v8  }
0x26b: {  	vm13 =	vlt.s32 v8, $0x200  }
0x26c: {  	vm0 =	vmand vm12, vm13;
	_ =	sdelay $0x1  }
0x26d: {  	s1 =	spop (v2sf)  }
0x26e: {  	v60 =	vor.u32 s1, v5;
	_ =	sdelay $0x2  }
0x26f: {  	[tilespmem:v8+s17+$0x0] =	vst.idx.msk vm0, v9  }
0x270: {  	[tilespmem:v8+s18+$0x0] =	vst.idx.msk vm0, v11  }
0x271: {  	v8 =	vld.idx.msk [tilespmem:v60+s4+$0x0], $0xffff;
	_ =	sdelay $0x4  }
0x272: {  	vm14 =	vgt.s32 v8, $0x402EB851  }
0x273: {  	v61 =	vsel vm14, $0x1, v1  }
0x274: {  	(xrf0) =	vadd.scan.msk.s32 $0xffff, v61;
	_ =	sdelay $0x3  }
0x275: {  	v7 =	vbroadcast v7, $0xF  }
0x276: {  	v62 =	vsel vm14, $0xFFFFFFFF, v1  }
0x277: {  	v7 =	vadd.s32 v62, v7;
	v63, _, _ =	vpop (xrf0)  }
0x278: {  	v7 =	vadd.s32 v63, v7  }
0x279: {  	vm15 =	vlt.s32 v7, $0x200  }
0x27a: {  	vm0 =	vmand vm14, vm15;
	_ =	sdelay $0x1  }
0x27b: {  	p0 =	seq.s32 s5, $0x1  }
.Ltmp10:
0x27c: {  	_ = 	snop;
	(pc) =	sbr.rel @!p0 .LBB2_13-.Ltmp10, $3  }
0x27d: {  	_ =	sdelay $0x1  }
0x27e: {  	[tilespmem:v7+s17+$0x0] =	vst.idx.msk vm0, v8  }
0x27f: {  	s8 =	sadd.s32 $0x10, s8;
	s5 =	sadd.s32 $0xFFFFFFFF, s5;
	s11 =	sadd.s32 $0x10, s11;
	[tilespmem:v7+s18+$0x0] =	vst.idx.msk vm0, v60  }
.Ltmp11:
0x280: {  	_ = 	snop;
	(pc) =	sbr.rel .LBB2_22-.Ltmp11, $1  }
0x281: {  	_ =	sdelay $0x3  }
.LBB2_14:
0x282: {  	[tilespmem:s0+$0xFFFFFFC0] =	vst v1  }
0x283: {  	[tilespmem:s0+$0x30] =	vst v1  }
0x284: {  	[tilespmem:s0+$0x20] =	vst v1  }
0x285: {  	[tilespmem:s0+$0x10] =	vst v1  }
0x286: {  	[tilespmem:s0+$0x0] =	vst v1  }
0x287: {  	[tilespmem:s0+$0xFFFFFFF0] =	vst v1  }
0x288: {  	s3 =	sadd.s32 $0x8, s1;
	[tilespmem:s0+$0xFFFFFFE0] =	vst v1  }
.LBB2_15:
0x289: {  	s3 =	sadd.s32 $0x8, s3;
	[tilespmem:s0+$0xFFFFFFD0] =	vst v1;
	s0 =	sadd.s32 $0x80, s0;
	s2 =	simm.s32 $0x40  }
0x28a: {  	[tilespmem:s0+$0xFFFFFFC0] =	vst v1;
	p0 =	slt.u32 s3, $0xF8  }
0x28b: {  	[tilespmem:s0+$0x30] =	vst v1  }
.Ltmp12:
0x28c: {  	[tilespmem:s0+$0x20] =	vst v1;
	(pc) =	sbr.rel @p0 .LBB2_15-.Ltmp12, $4  }
0x28d: {  	[tilespmem:s0+$0x10] =	vst v1  }
0x28e: {  	[tilespmem:s0+$0x0] =	vst v1  }
0x28f: {  	[tilespmem:s0+$0xFFFFFFF0] =	vst v1  }
0x290: {  	[tilespmem:s0+$0xFFFFFFE0] =	vst v1  }
0x291: {  	s14 =	smov.u32 s13;
	[tilespmem:s0+$0xFFFFFFD0] =	vst v1  }
.LBB2_17:
0x292: {  	v7 =	vld [tilespmem:s2+$0xFFFFFFC0];
	_ =	sdelay $0x4  }
0x293: {  	v8 =	vshra.s32 v7, $0x1F  }
0x294: {  	v8 =	vand.u32 $0x7FF00000, v8  }
0x295: {  	v7 =	vxor.u32 v7, v8  }
0x296: {  	v7 =	vshra.s32 v7, $0x14  }
0x297: {  	v7 =	vadd.s32 $0x800, v7;
	_ =	sdelay $0x4  }
0x298: {  	[tilespmem:v7+s19+$0x0] =	vst.idx.add.s32.msk $0xffff, v6  }
0x299: {  	v7 =	vld [tilespmem:s2+$0xFFFFFFD0];
	_ =	sdelay $0x4  }
0x29a: {  	v8 =	vshra.s32 v7, $0x1F  }
0x29b: {  	v8 =	vand.u32 $0x7FF00000, v8  }
0x29c: {  	v7 =	vxor.u32 v7, v8  }
0x29d: {  	v7 =	vshra.s32 v7, $0x14  }
0x29e: {  	v7 =	vadd.s32 $0x800, v7;
	_ =	sdelay $0x4  }
0x29f: {  	[tilespmem:v7+s19+$0x0] =	vst.idx.add.s32.msk $0xffff, v6  }
0x2a0: {  	v7 =	vld [tilespmem:s2+$0xFFFFFFE0];
	_ =	sdelay $0x4  }
0x2a1: {  	v8 =	vshra.s32 v7, $0x1F  }
0x2a2: {  	v8 =	vand.u32 $0x7FF00000, v8  }
0x2a3: {  	v7 =	vxor.u32 v7, v8  }
0x2a4: {  	v7 =	vshra.s32 v7, $0x14  }
0x2a5: {  	v7 =	vadd.s32 $0x800, v7;
	_ =	sdelay $0x4  }
0x2a6: {  	[tilespmem:v7+s19+$0x0] =	vst.idx.add.s32.msk $0xffff, v6  }
0x2a7: {  	v7 =	vld [tilespmem:s2+$0xFFFFFFF0];
	_ =	sdelay $0x4  }
0x2a8: {  	v8 =	vshra.s32 v7, $0x1F  }
0x2a9: {  	v8 =	vand.u32 $0x7FF00000, v8  }
0x2aa: {  	v7 =	vxor.u32 v7, v8  }
0x2ab: {  	v7 =	vshra.s32 v7, $0x14  }
0x2ac: {  	v7 =	vadd.s32 $0x800, v7;
	_ =	sdelay $0x4  }
0x2ad: {  	[tilespmem:v7+s19+$0x0] =	vst.idx.add.s32.msk $0xffff, v6  }
0x2ae: {  	v7 =	vld [tilespmem:s2+$0x0];
	_ =	sdelay $0x4  }
0x2af: {  	v8 =	vshra.s32 v7, $0x1F  }
0x2b0: {  	v8 =	vand.u32 $0x7FF00000, v8  }
0x2b1: {  	v7 =	vxor.u32 v7, v8  }
0x2b2: {  	v7 =	vshra.s32 v7, $0x14  }
0x2b3: {  	v7 =	vadd.s32 $0x800, v7;
	_ =	sdelay $0x4  }
0x2b4: {  	[tilespmem:v7+s19+$0x0] =	vst.idx.add.s32.msk $0xffff, v6  }
0x2b5: {  	v7 =	vld [tilespmem:s2+$0x10];
	_ =	sdelay $0x4  }
0x2b6: {  	v8 =	vshra.s32 v7, $0x1F  }
0x2b7: {  	v8 =	vand.u32 $0x7FF00000, v8  }
0x2b8: {  	v7 =	vxor.u32 v7, v8  }
0x2b9: {  	v7 =	vshra.s32 v7, $0x14  }
0x2ba: {  	v7 =	vadd.s32 $0x800, v7;
	_ =	sdelay $0x4  }
0x2bb: {  	[tilespmem:v7+s19+$0x0] =	vst.idx.add.s32.msk $0xffff, v6  }
0x2bc: {  	v7 =	vld [tilespmem:s2+$0x20];
	_ =	sdelay $0x4  }
0x2bd: {  	v8 =	vshra.s32 v7, $0x1F  }
0x2be: {  	v8 =	vand.u32 $0x7FF00000, v8  }
0x2bf: {  	v7 =	vxor.u32 v7, v8  }
0x2c0: {  	v7 =	vshra.s32 v7, $0x14  }
0x2c1: {  	v7 =	vadd.s32 $0x800, v7;
	_ =	sdelay $0x4  }
0x2c2: {  	[tilespmem:v7+s19+$0x0] =	vst.idx.add.s32.msk $0xffff, v6  }
0x2c3: {  	v7 =	vld [tilespmem:s2+$0x30];
	_ =	sdelay $0x4  }
0x2c4: {  	v8 =	vshra.s32 v7, $0x1F  }
0x2c5: {  	v8 =	vand.u32 $0x7FF00000, v8  }
0x2c6: {  	v7 =	vxor.u32 v7, v8  }
0x2c7: {  	s1 =	sadd.s32 $0x8, s1;
	v7 =	vshra.s32 v7, $0x14  }
0x2c8: {  	p0 =	slt.u32 s1, $0x7F8;
	v7 =	vadd.s32 $0x800, v7  }
.Ltmp13:
0x2c9: {  	_ = 	snop;
	(pc) =	sbr.rel @p0 .LBB2_17-.Ltmp13, $3  }
0x2ca: {  	_ =	sdelay $0x1  }
0x2cb: {  	s0 =	simm.s32 $0x0  }
0x2cc: {  	s8 =	simm.s32 $0x80000FBF;
	s3 =	simm.s32 $0x18FF0;
	s2 =	sadd.s32 $0x80, s2;
	[tilespmem:v7+s19+$0x0] =	vst.idx.add.s32.msk $0xffff, v6  }
0x2cd: {  	v7 =	vld [tilespmem:s3+$0x0];
	_ =	sdelay $0x2  }
0x2ce: {  	v10 =	vld [tilespmem:s3+$0xFFFFFFF0]  }
0x2cf: {  	v12 =	vld [tilespmem:s3+$0xFFFFFFE0]  }
0x2d0: {  	(xrf0) =	vadd.scan.msk.s32 $0xffff, v7;
	_ =	sdelay $0x2  }
0x2d1: {  	(xrf0) =	vadd.scan.msk.s32 $0xffff, v10  }
0x2d2: {  	(xrf0) =	vadd.scan.msk.s32 $0xffff, v12;
	_ =	sdelay $0x1  }
0x2d3: {  	v8, _, _ =	vpop (xrf0)  }
0x2d4: {  	v9 =	vxor.u32 $0x80000000, v8  }
0x2d5: {  	(xrf0) =	vmax.scan.msk.u32 $0xffff, v9  }
0x2d6: {  	v11, _, _ =	vpop (xrf0)  }
0x2d7: {  	v9 =	vxor.u32 $0x80000000, v11;
	v14, _, _ =	vpop (xrf0)  }
0x2d8: {  	v13 =	vld [tilespmem:s3+$0xFFFFFFD0];
	(xrf0) =	vmax.scan.msk.u32 $0xffff, v9;
	v9 =	vxor.u32 $0x80000000, v14;
	_ =	sdelay $0x2  }
0x2d9: {  	(xrf0) =	vmax.scan.msk.u32 $0xffff, v9;
	v9, _, _ =	vpop (xrf0)  }
0x2da: {  	s1 =	simm.s32 $0x18FB0;
	(v2sf) =	vpush v9, $0xF  }
0x2db: {  	v15 =	vld [tilespmem:s1+$0x0];
	(xrf0) =	vadd.scan.msk.s32 $0xffff, v13  }
0x2dc: {  	v9, _, _ =	vpop (xrf0)  }
0x2dd: {  	v16 =	vld [tilespmem:s1+$0xFFFFFFF0];
	(v2sf) =	vpush v9, $0xF;
	_ =	sdelay $0x1  }
0x2de: {  	v17 =	vld [tilespmem:s1+$0xFFFFFFE0]  }
0x2df: {  	(xrf0) =	vadd.scan.msk.s32 $0xffff, v15;
	v9, _, _ =	vpop (xrf0)  }
0x2e0: {  	v18, _, _ =	vpop (xrf0)  }
0x2e1: {  	(xrf0) =	vadd.scan.msk.s32 $0xffff, v16;
	v19 =	vxor.u32 $0x80000000, v18  }
0x2e2: {  	(v2sf) =	vpush v9, $0xF;
	(xrf0) =	vmax.scan.msk.u32 $0xffff, v19  }
0x2e3: {  	(xrf0) =	vadd.scan.msk.s32 $0xffff, v17;
	_ =	sdelay $0x1  }
0x2e4: {  	v19, _, _ =	vpop (xrf0)  }
0x2e5: {  	v20 =	vxor.u32 $0x80000000, v19  }
0x2e6: {  	v9 =	vld [tilespmem:s1+$0xFFFFFFD0];
	v21, _, _ =	vpop (xrf0);
	(xrf0) =	vmax.scan.msk.u32 $0xffff, v20  }
0x2e7: {  	s24 =	smov.u32 s28;
	v7 =	vadd.s32 s0, v7;
	v55, _, _ =	vpop (xrf0);
	s28 =	spop (v2sf)  }
0x2e8: {  	v7 =	vsub.s32 v7, v8;
	v22 =	vxor.u32 $0x80000000, v21;
	v23, _, _ =	vpop (xrf0);
	s1 =	sxor.u32 $0x80000000, s28  }
0x2e9: {  	s2 =	simm.s32 $0x18F70;
	(xrf0) =	vmax.scan.msk.u32 $0xffff, v22;
	v56 =	vxor.u32 $0x80000000, v23;
	v7 =	vadd.s32 s1, v7  }
0x2ea: {  	v8 =	vld [tilespmem:s2+$0x0];
	(v2sf) =	vpush v55, $0xF;
	(xrf0) =	vmax.scan.msk.u32 $0xffff, v56;
	s5 =	spop (v2sf);
	s29 =	sadd.s32 $0x0, s1  }
0x2eb: {  	(xrf0) =	vadd.scan.msk.s32 $0xffff, v9;
	s6 =	sadd.s32 s5, s29  }
0x2ec: {  	v10 =	vsub.s32 v10, v11;
	v11 =	vld [tilespmem:s2+$0xFFFFFFF0];
	vm0 =	vgt.s32 v7, $0x3F;
	s1 =	sadd.s32 $0x80000000, s6;
	v7, _, _ =	vpop (xrf0)  }
0x2ed: {  	v57 =	vmpcnt.ones.xlane vm0;
	v10 =	vadd.s32 s1, v10;
	(v2sf) =	vpush v7, $0xF  }
0x2ee: {  	vm0 =	vgt.s32 v10, $0x3F  }
0x2ef: {  	v58 =	vld [tilespmem:s2+$0xFFFFFFE0];
	(xrf0) =	vadd.scan.msk.s32 $0xffff, v8;
	v7, _, _ =	vpop (xrf0);
	v10 =	vxor.u32 $0x80000000, v57;
	v59 =	vmpcnt.ones.xlane vm0  }
0x2f0: {  	s7 =	spop (v2sf);
	(v2sf) =	vpush v7, $0xF;
	v7, _, _ =	vpop (xrf0);
	(xrf0) =	vmax.scan.msk.u32 $0xffff, v10  }
0x2f1: {  	s1 =	sadd.s32 s7, s1;
	v24, _, _ =	vpop (xrf0);
	(xrf0) =	vadd.scan.msk.s32 $0xffff, v11;
	v10 =	vxor.u32 $0x80000000, v59  }
0x2f2: {  	s1 =	sadd.s32 $0x80000000, s1;
	v60 =	vxor.u32 $0x80000000, v24;
	(xrf0) =	vmax.scan.msk.u32 $0xffff, v10;
	v10 =	vsub.s32 v12, v14  }
0x2f3: {  	(xrf0) =	vmax.scan.msk.u32 $0xffff, v60;
	v10 =	vadd.s32 s1, v10  }
0x2f4: {  	(xrf0) =	vadd.scan.msk.s32 $0xffff, v58  }
0x2f5: {  	(v2sf) =	vpush v7, $0xF;
	v14, _, _ =	vpop (xrf0)  }
0x2f6: {  	v12 =	vxor.u32 $0x80000000, v14;
	vm0 =	vgt.s32 v10, $0x3F;
	v10, _, _ =	vpop (xrf0)  }
0x2f7: {  	v7 =	vmpcnt.ones.xlane vm0;
	v61, _, _ =	vpop (xrf0)  }
0x2f8: {  	(xrf0) =	vmax.scan.msk.u32 $0xffff, v12;
	(v2sf) =	vpush v10, $0xF;
	v10, _, _ =	vpop (xrf0)  }
0x2f9: {  	s9 =	spop (v2sf);
	v7 =	vxor.u32 $0x80000000, v7;
	v12, _, _ =	vpop (xrf0)  }
0x2fa: {  	s1 =	sadd.s32 s9, s1;
	(xrf0) =	vmax.scan.msk.u32 $0xffff, v7;
	v7 =	vxor.u32 $0x80000000, v61;
	v25, _, _ =	vpop (xrf0)  }
0x2fb: {  	s1 =	sadd.s32 $0x80000000, s1;
	(v2sf) =	vpush v10, $0xF;
	(xrf0) =	vmax.scan.msk.u32 $0xffff, v7;
	v10 =	vsub.s32 v13, v18;
	v7 =	vxor.u32 $0x80000000, v25  }
0x2fc: {  	(v2sf) =	vpush v12, $0xF;
	v10 =	vadd.s32 s1, v10;
	(xrf0) =	vmax.scan.msk.u32 $0xffff, v7;
	v7 =	vadd.s32 s1, v15;
	s10 =	spop (v2sf)  }
0x2fd: {  	v26 =	vld [tilespmem:s2+$0xFFFFFFD0];
	vm0 =	vgt.s32 v10, $0x3F;
	v10 =	vsub.s32 v7, v19;
	s3 =	sxor.u32 $0x80000000, s10  }
0x2fe: {  	s2 =	simm.s32 $0x18F30;
	v12, _, _ =	vpop (xrf0);
	v10 =	vadd.s32 s3, v10  }
0x2ff: {  	v13 =	vmpcnt.ones.xlane vm0;
	v7 =	vld [tilespmem:s2+$0x0];
	s11 =	spop (v2sf);
	(v2sf) =	vpush v12, $0xF;
	s1 =	sadd.s32 s1, s3  }
0x300: {  	v15 =	vsub.s32 v16, v21;
	v12, _, _ =	vpop (xrf0);
	s1 =	sadd.s32 s11, s1  }
0x301: {  	v16 =	vld [tilespmem:s2+$0xFFFFFFF0];
	(v2sf) =	vpush v12, $0xF;
	v12 =	vxor.u32 $0x80000000, v13;
	vm0 =	vgt.s32 v10, $0x3F;
	s1 =	sadd.s32 $0x80000000, s1;
	v10, _, _ =	vpop (xrf0)  }
0x302: {  	(xrf0) =	vadd.scan.msk.s32 $0xffff, v26;
	v13 =	vmpcnt.ones.xlane vm0;
	(v2sf) =	vpush v10, $0xF;
	v10 =	vadd.s32 s1, v15  }
0x303: {  	(xrf0) =	vmax.scan.msk.u32 $0xffff, v12;
	vm0 =	vgt.s32 v10, $0x3F  }
0x304: {  	s13 =	smov.u32 s12;
	s12 =	spop (v2sf);
	(xrf0) =	vadd.scan.msk.s32 $0xffff, v7;
	v13 =	vxor.u32 $0x80000000, v13;
	v10 =	vmpcnt.ones.xlane vm0  }
0x305: {  	v12, _, _ =	vpop (xrf0);
	s1 =	sadd.s32 s12, s1;
	(xrf0) =	vmax.scan.msk.u32 $0xffff, v13  }
0x306: {  	v18 =	vld [tilespmem:s2+$0xFFFFFFE0];
	(v2sf) =	vpush v12, $0xF;
	v12 =	vsub.s32 v17, v23;
	s3 =	sadd.s32 $0x80000000, s1;
	(xrf0) =	vadd.scan.msk.s32 $0xffff, v16;
	v10 =	vxor.u32 $0x80000000, v10  }
0x307: {  	(xrf0) =	vmax.scan.msk.u32 $0xffff, v10;
	v10 =	vadd.s32 s3, v12  }
0x308: {  	v13, _, _ =	vpop (xrf0)  }
0x309: {  	s28 =	spop (v2sf);
	v15 =	vxor.u32 $0x80000000, v13;
	v12, _, _ =	vpop (xrf0);
	vm0 =	vgt.s32 v10, $0x3F  }
0x30a: {  	s29 =	spop (v2sf);
	(xrf0) =	vmax.scan.msk.u32 $0xffff, v15;
	(v2sf) =	vpush v12, $0xF;
	v15 =	vmpcnt.ones.xlane vm0;
	v10, _, _ =	vpop (xrf0)  }
0x30b: {  	s9 =	spop (v2sf);
	(xrf0) =	vadd.scan.msk.s32 $0xffff, v18;
	v17 =	vxor.u32 $0x80000000, v10  }
0x30c: {  	p0 =	por $0x1, $0x1;
	s6 =	sxor.u32 $0x80000000, s28;
	s3 =	sadd.s32 s9, s3;
	v15 =	vxor.u32 $0x80000000, v15;
	(xrf0) =	vmax.scan.msk.u32 $0xffff, v17  }
0x30d: {  	p1 =	sgt.s32 s6, $0x0;
	s7 =	sxor.u32 $0x80000000, s29;
	s3 =	sadd.s32 $0x80000000, s3;
	v19, _, _ =	vpop (xrf0);
	(xrf0) =	vmax.scan.msk.u32 $0xffff, v15  }
0x30e: {  	p0 =	por !p0, !p1;
	p2 =	sgt.s32 s7, $0x0;
	v8 =	vadd.s32 s3, v8;
	(v2sf) =	vpush v19, $0xF;
	s7 =	spop (v2sf);
	v17, _, _ =	vpop (xrf0)  }
0x30f: {  	v62 =	vsub.s32 v11, v61;
	v11 =	vld [tilespmem:s2+$0xFFFFFFD0];
	p0 =	por !p0, !p0;
	v8 =	vsub.s32 v8, v14;
	s2 =	sxor.u32 $0x80000000, s7;
	v12 =	vxor.u32 $0x80000000, v17;
	v19, _, _ =	vpop (xrf0)  }
0x310: {  	v9 =	vsub.s32 v9, v24;
	s1 =	simm.s32 $0x18EF0;
	s5 =	sadd.s32 $0x80000FBF, s28;
	s0 =	simm.s32 @p0 $0x1;
	v8 =	vadd.s32 s2, v8;
	(xrf0) =	vmax.scan.msk.u32 $0xffff, v12;
	v63, _, _ =	vpop (xrf0)  }
0x311: {  	s11 =	sadd.s32 $0x30, s5;
	s5 =	simm.s32 $0x0;
	p3 =	seq.s32 s0, $0x0;
	v9 =	vadd.s32 s3, v9;
	(v2sf) =	vpush v19, $0xF;
	v12 =	vsub.s32 v16, v17;
	v16, _, _ =	vpop (xrf0)  }
0x312: {  	s6 =	sadd.s32 $0x80000FBF, s29;
	s5 =	smov.u32 @p0 s11;
	p4 =	por !p2, !p3;
	vm0 =	vgt.s32 v9, $0x3F;
	(v2sf) =	vpush v63, $0xF;
	v17 =	vxor.u32 $0x80000000, v16;
	v19, _, _ =	vpop (xrf0)  }
0x313: {  	s11 =	simm.s32 $0x80000F7F;
	p0 =	por !p4, !p4;
	s9 =	spop (v2sf);
	v9 =	vmpcnt.ones.xlane vm0;
	vm0 =	vgt.s32 v8, $0x3F;
	(xrf0) =	vmax.scan.msk.u32 $0xffff, v17;
	(v2sf) =	vpush v19, $0xF;
	v8, _, _ =	vpop (xrf0)  }
0x314: {  	s0 =	simm.s32 @p0 $0x1;
	s2 =	sadd.s32 s3, s2;
	s12 =	spop (v2sf);
	(xrf0) =	vadd.scan.msk.s32 $0xffff, v11;
	(v2sf) =	vpush v8, $0xF;
	v8 =	vld [tilespmem:s1+$0x0]  }
0x315: {  	s10 =	sxor.u32 $0x80000000, s9;
	s30 =	sadd.s32 $0x80000FBF, s9;
	s2 =	sadd.s32 s12, s2;
	v17 =	vxor.u32 $0x80000000, v9  }
0x316: {  	p5 =	seq.s32 s0, $0x0;
	p6 =	sgt.s32 s10, $0x0;
	v14 =	vsub.s32 v18, v16;
	v16 =	vmpcnt.ones.xlane vm0;
	s28 =	sadd.s32 $0x80000000, s2;
	v9 =	vld [tilespmem:s1+$0xFFFFFFF0];
	v18, _, _ =	vpop (xrf0);
	(xrf0) =	vmax.scan.msk.u32 $0xffff, v17  }
0x317: {  	v13 =	vsub.s32 v26, v13;
	v15 =	vsub.s32 v58, v25;
	s3 =	simm.s32 $0x10;
	p1 =	por !p6, !p5;
	s29 =	spop (v2sf);
	v19 =	vadd.s32 s28, v62  }
0x318: {  	s2 =	sadd.s32 $0x20, s6;
	s6 =	simm.s32 $0x18EF0;
	s7 =	sadd.s32 s29, s28;
	vm0 =	vgt.s32 v19, $0x3F;
	v17 =	vxor.u32 $0x80000000, v16;
	(v2sf) =	vpush v18, $0xF  }
.LBB2_19:
0x319: {  	v16 =	vld [tilespmem:s1+$0xFFFFFFE0];
	s6 =	sadd.s32 $0xFFFFFFC0, s6;
	(xrf0) =	vadd.scan.msk.s32 $0xffff, v8;
	v18, _, _ =	vpop (xrf0);
	v19 =	vmpcnt.ones.xlane vm0;
	p1 =	por !p1, !p1;
	s9 =	spop (v2sf)  }
0x31a: {  	s5 =	smov.u32 @p0 s2;
	(v2sf) =	vpush v18, $0xF;
	v18, _, _ =	vpop (xrf0);
	(xrf0) =	vmax.scan.msk.u32 $0xffff, v17;
	s0 =	simm.s32 @p1 $0x1;
	s2 =	sxor.u32 $0x80000000, s9  }
0x31b: {  	s28 =	sadd.s32 $0x10, s30;
	(xrf0) =	vadd.scan.msk.s32 $0xffff, v9;
	v17 =	vxor.u32 $0x80000000, v18;
	v18 =	vsub.s32 v11, v18;
	v19 =	vxor.u32 $0x80000000, v19;
	p0 =	seq.s32 s0, $0x0;
	p2 =	sgt.s32 s2, $0x0  }
0x31c: {  	s5 =	smov.u32 @p1 s28;
	s2 =	sadd.s32 $0x80000000, s7;
	(xrf0) =	vmax.scan.msk.u32 $0xffff, v19;
	v11, _, _ =	vpop (xrf0);
	p0 =	por !p2, !p0  }
0x31d: {  	s3 =	sadd.s32 $0x4, s3;
	s7 =	spop (v2sf);
	p0 =	por !p0, !p0  }
0x31e: {  	s8 =	sadd.s32 s8, s9;
	v19 =	vadd.s32 s2, v15;
	v15 =	vmovc v14;
	(xrf0) =	vmax.scan.msk.u32 $0xffff, v17;
	(v2sf) =	vpush v11, $0xF;
	s9 =	sxor.u32 $0x80000000, s7;
	s0 =	simm.s32 @p0 $0x1  }
0x31f: {  	vm0 =	vgt.s32 v19, $0x3F;
	(xrf0) =	vadd.scan.msk.s32 $0xffff, v16;
	s5 =	smov.u32 @p0 s8;
	p0 =	seq.s32 s0, $0x0;
	p1 =	sgt.s32 s9, $0x0  }
0x320: {  	v11 =	vmpcnt.ones.xlane vm0;
	s7 =	sadd.s32 s11, s7;
	v17, _, _ =	vpop (xrf0);
	s8 =	spop (v2sf);
	p0 =	por !p0, !p1  }
0x321: {  	s7 =	sadd.s32 $0x30, s7;
	v20 =	vxor.u32 $0x80000000, v17;
	v19, _, _ =	vpop (xrf0);
	s9 =	sxor.u32 $0x80000000, s8;
	p0 =	por !p0, !p0  }
0x322: {  	(xrf0) =	vmax.scan.msk.u32 $0xffff, v20;
	v14, _, _ =	vpop (xrf0);
	v20 =	vxor.u32 $0x80000000, v11;
	(v2sf) =	vpush v19, $0xF;
	s28 =	spop (v2sf);
	p1 =	sgt.s32 s9, $0x0;
	s0 =	simm.s32 @p0 $0x1  }
0x323: {  	v11 =	vld [tilespmem:s1+$0xFFFFFFD0];
	s1 =	sadd.s32 s28, s2;
	v19, _, _ =	vpop (xrf0);
	(xrf0) =	vmax.scan.msk.u32 $0xffff, v20;
	s5 =	smov.u32 @p0 s7;
	p0 =	seq.s32 s0, $0x0  }
0x324: {  	p2 =	slt.u32 s3, $0xFC;
	v20 =	vxor.u32 $0x80000000, v14;
	v21, _, _ =	vpop (xrf0);
	s1 =	sadd.s32 $0x80000000, s1;
	(v2sf) =	vpush v19, $0xF;
	p0 =	por !p1, !p0  }
0x325: {  	s7 =	sadd.s32 s11, s8;
	v19 =	vsub.s32 v9, v14;
	(xrf0) =	vmax.scan.msk.u32 $0xffff, v20;
	v9, _, _ =	vpop (xrf0);
	v20 =	vadd.s32 s1, v7;
	s2 =	spop (v2sf);
	v14 =	vadd.s32 s1, v13;
	p0 =	por !p0, !p0  }
0x326: {  	v13 =	vmovc v18;
	v7 =	vmovc v8;
	v22 =	vxor.u32 $0x80000000, v9;
	s2 =	sxor.u32 $0x80000000, s2;
	(v2sf) =	vpush v21, $0xF;
	vm0 =	vgt.s32 v14, $0x3F;
	s8 =	spop (v2sf);
	s0 =	simm.s32 @p0 $0x1  }
0x327: {  	v14 =	vsub.s32 v16, v9;
	v9 =	vsub.s32 v20, v10;
	v10 =	vmovc v17;
	(xrf0) =	vmax.scan.msk.u32 $0xffff, v22;
	v16 =	vmpcnt.ones.xlane vm0;
	s9 =	sxor.u32 $0x80000000, s8;
	s30 =	sadd.s32 s11, s8;
	s1 =	sadd.s32 s1, s2  }
.Ltmp14:
0x328: {  	v9 =	vadd.s32 s2, v9;
	v8 =	vld [tilespmem:s6+$0x0];
	v17, _, _ =	vpop (xrf0);
	(xrf0) =	vadd.scan.msk.s32 $0xffff, v11;
	s2 =	spop (v2sf);
	p1 =	seq.s32 s0, $0x0;
	(pc) =	sbr.rel @p2 .LBB2_19-.Ltmp14, $4  }
0x329: {  	vm0 =	vgt.s32 v9, $0x3F;
	(v2sf) =	vpush v17, $0xF;
	s1 =	sadd.s32 s2, s1;
	v20 =	vxor.u32 $0x80000000, v16;
	v17, _, _ =	vpop (xrf0);
	s2 =	sadd.s32 $0x20, s7  }
0x32a: {  	v18 =	vmpcnt.ones.xlane vm0;
	v9 =	vld [tilespmem:s6+$0xFFFFFFF0];
	s1 =	sadd.s32 $0x80000000, s1;
	s7 =	spop (v2sf);
	(v2sf) =	vpush v17, $0xF;
	(xrf0) =	vmax.scan.msk.u32 $0xffff, v20  }
0x32b: {  	p3 =	sgt.s32 s9, $0x0;
	v16, _, _ =	vpop (xrf0);
	v20 =	vadd.s32 s1, v12;
	s7 =	sadd.s32 s7, s1;
	v12 =	vmov v19;
	s1 =	smov.u32 s6  }
0x32c: {  	s8 =	smov.u32 s11;
	s11 =	sadd.s32 $0xFFFFFFC0, s11;
	p1 =	por !p3, !p1;
	v17 =	vxor.u32 $0x80000000, v18;
	(v2sf) =	vpush v16, $0xF;
	vm0 =	vgt.s32 v20, $0x3F  }
0x32d: {  	_ = 	snop  }
0x32e: {  	v16 =	vld [tilespmem:s1+$0xFFFFFFE0];
	(xrf0) =	vadd.scan.msk.s32 $0xffff, v8;
	v18 =	vmpcnt.ones.xlane vm0  }
0x32f: {  	v20, _, _ =	vpop (xrf0);
	(xrf0) =	vmax.scan.msk.u32 $0xffff, v17  }
0x330: {  	v21, _, _ =	vpop (xrf0);
	(xrf0) =	vadd.scan.msk.s32 $0xffff, v9;
	v39 =	vxor.u32 $0x80000000, v18  }
0x331: {  	v40 =	vxor.u32 $0x80000000, v21;
	(xrf0) =	vmax.scan.msk.u32 $0xffff, v39  }
0x332: {  	s6 =	sadd.s32 $0x80000000, s7;
	s29 =	spop (v2sf);
	p1 =	por !p1, !p1;
	(xrf0) =	vmax.scan.msk.u32 $0xffff, v40  }
0x333: {  	s3 =	simm.s32 @!p1 $0x0;
	(v2sf) =	vpush v20, $0xF;
	s0 =	simm.s32 @p1 $0x1;
	s12 =	sxor.u32 $0x80000000, s29;
	v41, _, _ =	vpop (xrf0);
	(xrf0) =	vadd.scan.msk.s32 $0xffff, v16  }
0x334: {  	v15 =	vadd.s32 s6, v15;
	p2 =	seq.s32 s0, $0x0;
	p3 =	sgt.s32 s12, $0x0;
	s28 =	spop (v2sf);
	(v2sf) =	vpush v41, $0xF;
	v19, _, _ =	vpop (xrf0)  }
0x335: {  	vm6 =	vgt.s32 v15, $0x3F;
	s3 =	simm.s32 @p1 $0x1;
	p2 =	por !p3, !p2;
	v22, _, _ =	vpop (xrf0)  }
0x336: {  	[smem:$0x7FB] =	sst s3;
	v42 =	vmpcnt.ones.xlane vm6;
	p5 =	por !p2, !p2;
	v43, _, _ =	vpop (xrf0)  }
0x337: {  	v44 =	vld [tilespmem:s1+$0xFFFFFFD0];
	s12 =	sxor.u32 $0x80000000, s28;
	s0 =	simm.s32 @p5 $0x1;
	s3 =	spop (v2sf);
	v23 =	vxor.u32 $0x80000000, v19;
	v24, _, _ =	vpop (xrf0)  }
0x338: {  	v45 =	vxor.u32 $0x80000000, v42;
	p6 =	seq.s32 s0, $0x0;
	p1 =	sgt.s32 s12, $0x0;
	(xrf0) =	vmax.scan.msk.u32 $0xffff, v23;
	s7 =	spop (v2sf);
	v46, _, _ =	vpop (xrf0)  }
0x339: {  	p2 =	por !p6, !p1;
	s1 =	sadd.s32 s7, s6;
	(xrf0) =	vmax.scan.msk.u32 $0xffff, v45;
	v47 =	vxor.u32 $0x80000000, v43;
	v48, _, _ =	vpop (xrf0);
	s9 =	spop (v2sf)  }
0x33a: {  	(v2sf) =	vpush v22, $0xF;
	s7 =	sadd.s32 $0x80000000, s1;
	(xrf0) =	vmax.scan.msk.u32 $0xffff, v47;
	v49 =	vxor.u32 $0x80000000, v48;
	s6 =	sxor.u32 $0x80000000, s9;
	s1 =	spop (v2sf)  }
0x33b: {  	p4 =	por !p2, !p2;
	(v2sf) =	vpush v24, $0xF;
	v7 =	vadd.s32 s7, v7;
	(xrf0) =	vmax.scan.msk.u32 $0xffff, v49;
	s9 =	sadd.s32 s7, s6;
	s10 =	spop (v2sf)  }
0x33c: {  	s12 =	sxor.u32 $0x80000000, s3;
	s0 =	simm.s32 @p4 $0x1;
	(v2sf) =	vpush v46, $0xF;
	v13 =	vadd.s32 s7, v13;
	v7 =	vsub.s32 v7, v10;
	(xrf0) =	vadd.scan.msk.s32 $0xffff, v44;
	s10 =	sadd.s32 s10, s9  }
0x33d: {  	p6 =	sgt.s32 s12, $0x0;
	p3 =	seq.s32 s0, $0x0;
	vm7 =	vgt.s32 v13, $0x3F;
	v7 =	vadd.s32 s6, v7;
	s6 =	sadd.s32 $0x80000000, s10  }
0x33e: {  	p2 =	por !p6, !p3;
	v50 =	vmpcnt.ones.xlane vm7;
	v51, _, _ =	vpop (xrf0);
	vm8 =	vgt.s32 v7, $0x3F;
	v7 =	vadd.s32 s6, v12  }
0x33f: {  	p3 =	por !p2, !p2;
	v52, _, _ =	vpop (xrf0);
	v53 =	vmpcnt.ones.xlane vm8;
	vm9 =	vgt.s32 v7, $0x3F  }
0x340: {  	s0 =	simm.s32 @p3 $0x1;
	s9 =	sxor.u32 $0x80000000, s1;
	v54, _, _ =	vpop (xrf0);
	v7 =	vxor.u32 $0x80000000, v50;
	v55 =	vmpcnt.ones.xlane vm9  }
0x341: {  	p1 =	seq.s32 s0, $0x0;
	(v2sf) =	vpush v51, $0xF;
	p6 =	sgt.s32 s9, $0x0;
	(xrf0) =	vmax.scan.msk.u32 $0xffff, v7;
	v7 =	vxor.u32 $0x80000000, v53;
	v56, _, _ =	vpop (xrf0)  }
0x342: {  	s10 =	spop (v2sf);
	p2 =	por !p6, !p1;
	v57, _, _ =	vpop (xrf0);
	(xrf0) =	vmax.scan.msk.u32 $0xffff, v7;
	v7 =	vxor.u32 $0x80000000, v55  }
0x343: {  	(v2sf) =	vpush v52, $0xF;
	p1 =	por !p2, !p2;
	s9 =	spop (v2sf);
	v58 =	vxor.u32 $0x80000000, v57;
	(xrf0) =	vmax.scan.msk.u32 $0xffff, v7  }
0x344: {  	s7 =	simm.s32 @!p1 $0x0;
	s0 =	simm.s32 @p1 $0x1;
	s12 =	sxor.u32 $0x80000000, s9;
	(xrf0) =	vmax.scan.msk.u32 $0xffff, v58  }
0x345: {  	(v2sf) =	vpush v54, $0xF;
	s7 =	simm.s32 @p1 $0x1;
	p1 =	seq.s32 s0, $0x0;
	p2 =	sgt.s32 s12, $0x0  }
0x346: {  	p1 =	por !p2, !p1  }
0x347: {  	s5 =	smov.u32 @p0 s2;
	s6 =	sadd.s32 s10, s6;
	(v2sf) =	vpush v56, $0xF;
	p0 =	por !p1, !p1;
	v7, _, _ =	vpop (xrf0)  }
0x348: {  	s1 =	sadd.s32 s11, s1;
	s10 =	sadd.s32 $0x80000000, s6;
	s2 =	simm.s32 @!p0 $0x0;
	(v2sf) =	vpush v7, $0xF;
	v7, _, _ =	vpop (xrf0)  }
0x349: {  	[smem:$0x7FC] =	sst s7;
	s7 =	spop (v2sf);
	s2 =	simm.s32 @p0 $0x1;
	(v2sf) =	vpush v7, $0xF;
	v7, _, _ =	vpop (xrf0)  }
0x34a: {  	v59 =	vadd.s32 s10, v14;
	s0 =	simm.s32 @p0 $0x1;
	s6 =	spop (v2sf);
	[smem:$0x7FD] =	sst s2;
	v60, _, _ =	vpop (xrf0);
	(v2sf) =	vpush v7, $0xF  }
0x34b: {  	vm10 =	vgt.s32 v59, $0x3F;
	s12 =	spop (v2sf);
	s2 =	sadd.s32 $0x10, s30;
	s30 =	sld [smem:$0x7FB];
	(v2sf) =	vpush v60, $0xF  }
0x34c: {  	v10 =	vmpcnt.ones.xlane vm10;
	p6 =	seq.s32 s0, $0x0;
	s12 =	sadd.s32 s12, s10;
	s10 =	sxor.u32 $0x80000000, s7  }
0x34d: {  	s12 =	sadd.s32 $0x80000000, s12;
	p0 =	sgt.s32 s10, $0x0;
	s10 =	sadd.s32 s11, s28  }
0x34e: {  	v10 =	vxor.u32 $0x80000000, v10;
	s28 =	sxor.u32 $0x80000000, s6;
	v7 =	vsub.s32 v11, v21;
	p2 =	seq.s32 s30, $0x1;
	p1 =	por !p6, !p0  }
0x34f: {  	(xrf0) =	vmax.scan.msk.u32 $0xffff, v10;
	s10 =	sadd.s32 $0x30, s10;
	v7 =	vadd.s32 s12, v7;
	s5 =	smov.u32 @p2 s2;
	s2 =	sadd.s32 s8, s29  }
0x350: {  	s30 =	spop (v2sf);
	p1 =	por !p1, !p1;
	p2 =	sgt.s32 s28, $0x0;
	vm11 =	vgt.s32 v7, $0x3F;
	v7 =	vadd.s32 s12, v8  }
0x351: {  	s5 =	smov.u32 @p5 s2;
	s0 =	simm.s32 @p1 $0x1;
	s8 =	sxor.u32 $0x80000000, s30;
	v8 =	vmpcnt.ones.xlane vm11;
	v7 =	vsub.s32 v7, v19  }
0x352: {  	s2 =	spop (v2sf);
	p0 =	seq.s32 s0, $0x0;
	s5 =	smov.u32 @p4 s10;
	v7 =	vadd.s32 s8, v7  }
0x353: {  	s10 =	sadd.s32 s11, s3;
	s8 =	sadd.s32 s12, s8;
	p5 =	por !p2, !p0;
	v8 =	vxor.u32 $0x80000000, v8  }
0x354: {  	s30 =	spop (v2sf);
	s12 =	sxor.u32 $0x80000000, s2;
	vm12 =	vgt.s32 v7, $0x3F;
	p4 =	por !p5, !p5;
	(xrf0) =	vmax.scan.msk.u32 $0xffff, v8  }
0x355: {  	s8 =	sadd.s32 s30, s8;
	p0 =	sgt.s32 s12, $0x0;
	v8 =	vmpcnt.ones.xlane vm12;
	s0 =	simm.s32 @p4 $0x1;
	v7, _, _ =	vpop (xrf0)  }
0x356: {  	v61 =	vsub.s32 v9, v43;
	s8 =	sadd.s32 $0x80000000, s8;
	s30 =	spop (v2sf);
	p6 =	seq.s32 s0, $0x0;
	(v2sf) =	vpush v7, $0xF  }
0x357: {  	v7 =	vadd.s32 s8, v61;
	v8 =	vxor.u32 $0x80000000, v8;
	s8 =	sadd.s32 s30, s8;
	p5 =	por !p0, !p6;
	s28 =	spop (v2sf)  }
0x358: {  	vm13 =	vgt.s32 v7, $0x3F;
	(xrf0) =	vmax.scan.msk.u32 $0xffff, v8;
	p5 =	por !p5, !p5;
	s12 =	sadd.s32 $0x80000000, s8;
	s8 =	spop (v2sf)  }
0x359: {  	v7 =	vmpcnt.ones.xlane vm13;
	s0 =	simm.s32 @p5 $0x1;
	s29 =	sxor.u32 $0x80000000, s28;
	s3 =	spop (v2sf)  }
0x35a: {  	v8 =	vsub.s32 v16, v48;
	p0 =	seq.s32 s0, $0x0;
	v62, _, _ =	vpop (xrf0);
	p2 =	sgt.s32 s29, $0x0;
	s29 =	spop (v2sf)  }
0x35b: {  	s10 =	sadd.s32 $0x20, s10;
	v8 =	vadd.s32 s12, v8;
	v7 =	vxor.u32 $0x80000000, v7;
	(v2sf) =	vpush v62, $0xF;
	p2 =	por !p2, !p0;
	s12 =	sadd.s32 s29, s12  }
0x35c: {  	s5 =	smov.u32 @p3 s10;
	vm14 =	vgt.s32 v8, $0x3F;
	v8 =	vsub.s32 v44, v57;
	(xrf0) =	vmax.scan.msk.u32 $0xffff, v7;
	p3 =	por !p2, !p2;
	s12 =	sadd.s32 $0x80000000, s12  }
0x35d: {  	v7 =	vmpcnt.ones.xlane vm14;
	s30 =	sxor.u32 $0x80000000, s8;
	s0 =	simm.s32 @p3 $0x1;
	v8 =	vadd.s32 s12, v8;
	s12 =	sld [smem:$0x7FC]  }
0x35e: {  	s1 =	sadd.s32 $0x10, s1;
	v63, _, _ =	vpop (xrf0);
	p2 =	sgt.s32 s30, $0x0;
	p6 =	seq.s32 s0, $0x0  }
0x35f: {  	v7 =	vxor.u32 $0x80000000, v7;
	(v2sf) =	vpush v63, $0xF;
	s30 =	sld [smem:$0x7FD];
	s10 =	sxor.u32 $0x80000000, s3;
	p2 =	por !p6, !p2  }
0x360: {  	(xrf0) =	vmax.scan.msk.u32 $0xffff, v7;
	s29 =	rddreg [dreg:$0x5];
	vm15 =	vgt.s32 v8, $0x3F;
	p2 =	por !p2, !p2;
	p0 =	seq.s32 s12, $0x1  }
0x361: {  	p6 =	sgt.s32 s10, $0x0;
	v7 =	vmpcnt.ones.xlane vm15;
	s0 =	simm.s32 @p2 $0x1;
	s5 =	smov.u32 @p0 s1  }
0x362: {  	v8, _, _ =	vpop (xrf0);
	s1 =	sadd.s32 s11, s9;
	s9 =	sadd.s32 $0xFFFFFFC0, s11;
	p0 =	seq.s32 s30, $0x1  }
0x363: {  	(v2sf) =	vpush v8, $0xF;
	v7 =	vxor.u32 $0x80000000, v7;
	s5 =	smov.u32 @p0 s1;
	s7 =	sadd.s32 s9, s7;
	p0 =	seq.s32 s0, $0x0  }
0x364: {  	(xrf0) =	vmax.scan.msk.u32 $0xffff, v7;
	s12 =	sadd.s32 s9, s6;
	s2 =	sadd.s32 s9, s2;
	s1 =	sadd.s32 $0x30, s7  }
0x365: {  	p0 =	por !p6, !p0;
	s7 =	spop (v2sf);
	s5 =	smov.u32 @p1 s1  }
0x366: {  	p0 =	por !p0, !p0;
	s11 =	sxor.u32 $0x80000000, s7;
	v7, _, _ =	vpop (xrf0);
	s1 =	sadd.s32 $0x20, s12  }
0x367: {  	p1 =	sgt.s32 s11, $0x0;
	s0 =	simm.s32 @p0 $0x1;
	(v2sf) =	vpush v7, $0xF;
	s5 =	smov.u32 @p4 s1  }
0x368: {  	s1 =	sadd.s32 $0x10, s2;
	s2 =	sadd.s32 s9, s28;
	p6 =	seq.s32 s0, $0x0  }
0x369: {  	s9 =	sadd.s32 $0xFFFFFFC0, s9;
	s28 =	smov.u32 s24;
	p1 =	por !p1, !p6  }
0x36a: {  	s5 =	smov.u32 @p5 s1;
	s1 =	spop (v2sf);
	p1 =	por !p1, !p1;
	v7, _, _ =	vpop (xrf0)  }
0x36b: {  	s24 =	rddreg [dreg:$0x7];
	s30 =	sxor.u32 $0x80000000, s1;
	s0 =	simm.s32 @p1 $0x1;
	(v2sf) =	vpush v7, $0xF  }
0x36c: {  	s8 =	sadd.s32 s9, s8;
	p6 =	sgt.s32 s30, $0x0;
	p5 =	seq.s32 s0, $0x0  }
0x36d: {  	s3 =	sadd.s32 s9, s3;
	s11 =	sadd.s32 s9, s7;
	p4 =	por !p6, !p5  }
0x36e: {  	s5 =	smov.u32 @p3 s2;
	s6 =	spop (v2sf);
	p3 =	por !p4, !p4  }
0x36f: {  	s2 =	sadd.s32 $0x30, s8;
	s10 =	sxor.u32 $0x80000000, s6;
	s0 =	simm.s32 @p3 $0x1  }
0x370: {  	s3 =	sadd.s32 $0x20, s3;
	p6 =	sgt.s32 s10, $0x0;
	p5 =	seq.s32 s0, $0x0  }
0x371: {  	s8 =	sadd.s32 $0xFFFFFFC0, s9;
	s5 =	smov.u32 @p2 s2;
	p2 =	por !p5, !p6  }
0x372: {  	s5 =	smov.u32 @p0 s3;
	s12 =	spop (v2sf);
	p0 =	por !p2, !p2  }
0x373: {  	s1 =	sadd.s32 s9, s1;
	s30 =	sxor.u32 $0x80000000, s12;
	s0 =	simm.s32 @p0 $0x1  }
0x374: {  	s2 =	sadd.s32 $0x10, s11;
	p2 =	seq.s32 s0, $0x0;
	p4 =	sgt.s32 s30, $0x0  }
0x375: {  	s5 =	smov.u32 @p1 s2;
	s6 =	sadd.s32 s8, s6;
	p1 =	por !p4, !p2  }
0x376: {  	s6 =	sadd.s32 $0x30, s6;
	p1 =	por !p1, !p1;
	s10 =	spop (v2sf)  }
0x377: {  	s5 =	smov.u32 @p3 s1;
	s0 =	simm.s32 @p1 $0x1;
	s11 =	sxor.u32 $0x80000000, s10  }
0x378: {  	s3 =	sadd.s32 s8, s12;
	p5 =	seq.s32 s0, $0x0;
	p6 =	sgt.s32 s11, $0x0  }
0x379: {  	s5 =	smov.u32 @p0 s6;
	s3 =	sadd.s32 $0x20, s3;
	p3 =	por !p6, !p5  }
0x37a: {  	s1 =	sadd.s32 s8, s10;
	p0 =	por !p3, !p3;
	s12 =	spop (v2sf)  }
0x37b: {  	s5 =	smov.u32 @p1 s3;
	s0 =	simm.s32 @p0 $0x1;
	s30 =	sxor.u32 $0x80000000, s12  }
0x37c: {  	p4 =	seq.s32 s0, $0x0;
	p5 =	sgt.s32 s30, $0x0;
	s0 =	sadd.s32 $0x10, s1  }
0x37d: {  	s11 =	simm.s32 $0x40;
	p6 =	por !p5, !p4;
	s5 =	smov.u32 @p0 s0  }
0x37e: {  	s0 =	sadd.s32 s8, s12;
	s8 =	simm.s32 $0x70;
	p0 =	por !p6, !p6  }
0x37f: {  	s12 =	smov.u32 s13;
	s13 =	smov.u32 s14;
	s5 =	smov.u32 @p0 s0  }
0x380: {  	s14 =	rddreg [dreg:$0x3];
	s0 =	simm.s32 $0x0;
	v7 =	vmov s5;
	s5 =	simm.s32 $0xFFFFFFF8  }
.LBB2_21:
0x381: {  	v8 =	vld [tilespmem:s11+$0xFFFFFFC0];
	_ =	sdelay $0x4  }
0x382: {  	v9 =	vshra.s32 v8, $0x1F  }
0x383: {  	v9 =	vand.u32 $0x7FFFFFFF, v9  }
0x384: {  	v8 =	vxor.u32 v8, v9  }
0x385: {  	v9 =	vshra.s32 v8, $0x14  }
0x386: {  	v9 =	vadd.s32 $0x800, v9  }
0x387: {  	vm0 =	vge.s32 v9, v7  }
0x388: {  	v9 =	vsel vm0, $0x1, v1  }
0x389: {  	(xrf0) =	vadd.scan.msk.s32 $0xffff, v9;
	_ =	sdelay $0x4  }
0x38a: {  	v34 =	vsel vm0, $0xFFFFFFFF, v1  }
0x38b: {  	v9 =	vadd.s32 s0, v34;
	v10, _, _ =	vpop (xrf0)  }
0x38c: {  	v9 =	vadd.s32 v10, v9  }
0x38d: {  	vm1 =	vlt.s32 v9, $0x200  }
0x38e: {  	v35 =	vmpcnt.ones.xlane vm0;
	vm0 =	vmand vm0, vm1;
	_ =	sdelay $0x1  }
0x38f: {  	v10 =	vxor.u32 $0x80000000, v35  }
0x390: {  	(xrf0) =	vmax.scan.msk.u32 $0xffff, v10;
	_ =	sdelay $0x1  }
0x391: {  	s1 =	sadd.s32 $0xFFFFFF90, s8  }
0x392: {  	[tilespmem:v9+s17+$0x0] =	vst.idx.msk vm0, v8;
	v8 =	vor.u32 s1, v5;
	_ =	sdelay $0x2  }
0x393: {  	[tilespmem:v9+s18+$0x0] =	vst.idx.msk vm0, v8;
	v8, _, _ =	vpop (xrf0)  }
0x394: {  	(v2sf) =	vpush v8, $0xF;
	v8 =	vld [tilespmem:s11+$0xFFFFFFD0];
	_ =	sdelay $0x4  }
0x395: {  	v36 =	vshra.s32 v8, $0x1F  }
0x396: {  	v9 =	vand.u32 $0x7FFFFFFF, v36  }
0x397: {  	v8 =	vxor.u32 v8, v9  }
0x398: {  	v9 =	vshra.s32 v8, $0x14  }
0x399: {  	v9 =	vadd.s32 $0x800, v9  }
0x39a: {  	vm14 =	vge.s32 v9, v7  }
0x39b: {  	v9 =	vsel vm14, $0x1, v1  }
0x39c: {  	(xrf0) =	vadd.scan.msk.s32 $0xffff, v9;
	_ =	sdelay $0x2  }
0x39d: {  	s30 =	spop (v2sf)  }
0x39e: {  	s2 =	sadd.s32 s30, s0  }
0x39f: {  	v37 =	vsel vm14, $0xFFFFFFFF, v1;
	s0 =	sadd.s32 $0x80000000, s2  }
0x3a0: {  	v38, _, _ =	vpop (xrf0);
	v9 =	vadd.s32 s0, v37  }
0x3a1: {  	v9 =	vadd.s32 v38, v9  }
0x3a2: {  	vm15 =	vlt.s32 v9, $0x200  }
0x3a3: {  	v39 =	vmpcnt.ones.xlane vm14;
	vm0 =	vmand vm14, vm15;
	_ =	sdelay $0x1  }
0x3a4: {  	v10 =	vxor.u32 $0x80000000, v39  }
0x3a5: {  	(xrf0) =	vmax.scan.msk.u32 $0xffff, v10;
	_ =	sdelay $0x1  }
0x3a6: {  	s3 =	sadd.s32 $0xFFFFFFA0, s8  }
0x3a7: {  	[tilespmem:v9+s17+$0x0] =	vst.idx.msk vm0, v8;
	v8 =	vor.u32 s3, v5;
	_ =	sdelay $0x2  }
0x3a8: {  	[tilespmem:v9+s18+$0x0] =	vst.idx.msk vm0, v8;
	v8, _, _ =	vpop (xrf0)  }
0x3a9: {  	(v2sf) =	vpush v8, $0xF;
	v8 =	vld [tilespmem:s11+$0xFFFFFFE0];
	_ =	sdelay $0x4  }
0x3aa: {  	v40 =	vshra.s32 v8, $0x1F  }
0x3ab: {  	v9 =	vand.u32 $0x7FFFFFFF, v40  }
0x3ac: {  	v8 =	vxor.u32 v8, v9  }
0x3ad: {  	v9 =	vshra.s32 v8, $0x14  }
0x3ae: {  	v9 =	vadd.s32 $0x800, v9  }
0x3af: {  	vm4 =	vge.s32 v9, v7  }
0x3b0: {  	v9 =	vsel vm4, $0x1, v1  }
0x3b1: {  	(xrf0) =	vadd.scan.msk.s32 $0xffff, v9;
	_ =	sdelay $0x2  }
0x3b2: {  	s6 =	spop (v2sf)  }
0x3b3: {  	s0 =	sadd.s32 s6, s0  }
0x3b4: {  	v41 =	vsel vm4, $0xFFFFFFFF, v1;
	s0 =	sadd.s32 $0x80000000, s0  }
0x3b5: {  	v42, _, _ =	vpop (xrf0);
	v9 =	vadd.s32 s0, v41  }
0x3b6: {  	v9 =	vadd.s32 v42, v9  }
0x3b7: {  	vm5 =	vlt.s32 v9, $0x200  }
0x3b8: {  	v43 =	vmpcnt.ones.xlane vm4;
	vm0 =	vmand vm4, vm5;
	_ =	sdelay $0x1  }
0x3b9: {  	v10 =	vxor.u32 $0x80000000, v43  }
0x3ba: {  	(xrf0) =	vmax.scan.msk.u32 $0xffff, v10;
	_ =	sdelay $0x1  }
0x3bb: {  	s7 =	sadd.s32 $0xFFFFFFB0, s8  }
0x3bc: {  	[tilespmem:v9+s17+$0x0] =	vst.idx.msk vm0, v8;
	v8 =	vor.u32 s7, v5;
	_ =	sdelay $0x2  }
0x3bd: {  	[tilespmem:v9+s18+$0x0] =	vst.idx.msk vm0, v8;
	v8, _, _ =	vpop (xrf0)  }
0x3be: {  	(v2sf) =	vpush v8, $0xF;
	v8 =	vld [tilespmem:s11+$0xFFFFFFF0];
	_ =	sdelay $0x4  }
0x3bf: {  	v44 =	vshra.s32 v8, $0x1F  }
0x3c0: {  	v9 =	vand.u32 $0x7FFFFFFF, v44  }
0x3c1: {  	v8 =	vxor.u32 v8, v9  }
0x3c2: {  	v9 =	vshra.s32 v8, $0x14  }
0x3c3: {  	v9 =	vadd.s32 $0x800, v9  }
0x3c4: {  	vm6 =	vge.s32 v9, v7  }
0x3c5: {  	v9 =	vsel vm6, $0x1, v1  }
0x3c6: {  	(xrf0) =	vadd.scan.msk.s32 $0xffff, v9;
	_ =	sdelay $0x2  }
0x3c7: {  	s9 =	spop (v2sf)  }
0x3c8: {  	s0 =	sadd.s32 s9, s0  }
0x3c9: {  	v45 =	vsel vm6, $0xFFFFFFFF, v1;
	s0 =	sadd.s32 $0x80000000, s0  }
0x3ca: {  	v46, _, _ =	vpop (xrf0);
	v9 =	vadd.s32 s0, v45  }
0x3cb: {  	v9 =	vadd.s32 v46, v9  }
0x3cc: {  	vm7 =	vlt.s32 v9, $0x200  }
0x3cd: {  	v47 =	vmpcnt.ones.xlane vm6;
	vm0 =	vmand vm6, vm7;
	_ =	sdelay $0x1  }
0x3ce: {  	v10 =	vxor.u32 $0x80000000, v47  }
0x3cf: {  	(xrf0) =	vmax.scan.msk.u32 $0xffff, v10;
	_ =	sdelay $0x1  }
0x3d0: {  	s10 =	sadd.s32 $0xFFFFFFC0, s8  }
0x3d1: {  	[tilespmem:v9+s17+$0x0] =	vst.idx.msk vm0, v8;
	v8 =	vor.u32 s10, v5;
	_ =	sdelay $0x2  }
0x3d2: {  	[tilespmem:v9+s18+$0x0] =	vst.idx.msk vm0, v8;
	v8, _, _ =	vpop (xrf0)  }
0x3d3: {  	(v2sf) =	vpush v8, $0xF;
	v8 =	vld [tilespmem:s11+$0x0];
	_ =	sdelay $0x4  }
0x3d4: {  	v48 =	vshra.s32 v8, $0x1F  }
0x3d5: {  	v9 =	vand.u32 $0x7FFFFFFF, v48  }
0x3d6: {  	v8 =	vxor.u32 v8, v9  }
0x3d7: {  	v9 =	vshra.s32 v8, $0x14  }
0x3d8: {  	v9 =	vadd.s32 $0x800, v9  }
0x3d9: {  	vm8 =	vge.s32 v9, v7  }
0x3da: {  	v9 =	vsel vm8, $0x1, v1  }
0x3db: {  	(xrf0) =	vadd.scan.msk.s32 $0xffff, v9;
	_ =	sdelay $0x2  }
0x3dc: {  	s30 =	spop (v2sf)  }
0x3dd: {  	s0 =	sadd.s32 s30, s0  }
0x3de: {  	v49 =	vsel vm8, $0xFFFFFFFF, v1;
	s0 =	sadd.s32 $0x80000000, s0  }
0x3df: {  	v50, _, _ =	vpop (xrf0);
	v9 =	vadd.s32 s0, v49  }
0x3e0: {  	v9 =	vadd.s32 v50, v9  }
0x3e1: {  	vm9 =	vlt.s32 v9, $0x200  }
0x3e2: {  	v51 =	vmpcnt.ones.xlane vm8;
	vm0 =	vmand vm8, vm9;
	_ =	sdelay $0x1  }
0x3e3: {  	v10 =	vxor.u32 $0x80000000, v51  }
0x3e4: {  	(xrf0) =	vmax.scan.msk.u32 $0xffff, v10;
	_ =	sdelay $0x1  }
0x3e5: {  	s2 =	sadd.s32 $0xFFFFFFD0, s8  }
0x3e6: {  	[tilespmem:v9+s17+$0x0] =	vst.idx.msk vm0, v8;
	v8 =	vor.u32 s2, v5;
	_ =	sdelay $0x2  }
0x3e7: {  	[tilespmem:v9+s18+$0x0] =	vst.idx.msk vm0, v8;
	v8, _, _ =	vpop (xrf0)  }
0x3e8: {  	(v2sf) =	vpush v8, $0xF;
	v8 =	vld [tilespmem:s11+$0x10];
	_ =	sdelay $0x4  }
0x3e9: {  	v52 =	vshra.s32 v8, $0x1F  }
0x3ea: {  	v9 =	vand.u32 $0x7FFFFFFF, v52  }
0x3eb: {  	v8 =	vxor.u32 v8, v9  }
0x3ec: {  	v9 =	vshra.s32 v8, $0x14  }
0x3ed: {  	v9 =	vadd.s32 $0x800, v9  }
0x3ee: {  	vm10 =	vge.s32 v9, v7  }
0x3ef: {  	v9 =	vsel vm10, $0x1, v1  }
0x3f0: {  	(xrf0) =	vadd.scan.msk.s32 $0xffff, v9;
	_ =	sdelay $0x2  }
0x3f1: {  	s3 =	spop (v2sf)  }
0x3f2: {  	s0 =	sadd.s32 s3, s0  }
0x3f3: {  	v53 =	vsel vm10, $0xFFFFFFFF, v1;
	s0 =	sadd.s32 $0x80000000, s0  }
0x3f4: {  	v54, _, _ =	vpop (xrf0);
	v9 =	vadd.s32 s0, v53  }
0x3f5: {  	v9 =	vadd.s32 v54, v9  }
0x3f6: {  	vm11 =	vlt.s32 v9, $0x200  }
0x3f7: {  	v55 =	vmpcnt.ones.xlane vm10;
	vm0 =	vmand vm10, vm11;
	_ =	sdelay $0x1  }
0x3f8: {  	v10 =	vxor.u32 $0x80000000, v55  }
0x3f9: {  	(xrf0) =	vmax.scan.msk.u32 $0xffff, v10;
	_ =	sdelay $0x1  }
0x3fa: {  	s6 =	sadd.s32 $0xFFFFFFE0, s8  }
0x3fb: {  	[tilespmem:v9+s17+$0x0] =	vst.idx.msk vm0, v8;
	v8 =	vor.u32 s6, v5;
	_ =	sdelay $0x2  }
0x3fc: {  	[tilespmem:v9+s18+$0x0] =	vst.idx.msk vm0, v8;
	v8, _, _ =	vpop (xrf0)  }
0x3fd: {  	(v2sf) =	vpush v8, $0xF;
	v8 =	vld [tilespmem:s11+$0x20];
	_ =	sdelay $0x4  }
0x3fe: {  	v56 =	vshra.s32 v8, $0x1F  }
0x3ff: {  	v9 =	vand.u32 $0x7FFFFFFF, v56  }
0x400: {  	v8 =	vxor.u32 v8, v9  }
0x401: {  	v9 =	vshra.s32 v8, $0x14  }
0x402: {  	v9 =	vadd.s32 $0x800, v9  }
0x403: {  	vm12 =	vge.s32 v9, v7  }
0x404: {  	v9 =	vsel vm12, $0x1, v1  }
0x405: {  	(xrf0) =	vadd.scan.msk.s32 $0xffff, v9;
	_ =	sdelay $0x2  }
0x406: {  	s7 =	spop (v2sf)  }
0x407: {  	s0 =	sadd.s32 s7, s0  }
0x408: {  	v57 =	vsel vm12, $0xFFFFFFFF, v1;
	s0 =	sadd.s32 $0x80000000, s0  }
0x409: {  	v58, _, _ =	vpop (xrf0);
	v9 =	vadd.s32 s0, v57  }
0x40a: {  	v9 =	vadd.s32 v58, v9  }
0x40b: {  	vm13 =	vlt.s32 v9, $0x200  }
0x40c: {  	vm1 =	vmand vm12, vm13;
	_ =	sdelay $0x4  }
0x40d: {  	s9 =	sadd.s32 $0xFFFFFFF0, s8  }
0x40e: {  	[tilespmem:v9+s17+$0x0] =	vst.idx.msk vm1, v8;
	v8 =	vor.u32 s9, v5  }
0x40f: {  	[tilespmem:v9+s18+$0x0] =	vst.idx.msk vm1, v8  }
0x410: {  	v8 =	vmpcnt.ones.xlane vm12;
	v9 =	vld [tilespmem:s11+$0x30];
	_ =	sdelay $0x1  }
0x411: {  	v8 =	vxor.u32 $0x80000000, v8  }
0x412: {  	(xrf0) =	vmax.scan.msk.u32 $0xffff, v8;
	_ =	sdelay $0x1  }
0x413: {  	v8 =	vshra.s32 v9, $0x1F  }
0x414: {  	v8 =	vand.u32 $0x7FFFFFFF, v8  }
0x415: {  	v8 =	vxor.u32 v9, v8  }
0x416: {  	v9 =	vshra.s32 v8, $0x14  }
0x417: {  	v59, _, _ =	vpop (xrf0);
	v9 =	vadd.s32 $0x800, v9  }
0x418: {  	(v2sf) =	vpush v59, $0xF;
	vm14 =	vge.s32 v9, v7  }
0x419: {  	v9 =	vmpcnt.ones.xlane vm14  }
0x41a: {  	v60 =	vsel vm14, $0x1, v1  }
0x41b: {  	(xrf0) =	vadd.scan.msk.s32 $0xffff, v60;
	v9 =	vxor.u32 $0x80000000, v9  }
0x41c: {  	(xrf0) =	vmax.scan.msk.u32 $0xffff, v9;
	_ =	sdelay $0x4  }
0x41d: {  	v61, _, _ =	vpop (xrf0)  }
0x41e: {  	v62, _, _ =	vpop (xrf0)  }
0x41f: {  	(v2sf) =	vpush v62, $0xF;
	_ =	sdelay $0x3  }
0x420: {  	s10 =	spop (v2sf)  }
0x421: {  	s0 =	sadd.s32 s10, s0  }
0x422: {  	v63 =	vsel vm14, $0xFFFFFFFF, v1;
	s0 =	sadd.s32 $0x80000000, s0  }
0x423: {  	v10 =	vadd.s32 s0, v63  }
0x424: {  	v9 =	vadd.s32 v61, v10  }
0x425: {  	vm15 =	vlt.s32 v9, $0x200  }
0x426: {  	vm0 =	vmand vm14, vm15  }
0x427: {  	s5 =	sadd.s32 $0x8, s5  }
0x428: {  	p0 =	slt.u32 s5, $0x7F8  }
.Ltmp15:
0x429: {  	_ = 	snop;
	(pc) =	sbr.rel @p0 .LBB2_21-.Ltmp15, $4  }
0x42a: {  	_ = 	snop  }
0x42b: {  	s30 =	spop (v2sf)  }
0x42c: {  	[tilespmem:v9+s17+$0x0] =	vst.idx.msk vm0, v8;
	v8 =	vor.u32 s8, v5;
	s0 =	sadd.s32 s30, s0  }
0x42d: {  	s11 =	sadd.s32 $0x80, s11;
	s8 =	sadd.s32 $0x80, s8;
	[tilespmem:v9+s18+$0x0] =	vst.idx.msk vm0, v8;
	s0 =	sadd.s32 $0x80000000, s0  }
.LBB2_22:
0x42e: {  	s1 =	sadd.s32 s28, s31;
	p0 =	seq.s32 s31, $0x3  }
0x42f: {  	s2 =	sadd.s32 @!p0 $0x1, s1  }
0x430: {  	s3 =	sshll.u32 @!p0 s2, $0x4  }
0x431: {  	s5 =	simm.s32 @!p0 $0x400;
	s2 =	sshll.u32 @!p0 s2, $0xC;
	s3 =	sand.u32 @!p0 $0x70, s3  }
0x432: {  	s6 =	simm.s32 @!p0 $0x0;
	s2 =	sand.u32 @!p0 $0xFFF8000, s2;
	s3 =	sadd.s32 @!p0 s12, s3  }
0x433: {  	p1 =	seq.s32 @!p0 s31, $0x0;
	s2 =	sadd.s32 @!p0 s2, s3;
	s3 =	simm.s32 @!p0 $0x80  }
0x434: {  	[tilespmem:s6], [sflag:$0x1] =	stream.strided.gather @!p0 [hbm4b:s2+s3], $0x8000, s5, s3, $0x38;
	[tilespmem:$0x1A500] =	vst v63  }
0x435: {  	p0 =	por p0, !p1  }
0x436: {  	s2 =	simm.s32 @p0 $0x2  }
0x437: {  	_ =	swait.ge @p0 [sflag:s2], $0x8000  }
0x438: {  	[sflag:s2] =	ssyncset.done @p0 $0x0  }
0x439: {  	[sflag:s2] =	ssyncadd.s32 @p0 $0xFFFF8000;
	s2 =	simm.s32 @p0 $0x3  }
0x43a: {  	_ =	swait.ge @p0 [sflag:s2], $0x8000  }
0x43b: {  	[sflag:s2] =	ssyncset.done @p0 $0x0  }
0x43c: {  	[sflag:s2] =	ssyncadd.s32 @p0 $0xFFFF8000  }
0x43d: {  	v7 =	vld @p0 [tilespmem:$0x1A480];
	_ =	sdelay $0x7  }
0x43e: {  	[tilespmem:v7+s25+$0x0] =	vst.idx.msk @p0 $0xffff, v0  }
0x43f: {  	[tilespmem:v7+s26+$0x0] =	vst.idx.msk @p0 $0xffff, v1  }
0x440: {  	v7 =	vld @p0 [tilespmem:$0x1A490];
	_ =	sdelay $0x7  }
0x441: {  	[tilespmem:v7+s25+$0x0] =	vst.idx.msk @p0 $0xffff, v0  }
0x442: {  	[tilespmem:v7+s26+$0x0] =	vst.idx.msk @p0 $0xffff, v1  }
0x443: {  	v7 =	vld @p0 [tilespmem:$0x1A4A0];
	_ =	sdelay $0x7  }
0x444: {  	[tilespmem:v7+s25+$0x0] =	vst.idx.msk @p0 $0xffff, v0  }
0x445: {  	[tilespmem:v7+s26+$0x0] =	vst.idx.msk @p0 $0xffff, v1  }
0x446: {  	v7 =	vld @p0 [tilespmem:$0x1A4B0];
	_ =	sdelay $0x7  }
0x447: {  	[tilespmem:v7+s25+$0x0] =	vst.idx.msk @p0 $0xffff, v0  }
0x448: {  	[tilespmem:v7+s26+$0x0] =	vst.idx.msk @p0 $0xffff, v1;
	p0 =	slt.s32 s0, $0x200  }
0x449: {  	p5 =	slt.s32 s0, $0xFFFFFFF2;
	s0 =	simm.s32 @!p0 $0x200  }
0x44a: {  	s10 =	sadd.s32 $0xF, s0  }
0x44b: {  	s11 =	sand.u32 $0xF, s10  }
0x44c: {  	s30 =	sshra.s32 s10, $0x1F;
	p6 =	sne.s32 s11, $0x0  }
0x44d: {  	s3 =	sshrl.u32 s30, $0x1C;
	p0 =	por !p5, !p6  }
0x44e: {  	s2 =	sadd.s32 s3, s10;
	s3 =	simm.s32 $0x1;
	p0 =	por !p0, !p0  }
0x44f: {  	[tilespmem:$0x18000] =	vst v1;
	s2 =	sshra.s32 s2, $0x4;
	s3 =	simm.s32 @!p0 $0x0  }
0x450: {  	[tilespmem:$0x18010] =	vst v1;
	s11 =	ssub.s32 s2, s3  }
0x451: {  	[tilespmem:$0x18020] =	vst v1;
	p1 =	slt.s32 s11, $0x1  }
.Ltmp16:
0x452: {  	[tilespmem:$0x18030] =	vst v1;
	(pc) =	sbr.rel @p1 .LBB2_29-.Ltmp16, $4  }
0x453: {  	[tilespmem:$0x18040] =	vst v1  }
0x454: {  	[tilespmem:$0x18050] =	vst v1  }
0x455: {  	[tilespmem:$0x18060] =	vst v1  }
0x456: {  	[tilespmem:$0x18070] =	vst v1;
	v7 =	vmov s0;
	p0 =	sne.s32 s11, $0x1  }
.Ltmp17:
0x457: {  	(pc) =	sbr.rel @!p0 .LBB2_24-.Ltmp17, $3  }
0x458: {  	_ =	sdelay $0x1  }
0x459: {  	s2 =	simm.s32 $0x19C00  }
0x45a: {  	s0 =	simm.s32 $0x0;
	p2 =	por $0x0, $0x0;
	v8 =	vld [tilespmem:s2+$0x0];
	s2 =	sadd.s32 $0xFFFFFFFF, s11  }
0x45b: {  	_ =	sdelay $0x3  }
0x45c: {  	v8 =	vadd.s32 $0xBFD147AE, v8  }
0x45d: {  	v8 =	vshra.s32 v8, $0x11  }
0x45e: {  	v9 =	vor.u32 s0, v5;
	vm0 =	vgt.s32 v8, $0x0  }
0x45f: {  	vm1 =	vlt.s32 v9, v7;
	v8 =	vnsel vm0, $0x0, v8  }
0x460: {  	v8 =	vmin.u32 v8, $0x7F  }
0x461: {  	p3 =	sne.s32 s2, $0x1  }
.Ltmp18:
0x462: {  	_ = 	snop;
	(pc) =	sbr.rel @!p3 .LBB2_26-.Ltmp18, $3  }
0x463: {  	_ =	sdelay $0x1  }
0x464: {  	s3 =	simm.s32 $0x19C10;
	[tilespmem:v8+s19+$0x0] =	vst.idx.add.s32.msk vm1, v6  }
0x465: {  	s5 =	sadd.s32 $0xFFFFFFFF, s2;
	p2 =	por $0x1, $0x1;
	s2 =	simm.s32 $0x0;
	v8 =	vld [tilespmem:s3+$0x0]  }
.LBB2_27:
0x466: {  	p3 =	sne.s32 s5, $0x1;
	_ =	sdelay $0x3  }
0x467: {  	v8 =	vadd.s32 $0xBFD147AE, v8  }
0x468: {  	s2 =	sadd.s32 $0x10, s2;
	v8 =	vshra.s32 v8, $0x11  }
0x469: {  	v9 =	vor.u32 s2, v5;
	vm0 =	vgt.s32 v8, $0x0  }
0x46a: {  	vm1 =	vlt.s32 v9, v7;
	v8 =	vnsel vm0, $0x0, v8  }
0x46b: {  	v8 =	vmin.u32 v8, $0x7F;
	_ =	sdelay $0x1  }
.Ltmp19:
0x46c: {  	(pc) =	sbr.rel @p3 .LBB2_27-.Ltmp19, $3  }
0x46d: {  	_ =	sdelay $0x1  }
0x46e: {  	s3 =	sadd.s32 $0x10, s3;
	[tilespmem:v8+s19+$0x0] =	vst.idx.add.s32.msk vm1, v6  }
0x46f: {  	s5 =	sadd.s32 $0xFFFFFFFF, s5;
	v8 =	vld [tilespmem:s3+$0x0]  }
.LBB2_28:
0x470: {  	_ =	sdelay $0x3  }
0x471: {  	s2 =	sadd.s32 @p2 $0x10, s2;
	v8 =	vadd.s32 $0xBFD147AE, v8  }
0x472: {  	s0 =	smov.u32 @p2 s2;
	v8 =	vshra.s32 v8, $0x11  }
0x473: {  	v9 =	vor.u32 s0, v5;
	vm0 =	vgt.s32 v8, $0x0  }
0x474: {  	vm1 =	vlt.s32 v9, v7;
	v8 =	vnsel vm0, $0x0, v8  }
0x475: {  	v8 =	vmin.u32 v8, $0x7F;
	_ =	sdelay $0x4  }
0x476: {  	[tilespmem:v8+s19+$0x0] =	vst.idx.add.s32.msk vm1, v6  }
.LBB2_29:
0x477: {  	s0 =	sshll.u32 s1, $0x7;
	s2 =	simm.s32 $0x0  }
0x478: {  	s3 =	simm.s32 $0x8000006F;
	s6 =	simm.s32 $0x18070;
	s5 =	sand.u32 $0x380, s0  }
0x479: {  	s1 =	simm.s32 $0x0;
	s7 =	simm.s32 $0x0;
	s0 =	sor.u32 s24, s5  }
.LBB2_30:
0x47a: {  	v8 =	vld [tilespmem:s6+$0x0];
	_ =	sdelay $0x4  }
0x47b: {  	(xrf0) =	vadd.scan.msk.s32 $0xffff, v8;
	_ =	sdelay $0x5  }
0x47c: {  	v9, _, _ =	vpop (xrf0)  }
0x47d: {  	v10 =	vxor.u32 $0x80000000, v9  }
0x47e: {  	(xrf0) =	vmax.scan.msk.u32 $0xffff, v10;
	_ =	sdelay $0x5  }
0x47f: {  	v10, _, _ =	vpop (xrf0)  }
0x480: {  	(v2sf) =	vpush v10, $0xF;
	_ =	sdelay $0xe  }
0x481: {  	v8 =	vadd.s32 s7, v8;
	s8 =	spop (v2sf)  }
0x482: {  	v8 =	vsub.s32 v8, v9;
	s8 =	sxor.u32 $0x80000000, s8  }
0x483: {  	v8 =	vadd.s32 s8, v8  }
0x484: {  	vm0 =	vgt.s32 v8, $0x3F  }
0x485: {  	v8 =	vmpcnt.ones.xlane vm0;
	_ =	sdelay $0x1  }
0x486: {  	v8 =	vxor.u32 $0x80000000, v8  }
0x487: {  	(xrf0) =	vmax.scan.msk.u32 $0xffff, v8;
	_ =	sdelay $0x5  }
0x488: {  	v8, _, _ =	vpop (xrf0)  }
0x489: {  	(v2sf) =	vpush v8, $0xF;
	_ =	sdelay $0xe  }
0x48a: {  	s9 =	spop (v2sf)  }
0x48b: {  	s10 =	sxor.u32 $0x80000000, s9  }
0x48c: {  	p2 =	seq.s32 s2, $0x0;
	p3 =	sgt.s32 s10, $0x0  }
0x48d: {  	p2 =	por !p2, !p3  }
0x48e: {  	s9 =	sadd.s32 s3, s9;
	p2 =	por !p2, !p2  }
0x48f: {  	s1 =	smov.u32 @p2 s9;
	s2 =	simm.s32 @p2 $0x1;
	p2 =	sne.s32 s3, $0x7FFFFFFF  }
.Ltmp20:
0x490: {  	_ = 	snop;
	(pc) =	sbr.rel @p2 .LBB2_30-.Ltmp20, $2  }
0x491: {  	_ =	sdelay $0x2  }
0x492: {  	s6 =	sadd.s32 $0xFFFFFFF0, s6;
	s7 =	sadd.s32 s7, s8;
	s3 =	sadd.s32 $0xFFFFFFF0, s3  }
0x493: {  	[tilespmem:$0x1A000] =	vst v2  }
0x494: {  	[tilespmem:$0x1A200] =	vst v3  }
0x495: {  	[tilespmem:$0x1A010] =	vst v2  }
0x496: {  	[tilespmem:$0x1A210] =	vst v3  }
0x497: {  	[tilespmem:$0x1A020] =	vst v2  }
0x498: {  	[tilespmem:$0x1A220] =	vst v3  }
0x499: {  	[tilespmem:$0x1A030] =	vst v2  }
0x49a: {  	[tilespmem:$0x1A230] =	vst v3  }
0x49b: {  	[tilespmem:$0x1A040] =	vst v2  }
0x49c: {  	[tilespmem:$0x1A240] =	vst v3  }
0x49d: {  	[tilespmem:$0x1A050] =	vst v2  }
0x49e: {  	[tilespmem:$0x1A250] =	vst v3  }
0x49f: {  	[tilespmem:$0x1A060] =	vst v2  }
0x4a0: {  	[tilespmem:$0x1A260] =	vst v3  }
0x4a1: {  	[tilespmem:$0x1A070] =	vst v2  }
0x4a2: {  	[tilespmem:$0x1A270] =	vst v3  }
0x4a3: {  	[tilespmem:$0x1A080] =	vst v2  }
0x4a4: {  	[tilespmem:$0x1A280] =	vst v3  }
0x4a5: {  	[tilespmem:$0x1A090] =	vst v2  }
0x4a6: {  	[tilespmem:$0x1A290] =	vst v3  }
0x4a7: {  	[tilespmem:$0x1A0A0] =	vst v2  }
0x4a8: {  	[tilespmem:$0x1A2A0] =	vst v3  }
0x4a9: {  	[tilespmem:$0x1A0B0] =	vst v2  }
0x4aa: {  	[tilespmem:$0x1A2B0] =	vst v3  }
0x4ab: {  	[tilespmem:$0x1A0C0] =	vst v2  }
0x4ac: {  	[tilespmem:$0x1A2C0] =	vst v3  }
0x4ad: {  	[tilespmem:$0x1A0D0] =	vst v2  }
0x4ae: {  	[tilespmem:$0x1A2D0] =	vst v3  }
0x4af: {  	[tilespmem:$0x1A0E0] =	vst v2  }
0x4b0: {  	[tilespmem:$0x1A2E0] =	vst v3  }
0x4b1: {  	[tilespmem:$0x1A0F0] =	vst v2  }
0x4b2: {  	[tilespmem:$0x1A2F0] =	vst v3  }
0x4b3: {  	[tilespmem:$0x1A100] =	vst v2  }
0x4b4: {  	[tilespmem:$0x1A300] =	vst v3  }
0x4b5: {  	[tilespmem:$0x1A110] =	vst v2  }
0x4b6: {  	[tilespmem:$0x1A310] =	vst v3  }
0x4b7: {  	[tilespmem:$0x1A120] =	vst v2  }
0x4b8: {  	[tilespmem:$0x1A320] =	vst v3  }
0x4b9: {  	[tilespmem:$0x1A130] =	vst v2  }
0x4ba: {  	[tilespmem:$0x1A330] =	vst v3  }
0x4bb: {  	[tilespmem:$0x1A140] =	vst v2  }
0x4bc: {  	[tilespmem:$0x1A340] =	vst v3  }
0x4bd: {  	[tilespmem:$0x1A150] =	vst v2  }
0x4be: {  	[tilespmem:$0x1A350] =	vst v3  }
0x4bf: {  	[tilespmem:$0x1A160] =	vst v2  }
0x4c0: {  	[tilespmem:$0x1A360] =	vst v3  }
0x4c1: {  	[tilespmem:$0x1A170] =	vst v2  }
0x4c2: {  	[tilespmem:$0x1A370] =	vst v3  }
0x4c3: {  	[tilespmem:$0x1A180] =	vst v2  }
0x4c4: {  	[tilespmem:$0x1A380] =	vst v3  }
0x4c5: {  	[tilespmem:$0x1A190] =	vst v2  }
0x4c6: {  	[tilespmem:$0x1A390] =	vst v3  }
0x4c7: {  	[tilespmem:$0x1A1A0] =	vst v2  }
0x4c8: {  	[tilespmem:$0x1A3A0] =	vst v3  }
0x4c9: {  	[tilespmem:$0x1A1B0] =	vst v2  }
0x4ca: {  	[tilespmem:$0x1A3B0] =	vst v3  }
0x4cb: {  	[tilespmem:$0x1A1C0] =	vst v2  }
0x4cc: {  	[tilespmem:$0x1A3C0] =	vst v3  }
0x4cd: {  	[tilespmem:$0x1A1D0] =	vst v2  }
.Ltmp21:
0x4ce: {  	[tilespmem:$0x1A3D0] =	vst v3;
	(pc) =	sbr.rel @p1 .LBB2_38-.Ltmp21, $4  }
0x4cf: {  	[tilespmem:$0x1A1E0] =	vst v2  }
0x4d0: {  	[tilespmem:$0x1A3E0] =	vst v3  }
0x4d1: {  	[tilespmem:$0x1A1F0] =	vst v2  }
0x4d2: {  	[tilespmem:$0x1A3F0] =	vst v3;
	s8 =	simm.s32 $0x0;
	s2 =	simm.s32 $0x0  }
0x4d3: {  	s2 =	simm.s32 $0x19C00  }
0x4d4: {  	v8 =	vld [tilespmem:s2+$0x0];
	_ =	sdelay $0x1  }
0x4d5: {  	s30 =	sshll.u32 s1, $0x11  }
0x4d6: {  	s2 =	sadd.s32 $0x402EB852, s30  }
.Ltmp22:
0x4d7: {  	p1 =	seq.s32 s1, $0x0;
	vm0 =	vmxor vm0, vm0;
	s1 =	simm.s32 $0x0;
	v9 =	vmov s2;
	(pc) =	sbr.rel @!p0 .LBB2_33-.Ltmp22, $4  }
0x4d8: {  	vm0 =	vmneg @p1 vm0;
	v10 =	vor.u32 s1, v5;
	vm1 =	vge.s32 v8, v9  }
0x4d9: {  	vm2 =	vlt.s32 v10, v7;
	vm1 =	vmor vm0, vm1  }
0x4da: {  	vm1 =	vmand vm2, vm1  }
0x4db: {  	s3 =	sadd.s32 $0xFFFFFFFF, s11;
	p1 =	por $0x0, $0x0;
	s2 =	simm.s32 $0x19E00;
	v11 =	vsel vm1, $0x1, v1;
	v10 =	vmpcnt.ones.xlane vm1  }
0x4dc: {  	(xrf0) =	vadd.scan.msk.s32 $0xffff, v11  }
0x4dd: {  	v10 =	vxor.u32 $0x80000000, v10  }
0x4de: {  	(xrf0) =	vmax.scan.msk.u32 $0xffff, v10;
	_ =	sdelay $0x2  }
0x4df: {  	v10 =	vsel vm1, $0xFFFFFFFF, v1  }
0x4e0: {  	v10 =	vadd.s32 s1, v10;
	v11, _, _ =	vpop (xrf0)  }
0x4e1: {  	v10 =	vadd.s32 v11, v10  }
0x4e2: {  	vm2 =	vlt.s32 v10, $0x200;
	v11, _, _ =	vpop (xrf0)  }
0x4e3: {  	vm1 =	vmand vm1, vm2;
	(v2sf) =	vpush v11, $0xF;
	_ =	sdelay $0x1  }
0x4e4: {  	v11 =	vld [tilespmem:s2+$0x0];
	_ =	sdelay $0x3  }
0x4e5: {  	[tilespmem:v10+s20+$0x0] =	vst.idx.msk vm1, v8  }
0x4e6: {  	s6 =	simm.s32 $0x19C10;
	[tilespmem:v10+s21+$0x0] =	vst.idx.msk vm1, v11  }
0x4e7: {  	v8 =	vld [tilespmem:s6+$0x0];
	_ =	sdelay $0x2  }
0x4e8: {  	p0 =	sne.s32 s3, $0x1  }
.Ltmp23:
0x4e9: {  	s7 =	simm.s32 $0x10;
	(pc) =	sbr.rel @!p0 .LBB2_35-.Ltmp23, $4  }
0x4ea: {  	v10 =	vor.u32 s7, v5;
	vm1 =	vge.s32 v8, v9  }
0x4eb: {  	vm2 =	vlt.s32 v10, v7;
	vm1 =	vmor vm0, vm1  }
0x4ec: {  	s9 =	sadd.s32 $0xFFFFFFFF, s3;
	vm1 =	vmand vm2, vm1;
	s30 =	spop (v2sf)  }
0x4ed: {  	p1 =	por $0x1, $0x1;
	s3 =	simm.s32 $0x19E00;
	v11 =	vsel vm1, $0x1, v1;
	v10 =	vmpcnt.ones.xlane vm1;
	s11 =	sadd.s32 $0x0, s30  }
.LBB2_36:
0x4ee: {  	p0 =	sne.s32 s9, $0x1;
	(xrf0) =	vadd.scan.msk.s32 $0xffff, v11;
	s10 =	sadd.s32 $0x80000000, s11;
	s3 =	sadd.s32 $0x10, s3  }
0x4ef: {  	s9 =	sadd.s32 $0xFFFFFFFF, s9;
	v10 =	vxor.u32 $0x80000000, v10  }
0x4f0: {  	(xrf0) =	vmax.scan.msk.u32 $0xffff, v10;
	_ =	sdelay $0x2  }
0x4f1: {  	v10 =	vsel vm1, $0xFFFFFFFF, v1  }
0x4f2: {  	v10 =	vadd.s32 s10, v10;
	v11, _, _ =	vpop (xrf0)  }
0x4f3: {  	v10 =	vadd.s32 v11, v10  }
0x4f4: {  	vm2 =	vlt.s32 v10, $0x200;
	v11, _, _ =	vpop (xrf0)  }
0x4f5: {  	vm1 =	vmand vm1, vm2;
	(v2sf) =	vpush v11, $0xF;
	_ =	sdelay $0x1  }
0x4f6: {  	v11 =	vld [tilespmem:s3+$0x0];
	_ =	sdelay $0x3  }
0x4f7: {  	[tilespmem:v10+s20+$0x0] =	vst.idx.msk vm1, v8  }
0x4f8: {  	s6 =	sadd.s32 $0x10, s6;
	[tilespmem:v10+s21+$0x0] =	vst.idx.msk vm1, v11  }
0x4f9: {  	v8 =	vld [tilespmem:s6+$0x0];
	_ =	sdelay $0x3  }
.Ltmp24:
0x4fa: {  	s7 =	sadd.s32 $0x10, s7;
	(pc) =	sbr.rel @p0 .LBB2_36-.Ltmp24, $4  }
0x4fb: {  	v10 =	vor.u32 s7, v5;
	vm1 =	vge.s32 v8, v9  }
0x4fc: {  	vm2 =	vlt.s32 v10, v7;
	vm1 =	vmor vm0, vm1  }
0x4fd: {  	vm1 =	vmand vm2, vm1;
	s11 =	spop (v2sf)  }
0x4fe: {  	v11 =	vsel vm1, $0x1, v1;
	v10 =	vmpcnt.ones.xlane vm1;
	s11 =	sadd.s32 s11, s10  }
.LBB2_37:
0x4ff: {  	_ = 	snop  }
0x500: {  	(xrf0) =	vadd.scan.msk.s32 $0xffff, v11;
	v7 =	vxor.u32 $0x80000000, v10  }
0x501: {  	(xrf0) =	vmax.scan.msk.u32 $0xffff, v7;
	_ =	sdelay $0x4  }
0x502: {  	v7, _, _ =	vpop (xrf0)  }
0x503: {  	v9, _, _ =	vpop (xrf0)  }
0x504: {  	(v2sf) =	vpush v9, $0xF;
	_ =	sdelay $0x4  }
0x505: {  	s6 =	sadd.s32 @p1 $0x80000000, s11  }
0x506: {  	v62 =	vsel vm1, $0xFFFFFFFF, v1;
	s1 =	smov.u32 @p1 s6  }
0x507: {  	v9 =	vadd.s32 s1, v62  }
0x508: {  	v7 =	vadd.s32 v7, v9  }
0x509: {  	vm0 =	vlt.s32 v7, $0x200  }
0x50a: {  	s3 =	sadd.s32 @p1 $0x10, s3;
	vm0 =	vmand vm1, vm0  }
0x50b: {  	s2 =	smov.u32 @p1 s3  }
0x50c: {  	v63 =	vld [tilespmem:s2+$0x0];
	_ =	sdelay $0x2  }
0x50d: {  	s30 =	spop (v2sf)  }
0x50e: {  	[tilespmem:v7+s20+$0x0] =	vst.idx.msk vm0, v8;
	s1 =	sadd.s32 s30, s1  }
0x50f: {  	[tilespmem:v7+s21+$0x0] =	vst.idx.msk vm0, v63;
	s2 =	sadd.s32 $0x80000000, s1  }
.LBB2_38:
0x510: {  	p0 =	slt.s32 s2, $0x200  }
0x511: {  	p1 =	slt.s32 s2, $0xFFFFFFF2;
	s2 =	simm.s32 @!p0 $0x200  }
0x512: {  	s1 =	sadd.s32 $0xF, s2  }
0x513: {  	s2 =	sand.u32 $0xF, s1  }
0x514: {  	s30 =	sshra.s32 s1, $0x1F;
	p6 =	sne.s32 s2, $0x0  }
0x515: {  	s2 =	sshrl.u32 s30, $0x1C;
	p0 =	por !p1, !p6  }
0x516: {  	s1 =	sadd.s32 s2, s1;
	s2 =	simm.s32 $0x1;
	p0 =	por !p0, !p0  }
0x517: {  	s1 =	sshra.s32 s1, $0x4;
	s2 =	simm.s32 @!p0 $0x0  }
0x518: {  	s11 =	ssub.s32 s1, s2  }
0x519: {  	p0 =	slt.s32 s11, $0x1  }
.Ltmp25:
0x51a: {  	_ = 	snop;
	(pc) =	sbr.rel @p0 .LBB2_42-.Ltmp25, $1  }
0x51b: {  	_ =	sdelay $0x3  }
.LBB2_39:
0x51c: {  	s1 =	simm.s32 $0x1A200  }
0x51d: {  	v11 =	vld [tilespmem:s1+$0x0]  }
0x51e: {  	s10 =	simm.s32 $0x1A000  }
0x51f: {  	v10 =	vld [tilespmem:s10+$0x0];
	_ =	sdelay $0x2  }
0x520: {  	v9 =	vbroadcast v11, $0x0  }
0x521: {  	v13 =	vbroadcast v11, $0x1;
	v16 =	vbroadcast v11, $0xE  }
0x522: {  	v14 =	vbroadcast v10, $0x5;
	v15 =	vbroadcast v11, $0x3  }
0x523: {  	s2 =	sshll.u32 s8, $0x4;
	v18 =	vbroadcast v11, $0x5;
	v19 =	vbroadcast v10, $0x6  }
0x524: {  	v7 =	vld [tilespmem:s2+$0x1A200];
	v20 =	vbroadcast v10, $0x2;
	v21 =	vbroadcast v11, $0x7  }
0x525: {  	v56 =	vbroadcast v11, $0x6;
	v23 =	vbroadcast v10, $0xB  }
0x526: {  	v8 =	vld [tilespmem:s2+$0x1A000];
	v24 =	vbroadcast v11, $0xA;
	v25 =	vbroadcast v10, $0xA  }
0x527: {  	v58 =	vbroadcast v11, $0x4;
	v59 =	vbroadcast v10, $0x4  }
0x528: {  	v12 =	vimm.s32 $0x0;
	v60 =	vbroadcast v10, $0x8;
	v61 =	vbroadcast v11, $0xC  }
0x529: {  	v62 =	vbroadcast v10, $0xD;
	vm0 =	vlt.s32 v9, v7;
	v9 =	vbroadcast v10, $0x1  }
0x52a: {  	vm1 =	vlt.s32 v13, v7;
	v13 =	vbroadcast v10, $0x3;
	vm5 =	vlt.s32 v18, v7  }
0x52b: {  	v18 =	vbroadcast v10, $0x9;
	vm2 =	vgt.s32 v9, v8;
	vm3 =	veq.s32 v9, v8  }
0x52c: {  	vm4 =	vgt.s32 v13, v8;
	vm1 =	vmand vm3, vm1;
	vm3 =	vlt.s32 v15, v7  }
0x52d: {  	v15 =	vbroadcast v10, $0x0;
	vm1 =	vmor vm2, vm1;
	vm2 =	veq.s32 v14, v8  }
0x52e: {  	v17 =	vsel vm1, $0x1, v1;
	vm1 =	veq.s32 v13, v8;
	v13 =	vbroadcast v10, $0x7  }
0x52f: {  	vm15 =	vlt.s32 v16, v7;
	v9 =	vbroadcast v10, $0xE;
	vm2 =	vmand vm2, vm5  }
0x530: {  	vm1 =	vmand vm1, vm3;
	vm3 =	veq.s32 v15, v8;
	vm5 =	veq.s32 v13, v8  }
0x531: {  	vm0 =	vmand vm3, vm0;
	vm3 =	vgt.s32 v15, v8;
	vm1 =	vmor vm4, vm1  }
0x532: {  	vm4 =	vlt.s32 v21, v7;
	v15 =	vbroadcast v11, $0x9;
	v22 =	vsel vm1, $0x1, v1  }
0x533: {  	vm1 =	veq.s32 v19, v8;
	vm0 =	vmor vm3, vm0;
	vm4 =	vmand vm5, vm4  }
0x534: {  	vm5 =	vlt.s32 v56, v7;
	vm3 =	vlt.s32 v15, v7;
	v15 =	vbroadcast v11, $0x2  }
0x535: {  	v57 =	vsel vm0, $0x1, v1;
	vm0 =	veq.s32 v18, v8;
	vm5 =	vmand vm1, vm5  }
0x536: {  	vm1 =	veq.s32 v20, v8;
	vm0 =	vmand vm0, vm3;
	v12 =	vadd.s32 v57, v12  }
0x537: {  	vm3 =	vlt.s32 v15, v7;
	v15 =	vbroadcast v11, $0xD;
	v17 =	vadd.s32 v17, v12  }
0x538: {  	vm1 =	vmand vm1, vm3;
	vm3 =	vgt.s32 v18, v8;
	v18 =	vbroadcast v10, $0xC  }
0x539: {  	v10 =	vbroadcast v10, $0xF;
	vm0 =	vmor vm3, vm0;
	vm3 =	vgt.s32 v20, v8  }
0x53a: {  	v20 =	vbroadcast v11, $0xB;
	vm3 =	vmor vm3, vm1;
	vm1 =	vgt.s32 v14, v8  }
0x53b: {  	v14 =	vbroadcast v11, $0x8;
	vm2 =	vmor vm1, vm2;
	vm1 =	vgt.s32 v13, v8  }
0x53c: {  	vm6 =	vlt.s32 v20, v7;
	v13 =	vsel vm0, $0x1, v1;
	v20 =	vsel vm3, $0x1, v1  }
0x53d: {  	vm3 =	vgt.s32 v23, v8;
	vm0 =	vgt.s32 v19, v8;
	vm4 =	vmor vm1, vm4  }
0x53e: {  	vm1 =	vlt.s32 v14, v7;
	v19 =	vsel vm2, $0x1, v1;
	vm2 =	vlt.s32 v24, v7  }
0x53f: {  	v14 =	vsel vm4, $0x1, v1;
	vm4 =	vmor vm0, vm5;
	vm0 =	veq.s32 v25, v8  }
0x540: {  	vm5 =	vgt.s32 v25, v8;
	vm0 =	vmand vm0, vm2;
	vm2 =	veq.s32 v23, v8  }
0x541: {  	v17 =	vadd.s32 v20, v17;
	vm2 =	vmand vm2, vm6;
	vm0 =	vmor vm5, vm0  }
0x542: {  	vm5 =	vlt.s32 v58, v7;
	vm2 =	vmor vm3, vm2;
	vm3 =	veq.s32 v59, v8  }
0x543: {  	v17 =	vadd.s32 v22, v17;
	vm3 =	vmand vm3, vm5;
	vm5 =	vgt.s32 v59, v8  }
0x544: {  	v12 =	vsel vm4, $0x1, v1;
	vm4 =	vlt.s32 v15, v7;
	vm3 =	vmor vm5, vm3  }
0x545: {  	vm5 =	veq.s32 v18, v8;
	v63 =	vsel vm3, $0x1, v1;
	vm3 =	vlt.s32 v61, v7  }
0x546: {  	p0 =	sne.s32 s11, $0x1;
	vm3 =	vmand vm5, vm3;
	vm5 =	vgt.s32 v18, v8;
	v17 =	vadd.s32 v63, v17  }
.Ltmp26:
0x547: {  	vm3 =	vmor vm5, vm3;
	vm5 =	veq.s32 v62, v8;
	v18 =	vadd.s32 v19, v17;
	(pc) =	sbr.rel @!p0 .LBB2_41-.Ltmp26, $4  }
0x548: {  	v17 =	vbroadcast v11, $0xF;
	vm4 =	vmand vm5, vm4;
	vm5 =	veq.s32 v60, v8  }
0x549: {  	v15 =	vsel vm3, $0x1, v1;
	vm1 =	vmand vm5, vm1;
	vm5 =	vgt.s32 v62, v8  }
0x54a: {  	vm3 =	vmor vm5, vm4;
	vm4 =	vgt.s32 v60, v8;
	vm5 =	veq.s32 v9, v8  }
0x54b: {  	s30 =	sadd.s32 $0xFFFFFFFF, s11;
	s2 =	simm.s32 $0x1A010;
	s1 =	simm.s32 $0x1A210;
	v16 =	vsel vm3, $0x1, v1;
	vm3 =	vmor vm4, vm1;
	vm1 =	vmand vm5, vm15  }
.LBB2_40:
0x54c: {  	v11 =	vld [tilespmem:s1+$0x0]  }
0x54d: {  	v18 =	vadd.s32 v12, v18;
	vm4 =	vgt.s32 v9, v8  }
0x54e: {  	vm5 =	veq.s32 v10, v8;
	v12 =	vld [tilespmem:s2+$0x0];
	v9 =	vadd.s32 v14, v18;
	v14 =	vsel vm2, $0x1, v1  }
0x54f: {  	vm1 =	vmor vm4, vm1;
	v18 =	vsel vm3, $0x1, v1;
	vm2 =	vgt.s32 v10, v8  }
0x550: {  	v10 =	vsel vm0, $0x1, v1;
	v19 =	vsel vm1, $0x1, v1;
	v9 =	vadd.s32 v18, v9  }
0x551: {  	vm1 =	vlt.s32 v17, v7;
	v9 =	vadd.s32 v13, v9;
	v13 =	vbroadcast v11, $0x0  }
0x552: {  	v9 =	vadd.s32 v10, v9;
	v17 =	vbroadcast v11, $0xE;
	v18 =	vbroadcast v11, $0x1  }
0x553: {  	v10 =	vbroadcast v12, $0xF;
	v9 =	vadd.s32 v14, v9;
	v14 =	vbroadcast v12, $0x3  }
0x554: {  	v20 =	vbroadcast v11, $0xD;
	v21 =	vbroadcast v12, $0xB  }
0x555: {  	vm1 =	vmand vm5, vm1;
	v22 =	vbroadcast v12, $0x2;
	v23 =	vbroadcast v11, $0x8  }
0x556: {  	vm0 =	vmor vm2, vm1;
	v24 =	vbroadcast v11, $0x5;
	v25 =	vbroadcast v11, $0xA  }
0x557: {  	v61 =	vbroadcast v11, $0x4;
	v9 =	vadd.s32 v15, v9;
	vm4 =	vlt.s32 v13, v7  }
0x558: {  	v13 =	vbroadcast v12, $0x1;
	vm1 =	vlt.s32 v18, v7;
	v15 =	vadd.s32 v16, v9  }
0x559: {  	v16 =	vbroadcast v12, $0x5;
	vm2 =	vlt.s32 v17, v7;
	v9 =	vimm.s32 $0x0  }
0x55a: {  	v17 =	vsel vm0, $0x1, v1;
	v18 =	vbroadcast v11, $0x3;
	vm8 =	vgt.s32 v14, v8  }
0x55b: {  	vm13 =	veq.s32 v14, v8;
	v14 =	vbroadcast v12, $0x7;
	vm7 =	vgt.s32 v22, v8  }
0x55c: {  	vm9 =	veq.s32 v22, v8;
	vm5 =	vlt.s32 v25, v7;
	v9 =	vsel vm2, $0xFFFFFFFF, v9  }
0x55d: {  	[tilespmem:$0x1FF00] =	vst v9;
	vm0 =	vgt.s32 v13, v8;
	v9 =	vbroadcast v12, $0xE;
	vm2 =	veq.s32 v13, v8  }
0x55e: {  	vm10 =	vlt.s32 v18, v7;
	v13 =	vadd.s32 v19, v15;
	v15 =	vbroadcast v12, $0x0  }
0x55f: {  	vm11 =	veq.s32 v16, v8;
	v18 =	vbroadcast v12, $0xC;
	v19 =	vbroadcast v11, $0xB  }
0x560: {  	vm15 =	vgt.s32 v16, v8;
	v16 =	vbroadcast v12, $0x6;
	vm12 =	veq.s32 v14, v8  }
0x561: {  	vm6 =	vgt.s32 v14, v8;
	v14 =	vbroadcast v11, $0x7;
	vm1 =	vmand vm2, vm1  }
0x562: {  	v13 =	vadd.s32 v17, v13;
	vm13 =	vmand vm13, vm10;
	vm0 =	vmor vm0, vm1  }
0x563: {  	v17 =	vsel vm0, $0x1, v1;
	vm0 =	vlt.s32 v19, v7;
	v19 =	vimm.s32 $0x0  }
0x564: {  	vm14 =	veq.s32 v15, v8;
	vm1 =	vgt.s32 v15, v8;
	v19 =	vsel vm0, $0xFFFFFFFF, v19  }
0x565: {  	vm2 =	vlt.s32 v14, v7;
	vm0 =	vlt.s32 v23, v7;
	[tilespmem:$0x1FED0] =	vst v19;
	v19 =	vimm.s32 $0x0  }
0x566: {  	v14 =	vbroadcast v11, $0x9;
	v15 =	vbroadcast v12, $0x9;
	v19 =	vsel vm0, $0xFFFFFFFF, v19  }
0x567: {  	vm3 =	vmand vm12, vm2;
	vm0 =	vgt.s32 v21, v8;
	[tilespmem:$0x1FEF0] =	vst v19;
	v19 =	vimm.s32 $0x0  }
0x568: {  	vm2 =	vgt.s32 v15, v8;
	v19 =	vsel vm0, $0xFFFFFFFF, v19;
	vm0 =	vlt.s32 v24, v7  }
0x569: {  	vm3 =	vmor vm6, vm3;
	vm6 =	vgt.s32 v18, v8;
	vm10 =	vmand vm11, vm0  }
0x56a: {  	[tilespmem:$0x1FEE0] =	vst v19;
	vm0 =	vmand vm14, vm4;
	vm4 =	vmor vm8, vm13;
	v19 =	vbroadcast v11, $0x6  }
0x56b: {  	vm13 =	veq.s32 v16, v8;
	vm14 =	vlt.s32 v14, v7;
	v14 =	vbroadcast v11, $0x2  }
0x56c: {  	vm8 =	vgt.s32 v16, v8;
	v16 =	vbroadcast v12, $0x8;
	vm0 =	vmor vm1, vm0  }
0x56d: {  	vm1 =	vlt.s32 v19, v7;
	v19 =	vsel vm0, $0x1, v1;
	vm0 =	veq.s32 v15, v8  }
0x56e: {  	v13 =	vadd.s32 v19, v13;
	vm0 =	vmand vm0, vm14;
	v19 =	vbroadcast v12, $0xA  }
0x56f: {  	vm12 =	vlt.s32 v14, v7;
	v15 =	vbroadcast v12, $0x4;
	vm0 =	vmor vm2, vm0  }
0x570: {  	v17 =	vadd.s32 v17, v13;
	v13 =	vsel vm0, $0x1, v1;
	vm0 =	veq.s32 v19, v8  }
0x571: {  	vm14 =	vgt.s32 v15, v8;
	vm0 =	vmand vm0, vm5;
	vm5 =	veq.s32 v15, v8;
	v15 =	vld [tilespmem:$0x1FEE0]  }
0x572: {  	vm11 =	vlt.s32 v61, v7;
	v60 =	vsel vm4, $0x1, v1;
	vm9 =	vmand vm9, vm12  }
0x573: {  	vm4 =	veq.s32 v16, v8;
	v14 =	vsel vm3, $0x1, v1;
	vm2 =	vmor vm7, vm9  }
0x574: {  	vm1 =	vmand vm13, vm1;
	v62 =	vsel vm2, $0x1, v1;
	vm2 =	vgt.s32 v19, v8;
	v19 =	vld [tilespmem:$0x1FED0]  }
0x575: {  	v17 =	vadd.s32 v62, v17;
	vm0 =	vmor vm2, vm0;
	vm5 =	vmand vm5, vm11  }
0x576: {  	vm2 =	vnez.u8 v15;
	v15 =	vadd.s32 v60, v17;
	v17 =	vbroadcast v11, $0xC  }
0x577: {  	vm13 =	veq.s32 v21, v8;
	vm12 =	vmor vm15, vm10;
	vm5 =	vmor vm14, vm5  }
0x578: {  	v63 =	vsel vm12, $0x1, v1;
	vm12 =	vlt.s32 v17, v7;
	v17 =	vsel vm5, $0x1, v1  }
0x579: {  	v12 =	vbroadcast v12, $0xD;
	vm3 =	vnez.u8 v19;
	v17 =	vadd.s32 v17, v15;
	v15 =	vld [tilespmem:$0x1FEF0]  }
0x57a: {  	vm15 =	veq.s32 v18, v8;
	vm1 =	vmor vm8, vm1;
	vm3 =	vmand vm13, vm3  }
0x57b: {  	vm13 =	vgt.s32 v12, v8;
	vm2 =	vmor vm2, vm3;
	v18 =	vadd.s32 v63, v17;
	v17 =	vld [tilespmem:$0x1FF00]  }
0x57c: {  	p0 =	sne.s32 s30, $0x1;
	vm3 =	vlt.s32 v20, v7;
	vm5 =	vmand vm15, vm12;
	vm15 =	veq.s32 v12, v8  }
.Ltmp27:
0x57d: {  	v12 =	vsel vm1, $0x1, v1;
	vm1 =	vmor vm6, vm5;
	vm3 =	vmand vm15, vm3;
	(pc) =	sbr.rel @p0 .LBB2_40-.Ltmp27, $4  }
0x57e: {  	vm5 =	vnez.u8 v15;
	v15 =	vsel vm1, $0x1, v1;
	vm1 =	vmor vm13, vm3  }
0x57f: {  	vm14 =	vgt.s32 v16, v8;
	vm4 =	vmand vm4, vm5;
	v16 =	vsel vm1, $0x1, v1  }
0x580: {  	vm1 =	veq.s32 v9, v8;
	vm3 =	vmor vm14, vm4;
	vm4 =	vnez.u8 v17  }
0x581: {  	s30 =	sadd.s32 $0xFFFFFFFF, s30;
	s2 =	sadd.s32 $0x10, s2;
	s1 =	sadd.s32 $0x10, s1;
	v17 =	vbroadcast v11, $0xF;
	vm1 =	vmand vm1, vm4  }
.LBB2_41:
0x582: {  	v11 =	vadd.s32 v12, v18  }
0x583: {  	v58 =	vsel vm3, $0x1, v1;
	v11 =	vadd.s32 v14, v11  }
0x584: {  	v11 =	vadd.s32 v58, v11  }
0x585: {  	vm11 =	vgt.s32 v9, v8;
	v60 =	vsel vm0, $0x1, v1;
	v59 =	vadd.s32 v13, v11  }
0x586: {  	vm12 =	veq.s32 v10, v8;
	v61 =	vsel vm2, $0x1, v1;
	v9 =	vadd.s32 v60, v59  }
0x587: {  	vm14 =	vgt.s32 v10, v8;
	vm13 =	vlt.s32 v17, v7;
	v9 =	vadd.s32 v61, v9  }
0x588: {  	vm1 =	vmor vm11, vm1;
	vm0 =	vmand vm12, vm13;
	v9 =	vadd.s32 v15, v9  }
0x589: {  	v62 =	vsel vm1, $0x1, v1;
	vm0 =	vmor vm14, vm0;
	v9 =	vadd.s32 v16, v9  }
0x58a: {  	v63 =	vsel vm0, $0x1, v1;
	v9 =	vadd.s32 v62, v9  }
0x58b: {  	v9 =	vadd.s32 v63, v9  }
0x58c: {  	vm15 =	vlt.s32 v9, $0x40  }
0x58d: {  	s8 =	sadd.s32 $0x1, s8  }
0x58e: {  	p0 =	sne.s32 s8, s11  }
.Ltmp28:
0x58f: {  	_ = 	snop;
	(pc) =	sbr.rel @p0 .LBB2_39-.Ltmp28, $4  }
.Ltmp29:
0x590: {  	_ = 	snop;
	(pc) =	sbr.rel @!p0 .LBB2_42-.Ltmp29, $4  }
0x591: {  	_ = 	snop  }
0x592: {  	[tilespmem:v9+s22+$0x0] =	vst.idx.msk vm15, v8  }
0x593: {  	[tilespmem:v9+s23+$0x0] =	vst.idx.msk vm15, v7  }
0x594: {  	_ = 	snop  }
.LBB2_24:
.Ltmp30:
0x595: {  	(pc) =	sbr.rel .LBB2_28-.Ltmp30, $2  }
0x596: {  	_ =	sdelay $0x2  }
0x597: {  	s2 =	simm.s32 $0x0  }
.LBB2_33:
.Ltmp31:
0x598: {  	(pc) =	sbr.rel .LBB2_37-.Ltmp31, $2  }
0x599: {  	_ =	sdelay $0x2  }
0x59a: {  	s3 =	simm.s32 $0x19E00  }
.LBB2_26:
.Ltmp32:
0x59b: {  	(pc) =	sbr.rel .LBB2_28-.Ltmp32, $2  }
0x59c: {  	_ =	sdelay $0x2  }
0x59d: {  	s2 =	simm.s32 $0x0  }
.LBB2_35:
.Ltmp33:
0x59e: {  	(pc) =	sbr.rel .LBB2_37-.Ltmp33, $2  }
0x59f: {  	_ =	sdelay $0x2  }
0x5a0: {  	s3 =	simm.s32 $0x19E00  }
.LBB2_44:
0x5a1: {  	_ =	sfence.sel $0x180000  }
0x5a2: {  	[bflag:$0x0] =	sbarrier.arrive $0xFFFF  }
0x5a3: {  	_ =	strace $0x90000047  }
0x5a4: {  	s0 =	stileid.u32;
	[bflag:$0x2] =	sbarrier.arrive $0xFFFF  }
0x5a5: {  	p0 =	sne.s32 s0, $0x0;
	s0 =	rddreg [dreg:$0x4]  }
0x5a6: {  	s0 =	sadd.s32 @!p0 $0x100000, s0  }
0x5a7: {  	[sflag:s0] =	ssyncadd.tile.s32 @!p0 $0x1;
	_ =	shalt  }
.Lfunc_end2:
_tile_overlayer_lowered:
.L_overlay_start_2:
0x5a8: {  	(tag) =	ssettag $0x2  }
0x5a9: {  	s0 =	rddreg [dreg:$0x0];
	s2 =	stileid.u32  }
0x5aa: {  	s1 =	rddreg [dreg:$0x1];
	p0 =	sne.s32 s2, $0x0  }
0x5ab: {  	s3 =	rddreg [dreg:$0x2];
	[bflag:$0x3] =	sbarrier.arrive $0xFFFF;
	s2 =	simm.s32 @!p0 $0x1C04  }
0x5ac: {  	[timem:s3], [sflag:s2] =	dma.local @!p0 [hbm:s0], s1  }
0x5ad: {  	s0 =	simm.s32 @!p0 $0x4  }
0x5ae: {  	_ =	swait.ge @!p0 [sflag:s0], s1  }
0x5af: {  	s1 =	ssub.s32 @!p0 $0x0, s1;
	[sflag:s0] =	ssyncset.done @!p0 $0x0  }
0x5b0: {  	[sflag:s0] =	ssyncadd.s32 @!p0 s1  }
0x5b1: {  	[bflag:$0x3] =	sbarrier.arrive $0xFFFF  }
0x5b2: {  	_ =	shalt  }

</sc_bundles>
